<compile_context>
chip_gen: v7x
topology: tpu7x:2x2x1
jax: 0.10.2.dev20260603
libtpu: 0.0.44.dev20260713+nightly
codegen_flags: <defaults>
</compile_context>

<pallas_src>
import functools

import jax
import jax.numpy as jnp
from jax import lax
from jax.experimental import pallas as pl
from jax.experimental.pallas import tpu as pltpu
from jax.experimental.pallas import tpu_sc as plsc

F32 = jnp.float32
NCORE = 2
NSUB = 16
NT = NCORE * NSUB
CK = 40
NB = 2000
EB = 4000
DW = 16



def _mm_bias_body(x_ref, w_ref, b_ref, o_ref):
    o_ref[...] = (
        jnp.dot(x_ref[...], w_ref[...], preferred_element_type=F32)
        + b_ref[...]
    )


def _mm_bias(x, w, b, rows_blk):
    n, kdim = x.shape
    fo = w.shape[1]
    return pl.pallas_call(
        _mm_bias_body,
        grid=(n // rows_blk,),
        in_specs=[
            pl.BlockSpec((rows_blk, kdim), lambda i: (i, 0)),
            pl.BlockSpec((kdim, fo), lambda i: (0, 0)),
            pl.BlockSpec((1, fo), lambda i: (0, 0)),
        ],
        out_specs=pl.BlockSpec((rows_blk, fo), lambda i: (i, 0)),
        out_shape=jax.ShapeDtypeStruct((n, fo), F32),
    )(x, w, b.reshape(1, fo))


def _ab_body(h_ref, wi_ref, wj_ref, a_ref, b_ref):
    h = h_ref[...]
    a_ref[...] = jnp.dot(h, wi_ref[...], preferred_element_type=F32)
    b_ref[...] = jnp.dot(h, wj_ref[...], preferred_element_type=F32)


def _ab(h, wi, wj):
    n, d = h.shape
    sds = jax.ShapeDtypeStruct((n, d), F32)
    return pl.pallas_call(
        _ab_body,
        grid=(n // NB,),
        in_specs=[
            pl.BlockSpec((NB, d), lambda i: (i, 0)),
            pl.BlockSpec((d, d), lambda i: (0, 0)),
            pl.BlockSpec((d, d), lambda i: (0, 0)),
        ],
        out_specs=[
            pl.BlockSpec((NB, d), lambda i: (i, 0)),
            pl.BlockSpec((NB, d), lambda i: (i, 0)),
        ],
        out_shape=[sds, sds],
    )(h, wi, wj)


def _node_body(h_ref, s0_ref, s1_ref, d0_ref, d1_ref, ew2_ref, eb2_ref,
               w1a_ref, w1b_ref, ub1_ref, w2_ref, ub2_ref, o_ref):
    s = s0_ref[...] + s1_ref[...]
    deg = (d0_ref[...] + d1_ref[...])[:, 0:1]
    aggr = (jnp.dot(s, ew2_ref[...], preferred_element_type=F32)
            + deg * eb2_ref[...])
    t = (jnp.dot(h_ref[...], w1a_ref[...], preferred_element_type=F32)
         + jnp.dot(aggr, w1b_ref[...], preferred_element_type=F32)
         + ub1_ref[...])
    t = t * jax.nn.sigmoid(t)
    y = jnp.dot(t, w2_ref[...], preferred_element_type=F32) + ub2_ref[...]
    o_ref[...] = y * jax.nn.sigmoid(y)


def _node_update(h, s0, s1, d0, d1, ew2, eb2, w1a, w1b, ub1, w2, ub2):
    n, d = h.shape
    return pl.pallas_call(
        _node_body,
        grid=(n // NB,),
        in_specs=[
            pl.BlockSpec((NB, d), lambda i: (i, 0)),
            pl.BlockSpec((NB, d), lambda i: (i, 0)),
            pl.BlockSpec((NB, d), lambda i: (i, 0)),
            pl.BlockSpec((NB, DW), lambda i: (i, 0)),
            pl.BlockSpec((NB, DW), lambda i: (i, 0)),
            pl.BlockSpec((d, d), lambda i: (0, 0)),
            pl.BlockSpec((1, d), lambda i: (0, 0)),
            pl.BlockSpec((d, d), lambda i: (0, 0)),
            pl.BlockSpec((d, d), lambda i: (0, 0)),
            pl.BlockSpec((1, d), lambda i: (0, 0)),
            pl.BlockSpec((d, d), lambda i: (0, 0)),
            pl.BlockSpec((1, d), lambda i: (0, 0)),
        ],
        out_specs=pl.BlockSpec((NB, d), lambda i: (i, 0)),
        out_shape=jax.ShapeDtypeStruct((n, d), F32),
    )(h, s0, s1, d0, d1, ew2, eb2.reshape(1, d), w1a, w1b,
      ub1.reshape(1, d), w2, ub2.reshape(1, d))


def _pool_body(batch_ref, h_ref, r1_ref, rb1_ref, r2_ref, rb2_ref, r3_ref,
               rb3_ref, o_ref, acc_ref, cnt_ref):
    i = pl.program_id(0)
    ng = acc_ref.shape[0]

    @pl.when(i == 0)
    def _():
        acc_ref[...] = jnp.zeros_like(acc_ref)
        cnt_ref[...] = jnp.zeros_like(cnt_ref)

    b = batch_ref[...].reshape(1, NB)
    mask = (lax.broadcasted_iota(jnp.int32, (ng, NB), 0) == b).astype(F32)
    acc_ref[...] += lax.dot_general(
        mask, h_ref[...], (((1,), (0,)), ((), ())),
        preferred_element_type=F32)
    cnt_ref[...] += jnp.sum(mask, axis=1, keepdims=True)

    @pl.when(i == pl.num_programs(0) - 1)
    def _():
        pooled = acc_ref[...] / jnp.maximum(cnt_ref[...], 1.0)
        t = jnp.dot(pooled, r1_ref[...], preferred_element_type=F32) + rb1_ref[...]
        t = t * jax.nn.sigmoid(t)
        t = jnp.dot(t, r2_ref[...], preferred_element_type=F32) + rb2_ref[...]
        t = t * jax.nn.sigmoid(t)
        o_ref[...] = jnp.dot(t, r3_ref[...], preferred_element_type=F32) + rb3_ref[...]


def _pool_readout(batch3, h, ng, r1, rb1, r2, rb2, r3, rb3):
    n, d = h.shape
    d2 = r2.shape[1]
    do = r3.shape[1]
    return pl.pallas_call(
        _pool_body,
        grid=(n // NB,),
        in_specs=[
            pl.BlockSpec((1, 1, NB), lambda i: (i, 0, 0)),
            pl.BlockSpec((NB, d), lambda i: (i, 0)),
            pl.BlockSpec((d, d), lambda i: (0, 0)),
            pl.BlockSpec((1, d), lambda i: (0, 0)),
            pl.BlockSpec((d, d2), lambda i: (0, 0)),
            pl.BlockSpec((1, d2), lambda i: (0, 0)),
            pl.BlockSpec((d2, do), lambda i: (0, 0)),
            pl.BlockSpec((1, do), lambda i: (0, 0)),
        ],
        out_specs=pl.BlockSpec((ng, do), lambda i: (0, 0)),
        out_shape=jax.ShapeDtypeStruct((ng, do), F32),
        scratch_shapes=[
            pltpu.VMEM((ng, d), F32),
            pltpu.VMEM((ng, 1), F32),
        ],
    )(batch3, h, r1, rb1.reshape(1, d), r2, rb2.reshape(1, d2), r3,
      rb3.reshape(1, do))



def _sc_mesh():
    return plsc.VectorSubcoreMesh(
        core_axis_name="c", subcore_axis_name="s",
        num_cores=NCORE, num_subcores=NSUB)


def _sc_edge_pass(a_tab, b_tab, e4, dst3, src3):
    nt, nchunk, ck = dst3.shape
    nn, d = a_tab.shape
    rows_per_tile = nn // NSUB
    zrows = 25
    gsz = 50
    ngrp = nchunk // gsz

    @functools.partial(
        pl.kernel,
        out_type=jax.ShapeDtypeStruct((NCORE, nn, d), F32),
        mesh=_sc_mesh(),
        compiler_params=pltpu.CompilerParams(use_tc_tiling_on_sc=False),
        scratch_types=[
            pltpu.VMEM((gsz, ck), jnp.int32),
            pltpu.VMEM((gsz, ck), jnp.int32),
            pltpu.VMEM((ck, 128), F32),
            pltpu.VMEM((ck, 128), F32),
            pltpu.VMEM((ck, 128), F32),
            pltpu.VMEM((ck, 128), F32),
            pltpu.VMEM((ck, 128), F32),
            pltpu.VMEM((ck, 128), F32),
            pltpu.VMEM((zrows, 128), F32),
            pltpu.VMEM_SHARED((nn, 128), F32),
            pltpu.SemaphoreType.DMA,
        ],
    )
    def k(a_hbm, b_hbm, e_hbm, dst_hbm, src_hbm, out_hbm,
          dst_v, src_v, e0, a0, b0, e1, a1, b1, zbuf, aggr_sh, sem):
        c = lax.axis_index("c")
        s = lax.axis_index("s")
        wid = c * NSUB + s

        def zrow(r, carry):
            for cc in range(8):
                zbuf[r, pl.ds(cc * 16, 16)] = jnp.zeros((16,), F32)
            return carry
        lax.fori_loop(0, zrows, zrow, 0)

        base = s * rows_per_tile

        def zcp(p, carry):
            pltpu.sync_copy(zbuf, aggr_sh.at[pl.ds(base + p * zrows, zrows)])
            return carry
        lax.fori_loop(0, rows_per_tile // zrows, zcp, 0)
        plsc.subcore_barrier()

        def silu_scatter(eb, ab, bb, idx):
            def row(r, carry2):
                for cc in range(8):
                    sl = pl.ds(cc * 16, 16)
                    z = eb[r, sl] + ab[r, sl] + bb[r, sl]
                    eb[r, sl] = z / (1.0 + jnp.exp(-z))
                return carry2
            lax.fori_loop(0, ck, row, 0)
            pltpu.sync_copy(eb, aggr_sh.at[idx], add=True)

        def group(g, carry):
            pltpu.sync_copy(dst_hbm.at[wid, pl.ds(g * gsz, gsz)], dst_v)
            pltpu.sync_copy(src_hbm.at[wid, pl.ds(g * gsz, gsz)], src_v)

            def pair(t, carry2):
                j0 = 2 * t
                j1 = j0 + 1
                gc0 = g * gsz + j0
                di0 = dst_v.at[j0]
                di1 = dst_v.at[j1]
                ce0 = pltpu.async_copy(e_hbm.at[wid, gc0], e0, sem)
                ca0 = pltpu.async_copy(a_hbm.at[di0], a0, sem)
                cb0 = pltpu.async_copy(b_hbm.at[src_v.at[j0]], b0, sem)
                ce1 = pltpu.async_copy(e_hbm.at[wid, gc0 + 1], e1, sem)
                ca1 = pltpu.async_copy(a_hbm.at[di1], a1, sem)
                cb1 = pltpu.async_copy(b_hbm.at[src_v.at[j1]], b1, sem)
                ce0.wait()
                ca0.wait()
                cb0.wait()
                silu_scatter(e0, a0, b0, di0)
                ce1.wait()
                ca1.wait()
                cb1.wait()
                silu_scatter(e1, a1, b1, di1)
                return carry2
            lax.fori_loop(0, gsz // 2, pair, 0)
            return carry
        lax.fori_loop(0, ngrp, group, 0)

        plsc.subcore_barrier()
        pltpu.sync_copy(aggr_sh.at[pl.ds(base, rows_per_tile)],
                        out_hbm.at[c, pl.ds(base, rows_per_tile)])

    return k(a_tab, b_tab, e4, dst3, src3)


def _sc_degrees(dst3, nn):
    nt, nchunk, ck = dst3.shape
    rows_per_tile = nn // NSUB
    zrows = 125

    @functools.partial(
        pl.kernel,
        out_type=jax.ShapeDtypeStruct((NCORE, nn, DW), F32),
        mesh=_sc_mesh(),
        compiler_params=pltpu.CompilerParams(use_tc_tiling_on_sc=False),
        scratch_types=[
            pltpu.VMEM((nchunk, ck), jnp.int32),
            pltpu.VMEM((ck, DW), F32),
            pltpu.VMEM((zrows, DW), F32),
            pltpu.VMEM_SHARED((nn, DW), F32),
        ],
    )
    def k(dst_hbm, out_hbm, dst_v, ones, zbuf, deg_sh):
        c = lax.axis_index("c")
        s = lax.axis_index("s")
        wid = c * NSUB + s

        def orow(r, carry):
            ones[r, pl.ds(0, 16)] = jnp.ones((16,), F32)
            return carry
        lax.fori_loop(0, ck, orow, 0)

        def zrow(r, carry):
            zbuf[r, pl.ds(0, 16)] = jnp.zeros((16,), F32)
            return carry
        lax.fori_loop(0, zrows, zrow, 0)

        base = s * rows_per_tile

        def zcp(p, carry):
            pltpu.sync_copy(zbuf, deg_sh.at[pl.ds(base + p * zrows, zrows)])
            return carry
        lax.fori_loop(0, rows_per_tile // zrows, zcp, 0)

        pltpu.sync_copy(dst_hbm.at[wid], dst_v)
        plsc.subcore_barrier()

        def chunk(j, carry):
            pltpu.sync_copy(ones, deg_sh.at[dst_v.at[j]], add=True)
            return carry
        lax.fori_loop(0, nchunk, chunk, 0)

        plsc.subcore_barrier()
        pltpu.sync_copy(deg_sh.at[pl.ds(base, rows_per_tile)],
                        out_hbm.at[c, pl.ds(base, rows_per_tile)])

    return k(dst3)



def kernel(x, edge_index, edge_attr, batch, params):
    n_nodes, node_f = x.shape
    n_edges = edge_index.shape[1]
    hidden = params["emb"][0].shape[1]
    nchunk = n_edges // (NT * CK)

    src3 = edge_index[0].reshape(NT, nchunk, CK)
    dst3 = edge_index[1].reshape(NT, nchunk, CK)

    h = _mm_bias(x, params["emb"][0], params["emb"][1], NB)
    deg = _sc_degrees(dst3, n_nodes)

    for lp in params["layers"]:
        wi = lp["eW1"][:hidden]
        wj = lp["eW1"][hidden:2 * hidden]
        we = lp["eW1"][2 * hidden:]
        w1a = lp["uW1"][:hidden]
        w1b = lp["uW1"][hidden:]

        a_tab, b_tab = _ab(h, wi, wj)
        e_rows = _mm_bias(edge_attr, we, lp["eb1"], EB)
        e4 = e_rows.reshape(NT, nchunk, CK, hidden)
        partials = _sc_edge_pass(a_tab, b_tab, e4, dst3, src3)
        h = _node_update(h, partials[0], partials[1], deg[0], deg[1],
                         lp["eW2"], lp["eb2"], w1a, w1b, lp["ub1"],
                         lp["uW2"], lp["ub2"])

    batch3 = batch.reshape(n_nodes // NB, 1, NB)
    n_graphs = 64
    return _pool_readout(batch3, h, n_graphs, params["R1"], params["rb1"],
                         params["R2"], params["rb2"], params["R3"],
                         params["rb3"])

# --- scband reference (transcript-rebuilt; emitter-appended) ---
"""Pipeline reference for scband-baseline-cgcnn-62843961475162 (READ-ONLY COPY).

The authoritative reference and input builder live on the scoring server;
editing this copy changes nothing except your own understanding.
"""

import jax, jax.numpy as jnp
import numpy as np

N_NODES = 10000
N_EDGES = 320000
NODE_F = 128
EDGE_F = 16
HIDDEN = 128
LAYERS = 3
N_GRAPHS = 64


def _dense(key, fi, fo):
    w = jax.random.normal(key, (fi, fo), jnp.float32) / np.sqrt(fi)
    b = jnp.zeros((fo,), jnp.float32)
    return w, b


def _make_params(key):
    ks = jax.random.split(key, 1 + 4 * LAYERS + 3)
    i = 0
    emb = _dense(ks[i], NODE_F, HIDDEN); i += 1
    layers = []
    for _ in range(LAYERS):
        eW1, eb1 = _dense(ks[i], 2 * HIDDEN + EDGE_F, 128); i += 1
        eW2, eb2 = _dense(ks[i], 128, HIDDEN); i += 1
        uW1, ub1 = _dense(ks[i], 2 * HIDDEN, 128); i += 1
        uW2, ub2 = _dense(ks[i], 128, HIDDEN); i += 1
        layers.append({"eW1": eW1, "eb1": eb1, "eW2": eW2, "eb2": eb2,
                       "uW1": uW1, "ub1": ub1, "uW2": uW2, "ub2": ub2})
    R1, rb1 = _dense(ks[i], HIDDEN, 128); i += 1
    R2, rb2 = _dense(ks[i], 128, 64); i += 1
    R3, rb3 = _dense(ks[i], 64, 2); i += 1
    return {"emb": emb, "layers": layers, "R1": R1, "rb1": rb1,
            "R2": R2, "rb2": rb2, "R3": R3, "rb3": rb3}


def setup_inputs(seed: int = 0) -> dict:
    key = jax.random.key(seed)
    kx, ke, ka, kb, kp = jax.random.split(key, 5)
    x = jax.random.normal(kx, (N_NODES, NODE_F), jnp.float32)
    edge_index = jax.random.randint(ke, (2, N_EDGES), 0, N_NODES, dtype=jnp.int32)
    edge_attr = jax.random.normal(ka, (N_EDGES, EDGE_F), jnp.float32)
    batch = jnp.sort(jax.random.randint(kb, (N_NODES,), 0, N_GRAPHS, dtype=jnp.int32))
    params = _make_params(kp)
    return {"x": x, "edge_index": edge_index, "edge_attr": edge_attr,
            "batch": batch, "params": params}


def _forward(x, edge_attr, params, edge_index, batch):
    silu = jax.nn.silu
    h = x @ params["emb"][0] + params["emb"][1]
    src = edge_index[0]
    dst = edge_index[1]
    for lp in params["layers"]:
        x_i = h[dst]
        x_j = h[src]
        z = jnp.concatenate([x_i, x_j, edge_attr], axis=-1)
        m = silu(z @ lp["eW1"] + lp["eb1"]) @ lp["eW2"] + lp["eb2"]
        aggr = jax.ops.segment_sum(m, dst, num_segments=h.shape[0])
        u = jnp.concatenate([h, aggr], axis=-1)
        h = silu(u @ lp["uW1"] + lp["ub1"]) @ lp["uW2"] + lp["ub2"]
        h = silu(h)
    sums = jax.ops.segment_sum(h, batch, num_segments=N_GRAPHS)
    cnts = jax.ops.segment_sum(jnp.ones((h.shape[0],), jnp.float32), batch, num_segments=N_GRAPHS)
    pooled = sums / jnp.maximum(cnts, 1.0)[:, None]
    o = silu(pooled @ params["R1"] + params["rb1"])
    o = silu(o @ params["R2"] + params["rb2"])
    return o @ params["R3"] + params["rb3"]


def reference(x, edge_index, edge_attr, batch, params):
    return _forward(x, edge_attr, params, edge_index, batch)

if __name__ == "__main__":
    import jax
    _d = setup_inputs()
    print(jax.jit(kernel)(*tuple(_d.values())))

</pallas_src>

<mosaic_0001>
#map = affine_map<(d0, d1) -> (0, 0)>
#map1 = affine_map<(d0, d1) -> (0, 0, 0, 0)>
#map2 = affine_map<(d0, d1) -> (0, 0, 0)>
module attributes {stable_mosaic.version = 14 : i64} {
  func.func @k(%arg0: i32, %arg1: i32, %arg2: memref<10000x128xf32, #tpu.memory_space<hbm>>, %arg3: memref<10000x128xf32, #tpu.memory_space<hbm>>, %arg4: memref<32x250x40x128xf32, #tpu.memory_space<hbm>>, %arg5: memref<32x250x40xi32, #tpu.memory_space<hbm>>, %arg6: memref<32x250x40xi32, #tpu.memory_space<hbm>>, %arg7: memref<2x10000x128xf32, #tpu.memory_space<hbm>>, %arg8: memref<50x40xi32, #tpu.memory_space<vmem>>, %arg9: memref<50x40xi32, #tpu.memory_space<vmem>>, %arg10: memref<40x128xf32, #tpu.memory_space<vmem>>, %arg11: memref<40x128xf32, #tpu.memory_space<vmem>>, %arg12: memref<40x128xf32, #tpu.memory_space<vmem>>, %arg13: memref<40x128xf32, #tpu.memory_space<vmem>>, %arg14: memref<40x128xf32, #tpu.memory_space<vmem>>, %arg15: memref<40x128xf32, #tpu.memory_space<vmem>>, %arg16: memref<25x128xf32, #tpu.memory_space<vmem>>, %arg17: memref<10000x128xf32, #tpu.memory_space<vmem_shared>>, %arg18: memref<!tpu.dma_semaphore, #tpu.memory_space<semaphore_mem>>) attributes {dimension_semantics = [#tpu.dimension_semantics<core_parallel>, #tpu.dimension_semantics<subcore_parallel>], iteration_bounds = array<i64: 2, 16>, scalar_prefetch = 0 : i64, scratch_operands = 11 : i64, tpu.core_type = #tpu.core_type<sc_vector_subcore>, window_params = [{transform_indices = #map}, {transform_indices = #map}, {transform_indices = #map1}, {transform_indices = #map2}, {transform_indices = #map2}, {transform_indices = #map2}]} {
    %mul3A = arith.constant 16 : i32
    %mul3A_0 = arith.muli %arg0, %mul3A : i32
    %add3A = arith.addi %mul3A_0, %arg1 : i32
    %scan3A = arith.constant 0 : i32
    %scan3A_1 = arith.constant 0 : i32
    %scan3A_2 = arith.constant 25 : i32
    %scan3A_3 = arith.addi %scan3A_1, %scan3A_2 : i32
    %scan3A_4 = arith.constant 1 : i32
    scf.for %scan3A_21 = %scan3A_1 to %scan3A_3 step %scan3A_4  : i32 {
      %broadcast_in_dim3A = arith.constant 0.000000e+00 : f32
      %broadcast_in_dim3A_22 = vector.broadcast %broadcast_in_dim3A : f32 to vector<16xf32>
      %swap3A = arith.index_cast %scan3A_21 : i32 to index
      %swap3A_23 = arith.constant 0 : index
      %swap3A_24 = tpu.vector_load %arg16[%swap3A, %swap3A_23] {strides = array<i32>} : memref<25x128xf32, #tpu.memory_space<vmem>>, vector<1x16xf32>,
      %swap3A_25 = vector.shape_cast %swap3A_24 : vector<1x16xf32> to vector<16xf32>
      %swap3A_26 = vector.shape_cast %broadcast_in_dim3A_22 : vector<16xf32> to vector<1x16xf32>
      tpu.vector_store %arg16[%swap3A, %swap3A_23], %swap3A_26 {strides = array<i32>} : memref<25x128xf32, #tpu.memory_space<vmem>>, vector<1x16xf32>,
      %broadcast_in_dim3A_27 = arith.constant 0.000000e+00 : f32
      %broadcast_in_dim3A_28 = vector.broadcast %broadcast_in_dim3A_27 : f32 to vector<16xf32>
      %swap3A_29 = arith.index_cast %scan3A_21 : i32 to index
      %swap3A_30 = arith.constant 16 : index
      %swap3A_31 = tpu.vector_load %arg16[%swap3A_29, %swap3A_30] {strides = array<i32>} : memref<25x128xf32, #tpu.memory_space<vmem>>, vector<1x16xf32>,
      %swap3A_32 = vector.shape_cast %swap3A_31 : vector<1x16xf32> to vector<16xf32>
      %swap3A_33 = vector.shape_cast %broadcast_in_dim3A_28 : vector<16xf32> to vector<1x16xf32>
      tpu.vector_store %arg16[%swap3A_29, %swap3A_30], %swap3A_33 {strides = array<i32>} : memref<25x128xf32, #tpu.memory_space<vmem>>, vector<1x16xf32>,
      %broadcast_in_dim3A_34 = arith.constant 0.000000e+00 : f32
      %broadcast_in_dim3A_35 = vector.broadcast %broadcast_in_dim3A_34 : f32 to vector<16xf32>
      %swap3A_36 = arith.index_cast %scan3A_21 : i32 to index
      %swap3A_37 = arith.constant 32 : index
      %swap3A_38 = tpu.vector_load %arg16[%swap3A_36, %swap3A_37] {strides = array<i32>} : memref<25x128xf32, #tpu.memory_space<vmem>>, vector<1x16xf32>,
      %swap3A_39 = vector.shape_cast %swap3A_38 : vector<1x16xf32> to vector<16xf32>
      %swap3A_40 = vector.shape_cast %broadcast_in_dim3A_35 : vector<16xf32> to vector<1x16xf32>
      tpu.vector_store %arg16[%swap3A_36, %swap3A_37], %swap3A_40 {strides = array<i32>} : memref<25x128xf32, #tpu.memory_space<vmem>>, vector<1x16xf32>,
      %broadcast_in_dim3A_41 = arith.constant 0.000000e+00 : f32
      %broadcast_in_dim3A_42 = vector.broadcast %broadcast_in_dim3A_41 : f32 to vector<16xf32>
      %swap3A_43 = arith.index_cast %scan3A_21 : i32 to index
      %swap3A_44 = arith.constant 48 : index
      %swap3A_45 = tpu.vector_load %arg16[%swap3A_43, %swap3A_44] {strides = array<i32>} : memref<25x128xf32, #tpu.memory_space<vmem>>, vector<1x16xf32>,
      %swap3A_46 = vector.shape_cast %swap3A_45 : vector<1x16xf32> to vector<16xf32>
      %swap3A_47 = vector.shape_cast %broadcast_in_dim3A_42 : vector<16xf32> to vector<1x16xf32>
      tpu.vector_store %arg16[%swap3A_43, %swap3A_44], %swap3A_47 {strides = array<i32>} : memref<25x128xf32, #tpu.memory_space<vmem>>, vector<1x16xf32>,
      %broadcast_in_dim3A_48 = arith.constant 0.000000e+00 : f32
      %broadcast_in_dim3A_49 = vector.broadcast %broadcast_in_dim3A_48 : f32 to vector<16xf32>
      %swap3A_50 = arith.index_cast %scan3A_21 : i32 to index
      %swap3A_51 = arith.constant 64 : index
      %swap3A_52 = tpu.vector_load %arg16[%swap3A_50, %swap3A_51] {strides = array<i32>} : memref<25x128xf32, #tpu.memory_space<vmem>>, vector<1x16xf32>,
      %swap3A_53 = vector.shape_cast %swap3A_52 : vector<1x16xf32> to vector<16xf32>
      %swap3A_54 = vector.shape_cast %broadcast_in_dim3A_49 : vector<16xf32> to vector<1x16xf32>
      tpu.vector_store %arg16[%swap3A_50, %swap3A_51], %swap3A_54 {strides = array<i32>} : memref<25x128xf32, #tpu.memory_space<vmem>>, vector<1x16xf32>,
      %broadcast_in_dim3A_55 = arith.constant 0.000000e+00 : f32
      %broadcast_in_dim3A_56 = vector.broadcast %broadcast_in_dim3A_55 : f32 to vector<16xf32>
      %swap3A_57 = arith.index_cast %scan3A_21 : i32 to index
      %swap3A_58 = arith.constant 80 : index
      %swap3A_59 = tpu.vector_load %arg16[%swap3A_57, %swap3A_58] {strides = array<i32>} : memref<25x128xf32, #tpu.memory_space<vmem>>, vector<1x16xf32>,
      %swap3A_60 = vector.shape_cast %swap3A_59 : vector<1x16xf32> to vector<16xf32>
      %swap3A_61 = vector.shape_cast %broadcast_in_dim3A_56 : vector<16xf32> to vector<1x16xf32>
      tpu.vector_store %arg16[%swap3A_57, %swap3A_58], %swap3A_61 {strides = array<i32>} : memref<25x128xf32, #tpu.memory_space<vmem>>, vector<1x16xf32>,
      %broadcast_in_dim3A_62 = arith.constant 0.000000e+00 : f32
      %broadcast_in_dim3A_63 = vector.broadcast %broadcast_in_dim3A_62 : f32 to vector<16xf32>
      %swap3A_64 = arith.index_cast %scan3A_21 : i32 to index
      %swap3A_65 = arith.constant 96 : index
      %swap3A_66 = tpu.vector_load %arg16[%swap3A_64, %swap3A_65] {strides = array<i32>} : memref<25x128xf32, #tpu.memory_space<vmem>>, vector<1x16xf32>,
      %swap3A_67 = vector.shape_cast %swap3A_66 : vector<1x16xf32> to vector<16xf32>
      %swap3A_68 = vector.shape_cast %broadcast_in_dim3A_63 : vector<16xf32> to vector<1x16xf32>
      tpu.vector_store %arg16[%swap3A_64, %swap3A_65], %swap3A_68 {strides = array<i32>} : memref<25x128xf32, #tpu.memory_space<vmem>>, vector<1x16xf32>,
      %broadcast_in_dim3A_69 = arith.constant 0.000000e+00 : f32
      %broadcast_in_dim3A_70 = vector.broadcast %broadcast_in_dim3A_69 : f32 to vector<16xf32>
      %swap3A_71 = arith.index_cast %scan3A_21 : i32 to index
      %swap3A_72 = arith.constant 112 : index
      %swap3A_73 = tpu.vector_load %arg16[%swap3A_71, %swap3A_72] {strides = array<i32>} : memref<25x128xf32, #tpu.memory_space<vmem>>, vector<1x16xf32>,
      %swap3A_74 = vector.shape_cast %swap3A_73 : vector<1x16xf32> to vector<16xf32>
      %swap3A_75 = vector.shape_cast %broadcast_in_dim3A_70 : vector<16xf32> to vector<1x16xf32>
      tpu.vector_store %arg16[%swap3A_71, %swap3A_72], %swap3A_75 {strides = array<i32>} : memref<25x128xf32, #tpu.memory_space<vmem>>, vector<1x16xf32>,
    }
    %scan3A_5 = arith.constant 25 : i32
    %mul3A_6 = arith.constant 625 : i32
    %mul3A_7 = arith.muli %arg1, %mul3A_6 : i32
    %scan3A_8 = arith.constant 0 : i32
    %scan3A_9 = arith.constant 0 : i32
    %scan3A_10 = arith.constant 25 : i32
    %scan3A_11 = arith.addi %scan3A_9, %scan3A_10 : i32
    %scan3A_12 = arith.constant 1 : i32
    scf.for %scan3A_21 = %scan3A_9 to %scan3A_11 step %scan3A_12  : i32 {
      %mul3A_22 = arith.constant 25 : i32
      %mul3A_23 = arith.muli %scan3A_21, %mul3A_22 : i32
      %add3A_24 = arith.addi %mul3A_7, %mul3A_23 : i32
      "tpu.region"() ({
        %run_scoped3A = tpu.sem_alloc : memref<!tpu.dma_semaphore, #tpu.memory_space<semaphore_mem>>
        %dma_start3A = arith.constant 0 : i32
        %dma_start3A_25 = tpu.memref_slice %arg17[%add3A_24, %dma_start3A] : memref<10000x128xf32, #tpu.memory_space<vmem_shared>> -> memref<25x128xf32, #tpu.memory_space<vmem_shared>>
        %dma_start3A_26 = arith.constant 0 : i32
        %dma_start3A_27 = tpu.memref_slice %arg17[%add3A_24, %dma_start3A_26] : memref<10000x128xf32, #tpu.memory_space<vmem_shared>> -> memref<25x128xf32, #tpu.memory_space<vmem_shared>>
        tpu.enqueue_dma source(%arg16 : memref<25x128xf32, #tpu.memory_space<vmem>>) target(%dma_start3A_27 : memref<25x128xf32, #tpu.memory_space<vmem_shared>>) target_semaphore(%run_scoped3A : memref<!tpu.dma_semaphore, #tpu.memory_space<semaphore_mem>>)
        %dma_wait3A = arith.constant 0 : i32
        %dma_wait3A_28 = tpu.memref_slice %arg17[%add3A_24, %dma_wait3A] : memref<10000x128xf32, #tpu.memory_space<vmem_shared>> -> memref<25x128xf32, #tpu.memory_space<vmem_shared>>
        %dma_wait3A_29 = arith.constant 0 : i32
        %dma_wait3A_30 = tpu.memref_slice %arg17[%add3A_24, %dma_wait3A_29] : memref<10000x128xf32, #tpu.memory_space<vmem_shared>> -> memref<25x128xf32, #tpu.memory_space<vmem_shared>>
        tpu.wait_dma2 semaphore(%run_scoped3A : memref<!tpu.dma_semaphore, #tpu.memory_space<semaphore_mem>>) src(%arg16 : memref<25x128xf32, #tpu.memory_space<vmem>>) dst(%dma_wait3A_30 : memref<25x128xf32, #tpu.memory_space<vmem_shared>>)
        tpu.yield
      }) : () -> ()
    }
    %scan3A_13 = arith.constant 25 : i32
    %barrier3A = arith.constant 0 : index
    tpu.barrier barrier_id(%barrier3A)
    %scan3A_14 = arith.constant 0 : i32
    %scan3A_15 = arith.constant 0 : i32
    %scan3A_16 = arith.constant 5 : i32
    %scan3A_17 = arith.addi %scan3A_15, %scan3A_16 : i32
    %scan3A_18 = arith.constant 1 : i32
    scf.for %scan3A_21 = %scan3A_15 to %scan3A_17 step %scan3A_18  : i32 {
      %mul3A_22 = arith.constant 50 : i32
      %mul3A_23 = arith.muli %scan3A_21, %mul3A_22 : i32
      "tpu.region"() ({
        %run_scoped3A = tpu.sem_alloc : memref<!tpu.dma_semaphore, #tpu.memory_space<semaphore_mem>>
        %dma_start3A = arith.constant 0 : i32
        %dma_start3A_32 = tpu.memref_slice %arg5[%add3A, %mul3A_23, %dma_start3A] : memref<32x250x40xi32, #tpu.memory_space<hbm>> -> memref<1x50x40xi32, #tpu.memory_space<hbm>>
        %dma_start3A_33 = tpu.memref_squeeze %dma_start3A_32 : memref<1x50x40xi32, #tpu.memory_space<hbm>> -> memref<50x40xi32, #tpu.memory_space<hbm>>
        %dma_start3A_34 = arith.constant 0 : i32
        %dma_start3A_35 = tpu.memref_slice %arg5[%add3A, %mul3A_23, %dma_start3A_34] : memref<32x250x40xi32, #tpu.memory_space<hbm>> -> memref<1x50x40xi32, #tpu.memory_space<hbm>>
        %dma_start3A_36 = tpu.memref_squeeze %dma_start3A_35 : memref<1x50x40xi32, #tpu.memory_space<hbm>> -> memref<50x40xi32, #tpu.memory_space<hbm>>
        tpu.enqueue_dma source(%dma_start3A_36 : memref<50x40xi32, #tpu.memory_space<hbm>>) target(%arg8 : memref<50x40xi32, #tpu.memory_space<vmem>>) target_semaphore(%run_scoped3A : memref<!tpu.dma_semaphore, #tpu.memory_space<semaphore_mem>>)
        %dma_wait3A = arith.constant 0 : i32
        %dma_wait3A_37 = tpu.memref_slice %arg5[%add3A, %mul3A_23, %dma_wait3A] : memref<32x250x40xi32, #tpu.memory_space<hbm>> -> memref<1x50x40xi32, #tpu.memory_space<hbm>>
        %dma_wait3A_38 = tpu.memref_squeeze %dma_wait3A_37 : memref<1x50x40xi32, #tpu.memory_space<hbm>> -> memref<50x40xi32, #tpu.memory_space<hbm>>
        %dma_wait3A_39 = arith.constant 0 : i32
        %dma_wait3A_40 = tpu.memref_slice %arg5[%add3A, %mul3A_23, %dma_wait3A_39] : memref<32x250x40xi32, #tpu.memory_space<hbm>> -> memref<1x50x40xi32, #tpu.memory_space<hbm>>
        %dma_wait3A_41 = tpu.memref_squeeze %dma_wait3A_40 : memref<1x50x40xi32, #tpu.memory_space<hbm>> -> memref<50x40xi32, #tpu.memory_space<hbm>>
        tpu.wait_dma2 semaphore(%run_scoped3A : memref<!tpu.dma_semaphore, #tpu.memory_space<semaphore_mem>>) src(%dma_wait3A_41 : memref<50x40xi32, #tpu.memory_space<hbm>>) dst(%arg8 : memref<50x40xi32, #tpu.memory_space<vmem>>)
        tpu.yield
      }) : () -> ()
      %mul3A_24 = arith.constant 50 : i32
      %mul3A_25 = arith.muli %scan3A_21, %mul3A_24 : i32
      "tpu.region"() ({
        %run_scoped3A = tpu.sem_alloc : memref<!tpu.dma_semaphore, #tpu.memory_space<semaphore_mem>>
        %dma_start3A = arith.constant 0 : i32
        %dma_start3A_32 = tpu.memref_slice %arg6[%add3A, %mul3A_25, %dma_start3A] : memref<32x250x40xi32, #tpu.memory_space<hbm>> -> memref<1x50x40xi32, #tpu.memory_space<hbm>>
        %dma_start3A_33 = tpu.memref_squeeze %dma_start3A_32 : memref<1x50x40xi32, #tpu.memory_space<hbm>> -> memref<50x40xi32, #tpu.memory_space<hbm>>
        %dma_start3A_34 = arith.constant 0 : i32
        %dma_start3A_35 = tpu.memref_slice %arg6[%add3A, %mul3A_25, %dma_start3A_34] : memref<32x250x40xi32, #tpu.memory_space<hbm>> -> memref<1x50x40xi32, #tpu.memory_space<hbm>>
        %dma_start3A_36 = tpu.memref_squeeze %dma_start3A_35 : memref<1x50x40xi32, #tpu.memory_space<hbm>> -> memref<50x40xi32, #tpu.memory_space<hbm>>
        tpu.enqueue_dma source(%dma_start3A_36 : memref<50x40xi32, #tpu.memory_space<hbm>>) target(%arg9 : memref<50x40xi32, #tpu.memory_space<vmem>>) target_semaphore(%run_scoped3A : memref<!tpu.dma_semaphore, #tpu.memory_space<semaphore_mem>>)
        %dma_wait3A = arith.constant 0 : i32
        %dma_wait3A_37 = tpu.memref_slice %arg6[%add3A, %mul3A_25, %dma_wait3A] : memref<32x250x40xi32, #tpu.memory_space<hbm>> -> memref<1x50x40xi32, #tpu.memory_space<hbm>>
        %dma_wait3A_38 = tpu.memref_squeeze %dma_wait3A_37 : memref<1x50x40xi32, #tpu.memory_space<hbm>> -> memref<50x40xi32, #tpu.memory_space<hbm>>
        %dma_wait3A_39 = arith.constant 0 : i32
        %dma_wait3A_40 = tpu.memref_slice %arg6[%add3A, %mul3A_25, %dma_wait3A_39] : memref<32x250x40xi32, #tpu.memory_space<hbm>> -> memref<1x50x40xi32, #tpu.memory_space<hbm>>
        %dma_wait3A_41 = tpu.memref_squeeze %dma_wait3A_40 : memref<1x50x40xi32, #tpu.memory_space<hbm>> -> memref<50x40xi32, #tpu.memory_space<hbm>>
        tpu.wait_dma2 semaphore(%run_scoped3A : memref<!tpu.dma_semaphore, #tpu.memory_space<semaphore_mem>>) src(%dma_wait3A_41 : memref<50x40xi32, #tpu.memory_space<hbm>>) dst(%arg9 : memref<50x40xi32, #tpu.memory_space<vmem>>)
        tpu.yield
      }) : () -> ()
      %scan3A_26 = arith.constant 0 : i32
      %scan3A_27 = arith.constant 0 : i32
      %scan3A_28 = arith.constant 25 : i32
      %scan3A_29 = arith.addi %scan3A_27, %scan3A_28 : i32
      %scan3A_30 = arith.constant 1 : i32
      scf.for %scan3A_32 = %scan3A_27 to %scan3A_29 step %scan3A_30  : i32 {
        %mul3A_33 = arith.constant 2 : i32
        %mul3A_34 = arith.muli %mul3A_33, %scan3A_32 : i32
        %add3A_35 = arith.constant 1 : i32
        %add3A_36 = arith.addi %mul3A_34, %add3A_35 : i32
        %mul3A_37 = arith.constant 50 : i32
        %mul3A_38 = arith.muli %scan3A_21, %mul3A_37 : i32
        %add3A_39 = arith.addi %mul3A_38, %mul3A_34 : i32
        %dma_start3A = arith.constant 0 : i32
        %dma_start3A_40 = arith.constant 0 : i32
        %dma_start3A_41 = tpu.memref_slice %arg4[%add3A, %add3A_39, %dma_start3A, %dma_start3A_40] : memref<32x250x40x128xf32, #tpu.memory_space<hbm>> -> memref<1x1x40x128xf32, #tpu.memory_space<hbm>>
        %dma_start3A_42 = tpu.memref_squeeze %dma_start3A_41 : memref<1x1x40x128xf32, #tpu.memory_space<hbm>> -> memref<40x128xf32, #tpu.memory_space<hbm>>
        %dma_start3A_43 = arith.constant 0 : i32
        %dma_start3A_44 = arith.constant 0 : i32
        %dma_start3A_45 = tpu.memref_slice %arg4[%add3A, %add3A_39, %dma_start3A_43, %dma_start3A_44] : memref<32x250x40x128xf32, #tpu.memory_space<hbm>> -> memref<1x1x40x128xf32, #tpu.memory_space<hbm>>
        %dma_start3A_46 = tpu.memref_squeeze %dma_start3A_45 : memref<1x1x40x128xf32, #tpu.memory_space<hbm>> -> memref<40x128xf32, #tpu.memory_space<hbm>>
        tpu.enqueue_dma source(%dma_start3A_46 : memref<40x128xf32, #tpu.memory_space<hbm>>) target(%arg10 : memref<40x128xf32, #tpu.memory_space<vmem>>) target_semaphore(%arg18 : memref<!tpu.dma_semaphore, #tpu.memory_space<semaphore_mem>>)
        %dma_start3A_47 = arith.constant 0 : i32
        %dma_start3A_48 = tpu.memref_slice %arg8[%mul3A_34, %dma_start3A_47] : memref<50x40xi32, #tpu.memory_space<vmem>> -> memref<1x40xi32, #tpu.memory_space<vmem>>
        %dma_start3A_49 = tpu.memref_squeeze %dma_start3A_48 : memref<1x40xi32, #tpu.memory_space<vmem>> -> memref<40xi32, #tpu.memory_space<vmem>>
        %dma_start3A_50 = arith.constant 0 : i32
        %dma_start3A_51 = arith.constant 0 : i32
        %dma_start3A_52 = tpu.memref_slice %arg2[%dma_start3A_50, %dma_start3A_51] : memref<10000x128xf32, #tpu.memory_space<hbm>> -> memref<10000x128xf32, #tpu.memory_space<hbm>>
        tpu.enqueue_indirect_dma source(%dma_start3A_52 : memref<10000x128xf32, #tpu.memory_space<hbm>>) target(%arg11 : memref<40x128xf32, #tpu.memory_space<vmem>>) offsets(%dma_start3A_49 : memref<40xi32, #tpu.memory_space<vmem>>) semaphore(%arg18 : memref<!tpu.dma_semaphore, #tpu.memory_space<semaphore_mem>>)
        %dma_start3A_53 = arith.constant 0 : i32
        %dma_start3A_54 = tpu.memref_slice %arg9[%mul3A_34, %dma_start3A_53] : memref<50x40xi32, #tpu.memory_space<vmem>> -> memref<1x40xi32, #tpu.memory_space<vmem>>
        %dma_start3A_55 = tpu.memref_squeeze %dma_start3A_54 : memref<1x40xi32, #tpu.memory_space<vmem>> -> memref<40xi32, #tpu.memory_space<vmem>>
        %dma_start3A_56 = arith.constant 0 : i32
        %dma_start3A_57 = arith.constant 0 : i32
        %dma_start3A_58 = tpu.memref_slice %arg3[%dma_start3A_56, %dma_start3A_57] : memref<10000x128xf32, #tpu.memory_space<hbm>> -> memref<10000x128xf32, #tpu.memory_space<hbm>>
        tpu.enqueue_indirect_dma source(%dma_start3A_58 : memref<10000x128xf32, #tpu.memory_space<hbm>>) target(%arg12 : memref<40x128xf32, #tpu.memory_space<vmem>>) offsets(%dma_start3A_55 : memref<40xi32, #tpu.memory_space<vmem>>) semaphore(%arg18 : memref<!tpu.dma_semaphore, #tpu.memory_space<semaphore_mem>>)
        %add3A_59 = arith.constant 1 : i32
        %add3A_60 = arith.addi %add3A_39, %add3A_59 : i32
        %dma_start3A_61 = arith.constant 0 : i32
        %dma_start3A_62 = arith.constant 0 : i32
        %dma_start3A_63 = tpu.memref_slice %arg4[%add3A, %add3A_60, %dma_start3A_61, %dma_start3A_62] : memref<32x250x40x128xf32, #tpu.memory_space<hbm>> -> memref<1x1x40x128xf32, #tpu.memory_space<hbm>>
        %dma_start3A_64 = tpu.memref_squeeze %dma_start3A_63 : memref<1x1x40x128xf32, #tpu.memory_space<hbm>> -> memref<40x128xf32, #tpu.memory_space<hbm>>
        %dma_start3A_65 = arith.constant 0 : i32
        %dma_start3A_66 = arith.constant 0 : i32
        %dma_start3A_67 = tpu.memref_slice %arg4[%add3A, %add3A_60, %dma_start3A_65, %dma_start3A_66] : memref<32x250x40x128xf32, #tpu.memory_space<hbm>> -> memref<1x1x40x128xf32, #tpu.memory_space<hbm>>
        %dma_start3A_68 = tpu.memref_squeeze %dma_start3A_67 : memref<1x1x40x128xf32, #tpu.memory_space<hbm>> -> memref<40x128xf32, #tpu.memory_space<hbm>>
        tpu.enqueue_dma source(%dma_start3A_68 : memref<40x128xf32, #tpu.memory_space<hbm>>) target(%arg13 : memref<40x128xf32, #tpu.memory_space<vmem>>) target_semaphore(%arg18 : memref<!tpu.dma_semaphore, #tpu.memory_space<semaphore_mem>>)
        %dma_start3A_69 = arith.constant 0 : i32
        %dma_start3A_70 = tpu.memref_slice %arg8[%add3A_36, %dma_start3A_69] : memref<50x40xi32, #tpu.memory_space<vmem>> -> memref<1x40xi32, #tpu.memory_space<vmem>>
        %dma_start3A_71 = tpu.memref_squeeze %dma_start3A_70 : memref<1x40xi32, #tpu.memory_space<vmem>> -> memref<40xi32, #tpu.memory_space<vmem>>
        %dma_start3A_72 = arith.constant 0 : i32
        %dma_start3A_73 = arith.constant 0 : i32
        %dma_start3A_74 = tpu.memref_slice %arg2[%dma_start3A_72, %dma_start3A_73] : memref<10000x128xf32, #tpu.memory_space<hbm>> -> memref<10000x128xf32, #tpu.memory_space<hbm>>
        tpu.enqueue_indirect_dma source(%dma_start3A_74 : memref<10000x128xf32, #tpu.memory_space<hbm>>) target(%arg14 : memref<40x128xf32, #tpu.memory_space<vmem>>) offsets(%dma_start3A_71 : memref<40xi32, #tpu.memory_space<vmem>>) semaphore(%arg18 : memref<!tpu.dma_semaphore, #tpu.memory_space<semaphore_mem>>)
        %dma_start3A_75 = arith.constant 0 : i32
        %dma_start3A_76 = tpu.memref_slice %arg9[%add3A_36, %dma_start3A_75] : memref<50x40xi32, #tpu.memory_space<vmem>> -> memref<1x40xi32, #tpu.memory_space<vmem>>
        %dma_start3A_77 = tpu.memref_squeeze %dma_start3A_76 : memref<1x40xi32, #tpu.memory_space<vmem>> -> memref<40xi32, #tpu.memory_space<vmem>>
        %dma_start3A_78 = arith.constant 0 : i32
        %dma_start3A_79 = arith.constant 0 : i32
        %dma_start3A_80 = tpu.memref_slice %arg3[%dma_start3A_78, %dma_start3A_79] : memref<10000x128xf32, #tpu.memory_space<hbm>> -> memref<10000x128xf32, #tpu.memory_space<hbm>>
        tpu.enqueue_indirect_dma source(%dma_start3A_80 : memref<10000x128xf32, #tpu.memory_space<hbm>>) target(%arg15 : memref<40x128xf32, #tpu.memory_space<vmem>>) offsets(%dma_start3A_77 : memref<40xi32, #tpu.memory_space<vmem>>) semaphore(%arg18 : memref<!tpu.dma_semaphore, #tpu.memory_space<semaphore_mem>>)
        %dma_wait3A = arith.constant 0 : i32
        %dma_wait3A_81 = arith.constant 0 : i32
        %dma_wait3A_82 = tpu.memref_slice %arg4[%add3A, %add3A_39, %dma_wait3A, %dma_wait3A_81] : memref<32x250x40x128xf32, #tpu.memory_space<hbm>> -> memref<1x1x40x128xf32, #tpu.memory_space<hbm>>
        %dma_wait3A_83 = tpu.memref_squeeze %dma_wait3A_82 : memref<1x1x40x128xf32, #tpu.memory_space<hbm>> -> memref<40x128xf32, #tpu.memory_space<hbm>>
        %dma_wait3A_84 = arith.constant 0 : i32
        %dma_wait3A_85 = arith.constant 0 : i32
        %dma_wait3A_86 = tpu.memref_slice %arg4[%add3A, %add3A_39, %dma_wait3A_84, %dma_wait3A_85] : memref<32x250x40x128xf32, #tpu.memory_space<hbm>> -> memref<1x1x40x128xf32, #tpu.memory_space<hbm>>
        %dma_wait3A_87 = tpu.memref_squeeze %dma_wait3A_86 : memref<1x1x40x128xf32, #tpu.memory_space<hbm>> -> memref<40x128xf32, #tpu.memory_space<hbm>>
        tpu.wait_dma2 semaphore(%arg18 : memref<!tpu.dma_semaphore, #tpu.memory_space<semaphore_mem>>) src(%dma_wait3A_87 : memref<40x128xf32, #tpu.memory_space<hbm>>) dst(%arg10 : memref<40x128xf32, #tpu.memory_space<vmem>>)
        %dma_wait3A_88 = arith.constant 0 : i32
        %dma_wait3A_89 = tpu.memref_slice %arg8[%mul3A_34, %dma_wait3A_88] : memref<50x40xi32, #tpu.memory_space<vmem>> -> memref<1x40xi32, #tpu.memory_space<vmem>>
        %dma_wait3A_90 = tpu.memref_squeeze %dma_wait3A_89 : memref<1x40xi32, #tpu.memory_space<vmem>> -> memref<40xi32, #tpu.memory_space<vmem>>
        %dma_wait3A_91 = arith.constant 0 : i32
        %dma_wait3A_92 = arith.constant 0 : i32
        %dma_wait3A_93 = tpu.memref_slice %arg2[%dma_wait3A_91, %dma_wait3A_92] : memref<10000x128xf32, #tpu.memory_space<hbm>> -> memref<10000x128xf32, #tpu.memory_space<hbm>>
        tpu.wait_indirect_dma semaphore(%arg18 : memref<!tpu.dma_semaphore, #tpu.memory_space<semaphore_mem>>) src(%dma_wait3A_93 : memref<10000x128xf32, #tpu.memory_space<hbm>>) dst(%arg11 : memref<40x128xf32, #tpu.memory_space<vmem>>)
        %dma_wait3A_94 = arith.constant 0 : i32
        %dma_wait3A_95 = tpu.memref_slice %arg9[%mul3A_34, %dma_wait3A_94] : memref<50x40xi32, #tpu.memory_space<vmem>> -> memref<1x40xi32, #tpu.memory_space<vmem>>
        %dma_wait3A_96 = tpu.memref_squeeze %dma_wait3A_95 : memref<1x40xi32, #tpu.memory_space<vmem>> -> memref<40xi32, #tpu.memory_space<vmem>>
        %dma_wait3A_97 = arith.constant 0 : i32
        %dma_wait3A_98 = arith.constant 0 : i32
        %dma_wait3A_99 = tpu.memref_slice %arg3[%dma_wait3A_97, %dma_wait3A_98] : memref<10000x128xf32, #tpu.memory_space<hbm>> -> memref<10000x128xf32, #tpu.memory_space<hbm>>
        tpu.wait_indirect_dma semaphore(%arg18 : memref<!tpu.dma_semaphore, #tpu.memory_space<semaphore_mem>>) src(%dma_wait3A_99 : memref<10000x128xf32, #tpu.memory_space<hbm>>) dst(%arg12 : memref<40x128xf32, #tpu.memory_space<vmem>>)
        %scan3A_100 = arith.constant 0 : i32
        %scan3A_101 = arith.constant 0 : i32
        %scan3A_102 = arith.constant 40 : i32
        %scan3A_103 = arith.addi %scan3A_101, %scan3A_102 : i32
        %scan3A_104 = arith.constant 1 : i32
        scf.for %scan3A_132 = %scan3A_101 to %scan3A_103 step %scan3A_104  : i32 {
          %get3A = arith.index_cast %scan3A_132 : i32 to index
          %get3A_133 = arith.constant 0 : index
          %get3A_134 = tpu.vector_load %arg10[%get3A, %get3A_133] {strides = array<i32>} : memref<40x128xf32, #tpu.memory_space<vmem>>, vector<1x16xf32>,
          %get3A_135 = vector.shape_cast %get3A_134 : vector<1x16xf32> to vector<16xf32>
          %get3A_136 = arith.index_cast %scan3A_132 : i32 to index
          %get3A_137 = arith.constant 0 : index
          %get3A_138 = tpu.vector_load %arg11[%get3A_136, %get3A_137] {strides = array<i32>} : memref<40x128xf32, #tpu.memory_space<vmem>>, vector<1x16xf32>,
          %get3A_139 = vector.shape_cast %get3A_138 : vector<1x16xf32> to vector<16xf32>
          %add3A_140 = arith.addf %get3A_135, %get3A_139 : vector<16xf32>
          %get3A_141 = arith.index_cast %scan3A_132 : i32 to index
          %get3A_142 = arith.constant 0 : index
          %get3A_143 = tpu.vector_load %arg12[%get3A_141, %get3A_142] {strides = array<i32>} : memref<40x128xf32, #tpu.memory_space<vmem>>, vector<1x16xf32>,
          %get3A_144 = vector.shape_cast %get3A_143 : vector<1x16xf32> to vector<16xf32>
          %add3A_145 = arith.addf %add3A_140, %get3A_144 : vector<16xf32>
          %neg3A = arith.constant 0.000000e+00 : f32
          %neg3A_146 = vector.broadcast %neg3A : f32 to vector<16xf32>
          %neg3A_147 = arith.subf %neg3A_146, %add3A_145 : vector<16xf32>
          %exp3A = math.exp %neg3A_147 : vector<16xf32>
          %add3A_148 = arith.constant 1.000000e+00 : f32
          %add3A_149 = vector.broadcast %add3A_148 : f32 to vector<16xf32>
          %add3A_150 = arith.addf %add3A_149, %exp3A : vector<16xf32>
          %div3A = arith.divf %add3A_145, %add3A_150 : vector<16xf32>
          %swap3A = arith.index_cast %scan3A_132 : i32 to index
          %swap3A_151 = arith.constant 0 : index
          %swap3A_152 = tpu.vector_load %arg10[%swap3A, %swap3A_151] {strides = array<i32>} : memref<40x128xf32, #tpu.memory_space<vmem>>, vector<1x16xf32>,
          %swap3A_153 = vector.shape_cast %swap3A_152 : vector<1x16xf32> to vector<16xf32>
          %swap3A_154 = vector.shape_cast %div3A : vector<16xf32> to vector<1x16xf32>
          tpu.vector_store %arg10[%swap3A, %swap3A_151], %swap3A_154 {strides = array<i32>} : memref<40x128xf32, #tpu.memory_space<vmem>>, vector<1x16xf32>,
          %get3A_155 = arith.index_cast %scan3A_132 : i32 to index
          %get3A_156 = arith.constant 16 : index
          %get3A_157 = tpu.vector_load %arg10[%get3A_155, %get3A_156] {strides = array<i32>} : memref<40x128xf32, #tpu.memory_space<vmem>>, vector<1x16xf32>,
          %get3A_158 = vector.shape_cast %get3A_157 : vector<1x16xf32> to vector<16xf32>
          %get3A_159 = arith.index_cast %scan3A_132 : i32 to index
          %get3A_160 = arith.constant 16 : index
          %get3A_161 = tpu.vector_load %arg11[%get3A_159, %get3A_160] {strides = array<i32>} : memref<40x128xf32, #tpu.memory_space<vmem>>, vector<1x16xf32>,
          %get3A_162 = vector.shape_cast %get3A_161 : vector<1x16xf32> to vector<16xf32>
          %add3A_163 = arith.addf %get3A_158, %get3A_162 : vector<16xf32>
          %get3A_164 = arith.index_cast %scan3A_132 : i32 to index
          %get3A_165 = arith.constant 16 : index
          %get3A_166 = tpu.vector_load %arg12[%get3A_164, %get3A_165] {strides = array<i32>} : memref<40x128xf32, #tpu.memory_space<vmem>>, vector<1x16xf32>,
          %get3A_167 = vector.shape_cast %get3A_166 : vector<1x16xf32> to vector<16xf32>
          %add3A_168 = arith.addf %add3A_163, %get3A_167 : vector<16xf32>
          %neg3A_169 = arith.constant 0.000000e+00 : f32
          %neg3A_170 = vector.broadcast %neg3A_169 : f32 to vector<16xf32>
          %neg3A_171 = arith.subf %neg3A_170, %add3A_168 : vector<16xf32>
          %exp3A_172 = math.exp %neg3A_171 : vector<16xf32>
          %add3A_173 = arith.constant 1.000000e+00 : f32
          %add3A_174 = vector.broadcast %add3A_173 : f32 to vector<16xf32>
          %add3A_175 = arith.addf %add3A_174, %exp3A_172 : vector<16xf32>
          %div3A_176 = arith.divf %add3A_168, %add3A_175 : vector<16xf32>
          %swap3A_177 = arith.index_cast %scan3A_132 : i32 to index
          %swap3A_178 = arith.constant 16 : index
          %swap3A_179 = tpu.vector_load %arg10[%swap3A_177, %swap3A_178] {strides = array<i32>} : memref<40x128xf32, #tpu.memory_space<vmem>>, vector<1x16xf32>,
          %swap3A_180 = vector.shape_cast %swap3A_179 : vector<1x16xf32> to vector<16xf32>
          %swap3A_181 = vector.shape_cast %div3A_176 : vector<16xf32> to vector<1x16xf32>
          tpu.vector_store %arg10[%swap3A_177, %swap3A_178], %swap3A_181 {strides = array<i32>} : memref<40x128xf32, #tpu.memory_space<vmem>>, vector<1x16xf32>,
          %get3A_182 = arith.index_cast %scan3A_132 : i32 to index
          %get3A_183 = arith.constant 32 : index
          %get3A_184 = tpu.vector_load %arg10[%get3A_182, %get3A_183] {strides = array<i32>} : memref<40x128xf32, #tpu.memory_space<vmem>>, vector<1x16xf32>,
          %get3A_185 = vector.shape_cast %get3A_184 : vector<1x16xf32> to vector<16xf32>
          %get3A_186 = arith.index_cast %scan3A_132 : i32 to index
          %get3A_187 = arith.constant 32 : index
          %get3A_188 = tpu.vector_load %arg11[%get3A_186, %get3A_187] {strides = array<i32>} : memref<40x128xf32, #tpu.memory_space<vmem>>, vector<1x16xf32>,
          %get3A_189 = vector.shape_cast %get3A_188 : vector<1x16xf32> to vector<16xf32>
          %add3A_190 = arith.addf %get3A_185, %get3A_189 : vector<16xf32>
          %get3A_191 = arith.index_cast %scan3A_132 : i32 to index
          %get3A_192 = arith.constant 32 : index
          %get3A_193 = tpu.vector_load %arg12[%get3A_191, %get3A_192] {strides = array<i32>} : memref<40x128xf32, #tpu.memory_space<vmem>>, vector<1x16xf32>,
          %get3A_194 = vector.shape_cast %get3A_193 : vector<1x16xf32> to vector<16xf32>
          %add3A_195 = arith.addf %add3A_190, %get3A_194 : vector<16xf32>
          %neg3A_196 = arith.constant 0.000000e+00 : f32
          %neg3A_197 = vector.broadcast %neg3A_196 : f32 to vector<16xf32>
          %neg3A_198 = arith.subf %neg3A_197, %add3A_195 : vector<16xf32>
          %exp3A_199 = math.exp %neg3A_198 : vector<16xf32>
          %add3A_200 = arith.constant 1.000000e+00 : f32
          %add3A_201 = vector.broadcast %add3A_200 : f32 to vector<16xf32>
          %add3A_202 = arith.addf %add3A_201, %exp3A_199 : vector<16xf32>
          %div3A_203 = arith.divf %add3A_195, %add3A_202 : vector<16xf32>
          %swap3A_204 = arith.index_cast %scan3A_132 : i32 to index
          %swap3A_205 = arith.constant 32 : index
          %swap3A_206 = tpu.vector_load %arg10[%swap3A_204, %swap3A_205] {strides = array<i32>} : memref<40x128xf32, #tpu.memory_space<vmem>>, vector<1x16xf32>,
          %swap3A_207 = vector.shape_cast %swap3A_206 : vector<1x16xf32> to vector<16xf32>
          %swap3A_208 = vector.shape_cast %div3A_203 : vector<16xf32> to vector<1x16xf32>
          tpu.vector_store %arg10[%swap3A_204, %swap3A_205], %swap3A_208 {strides = array<i32>} : memref<40x128xf32, #tpu.memory_space<vmem>>, vector<1x16xf32>,
          %get3A_209 = arith.index_cast %scan3A_132 : i32 to index
          %get3A_210 = arith.constant 48 : index
          %get3A_211 = tpu.vector_load %arg10[%get3A_209, %get3A_210] {strides = array<i32>} : memref<40x128xf32, #tpu.memory_space<vmem>>, vector<1x16xf32>,
          %get3A_212 = vector.shape_cast %get3A_211 : vector<1x16xf32> to vector<16xf32>
          %get3A_213 = arith.index_cast %scan3A_132 : i32 to index
          %get3A_214 = arith.constant 48 : index
          %get3A_215 = tpu.vector_load %arg11[%get3A_213, %get3A_214] {strides = array<i32>} : memref<40x128xf32, #tpu.memory_space<vmem>>, vector<1x16xf32>,
          %get3A_216 = vector.shape_cast %get3A_215 : vector<1x16xf32> to vector<16xf32>
          %add3A_217 = arith.addf %get3A_212, %get3A_216 : vector<16xf32>
          %get3A_218 = arith.index_cast %scan3A_132 : i32 to index
          %get3A_219 = arith.constant 48 : index
          %get3A_220 = tpu.vector_load %arg12[%get3A_218, %get3A_219] {strides = array<i32>} : memref<40x128xf32, #tpu.memory_space<vmem>>, vector<1x16xf32>,
          %get3A_221 = vector.shape_cast %get3A_220 : vector<1x16xf32> to vector<16xf32>
          %add3A_222 = arith.addf %add3A_217, %get3A_221 : vector<16xf32>
          %neg3A_223 = arith.constant 0.000000e+00 : f32
          %neg3A_224 = vector.broadcast %neg3A_223 : f32 to vector<16xf32>
          %neg3A_225 = arith.subf %neg3A_224, %add3A_222 : vector<16xf32>
          %exp3A_226 = math.exp %neg3A_225 : vector<16xf32>
          %add3A_227 = arith.constant 1.000000e+00 : f32
          %add3A_228 = vector.broadcast %add3A_227 : f32 to vector<16xf32>
          %add3A_229 = arith.addf %add3A_228, %exp3A_226 : vector<16xf32>
          %div3A_230 = arith.divf %add3A_222, %add3A_229 : vector<16xf32>
          %swap3A_231 = arith.index_cast %scan3A_132 : i32 to index
          %swap3A_232 = arith.constant 48 : index
          %swap3A_233 = tpu.vector_load %arg10[%swap3A_231, %swap3A_232] {strides = array<i32>} : memref<40x128xf32, #tpu.memory_space<vmem>>, vector<1x16xf32>,
          %swap3A_234 = vector.shape_cast %swap3A_233 : vector<1x16xf32> to vector<16xf32>
          %swap3A_235 = vector.shape_cast %div3A_230 : vector<16xf32> to vector<1x16xf32>
          tpu.vector_store %arg10[%swap3A_231, %swap3A_232], %swap3A_235 {strides = array<i32>} : memref<40x128xf32, #tpu.memory_space<vmem>>, vector<1x16xf32>,
          %get3A_236 = arith.index_cast %scan3A_132 : i32 to index
          %get3A_237 = arith.constant 64 : index
          %get3A_238 = tpu.vector_load %arg10[%get3A_236, %get3A_237] {strides = array<i32>} : memref<40x128xf32, #tpu.memory_space<vmem>>, vector<1x16xf32>,
          %get3A_239 = vector.shape_cast %get3A_238 : vector<1x16xf32> to vector<16xf32>
          %get3A_240 = arith.index_cast %scan3A_132 : i32 to index
          %get3A_241 = arith.constant 64 : index
          %get3A_242 = tpu.vector_load %arg11[%get3A_240, %get3A_241] {strides = array<i32>} : memref<40x128xf32, #tpu.memory_space<vmem>>, vector<1x16xf32>,
          %get3A_243 = vector.shape_cast %get3A_242 : vector<1x16xf32> to vector<16xf32>
          %add3A_244 = arith.addf %get3A_239, %get3A_243 : vector<16xf32>
          %get3A_245 = arith.index_cast %scan3A_132 : i32 to index
          %get3A_246 = arith.constant 64 : index
          %get3A_247 = tpu.vector_load %arg12[%get3A_245, %get3A_246] {strides = array<i32>} : memref<40x128xf32, #tpu.memory_space<vmem>>, vector<1x16xf32>,
          %get3A_248 = vector.shape_cast %get3A_247 : vector<1x16xf32> to vector<16xf32>
          %add3A_249 = arith.addf %add3A_244, %get3A_248 : vector<16xf32>
          %neg3A_250 = arith.constant 0.000000e+00 : f32
          %neg3A_251 = vector.broadcast %neg3A_250 : f32 to vector<16xf32>
          %neg3A_252 = arith.subf %neg3A_251, %add3A_249 : vector<16xf32>
          %exp3A_253 = math.exp %neg3A_252 : vector<16xf32>
          %add3A_254 = arith.constant 1.000000e+00 : f32
          %add3A_255 = vector.broadcast %add3A_254 : f32 to vector<16xf32>
          %add3A_256 = arith.addf %add3A_255, %exp3A_253 : vector<16xf32>
          %div3A_257 = arith.divf %add3A_249, %add3A_256 : vector<16xf32>
          %swap3A_258 = arith.index_cast %scan3A_132 : i32 to index
          %swap3A_259 = arith.constant 64 : index
          %swap3A_260 = tpu.vector_load %arg10[%swap3A_258, %swap3A_259] {strides = array<i32>} : memref<40x128xf32, #tpu.memory_space<vmem>>, vector<1x16xf32>,
          %swap3A_261 = vector.shape_cast %swap3A_260 : vector<1x16xf32> to vector<16xf32>
          %swap3A_262 = vector.shape_cast %div3A_257 : vector<16xf32> to vector<1x16xf32>
          tpu.vector_store %arg10[%swap3A_258, %swap3A_259], %swap3A_262 {strides = array<i32>} : memref<40x128xf32, #tpu.memory_space<vmem>>, vector<1x16xf32>,
          %get3A_263 = arith.index_cast %scan3A_132 : i32 to index
          %get3A_264 = arith.constant 80 : index
          %get3A_265 = tpu.vector_load %arg10[%get3A_263, %get3A_264] {strides = array<i32>} : memref<40x128xf32, #tpu.memory_space<vmem>>, vector<1x16xf32>,
          %get3A_266 = vector.shape_cast %get3A_265 : vector<1x16xf32> to vector<16xf32>
          %get3A_267 = arith.index_cast %scan3A_132 : i32 to index
          %get3A_268 = arith.constant 80 : index
          %get3A_269 = tpu.vector_load %arg11[%get3A_267, %get3A_268] {strides = array<i32>} : memref<40x128xf32, #tpu.memory_space<vmem>>, vector<1x16xf32>,
          %get3A_270 = vector.shape_cast %get3A_269 : vector<1x16xf32> to vector<16xf32>
          %add3A_271 = arith.addf %get3A_266, %get3A_270 : vector<16xf32>
          %get3A_272 = arith.index_cast %scan3A_132 : i32 to index
          %get3A_273 = arith.constant 80 : index
          %get3A_274 = tpu.vector_load %arg12[%get3A_272, %get3A_273] {strides = array<i32>} : memref<40x128xf32, #tpu.memory_space<vmem>>, vector<1x16xf32>,
          %get3A_275 = vector.shape_cast %get3A_274 : vector<1x16xf32> to vector<16xf32>
          %add3A_276 = arith.addf %add3A_271, %get3A_275 : vector<16xf32>
          %neg3A_277 = arith.constant 0.000000e+00 : f32
          %neg3A_278 = vector.broadcast %neg3A_277 : f32 to vector<16xf32>
          %neg3A_279 = arith.subf %neg3A_278, %add3A_276 : vector<16xf32>
          %exp3A_280 = math.exp %neg3A_279 : vector<16xf32>
          %add3A_281 = arith.constant 1.000000e+00 : f32
          %add3A_282 = vector.broadcast %add3A_281 : f32 to vector<16xf32>
          %add3A_283 = arith.addf %add3A_282, %exp3A_280 : vector<16xf32>
          %div3A_284 = arith.divf %add3A_276, %add3A_283 : vector<16xf32>
          %swap3A_285 = arith.index_cast %scan3A_132 : i32 to index
          %swap3A_286 = arith.constant 80 : index
          %swap3A_287 = tpu.vector_load %arg10[%swap3A_285, %swap3A_286] {strides = array<i32>} : memref<40x128xf32, #tpu.memory_space<vmem>>, vector<1x16xf32>,
          %swap3A_288 = vector.shape_cast %swap3A_287 : vector<1x16xf32> to vector<16xf32>
          %swap3A_289 = vector.shape_cast %div3A_284 : vector<16xf32> to vector<1x16xf32>
          tpu.vector_store %arg10[%swap3A_285, %swap3A_286], %swap3A_289 {strides = array<i32>} : memref<40x128xf32, #tpu.memory_space<vmem>>, vector<1x16xf32>,
          %get3A_290 = arith.index_cast %scan3A_132 : i32 to index
          %get3A_291 = arith.constant 96 : index
          %get3A_292 = tpu.vector_load %arg10[%get3A_290, %get3A_291] {strides = array<i32>} : memref<40x128xf32, #tpu.memory_space<vmem>>, vector<1x16xf32>,
          %get3A_293 = vector.shape_cast %get3A_292 : vector<1x16xf32> to vector<16xf32>
          %get3A_294 = arith.index_cast %scan3A_132 : i32 to index
          %get3A_295 = arith.constant 96 : index
          %get3A_296 = tpu.vector_load %arg11[%get3A_294, %get3A_295] {strides = array<i32>} : memref<40x128xf32, #tpu.memory_space<vmem>>, vector<1x16xf32>,
          %get3A_297 = vector.shape_cast %get3A_296 : vector<1x16xf32> to vector<16xf32>
          %add3A_298 = arith.addf %get3A_293, %get3A_297 : vector<16xf32>
          %get3A_299 = arith.index_cast %scan3A_132 : i32 to index
          %get3A_300 = arith.constant 96 : index
          %get3A_301 = tpu.vector_load %arg12[%get3A_299, %get3A_300] {strides = array<i32>} : memref<40x128xf32, #tpu.memory_space<vmem>>, vector<1x16xf32>,
          %get3A_302 = vector.shape_cast %get3A_301 : vector<1x16xf32> to vector<16xf32>
          %add3A_303 = arith.addf %add3A_298, %get3A_302 : vector<16xf32>
          %neg3A_304 = arith.constant 0.000000e+00 : f32
          %neg3A_305 = vector.broadcast %neg3A_304 : f32 to vector<16xf32>
          %neg3A_306 = arith.subf %neg3A_305, %add3A_303 : vector<16xf32>
          %exp3A_307 = math.exp %neg3A_306 : vector<16xf32>
          %add3A_308 = arith.constant 1.000000e+00 : f32
          %add3A_309 = vector.broadcast %add3A_308 : f32 to vector<16xf32>
          %add3A_310 = arith.addf %add3A_309, %exp3A_307 : vector<16xf32>
          %div3A_311 = arith.divf %add3A_303, %add3A_310 : vector<16xf32>
          %swap3A_312 = arith.index_cast %scan3A_132 : i32 to index
          %swap3A_313 = arith.constant 96 : index
          %swap3A_314 = tpu.vector_load %arg10[%swap3A_312, %swap3A_313] {strides = array<i32>} : memref<40x128xf32, #tpu.memory_space<vmem>>, vector<1x16xf32>,
          %swap3A_315 = vector.shape_cast %swap3A_314 : vector<1x16xf32> to vector<16xf32>
          %swap3A_316 = vector.shape_cast %div3A_311 : vector<16xf32> to vector<1x16xf32>
          tpu.vector_store %arg10[%swap3A_312, %swap3A_313], %swap3A_316 {strides = array<i32>} : memref<40x128xf32, #tpu.memory_space<vmem>>, vector<1x16xf32>,
          %get3A_317 = arith.index_cast %scan3A_132 : i32 to index
          %get3A_318 = arith.constant 112 : index
          %get3A_319 = tpu.vector_load %arg10[%get3A_317, %get3A_318] {strides = array<i32>} : memref<40x128xf32, #tpu.memory_space<vmem>>, vector<1x16xf32>,
          %get3A_320 = vector.shape_cast %get3A_319 : vector<1x16xf32> to vector<16xf32>
          %get3A_321 = arith.index_cast %scan3A_132 : i32 to index
          %get3A_322 = arith.constant 112 : index
          %get3A_323 = tpu.vector_load %arg11[%get3A_321, %get3A_322] {strides = array<i32>} : memref<40x128xf32, #tpu.memory_space<vmem>>, vector<1x16xf32>,
          %get3A_324 = vector.shape_cast %get3A_323 : vector<1x16xf32> to vector<16xf32>
          %add3A_325 = arith.addf %get3A_320, %get3A_324 : vector<16xf32>
          %get3A_326 = arith.index_cast %scan3A_132 : i32 to index
          %get3A_327 = arith.constant 112 : index
          %get3A_328 = tpu.vector_load %arg12[%get3A_326, %get3A_327] {strides = array<i32>} : memref<40x128xf32, #tpu.memory_space<vmem>>, vector<1x16xf32>,
          %get3A_329 = vector.shape_cast %get3A_328 : vector<1x16xf32> to vector<16xf32>
          %add3A_330 = arith.addf %add3A_325, %get3A_329 : vector<16xf32>
          %neg3A_331 = arith.constant 0.000000e+00 : f32
          %neg3A_332 = vector.broadcast %neg3A_331 : f32 to vector<16xf32>
          %neg3A_333 = arith.subf %neg3A_332, %add3A_330 : vector<16xf32>
          %exp3A_334 = math.exp %neg3A_333 : vector<16xf32>
          %add3A_335 = arith.constant 1.000000e+00 : f32
          %add3A_336 = vector.broadcast %add3A_335 : f32 to vector<16xf32>
          %add3A_337 = arith.addf %add3A_336, %exp3A_334 : vector<16xf32>
          %div3A_338 = arith.divf %add3A_330, %add3A_337 : vector<16xf32>
          %swap3A_339 = arith.index_cast %scan3A_132 : i32 to index
          %swap3A_340 = arith.constant 112 : index
          %swap3A_341 = tpu.vector_load %arg10[%swap3A_339, %swap3A_340] {strides = array<i32>} : memref<40x128xf32, #tpu.memory_space<vmem>>, vector<1x16xf32>,
          %swap3A_342 = vector.shape_cast %swap3A_341 : vector<1x16xf32> to vector<16xf32>
          %swap3A_343 = vector.shape_cast %div3A_338 : vector<16xf32> to vector<1x16xf32>
          tpu.vector_store %arg10[%swap3A_339, %swap3A_340], %swap3A_343 {strides = array<i32>} : memref<40x128xf32, #tpu.memory_space<vmem>>, vector<1x16xf32>,
        }
        %scan3A_105 = arith.constant 40 : i32
        "tpu.region"() ({
          %run_scoped3A = tpu.sem_alloc : memref<!tpu.dma_semaphore, #tpu.memory_space<semaphore_mem>>
          %dma_start3A_132 = arith.constant 0 : i32
          %dma_start3A_133 = tpu.memref_slice %arg8[%mul3A_34, %dma_start3A_132] : memref<50x40xi32, #tpu.memory_space<vmem>> -> memref<1x40xi32, #tpu.memory_space<vmem>>
          %dma_start3A_134 = tpu.memref_squeeze %dma_start3A_133 : memref<1x40xi32, #tpu.memory_space<vmem>> -> memref<40xi32, #tpu.memory_space<vmem>>
          %dma_start3A_135 = arith.constant 0 : i32
          %dma_start3A_136 = arith.constant 0 : i32
          %dma_start3A_137 = tpu.memref_slice %arg17[%dma_start3A_135, %dma_start3A_136] : memref<10000x128xf32, #tpu.memory_space<vmem_shared>> -> memref<10000x128xf32, #tpu.memory_space<vmem_shared>>
          tpu.enqueue_indirect_dma source(%arg10 : memref<40x128xf32, #tpu.memory_space<vmem>>) target(%dma_start3A_137 : memref<10000x128xf32, #tpu.memory_space<vmem_shared>>) offsets(%dma_start3A_134 : memref<40xi32, #tpu.memory_space<vmem>>) semaphore(%run_scoped3A : memref<!tpu.dma_semaphore, #tpu.memory_space<semaphore_mem>>) {add = true}
          %dma_wait3A_138 = arith.constant 0 : i32
          %dma_wait3A_139 = tpu.memref_slice %arg8[%mul3A_34, %dma_wait3A_138] : memref<50x40xi32, #tpu.memory_space<vmem>> -> memref<1x40xi32, #tpu.memory_space<vmem>>
          %dma_wait3A_140 = tpu.memref_squeeze %dma_wait3A_139 : memref<1x40xi32, #tpu.memory_space<vmem>> -> memref<40xi32, #tpu.memory_space<vmem>>
          %dma_wait3A_141 = arith.constant 0 : i32
          %dma_wait3A_142 = arith.constant 0 : i32
          %dma_wait3A_143 = tpu.memref_slice %arg17[%dma_wait3A_141, %dma_wait3A_142] : memref<10000x128xf32, #tpu.memory_space<vmem_shared>> -> memref<10000x128xf32, #tpu.memory_space<vmem_shared>>
          tpu.wait_indirect_dma semaphore(%run_scoped3A : memref<!tpu.dma_semaphore, #tpu.memory_space<semaphore_mem>>) src(%arg10 : memref<40x128xf32, #tpu.memory_space<vmem>>) dst(%dma_wait3A_143 : memref<10000x128xf32, #tpu.memory_space<vmem_shared>>)
          tpu.yield
        }) : () -> ()
        %dma_wait3A_106 = arith.constant 0 : i32
        %dma_wait3A_107 = arith.constant 0 : i32
        %dma_wait3A_108 = tpu.memref_slice %arg4[%add3A, %add3A_60, %dma_wait3A_106, %dma_wait3A_107] : memref<32x250x40x128xf32, #tpu.memory_space<hbm>> -> memref<1x1x40x128xf32, #tpu.memory_space<hbm>>
        %dma_wait3A_109 = tpu.memref_squeeze %dma_wait3A_108 : memref<1x1x40x128xf32, #tpu.memory_space<hbm>> -> memref<40x128xf32, #tpu.memory_space<hbm>>
        %dma_wait3A_110 = arith.constant 0 : i32
        %dma_wait3A_111 = arith.constant 0 : i32
        %dma_wait3A_112 = tpu.memref_slice %arg4[%add3A, %add3A_60, %dma_wait3A_110, %dma_wait3A_111] : memref<32x250x40x128xf32, #tpu.memory_space<hbm>> -> memref<1x1x40x128xf32, #tpu.memory_space<hbm>>
        %dma_wait3A_113 = tpu.memref_squeeze %dma_wait3A_112 : memref<1x1x40x128xf32, #tpu.memory_space<hbm>> -> memref<40x128xf32, #tpu.memory_space<hbm>>
        tpu.wait_dma2 semaphore(%arg18 : memref<!tpu.dma_semaphore, #tpu.memory_space<semaphore_mem>>) src(%dma_wait3A_113 : memref<40x128xf32, #tpu.memory_space<hbm>>) dst(%arg13 : memref<40x128xf32, #tpu.memory_space<vmem>>)
        %dma_wait3A_114 = arith.constant 0 : i32
        %dma_wait3A_115 = tpu.memref_slice %arg8[%add3A_36, %dma_wait3A_114] : memref<50x40xi32, #tpu.memory_space<vmem>> -> memref<1x40xi32, #tpu.memory_space<vmem>>
        %dma_wait3A_116 = tpu.memref_squeeze %dma_wait3A_115 : memref<1x40xi32, #tpu.memory_space<vmem>> -> memref<40xi32, #tpu.memory_space<vmem>>
        %dma_wait3A_117 = arith.constant 0 : i32
        %dma_wait3A_118 = arith.constant 0 : i32
        %dma_wait3A_119 = tpu.memref_slice %arg2[%dma_wait3A_117, %dma_wait3A_118] : memref<10000x128xf32, #tpu.memory_space<hbm>> -> memref<10000x128xf32, #tpu.memory_space<hbm>>
        tpu.wait_indirect_dma semaphore(%arg18 : memref<!tpu.dma_semaphore, #tpu.memory_space<semaphore_mem>>) src(%dma_wait3A_119 : memref<10000x128xf32, #tpu.memory_space<hbm>>) dst(%arg14 : memref<40x128xf32, #tpu.memory_space<vmem>>)
        %dma_wait3A_120 = arith.constant 0 : i32
        %dma_wait3A_121 = tpu.memref_slice %arg9[%add3A_36, %dma_wait3A_120] : memref<50x40xi32, #tpu.memory_space<vmem>> -> memref<1x40xi32, #tpu.memory_space<vmem>>
        %dma_wait3A_122 = tpu.memref_squeeze %dma_wait3A_121 : memref<1x40xi32, #tpu.memory_space<vmem>> -> memref<40xi32, #tpu.memory_space<vmem>>
        %dma_wait3A_123 = arith.constant 0 : i32
        %dma_wait3A_124 = arith.constant 0 : i32
        %dma_wait3A_125 = tpu.memref_slice %arg3[%dma_wait3A_123, %dma_wait3A_124] : memref<10000x128xf32, #tpu.memory_space<hbm>> -> memref<10000x128xf32, #tpu.memory_space<hbm>>
        tpu.wait_indirect_dma semaphore(%arg18 : memref<!tpu.dma_semaphore, #tpu.memory_space<semaphore_mem>>) src(%dma_wait3A_125 : memref<10000x128xf32, #tpu.memory_space<hbm>>) dst(%arg15 : memref<40x128xf32, #tpu.memory_space<vmem>>)
        %scan3A_126 = arith.constant 0 : i32
        %scan3A_127 = arith.constant 0 : i32
        %scan3A_128 = arith.constant 40 : i32
        %scan3A_129 = arith.addi %scan3A_127, %scan3A_128 : i32
        %scan3A_130 = arith.constant 1 : i32
        scf.for %scan3A_132 = %scan3A_127 to %scan3A_129 step %scan3A_130  : i32 {
          %get3A = arith.index_cast %scan3A_132 : i32 to index
          %get3A_133 = arith.constant 0 : index
          %get3A_134 = tpu.vector_load %arg13[%get3A, %get3A_133] {strides = array<i32>} : memref<40x128xf32, #tpu.memory_space<vmem>>, vector<1x16xf32>,
          %get3A_135 = vector.shape_cast %get3A_134 : vector<1x16xf32> to vector<16xf32>
          %get3A_136 = arith.index_cast %scan3A_132 : i32 to index
          %get3A_137 = arith.constant 0 : index
          %get3A_138 = tpu.vector_load %arg14[%get3A_136, %get3A_137] {strides = array<i32>} : memref<40x128xf32, #tpu.memory_space<vmem>>, vector<1x16xf32>,
          %get3A_139 = vector.shape_cast %get3A_138 : vector<1x16xf32> to vector<16xf32>
          %add3A_140 = arith.addf %get3A_135, %get3A_139 : vector<16xf32>
          %get3A_141 = arith.index_cast %scan3A_132 : i32 to index
          %get3A_142 = arith.constant 0 : index
          %get3A_143 = tpu.vector_load %arg15[%get3A_141, %get3A_142] {strides = array<i32>} : memref<40x128xf32, #tpu.memory_space<vmem>>, vector<1x16xf32>,
          %get3A_144 = vector.shape_cast %get3A_143 : vector<1x16xf32> to vector<16xf32>
          %add3A_145 = arith.addf %add3A_140, %get3A_144 : vector<16xf32>
          %neg3A = arith.constant 0.000000e+00 : f32
          %neg3A_146 = vector.broadcast %neg3A : f32 to vector<16xf32>
          %neg3A_147 = arith.subf %neg3A_146, %add3A_145 : vector<16xf32>
          %exp3A = math.exp %neg3A_147 : vector<16xf32>
          %add3A_148 = arith.constant 1.000000e+00 : f32
          %add3A_149 = vector.broadcast %add3A_148 : f32 to vector<16xf32>
          %add3A_150 = arith.addf %add3A_149, %exp3A : vector<16xf32>
          %div3A = arith.divf %add3A_145, %add3A_150 : vector<16xf32>
          %swap3A = arith.index_cast %scan3A_132 : i32 to index
          %swap3A_151 = arith.constant 0 : index
          %swap3A_152 = tpu.vector_load %arg13[%swap3A, %swap3A_151] {strides = array<i32>} : memref<40x128xf32, #tpu.memory_space<vmem>>, vector<1x16xf32>,
          %swap3A_153 = vector.shape_cast %swap3A_152 : vector<1x16xf32> to vector<16xf32>
          %swap3A_154 = vector.shape_cast %div3A : vector<16xf32> to vector<1x16xf32>
          tpu.vector_store %arg13[%swap3A, %swap3A_151], %swap3A_154 {strides = array<i32>} : memref<40x128xf32, #tpu.memory_space<vmem>>, vector<1x16xf32>,
          %get3A_155 = arith.index_cast %scan3A_132 : i32 to index
          %get3A_156 = arith.constant 16 : index
          %get3A_157 = tpu.vector_load %arg13[%get3A_155, %get3A_156] {strides = array<i32>} : memref<40x128xf32, #tpu.memory_space<vmem>>, vector<1x16xf32>,
          %get3A_158 = vector.shape_cast %get3A_157 : vector<1x16xf32> to vector<16xf32>
          %get3A_159 = arith.index_cast %scan3A_132 : i32 to index
          %get3A_160 = arith.constant 16 : index
          %get3A_161 = tpu.vector_load %arg14[%get3A_159, %get3A_160] {strides = array<i32>} : memref<40x128xf32, #tpu.memory_space<vmem>>, vector<1x16xf32>,
          %get3A_162 = vector.shape_cast %get3A_161 : vector<1x16xf32> to vector<16xf32>
          %add3A_163 = arith.addf %get3A_158, %get3A_162 : vector<16xf32>
          %get3A_164 = arith.index_cast %scan3A_132 : i32 to index
          %get3A_165 = arith.constant 16 : index
          %get3A_166 = tpu.vector_load %arg15[%get3A_164, %get3A_165] {strides = array<i32>} : memref<40x128xf32, #tpu.memory_space<vmem>>, vector<1x16xf32>,
          %get3A_167 = vector.shape_cast %get3A_166 : vector<1x16xf32> to vector<16xf32>
          %add3A_168 = arith.addf %add3A_163, %get3A_167 : vector<16xf32>
          %neg3A_169 = arith.constant 0.000000e+00 : f32
          %neg3A_170 = vector.broadcast %neg3A_169 : f32 to vector<16xf32>
          %neg3A_171 = arith.subf %neg3A_170, %add3A_168 : vector<16xf32>
          %exp3A_172 = math.exp %neg3A_171 : vector<16xf32>
          %add3A_173 = arith.constant 1.000000e+00 : f32
          %add3A_174 = vector.broadcast %add3A_173 : f32 to vector<16xf32>
          %add3A_175 = arith.addf %add3A_174, %exp3A_172 : vector<16xf32>
          %div3A_176 = arith.divf %add3A_168, %add3A_175 : vector<16xf32>
          %swap3A_177 = arith.index_cast %scan3A_132 : i32 to index
          %swap3A_178 = arith.constant 16 : index
          %swap3A_179 = tpu.vector_load %arg13[%swap3A_177, %swap3A_178] {strides = array<i32>} : memref<40x128xf32, #tpu.memory_space<vmem>>, vector<1x16xf32>,
          %swap3A_180 = vector.shape_cast %swap3A_179 : vector<1x16xf32> to vector<16xf32>
          %swap3A_181 = vector.shape_cast %div3A_176 : vector<16xf32> to vector<1x16xf32>
          tpu.vector_store %arg13[%swap3A_177, %swap3A_178], %swap3A_181 {strides = array<i32>} : memref<40x128xf32, #tpu.memory_space<vmem>>, vector<1x16xf32>,
          %get3A_182 = arith.index_cast %scan3A_132 : i32 to index
          %get3A_183 = arith.constant 32 : index
          %get3A_184 = tpu.vector_load %arg13[%get3A_182, %get3A_183] {strides = array<i32>} : memref<40x128xf32, #tpu.memory_space<vmem>>, vector<1x16xf32>,
          %get3A_185 = vector.shape_cast %get3A_184 : vector<1x16xf32> to vector<16xf32>
          %get3A_186 = arith.index_cast %scan3A_132 : i32 to index
          %get3A_187 = arith.constant 32 : index
          %get3A_188 = tpu.vector_load %arg14[%get3A_186, %get3A_187] {strides = array<i32>} : memref<40x128xf32, #tpu.memory_space<vmem>>, vector<1x16xf32>,
          %get3A_189 = vector.shape_cast %get3A_188 : vector<1x16xf32> to vector<16xf32>
          %add3A_190 = arith.addf %get3A_185, %get3A_189 : vector<16xf32>
          %get3A_191 = arith.index_cast %scan3A_132 : i32 to index
          %get3A_192 = arith.constant 32 : index
          %get3A_193 = tpu.vector_load %arg15[%get3A_191, %get3A_192] {strides = array<i32>} : memref<40x128xf32, #tpu.memory_space<vmem>>, vector<1x16xf32>,
          %get3A_194 = vector.shape_cast %get3A_193 : vector<1x16xf32> to vector<16xf32>
          %add3A_195 = arith.addf %add3A_190, %get3A_194 : vector<16xf32>
          %neg3A_196 = arith.constant 0.000000e+00 : f32
          %neg3A_197 = vector.broadcast %neg3A_196 : f32 to vector<16xf32>
          %neg3A_198 = arith.subf %neg3A_197, %add3A_195 : vector<16xf32>
          %exp3A_199 = math.exp %neg3A_198 : vector<16xf32>
          %add3A_200 = arith.constant 1.000000e+00 : f32
          %add3A_201 = vector.broadcast %add3A_200 : f32 to vector<16xf32>
          %add3A_202 = arith.addf %add3A_201, %exp3A_199 : vector<16xf32>
          %div3A_203 = arith.divf %add3A_195, %add3A_202 : vector<16xf32>
          %swap3A_204 = arith.index_cast %scan3A_132 : i32 to index
          %swap3A_205 = arith.constant 32 : index
          %swap3A_206 = tpu.vector_load %arg13[%swap3A_204, %swap3A_205] {strides = array<i32>} : memref<40x128xf32, #tpu.memory_space<vmem>>, vector<1x16xf32>,
          %swap3A_207 = vector.shape_cast %swap3A_206 : vector<1x16xf32> to vector<16xf32>
          %swap3A_208 = vector.shape_cast %div3A_203 : vector<16xf32> to vector<1x16xf32>
          tpu.vector_store %arg13[%swap3A_204, %swap3A_205], %swap3A_208 {strides = array<i32>} : memref<40x128xf32, #tpu.memory_space<vmem>>, vector<1x16xf32>,
          %get3A_209 = arith.index_cast %scan3A_132 : i32 to index
          %get3A_210 = arith.constant 48 : index
          %get3A_211 = tpu.vector_load %arg13[%get3A_209, %get3A_210] {strides = array<i32>} : memref<40x128xf32, #tpu.memory_space<vmem>>, vector<1x16xf32>,
          %get3A_212 = vector.shape_cast %get3A_211 : vector<1x16xf32> to vector<16xf32>
          %get3A_213 = arith.index_cast %scan3A_132 : i32 to index
          %get3A_214 = arith.constant 48 : index
          %get3A_215 = tpu.vector_load %arg14[%get3A_213, %get3A_214] {strides = array<i32>} : memref<40x128xf32, #tpu.memory_space<vmem>>, vector<1x16xf32>,
          %get3A_216 = vector.shape_cast %get3A_215 : vector<1x16xf32> to vector<16xf32>
          %add3A_217 = arith.addf %get3A_212, %get3A_216 : vector<16xf32>
          %get3A_218 = arith.index_cast %scan3A_132 : i32 to index
          %get3A_219 = arith.constant 48 : index
          %get3A_220 = tpu.vector_load %arg15[%get3A_218, %get3A_219] {strides = array<i32>} : memref<40x128xf32, #tpu.memory_space<vmem>>, vector<1x16xf32>,
          %get3A_221 = vector.shape_cast %get3A_220 : vector<1x16xf32> to vector<16xf32>
          %add3A_222 = arith.addf %add3A_217, %get3A_221 : vector<16xf32>
          %neg3A_223 = arith.constant 0.000000e+00 : f32
          %neg3A_224 = vector.broadcast %neg3A_223 : f32 to vector<16xf32>
          %neg3A_225 = arith.subf %neg3A_224, %add3A_222 : vector<16xf32>
          %exp3A_226 = math.exp %neg3A_225 : vector<16xf32>
          %add3A_227 = arith.constant 1.000000e+00 : f32
          %add3A_228 = vector.broadcast %add3A_227 : f32 to vector<16xf32>
          %add3A_229 = arith.addf %add3A_228, %exp3A_226 : vector<16xf32>
          %div3A_230 = arith.divf %add3A_222, %add3A_229 : vector<16xf32>
          %swap3A_231 = arith.index_cast %scan3A_132 : i32 to index
          %swap3A_232 = arith.constant 48 : index
          %swap3A_233 = tpu.vector_load %arg13[%swap3A_231, %swap3A_232] {strides = array<i32>} : memref<40x128xf32, #tpu.memory_space<vmem>>, vector<1x16xf32>,
          %swap3A_234 = vector.shape_cast %swap3A_233 : vector<1x16xf32> to vector<16xf32>
          %swap3A_235 = vector.shape_cast %div3A_230 : vector<16xf32> to vector<1x16xf32>
          tpu.vector_store %arg13[%swap3A_231, %swap3A_232], %swap3A_235 {strides = array<i32>} : memref<40x128xf32, #tpu.memory_space<vmem>>, vector<1x16xf32>,
          %get3A_236 = arith.index_cast %scan3A_132 : i32 to index
          %get3A_237 = arith.constant 64 : index
          %get3A_238 = tpu.vector_load %arg13[%get3A_236, %get3A_237] {strides = array<i32>} : memref<40x128xf32, #tpu.memory_space<vmem>>, vector<1x16xf32>,
          %get3A_239 = vector.shape_cast %get3A_238 : vector<1x16xf32> to vector<16xf32>
          %get3A_240 = arith.index_cast %scan3A_132 : i32 to index
          %get3A_241 = arith.constant 64 : index
          %get3A_242 = tpu.vector_load %arg14[%get3A_240, %get3A_241] {strides = array<i32>} : memref<40x128xf32, #tpu.memory_space<vmem>>, vector<1x16xf32>,
          %get3A_243 = vector.shape_cast %get3A_242 : vector<1x16xf32> to vector<16xf32>
          %add3A_244 = arith.addf %get3A_239, %get3A_243 : vector<16xf32>
          %get3A_245 = arith.index_cast %scan3A_132 : i32 to index
          %get3A_246 = arith.constant 64 : index
          %get3A_247 = tpu.vector_load %arg15[%get3A_245, %get3A_246] {strides = array<i32>} : memref<40x128xf32, #tpu.memory_space<vmem>>, vector<1x16xf32>,
          %get3A_248 = vector.shape_cast %get3A_247 : vector<1x16xf32> to vector<16xf32>
          %add3A_249 = arith.addf %add3A_244, %get3A_248 : vector<16xf32>
          %neg3A_250 = arith.constant 0.000000e+00 : f32
          %neg3A_251 = vector.broadcast %neg3A_250 : f32 to vector<16xf32>
          %neg3A_252 = arith.subf %neg3A_251, %add3A_249 : vector<16xf32>
          %exp3A_253 = math.exp %neg3A_252 : vector<16xf32>
          %add3A_254 = arith.constant 1.000000e+00 : f32
          %add3A_255 = vector.broadcast %add3A_254 : f32 to vector<16xf32>
          %add3A_256 = arith.addf %add3A_255, %exp3A_253 : vector<16xf32>
          %div3A_257 = arith.divf %add3A_249, %add3A_256 : vector<16xf32>
          %swap3A_258 = arith.index_cast %scan3A_132 : i32 to index
          %swap3A_259 = arith.constant 64 : index
          %swap3A_260 = tpu.vector_load %arg13[%swap3A_258, %swap3A_259] {strides = array<i32>} : memref<40x128xf32, #tpu.memory_space<vmem>>, vector<1x16xf32>,
          %swap3A_261 = vector.shape_cast %swap3A_260 : vector<1x16xf32> to vector<16xf32>
          %swap3A_262 = vector.shape_cast %div3A_257 : vector<16xf32> to vector<1x16xf32>
          tpu.vector_store %arg13[%swap3A_258, %swap3A_259], %swap3A_262 {strides = array<i32>} : memref<40x128xf32, #tpu.memory_space<vmem>>, vector<1x16xf32>,
          %get3A_263 = arith.index_cast %scan3A_132 : i32 to index
          %get3A_264 = arith.constant 80 : index
          %get3A_265 = tpu.vector_load %arg13[%get3A_263, %get3A_264] {strides = array<i32>} : memref<40x128xf32, #tpu.memory_space<vmem>>, vector<1x16xf32>,
          %get3A_266 = vector.shape_cast %get3A_265 : vector<1x16xf32> to vector<16xf32>
          %get3A_267 = arith.index_cast %scan3A_132 : i32 to index
          %get3A_268 = arith.constant 80 : index
          %get3A_269 = tpu.vector_load %arg14[%get3A_267, %get3A_268] {strides = array<i32>} : memref<40x128xf32, #tpu.memory_space<vmem>>, vector<1x16xf32>,
          %get3A_270 = vector.shape_cast %get3A_269 : vector<1x16xf32> to vector<16xf32>
          %add3A_271 = arith.addf %get3A_266, %get3A_270 : vector<16xf32>
          %get3A_272 = arith.index_cast %scan3A_132 : i32 to index
          %get3A_273 = arith.constant 80 : index
          %get3A_274 = tpu.vector_load %arg15[%get3A_272, %get3A_273] {strides = array<i32>} : memref<40x128xf32, #tpu.memory_space<vmem>>, vector<1x16xf32>,
          %get3A_275 = vector.shape_cast %get3A_274 : vector<1x16xf32> to vector<16xf32>
          %add3A_276 = arith.addf %add3A_271, %get3A_275 : vector<16xf32>
          %neg3A_277 = arith.constant 0.000000e+00 : f32
          %neg3A_278 = vector.broadcast %neg3A_277 : f32 to vector<16xf32>
          %neg3A_279 = arith.subf %neg3A_278, %add3A_276 : vector<16xf32>
          %exp3A_280 = math.exp %neg3A_279 : vector<16xf32>
          %add3A_281 = arith.constant 1.000000e+00 : f32
          %add3A_282 = vector.broadcast %add3A_281 : f32 to vector<16xf32>
          %add3A_283 = arith.addf %add3A_282, %exp3A_280 : vector<16xf32>
          %div3A_284 = arith.divf %add3A_276, %add3A_283 : vector<16xf32>
          %swap3A_285 = arith.index_cast %scan3A_132 : i32 to index
          %swap3A_286 = arith.constant 80 : index
          %swap3A_287 = tpu.vector_load %arg13[%swap3A_285, %swap3A_286] {strides = array<i32>} : memref<40x128xf32, #tpu.memory_space<vmem>>, vector<1x16xf32>,
          %swap3A_288 = vector.shape_cast %swap3A_287 : vector<1x16xf32> to vector<16xf32>
          %swap3A_289 = vector.shape_cast %div3A_284 : vector<16xf32> to vector<1x16xf32>
          tpu.vector_store %arg13[%swap3A_285, %swap3A_286], %swap3A_289 {strides = array<i32>} : memref<40x128xf32, #tpu.memory_space<vmem>>, vector<1x16xf32>,
          %get3A_290 = arith.index_cast %scan3A_132 : i32 to index
          %get3A_291 = arith.constant 96 : index
          %get3A_292 = tpu.vector_load %arg13[%get3A_290, %get3A_291] {strides = array<i32>} : memref<40x128xf32, #tpu.memory_space<vmem>>, vector<1x16xf32>,
          %get3A_293 = vector.shape_cast %get3A_292 : vector<1x16xf32> to vector<16xf32>
          %get3A_294 = arith.index_cast %scan3A_132 : i32 to index
          %get3A_295 = arith.constant 96 : index
          %get3A_296 = tpu.vector_load %arg14[%get3A_294, %get3A_295] {strides = array<i32>} : memref<40x128xf32, #tpu.memory_space<vmem>>, vector<1x16xf32>,
          %get3A_297 = vector.shape_cast %get3A_296 : vector<1x16xf32> to vector<16xf32>
          %add3A_298 = arith.addf %get3A_293, %get3A_297 : vector<16xf32>
          %get3A_299 = arith.index_cast %scan3A_132 : i32 to index
          %get3A_300 = arith.constant 96 : index
          %get3A_301 = tpu.vector_load %arg15[%get3A_299, %get3A_300] {strides = array<i32>} : memref<40x128xf32, #tpu.memory_space<vmem>>, vector<1x16xf32>,
          %get3A_302 = vector.shape_cast %get3A_301 : vector<1x16xf32> to vector<16xf32>
          %add3A_303 = arith.addf %add3A_298, %get3A_302 : vector<16xf32>
          %neg3A_304 = arith.constant 0.000000e+00 : f32
          %neg3A_305 = vector.broadcast %neg3A_304 : f32 to vector<16xf32>
          %neg3A_306 = arith.subf %neg3A_305, %add3A_303 : vector<16xf32>
          %exp3A_307 = math.exp %neg3A_306 : vector<16xf32>
          %add3A_308 = arith.constant 1.000000e+00 : f32
          %add3A_309 = vector.broadcast %add3A_308 : f32 to vector<16xf32>
          %add3A_310 = arith.addf %add3A_309, %exp3A_307 : vector<16xf32>
          %div3A_311 = arith.divf %add3A_303, %add3A_310 : vector<16xf32>
          %swap3A_312 = arith.index_cast %scan3A_132 : i32 to index
          %swap3A_313 = arith.constant 96 : index
          %swap3A_314 = tpu.vector_load %arg13[%swap3A_312, %swap3A_313] {strides = array<i32>} : memref<40x128xf32, #tpu.memory_space<vmem>>, vector<1x16xf32>,
          %swap3A_315 = vector.shape_cast %swap3A_314 : vector<1x16xf32> to vector<16xf32>
          %swap3A_316 = vector.shape_cast %div3A_311 : vector<16xf32> to vector<1x16xf32>
          tpu.vector_store %arg13[%swap3A_312, %swap3A_313], %swap3A_316 {strides = array<i32>} : memref<40x128xf32, #tpu.memory_space<vmem>>, vector<1x16xf32>,
          %get3A_317 = arith.index_cast %scan3A_132 : i32 to index
          %get3A_318 = arith.constant 112 : index
          %get3A_319 = tpu.vector_load %arg13[%get3A_317, %get3A_318] {strides = array<i32>} : memref<40x128xf32, #tpu.memory_space<vmem>>, vector<1x16xf32>,
          %get3A_320 = vector.shape_cast %get3A_319 : vector<1x16xf32> to vector<16xf32>
          %get3A_321 = arith.index_cast %scan3A_132 : i32 to index
          %get3A_322 = arith.constant 112 : index
          %get3A_323 = tpu.vector_load %arg14[%get3A_321, %get3A_322] {strides = array<i32>} : memref<40x128xf32, #tpu.memory_space<vmem>>, vector<1x16xf32>,
          %get3A_324 = vector.shape_cast %get3A_323 : vector<1x16xf32> to vector<16xf32>
          %add3A_325 = arith.addf %get3A_320, %get3A_324 : vector<16xf32>
          %get3A_326 = arith.index_cast %scan3A_132 : i32 to index
          %get3A_327 = arith.constant 112 : index
          %get3A_328 = tpu.vector_load %arg15[%get3A_326, %get3A_327] {strides = array<i32>} : memref<40x128xf32, #tpu.memory_space<vmem>>, vector<1x16xf32>,
          %get3A_329 = vector.shape_cast %get3A_328 : vector<1x16xf32> to vector<16xf32>
          %add3A_330 = arith.addf %add3A_325, %get3A_329 : vector<16xf32>
          %neg3A_331 = arith.constant 0.000000e+00 : f32
          %neg3A_332 = vector.broadcast %neg3A_331 : f32 to vector<16xf32>
          %neg3A_333 = arith.subf %neg3A_332, %add3A_330 : vector<16xf32>
          %exp3A_334 = math.exp %neg3A_333 : vector<16xf32>
          %add3A_335 = arith.constant 1.000000e+00 : f32
          %add3A_336 = vector.broadcast %add3A_335 : f32 to vector<16xf32>
          %add3A_337 = arith.addf %add3A_336, %exp3A_334 : vector<16xf32>
          %div3A_338 = arith.divf %add3A_330, %add3A_337 : vector<16xf32>
          %swap3A_339 = arith.index_cast %scan3A_132 : i32 to index
          %swap3A_340 = arith.constant 112 : index
          %swap3A_341 = tpu.vector_load %arg13[%swap3A_339, %swap3A_340] {strides = array<i32>} : memref<40x128xf32, #tpu.memory_space<vmem>>, vector<1x16xf32>,
          %swap3A_342 = vector.shape_cast %swap3A_341 : vector<1x16xf32> to vector<16xf32>
          %swap3A_343 = vector.shape_cast %div3A_338 : vector<16xf32> to vector<1x16xf32>
          tpu.vector_store %arg13[%swap3A_339, %swap3A_340], %swap3A_343 {strides = array<i32>} : memref<40x128xf32, #tpu.memory_space<vmem>>, vector<1x16xf32>,
        }
        %scan3A_131 = arith.constant 40 : i32
        "tpu.region"() ({
          %run_scoped3A = tpu.sem_alloc : memref<!tpu.dma_semaphore, #tpu.memory_space<semaphore_mem>>
          %dma_start3A_132 = arith.constant 0 : i32
          %dma_start3A_133 = tpu.memref_slice %arg8[%add3A_36, %dma_start3A_132] : memref<50x40xi32, #tpu.memory_space<vmem>> -> memref<1x40xi32, #tpu.memory_space<vmem>>
          %dma_start3A_134 = tpu.memref_squeeze %dma_start3A_133 : memref<1x40xi32, #tpu.memory_space<vmem>> -> memref<40xi32, #tpu.memory_space<vmem>>
          %dma_start3A_135 = arith.constant 0 : i32
          %dma_start3A_136 = arith.constant 0 : i32
          %dma_start3A_137 = tpu.memref_slice %arg17[%dma_start3A_135, %dma_start3A_136] : memref<10000x128xf32, #tpu.memory_space<vmem_shared>> -> memref<10000x128xf32, #tpu.memory_space<vmem_shared>>
          tpu.enqueue_indirect_dma source(%arg13 : memref<40x128xf32, #tpu.memory_space<vmem>>) target(%dma_start3A_137 : memref<10000x128xf32, #tpu.memory_space<vmem_shared>>) offsets(%dma_start3A_134 : memref<40xi32, #tpu.memory_space<vmem>>) semaphore(%run_scoped3A : memref<!tpu.dma_semaphore, #tpu.memory_space<semaphore_mem>>) {add = true}
          %dma_wait3A_138 = arith.constant 0 : i32
          %dma_wait3A_139 = tpu.memref_slice %arg8[%add3A_36, %dma_wait3A_138] : memref<50x40xi32, #tpu.memory_space<vmem>> -> memref<1x40xi32, #tpu.memory_space<vmem>>
          %dma_wait3A_140 = tpu.memref_squeeze %dma_wait3A_139 : memref<1x40xi32, #tpu.memory_space<vmem>> -> memref<40xi32, #tpu.memory_space<vmem>>
          %dma_wait3A_141 = arith.constant 0 : i32
          %dma_wait3A_142 = arith.constant 0 : i32
          %dma_wait3A_143 = tpu.memref_slice %arg17[%dma_wait3A_141, %dma_wait3A_142] : memref<10000x128xf32, #tpu.memory_space<vmem_shared>> -> memref<10000x128xf32, #tpu.memory_space<vmem_shared>>
          tpu.wait_indirect_dma semaphore(%run_scoped3A : memref<!tpu.dma_semaphore, #tpu.memory_space<semaphore_mem>>) src(%arg13 : memref<40x128xf32, #tpu.memory_space<vmem>>) dst(%dma_wait3A_143 : memref<10000x128xf32, #tpu.memory_space<vmem_shared>>)
          tpu.yield
        }) : () -> ()
      }
      %scan3A_31 = arith.constant 25 : i32
    }
    %scan3A_19 = arith.constant 5 : i32
    %barrier3A_20 = arith.constant 0 : index
    tpu.barrier barrier_id(%barrier3A_20)
    "tpu.region"() ({
      %run_scoped3A = tpu.sem_alloc : memref<!tpu.dma_semaphore, #tpu.memory_space<semaphore_mem>>
      %dma_start3A = arith.constant 0 : i32
      %dma_start3A_21 = tpu.memref_slice %arg7[%arg0, %mul3A_7, %dma_start3A] : memref<2x10000x128xf32, #tpu.memory_space<hbm>> -> memref<1x625x128xf32, #tpu.memory_space<hbm>>
      %dma_start3A_22 = tpu.memref_squeeze %dma_start3A_21 : memref<1x625x128xf32, #tpu.memory_space<hbm>> -> memref<625x128xf32, #tpu.memory_space<hbm>>
      %dma_start3A_23 = arith.constant 0 : i32
      %dma_start3A_24 = tpu.memref_slice %arg17[%mul3A_7, %dma_start3A_23] : memref<10000x128xf32, #tpu.memory_space<vmem_shared>> -> memref<625x128xf32, #tpu.memory_space<vmem_shared>>
      tpu.enqueue_dma source(%dma_start3A_24 : memref<625x128xf32, #tpu.memory_space<vmem_shared>>) target(%dma_start3A_22 : memref<625x128xf32, #tpu.memory_space<hbm>>) target_semaphore(%run_scoped3A : memref<!tpu.dma_semaphore, #tpu.memory_space<semaphore_mem>>)
      %dma_wait3A = arith.constant 0 : i32
      %dma_wait3A_25 = tpu.memref_slice %arg7[%arg0, %mul3A_7, %dma_wait3A] : memref<2x10000x128xf32, #tpu.memory_space<hbm>> -> memref<1x625x128xf32, #tpu.memory_space<hbm>>
      %dma_wait3A_26 = tpu.memref_squeeze %dma_wait3A_25 : memref<1x625x128xf32, #tpu.memory_space<hbm>> -> memref<625x128xf32, #tpu.memory_space<hbm>>
      %dma_wait3A_27 = arith.constant 0 : i32
      %dma_wait3A_28 = tpu.memref_slice %arg17[%mul3A_7, %dma_wait3A_27] : memref<10000x128xf32, #tpu.memory_space<vmem_shared>> -> memref<625x128xf32, #tpu.memory_space<vmem_shared>>
      tpu.wait_dma2 semaphore(%run_scoped3A : memref<!tpu.dma_semaphore, #tpu.memory_space<semaphore_mem>>) src(%dma_wait3A_28 : memref<625x128xf32, #tpu.memory_space<vmem_shared>>) dst(%dma_wait3A_26 : memref<625x128xf32, #tpu.memory_space<hbm>>)
      tpu.yield
    }) : () -> ()
    return
  }
}

#map = affine_map<(d0, d1) -> (0, 0)>
#map1 = affine_map<(d0, d1) -> (0, 0, 0, 0)>
#map2 = affine_map<(d0, d1) -> (0, 0, 0)>
module attributes {stable_mosaic.version = 14 : i64} {
  func.func @k(%arg0: i32, %arg1: i32, %arg2: memref<10000x128xf32, #tpu.memory_space<hbm>>, %arg3: memref<10000x128xf32, #tpu.memory_space<hbm>>, %arg4: memref<32x250x40x128xf32, #tpu.memory_space<hbm>>, %arg5: memref<32x250x40xi32, #tpu.memory_space<hbm>>, %arg6: memref<32x250x40xi32, #tpu.memory_space<hbm>>, %arg7: memref<2x10000x128xf32, #tpu.memory_space<hbm>>, %arg8: memref<50x40xi32, #tpu.memory_space<vmem>>, %arg9: memref<50x40xi32, #tpu.memory_space<vmem>>, %arg10: memref<40x128xf32, #tpu.memory_space<vmem>>, %arg11: memref<40x128xf32, #tpu.memory_space<vmem>>, %arg12: memref<40x128xf32, #tpu.memory_space<vmem>>, %arg13: memref<40x128xf32, #tpu.memory_space<vmem>>, %arg14: memref<40x128xf32, #tpu.memory_space<vmem>>, %arg15: memref<40x128xf32, #tpu.memory_space<vmem>>, %arg16: memref<25x128xf32, #tpu.memory_space<vmem>>, %arg17: memref<10000x128xf32, #tpu.memory_space<vmem_shared>>, %arg18: memref<!tpu.dma_semaphore, #tpu.memory_space<semaphore_mem>>) attributes {dimension_semantics = [#tpu.dimension_semantics<core_parallel>, #tpu.dimension_semantics<subcore_parallel>], iteration_bounds = array<i64: 2, 16>, scalar_prefetch = 0 : i64, scratch_operands = 11 : i64, tpu.core_type = #tpu.core_type<sc_vector_subcore>, window_params = [{transform_indices = #map}, {transform_indices = #map}, {transform_indices = #map1}, {transform_indices = #map2}, {transform_indices = #map2}, {transform_indices = #map2}]} {
    %mul3A = arith.constant 16 : i32
    %mul3A_0 = arith.muli %arg0, %mul3A : i32
    %add3A = arith.addi %mul3A_0, %arg1 : i32
    %scan3A = arith.constant 0 : i32
    %scan3A_1 = arith.constant 0 : i32
    %scan3A_2 = arith.constant 25 : i32
    %scan3A_3 = arith.addi %scan3A_1, %scan3A_2 : i32
    %scan3A_4 = arith.constant 1 : i32
    scf.for %scan3A_21 = %scan3A_1 to %scan3A_3 step %scan3A_4  : i32 {
      %broadcast_in_dim3A = arith.constant 0.000000e+00 : f32
      %broadcast_in_dim3A_22 = vector.broadcast %broadcast_in_dim3A : f32 to vector<16xf32>
      %swap3A = arith.index_cast %scan3A_21 : i32 to index
      %swap3A_23 = arith.constant 0 : index
      %swap3A_24 = tpu.vector_load %arg16[%swap3A, %swap3A_23] {strides = array<i32>} : memref<25x128xf32, #tpu.memory_space<vmem>>, vector<1x16xf32>,
      %swap3A_25 = vector.shape_cast %swap3A_24 : vector<1x16xf32> to vector<16xf32>
      %swap3A_26 = vector.shape_cast %broadcast_in_dim3A_22 : vector<16xf32> to vector<1x16xf32>
      tpu.vector_store %arg16[%swap3A, %swap3A_23], %swap3A_26 {strides = array<i32>} : memref<25x128xf32, #tpu.memory_space<vmem>>, vector<1x16xf32>,
      %broadcast_in_dim3A_27 = arith.constant 0.000000e+00 : f32
      %broadcast_in_dim3A_28 = vector.broadcast %broadcast_in_dim3A_27 : f32 to vector<16xf32>
      %swap3A_29 = arith.index_cast %scan3A_21 : i32 to index
      %swap3A_30 = arith.constant 16 : index
      %swap3A_31 = tpu.vector_load %arg16[%swap3A_29, %swap3A_30] {strides = array<i32>} : memref<25x128xf32, #tpu.memory_space<vmem>>, vector<1x16xf32>,
      %swap3A_32 = vector.shape_cast %swap3A_31 : vector<1x16xf32> to vector<16xf32>
      %swap3A_33 = vector.shape_cast %broadcast_in_dim3A_28 : vector<16xf32> to vector<1x16xf32>
      tpu.vector_store %arg16[%swap3A_29, %swap3A_30], %swap3A_33 {strides = array<i32>} : memref<25x128xf32, #tpu.memory_space<vmem>>, vector<1x16xf32>,
      %broadcast_in_dim3A_34 = arith.constant 0.000000e+00 : f32
      %broadcast_in_dim3A_35 = vector.broadcast %broadcast_in_dim3A_34 : f32 to vector<16xf32>
      %swap3A_36 = arith.index_cast %scan3A_21 : i32 to index
      %swap3A_37 = arith.constant 32 : index
      %swap3A_38 = tpu.vector_load %arg16[%swap3A_36, %swap3A_37] {strides = array<i32>} : memref<25x128xf32, #tpu.memory_space<vmem>>, vector<1x16xf32>,
      %swap3A_39 = vector.shape_cast %swap3A_38 : vector<1x16xf32> to vector<16xf32>
      %swap3A_40 = vector.shape_cast %broadcast_in_dim3A_35 : vector<16xf32> to vector<1x16xf32>
      tpu.vector_store %arg16[%swap3A_36, %swap3A_37], %swap3A_40 {strides = array<i32>} : memref<25x128xf32, #tpu.memory_space<vmem>>, vector<1x16xf32>,
      %broadcast_in_dim3A_41 = arith.constant 0.000000e+00 : f32
      %broadcast_in_dim3A_42 = vector.broadcast %broadcast_in_dim3A_41 : f32 to vector<16xf32>
      %swap3A_43 = arith.index_cast %scan3A_21 : i32 to index
      %swap3A_44 = arith.constant 48 : index
      %swap3A_45 = tpu.vector_load %arg16[%swap3A_43, %swap3A_44] {strides = array<i32>} : memref<25x128xf32, #tpu.memory_space<vmem>>, vector<1x16xf32>,
      %swap3A_46 = vector.shape_cast %swap3A_45 : vector<1x16xf32> to vector<16xf32>
      %swap3A_47 = vector.shape_cast %broadcast_in_dim3A_42 : vector<16xf32> to vector<1x16xf32>
      tpu.vector_store %arg16[%swap3A_43, %swap3A_44], %swap3A_47 {strides = array<i32>} : memref<25x128xf32, #tpu.memory_space<vmem>>, vector<1x16xf32>,
      %broadcast_in_dim3A_48 = arith.constant 0.000000e+00 : f32
      %broadcast_in_dim3A_49 = vector.broadcast %broadcast_in_dim3A_48 : f32 to vector<16xf32>
      %swap3A_50 = arith.index_cast %scan3A_21 : i32 to index
      %swap3A_51 = arith.constant 64 : index
      %swap3A_52 = tpu.vector_load %arg16[%swap3A_50, %swap3A_51] {strides = array<i32>} : memref<25x128xf32, #tpu.memory_space<vmem>>, vector<1x16xf32>,
      %swap3A_53 = vector.shape_cast %swap3A_52 : vector<1x16xf32> to vector<16xf32>
      %swap3A_54 = vector.shape_cast %broadcast_in_dim3A_49 : vector<16xf32> to vector<1x16xf32>
      tpu.vector_store %arg16[%swap3A_50, %swap3A_51], %swap3A_54 {strides = array<i32>} : memref<25x128xf32, #tpu.memory_space<vmem>>, vector<1x16xf32>,
      %broadcast_in_dim3A_55 = arith.constant 0.000000e+00 : f32
      %broadcast_in_dim3A_56 = vector.broadcast %broadcast_in_dim3A_55 : f32 to vector<16xf32>
      %swap3A_57 = arith.index_cast %scan3A_21 : i32 to index
      %swap3A_58 = arith.constant 80 : index
      %swap3A_59 = tpu.vector_load %arg16[%swap3A_57, %swap3A_58] {strides = array<i32>} : memref<25x128xf32, #tpu.memory_space<vmem>>, vector<1x16xf32>,
      %swap3A_60 = vector.shape_cast %swap3A_59 : vector<1x16xf32> to vector<16xf32>
      %swap3A_61 = vector.shape_cast %broadcast_in_dim3A_56 : vector<16xf32> to vector<1x16xf32>
      tpu.vector_store %arg16[%swap3A_57, %swap3A_58], %swap3A_61 {strides = array<i32>} : memref<25x128xf32, #tpu.memory_space<vmem>>, vector<1x16xf32>,
      %broadcast_in_dim3A_62 = arith.constant 0.000000e+00 : f32
      %broadcast_in_dim3A_63 = vector.broadcast %broadcast_in_dim3A_62 : f32 to vector<16xf32>
      %swap3A_64 = arith.index_cast %scan3A_21 : i32 to index
      %swap3A_65 = arith.constant 96 : index
      %swap3A_66 = tpu.vector_load %arg16[%swap3A_64, %swap3A_65] {strides = array<i32>} : memref<25x128xf32, #tpu.memory_space<vmem>>, vector<1x16xf32>,
      %swap3A_67 = vector.shape_cast %swap3A_66 : vector<1x16xf32> to vector<16xf32>
      %swap3A_68 = vector.shape_cast %broadcast_in_dim3A_63 : vector<16xf32> to vector<1x16xf32>
      tpu.vector_store %arg16[%swap3A_64, %swap3A_65], %swap3A_68 {strides = array<i32>} : memref<25x128xf32, #tpu.memory_space<vmem>>, vector<1x16xf32>,
      %broadcast_in_dim3A_69 = arith.constant 0.000000e+00 : f32
      %broadcast_in_dim3A_70 = vector.broadcast %broadcast_in_dim3A_69 : f32 to vector<16xf32>
      %swap3A_71 = arith.index_cast %scan3A_21 : i32 to index
      %swap3A_72 = arith.constant 112 : index
      %swap3A_73 = tpu.vector_load %arg16[%swap3A_71, %swap3A_72] {strides = array<i32>} : memref<25x128xf32, #tpu.memory_space<vmem>>, vector<1x16xf32>,
      %swap3A_74 = vector.shape_cast %swap3A_73 : vector<1x16xf32> to vector<16xf32>
      %swap3A_75 = vector.shape_cast %broadcast_in_dim3A_70 : vector<16xf32> to vector<1x16xf32>
      tpu.vector_store %arg16[%swap3A_71, %swap3A_72], %swap3A_75 {strides = array<i32>} : memref<25x128xf32, #tpu.memory_space<vmem>>, vector<1x16xf32>,
    }
    %scan3A_5 = arith.constant 25 : i32
    %mul3A_6 = arith.constant 625 : i32
    %mul3A_7 = arith.muli %arg1, %mul3A_6 : i32
    %scan3A_8 = arith.constant 0 : i32
    %scan3A_9 = arith.constant 0 : i32
    %scan3A_10 = arith.constant 25 : i32
    %scan3A_11 = arith.addi %scan3A_9, %scan3A_10 : i32
    %scan3A_12 = arith.constant 1 : i32
    scf.for %scan3A_21 = %scan3A_9 to %scan3A_11 step %scan3A_12  : i32 {
      %mul3A_22 = arith.constant 25 : i32
      %mul3A_23 = arith.muli %scan3A_21, %mul3A_22 : i32
      %add3A_24 = arith.addi %mul3A_7, %mul3A_23 : i32
      "tpu.region"() ({
        %run_scoped3A = tpu.sem_alloc : memref<!tpu.dma_semaphore, #tpu.memory_space<semaphore_mem>>
        %dma_start3A = arith.constant 0 : i32
        %dma_start3A_25 = tpu.memref_slice %arg17[%add3A_24, %dma_start3A] : memref<10000x128xf32, #tpu.memory_space<vmem_shared>> -> memref<25x128xf32, #tpu.memory_space<vmem_shared>>
        %dma_start3A_26 = arith.constant 0 : i32
        %dma_start3A_27 = tpu.memref_slice %arg17[%add3A_24, %dma_start3A_26] : memref<10000x128xf32, #tpu.memory_space<vmem_shared>> -> memref<25x128xf32, #tpu.memory_space<vmem_shared>>
        tpu.enqueue_dma source(%arg16 : memref<25x128xf32, #tpu.memory_space<vmem>>) target(%dma_start3A_27 : memref<25x128xf32, #tpu.memory_space<vmem_shared>>) target_semaphore(%run_scoped3A : memref<!tpu.dma_semaphore, #tpu.memory_space<semaphore_mem>>)
        %dma_wait3A = arith.constant 0 : i32
        %dma_wait3A_28 = tpu.memref_slice %arg17[%add3A_24, %dma_wait3A] : memref<10000x128xf32, #tpu.memory_space<vmem_shared>> -> memref<25x128xf32, #tpu.memory_space<vmem_shared>>
        %dma_wait3A_29 = arith.constant 0 : i32
        %dma_wait3A_30 = tpu.memref_slice %arg17[%add3A_24, %dma_wait3A_29] : memref<10000x128xf32, #tpu.memory_space<vmem_shared>> -> memref<25x128xf32, #tpu.memory_space<vmem_shared>>
        tpu.wait_dma2 semaphore(%run_scoped3A : memref<!tpu.dma_semaphore, #tpu.memory_space<semaphore_mem>>) src(%arg16 : memref<25x128xf32, #tpu.memory_space<vmem>>) dst(%dma_wait3A_30 : memref<25x128xf32, #tpu.memory_space<vmem_shared>>)
        tpu.yield
      }) : () -> ()
    }
    %scan3A_13 = arith.constant 25 : i32
    %barrier3A = arith.constant 0 : index
    tpu.barrier barrier_id(%barrier3A)
    %scan3A_14 = arith.constant 0 : i32
    %scan3A_15 = arith.constant 0 : i32
    %scan3A_16 = arith.constant 5 : i32
    %scan3A_17 = arith.addi %scan3A_15, %scan3A_16 : i32
    %scan3A_18 = arith.constant 1 : i32
    scf.for %scan3A_21 = %scan3A_15 to %scan3A_17 step %scan3A_18  : i32 {
      %mul3A_22 = arith.constant 50 : i32
      %mul3A_23 = arith.muli %scan3A_21, %mul3A_22 : i32
      "tpu.region"() ({
        %run_scoped3A = tpu.sem_alloc : memref<!tpu.dma_semaphore, #tpu.memory_space<semaphore_mem>>
        %dma_start3A = arith.constant 0 : i32
        %dma_start3A_32 = tpu.memref_slice %arg5[%add3A, %mul3A_23, %dma_start3A] : memref<32x250x40xi32, #tpu.memory_space<hbm>> -> memref<1x50x40xi32, #tpu.memory_space<hbm>>
        %dma_start3A_33 = tpu.memref_squeeze %dma_start3A_32 : memref<1x50x40xi32, #tpu.memory_space<hbm>> -> memref<50x40xi32, #tpu.memory_space<hbm>>
        %dma_start3A_34 = arith.constant 0 : i32
        %dma_start3A_35 = tpu.memref_slice %arg5[%add3A, %mul3A_23, %dma_start3A_34] : memref<32x250x40xi32, #tpu.memory_space<hbm>> -> memref<1x50x40xi32, #tpu.memory_space<hbm>>
        %dma_start3A_36 = tpu.memref_squeeze %dma_start3A_35 : memref<1x50x40xi32, #tpu.memory_space<hbm>> -> memref<50x40xi32, #tpu.memory_space<hbm>>
        tpu.enqueue_dma source(%dma_start3A_36 : memref<50x40xi32, #tpu.memory_space<hbm>>) target(%arg8 : memref<50x40xi32, #tpu.memory_space<vmem>>) target_semaphore(%run_scoped3A : memref<!tpu.dma_semaphore, #tpu.memory_space<semaphore_mem>>)
        %dma_wait3A = arith.constant 0 : i32
        %dma_wait3A_37 = tpu.memref_slice %arg5[%add3A, %mul3A_23, %dma_wait3A] : memref<32x250x40xi32, #tpu.memory_space<hbm>> -> memref<1x50x40xi32, #tpu.memory_space<hbm>>
        %dma_wait3A_38 = tpu.memref_squeeze %dma_wait3A_37 : memref<1x50x40xi32, #tpu.memory_space<hbm>> -> memref<50x40xi32, #tpu.memory_space<hbm>>
        %dma_wait3A_39 = arith.constant 0 : i32
        %dma_wait3A_40 = tpu.memref_slice %arg5[%add3A, %mul3A_23, %dma_wait3A_39] : memref<32x250x40xi32, #tpu.memory_space<hbm>> -> memref<1x50x40xi32, #tpu.memory_space<hbm>>
        %dma_wait3A_41 = tpu.memref_squeeze %dma_wait3A_40 : memref<1x50x40xi32, #tpu.memory_space<hbm>> -> memref<50x40xi32, #tpu.memory_space<hbm>>
        tpu.wait_dma2 semaphore(%run_scoped3A : memref<!tpu.dma_semaphore, #tpu.memory_space<semaphore_mem>>) src(%dma_wait3A_41 : memref<50x40xi32, #tpu.memory_space<hbm>>) dst(%arg8 : memref<50x40xi32, #tpu.memory_space<vmem>>)
        tpu.yield
      }) : () -> ()
      %mul3A_24 = arith.constant 50 : i32
      %mul3A_25 = arith.muli %scan3A_21, %mul3A_24 : i32
      "tpu.region"() ({
        %run_scoped3A = tpu.sem_alloc : memref<!tpu.dma_semaphore, #tpu.memory_space<semaphore_mem>>
        %dma_start3A = arith.constant 0 : i32
        %dma_start3A_32 = tpu.memref_slice %arg6[%add3A, %mul3A_25, %dma_start3A] : memref<32x250x40xi32, #tpu.memory_space<hbm>> -> memref<1x50x40xi32, #tpu.memory_space<hbm>>
        %dma_start3A_33 = tpu.memref_squeeze %dma_start3A_32 : memref<1x50x40xi32, #tpu.memory_space<hbm>> -> memref<50x40xi32, #tpu.memory_space<hbm>>
        %dma_start3A_34 = arith.constant 0 : i32
        %dma_start3A_35 = tpu.memref_slice %arg6[%add3A, %mul3A_25, %dma_start3A_34] : memref<32x250x40xi32, #tpu.memory_space<hbm>> -> memref<1x50x40xi32, #tpu.memory_space<hbm>>
        %dma_start3A_36 = tpu.memref_squeeze %dma_start3A_35 : memref<1x50x40xi32, #tpu.memory_space<hbm>> -> memref<50x40xi32, #tpu.memory_space<hbm>>
        tpu.enqueue_dma source(%dma_start3A_36 : memref<50x40xi32, #tpu.memory_space<hbm>>) target(%arg9 : memref<50x40xi32, #tpu.memory_space<vmem>>) target_semaphore(%run_scoped3A : memref<!tpu.dma_semaphore, #tpu.memory_space<semaphore_mem>>)
        %dma_wait3A = arith.constant 0 : i32
        %dma_wait3A_37 = tpu.memref_slice %arg6[%add3A, %mul3A_25, %dma_wait3A] : memref<32x250x40xi32, #tpu.memory_space<hbm>> -> memref<1x50x40xi32, #tpu.memory_space<hbm>>
        %dma_wait3A_38 = tpu.memref_squeeze %dma_wait3A_37 : memref<1x50x40xi32, #tpu.memory_space<hbm>> -> memref<50x40xi32, #tpu.memory_space<hbm>>
        %dma_wait3A_39 = arith.constant 0 : i32
        %dma_wait3A_40 = tpu.memref_slice %arg6[%add3A, %mul3A_25, %dma_wait3A_39] : memref<32x250x40xi32, #tpu.memory_space<hbm>> -> memref<1x50x40xi32, #tpu.memory_space<hbm>>
        %dma_wait3A_41 = tpu.memref_squeeze %dma_wait3A_40 : memref<1x50x40xi32, #tpu.memory_space<hbm>> -> memref<50x40xi32, #tpu.memory_space<hbm>>
        tpu.wait_dma2 semaphore(%run_scoped3A : memref<!tpu.dma_semaphore, #tpu.memory_space<semaphore_mem>>) src(%dma_wait3A_41 : memref<50x40xi32, #tpu.memory_space<hbm>>) dst(%arg9 : memref<50x40xi32, #tpu.memory_space<vmem>>)
        tpu.yield
      }) : () -> ()
      %scan3A_26 = arith.constant 0 : i32
      %scan3A_27 = arith.constant 0 : i32
      %scan3A_28 = arith.constant 25 : i32
      %scan3A_29 = arith.addi %scan3A_27, %scan3A_28 : i32
      %scan3A_30 = arith.constant 1 : i32
      scf.for %scan3A_32 = %scan3A_27 to %scan3A_29 step %scan3A_30  : i32 {
        %mul3A_33 = arith.constant 2 : i32
        %mul3A_34 = arith.muli %mul3A_33, %scan3A_32 : i32
        %add3A_35 = arith.constant 1 : i32
        %add3A_36 = arith.addi %mul3A_34, %add3A_35 : i32
        %mul3A_37 = arith.constant 50 : i32
        %mul3A_38 = arith.muli %scan3A_21, %mul3A_37 : i32
        %add3A_39 = arith.addi %mul3A_38, %mul3A_34 : i32
        %dma_start3A = arith.constant 0 : i32
        %dma_start3A_40 = arith.constant 0 : i32
        %dma_start3A_41 = tpu.memref_slice %arg4[%add3A, %add3A_39, %dma_start3A, %dma_start3A_40] : memref<32x250x40x128xf32, #tpu.memory_space<hbm>> -> memref<1x1x40x128xf32, #tpu.memory_space<hbm>>
        %dma_start3A_42 = tpu.memref_squeeze %dma_start3A_41 : memref<1x1x40x128xf32, #tpu.memory_space<hbm>> -> memref<40x128xf32, #tpu.memory_space<hbm>>
        %dma_start3A_43 = arith.constant 0 : i32
        %dma_start3A_44 = arith.constant 0 : i32
        %dma_start3A_45 = tpu.memref_slice %arg4[%add3A, %add3A_39, %dma_start3A_43, %dma_start3A_44] : memref<32x250x40x128xf32, #tpu.memory_space<hbm>> -> memref<1x1x40x128xf32, #tpu.memory_space<hbm>>
        %dma_start3A_46 = tpu.memref_squeeze %dma_start3A_45 : memref<1x1x40x128xf32, #tpu.memory_space<hbm>> -> memref<40x128xf32, #tpu.memory_space<hbm>>
        tpu.enqueue_dma source(%dma_start3A_46 : memref<40x128xf32, #tpu.memory_space<hbm>>) target(%arg10 : memref<40x128xf32, #tpu.memory_space<vmem>>) target_semaphore(%arg18 : memref<!tpu.dma_semaphore, #tpu.memory_space<semaphore_mem>>)
        %dma_start3A_47 = arith.constant 0 : i32
        %dma_start3A_48 = tpu.memref_slice %arg8[%mul3A_34, %dma_start3A_47] : memref<50x40xi32, #tpu.memory_space<vmem>> -> memref<1x40xi32, #tpu.memory_space<vmem>>
        %dma_start3A_49 = tpu.memref_squeeze %dma_start3A_48 : memref<1x40xi32, #tpu.memory_space<vmem>> -> memref<40xi32, #tpu.memory_space<vmem>>
        %dma_start3A_50 = arith.constant 0 : i32
        %dma_start3A_51 = arith.constant 0 : i32
        %dma_start3A_52 = tpu.memref_slice %arg2[%dma_start3A_50, %dma_start3A_51] : memref<10000x128xf32, #tpu.memory_space<hbm>> -> memref<10000x128xf32, #tpu.memory_space<hbm>>
        tpu.enqueue_indirect_dma source(%dma_start3A_52 : memref<10000x128xf32, #tpu.memory_space<hbm>>) target(%arg11 : memref<40x128xf32, #tpu.memory_space<vmem>>) offsets(%dma_start3A_49 : memref<40xi32, #tpu.memory_space<vmem>>) semaphore(%arg18 : memref<!tpu.dma_semaphore, #tpu.memory_space<semaphore_mem>>)
        %dma_start3A_53 = arith.constant 0 : i32
        %dma_start3A_54 = tpu.memref_slice %arg9[%mul3A_34, %dma_start3A_53] : memref<50x40xi32, #tpu.memory_space<vmem>> -> memref<1x40xi32, #tpu.memory_space<vmem>>
        %dma_start3A_55 = tpu.memref_squeeze %dma_start3A_54 : memref<1x40xi32, #tpu.memory_space<vmem>> -> memref<40xi32, #tpu.memory_space<vmem>>
        %dma_start3A_56 = arith.constant 0 : i32
        %dma_start3A_57 = arith.constant 0 : i32
        %dma_start3A_58 = tpu.memref_slice %arg3[%dma_start3A_56, %dma_start3A_57] : memref<10000x128xf32, #tpu.memory_space<hbm>> -> memref<10000x128xf32, #tpu.memory_space<hbm>>
        tpu.enqueue_indirect_dma source(%dma_start3A_58 : memref<10000x128xf32, #tpu.memory_space<hbm>>) target(%arg12 : memref<40x128xf32, #tpu.memory_space<vmem>>) offsets(%dma_start3A_55 : memref<40xi32, #tpu.memory_space<vmem>>) semaphore(%arg18 : memref<!tpu.dma_semaphore, #tpu.memory_space<semaphore_mem>>)
        %add3A_59 = arith.constant 1 : i32
        %add3A_60 = arith.addi %add3A_39, %add3A_59 : i32
        %dma_start3A_61 = arith.constant 0 : i32
        %dma_start3A_62 = arith.constant 0 : i32
        %dma_start3A_63 = tpu.memref_slice %arg4[%add3A, %add3A_60, %dma_start3A_61, %dma_start3A_62] : memref<32x250x40x128xf32, #tpu.memory_space<hbm>> -> memref<1x1x40x128xf32, #tpu.memory_space<hbm>>
        %dma_start3A_64 = tpu.memref_squeeze %dma_start3A_63 : memref<1x1x40x128xf32, #tpu.memory_space<hbm>> -> memref<40x128xf32, #tpu.memory_space<hbm>>
        %dma_start3A_65 = arith.constant 0 : i32
        %dma_start3A_66 = arith.constant 0 : i32
        %dma_start3A_67 = tpu.memref_slice %arg4[%add3A, %add3A_60, %dma_start3A_65, %dma_start3A_66] : memref<32x250x40x128xf32, #tpu.memory_space<hbm>> -> memref<1x1x40x128xf32, #tpu.memory_space<hbm>>
        %dma_start3A_68 = tpu.memref_squeeze %dma_start3A_67 : memref<1x1x40x128xf32, #tpu.memory_space<hbm>> -> memref<40x128xf32, #tpu.memory_space<hbm>>
        tpu.enqueue_dma source(%dma_start3A_68 : memref<40x128xf32, #tpu.memory_space<hbm>>) target(%arg13 : memref<40x128xf32, #tpu.memory_space<vmem>>) target_semaphore(%arg18 : memref<!tpu.dma_semaphore, #tpu.memory_space<semaphore_mem>>)
        %dma_start3A_69 = arith.constant 0 : i32
        %dma_start3A_70 = tpu.memref_slice %arg8[%add3A_36, %dma_start3A_69] : memref<50x40xi32, #tpu.memory_space<vmem>> -> memref<1x40xi32, #tpu.memory_space<vmem>>
        %dma_start3A_71 = tpu.memref_squeeze %dma_start3A_70 : memref<1x40xi32, #tpu.memory_space<vmem>> -> memref<40xi32, #tpu.memory_space<vmem>>
        %dma_start3A_72 = arith.constant 0 : i32
        %dma_start3A_73 = arith.constant 0 : i32
        %dma_start3A_74 = tpu.memref_slice %arg2[%dma_start3A_72, %dma_start3A_73] : memref<10000x128xf32, #tpu.memory_space<hbm>> -> memref<10000x128xf32, #tpu.memory_space<hbm>>
        tpu.enqueue_indirect_dma source(%dma_start3A_74 : memref<10000x128xf32, #tpu.memory_space<hbm>>) target(%arg14 : memref<40x128xf32, #tpu.memory_space<vmem>>) offsets(%dma_start3A_71 : memref<40xi32, #tpu.memory_space<vmem>>) semaphore(%arg18 : memref<!tpu.dma_semaphore, #tpu.memory_space<semaphore_mem>>)
        %dma_start3A_75 = arith.constant 0 : i32
        %dma_start3A_76 = tpu.memref_slice %arg9[%add3A_36, %dma_start3A_75] : memref<50x40xi32, #tpu.memory_space<vmem>> -> memref<1x40xi32, #tpu.memory_space<vmem>>
        %dma_start3A_77 = tpu.memref_squeeze %dma_start3A_76 : memref<1x40xi32, #tpu.memory_space<vmem>> -> memref<40xi32, #tpu.memory_space<vmem>>
        %dma_start3A_78 = arith.constant 0 : i32
        %dma_start3A_79 = arith.constant 0 : i32
        %dma_start3A_80 = tpu.memref_slice %arg3[%dma_start3A_78, %dma_start3A_79] : memref<10000x128xf32, #tpu.memory_space<hbm>> -> memref<10000x128xf32, #tpu.memory_space<hbm>>
        tpu.enqueue_indirect_dma source(%dma_start3A_80 : memref<10000x128xf32, #tpu.memory_space<hbm>>) target(%arg15 : memref<40x128xf32, #tpu.memory_space<vmem>>) offsets(%dma_start3A_77 : memref<40xi32, #tpu.memory_space<vmem>>) semaphore(%arg18 : memref<!tpu.dma_semaphore, #tpu.memory_space<semaphore_mem>>)
        %dma_wait3A = arith.constant 0 : i32
        %dma_wait3A_81 = arith.constant 0 : i32
        %dma_wait3A_82 = tpu.memref_slice %arg4[%add3A, %add3A_39, %dma_wait3A, %dma_wait3A_81] : memref<32x250x40x128xf32, #tpu.memory_space<hbm>> -> memref<1x1x40x128xf32, #tpu.memory_space<hbm>>
        %dma_wait3A_83 = tpu.memref_squeeze %dma_wait3A_82 : memref<1x1x40x128xf32, #tpu.memory_space<hbm>> -> memref<40x128xf32, #tpu.memory_space<hbm>>
        %dma_wait3A_84 = arith.constant 0 : i32
        %dma_wait3A_85 = arith.constant 0 : i32
        %dma_wait3A_86 = tpu.memref_slice %arg4[%add3A, %add3A_39, %dma_wait3A_84, %dma_wait3A_85] : memref<32x250x40x128xf32, #tpu.memory_space<hbm>> -> memref<1x1x40x128xf32, #tpu.memory_space<hbm>>
        %dma_wait3A_87 = tpu.memref_squeeze %dma_wait3A_86 : memref<1x1x40x128xf32, #tpu.memory_space<hbm>> -> memref<40x128xf32, #tpu.memory_space<hbm>>
        tpu.wait_dma2 semaphore(%arg18 : memref<!tpu.dma_semaphore, #tpu.memory_space<semaphore_mem>>) src(%dma_wait3A_87 : memref<40x128xf32, #tpu.memory_space<hbm>>) dst(%arg10 : memref<40x128xf32, #tpu.memory_space<vmem>>)
        %dma_wait3A_88 = arith.constant 0 : i32
        %dma_wait3A_89 = tpu.memref_slice %arg8[%mul3A_34, %dma_wait3A_88] : memref<50x40xi32, #tpu.memory_space<vmem>> -> memref<1x40xi32, #tpu.memory_space<vmem>>
        %dma_wait3A_90 = tpu.memref_squeeze %dma_wait3A_89 : memref<1x40xi32, #tpu.memory_space<vmem>> -> memref<40xi32, #tpu.memory_space<vmem>>
        %dma_wait3A_91 = arith.constant 0 : i32
        %dma_wait3A_92 = arith.constant 0 : i32
        %dma_wait3A_93 = tpu.memref_slice %arg2[%dma_wait3A_91, %dma_wait3A_92] : memref<10000x128xf32, #tpu.memory_space<hbm>> -> memref<10000x128xf32, #tpu.memory_space<hbm>>
        tpu.wait_indirect_dma semaphore(%arg18 : memref<!tpu.dma_semaphore, #tpu.memory_space<semaphore_mem>>) src(%dma_wait3A_93 : memref<10000x128xf32, #tpu.memory_space<hbm>>) dst(%arg11 : memref<40x128xf32, #tpu.memory_space<vmem>>)
        %dma_wait3A_94 = arith.constant 0 : i32
        %dma_wait3A_95 = tpu.memref_slice %arg9[%mul3A_34, %dma_wait3A_94] : memref<50x40xi32, #tpu.memory_space<vmem>> -> memref<1x40xi32, #tpu.memory_space<vmem>>
        %dma_wait3A_96 = tpu.memref_squeeze %dma_wait3A_95 : memref<1x40xi32, #tpu.memory_space<vmem>> -> memref<40xi32, #tpu.memory_space<vmem>>
        %dma_wait3A_97 = arith.constant 0 : i32
        %dma_wait3A_98 = arith.constant 0 : i32
        %dma_wait3A_99 = tpu.memref_slice %arg3[%dma_wait3A_97, %dma_wait3A_98] : memref<10000x128xf32, #tpu.memory_space<hbm>> -> memref<10000x128xf32, #tpu.memory_space<hbm>>
        tpu.wait_indirect_dma semaphore(%arg18 : memref<!tpu.dma_semaphore, #tpu.memory_space<semaphore_mem>>) src(%dma_wait3A_99 : memref<10000x128xf32, #tpu.memory_space<hbm>>) dst(%arg12 : memref<40x128xf32, #tpu.memory_space<vmem>>)
        %scan3A_100 = arith.constant 0 : i32
        %scan3A_101 = arith.constant 0 : i32
        %scan3A_102 = arith.constant 40 : i32
        %scan3A_103 = arith.addi %scan3A_101, %scan3A_102 : i32
        %scan3A_104 = arith.constant 1 : i32
        scf.for %scan3A_132 = %scan3A_101 to %scan3A_103 step %scan3A_104  : i32 {
          %get3A = arith.index_cast %scan3A_132 : i32 to index
          %get3A_133 = arith.constant 0 : index
          %get3A_134 = tpu.vector_load %arg10[%get3A, %get3A_133] {strides = array<i32>} : memref<40x128xf32, #tpu.memory_space<vmem>>, vector<1x16xf32>,
          %get3A_135 = vector.shape_cast %get3A_134 : vector<1x16xf32> to vector<16xf32>
          %get3A_136 = arith.index_cast %scan3A_132 : i32 to index
          %get3A_137 = arith.constant 0 : index
          %get3A_138 = tpu.vector_load %arg11[%get3A_136, %get3A_137] {strides = array<i32>} : memref<40x128xf32, #tpu.memory_space<vmem>>, vector<1x16xf32>,
          %get3A_139 = vector.shape_cast %get3A_138 : vector<1x16xf32> to vector<16xf32>
          %add3A_140 = arith.addf %get3A_135, %get3A_139 : vector<16xf32>
          %get3A_141 = arith.index_cast %scan3A_132 : i32 to index
          %get3A_142 = arith.constant 0 : index
          %get3A_143 = tpu.vector_load %arg12[%get3A_141, %get3A_142] {strides = array<i32>} : memref<40x128xf32, #tpu.memory_space<vmem>>, vector<1x16xf32>,
          %get3A_144 = vector.shape_cast %get3A_143 : vector<1x16xf32> to vector<16xf32>
          %add3A_145 = arith.addf %add3A_140, %get3A_144 : vector<16xf32>
          %neg3A = arith.constant 0.000000e+00 : f32
          %neg3A_146 = vector.broadcast %neg3A : f32 to vector<16xf32>
          %neg3A_147 = arith.subf %neg3A_146, %add3A_145 : vector<16xf32>
          %exp3A = math.exp %neg3A_147 : vector<16xf32>
          %add3A_148 = arith.constant 1.000000e+00 : f32
          %add3A_149 = vector.broadcast %add3A_148 : f32 to vector<16xf32>
          %add3A_150 = arith.addf %add3A_149, %exp3A : vector<16xf32>
          %div3A = arith.divf %add3A_145, %add3A_150 : vector<16xf32>
          %swap3A = arith.index_cast %scan3A_132 : i32 to index
          %swap3A_151 = arith.constant 0 : index
          %swap3A_152 = tpu.vector_load %arg10[%swap3A, %swap3A_151] {strides = array<i32>} : memref<40x128xf32, #tpu.memory_space<vmem>>, vector<1x16xf32>,
          %swap3A_153 = vector.shape_cast %swap3A_152 : vector<1x16xf32> to vector<16xf32>
          %swap3A_154 = vector.shape_cast %div3A : vector<16xf32> to vector<1x16xf32>
          tpu.vector_store %arg10[%swap3A, %swap3A_151], %swap3A_154 {strides = array<i32>} : memref<40x128xf32, #tpu.memory_space<vmem>>, vector<1x16xf32>,
          %get3A_155 = arith.index_cast %scan3A_132 : i32 to index
          %get3A_156 = arith.constant 16 : index
          %get3A_157 = tpu.vector_load %arg10[%get3A_155, %get3A_156] {strides = array<i32>} : memref<40x128xf32, #tpu.memory_space<vmem>>, vector<1x16xf32>,
          %get3A_158 = vector.shape_cast %get3A_157 : vector<1x16xf32> to vector<16xf32>
          %get3A_159 = arith.index_cast %scan3A_132 : i32 to index
          %get3A_160 = arith.constant 16 : index
          %get3A_161 = tpu.vector_load %arg11[%get3A_159, %get3A_160] {strides = array<i32>} : memref<40x128xf32, #tpu.memory_space<vmem>>, vector<1x16xf32>,
          %get3A_162 = vector.shape_cast %get3A_161 : vector<1x16xf32> to vector<16xf32>
          %add3A_163 = arith.addf %get3A_158, %get3A_162 : vector<16xf32>
          %get3A_164 = arith.index_cast %scan3A_132 : i32 to index
          %get3A_165 = arith.constant 16 : index
          %get3A_166 = tpu.vector_load %arg12[%get3A_164, %get3A_165] {strides = array<i32>} : memref<40x128xf32, #tpu.memory_space<vmem>>, vector<1x16xf32>,
          %get3A_167 = vector.shape_cast %get3A_166 : vector<1x16xf32> to vector<16xf32>
          %add3A_168 = arith.addf %add3A_163, %get3A_167 : vector<16xf32>
          %neg3A_169 = arith.constant 0.000000e+00 : f32
          %neg3A_170 = vector.broadcast %neg3A_169 : f32 to vector<16xf32>
          %neg3A_171 = arith.subf %neg3A_170, %add3A_168 : vector<16xf32>
          %exp3A_172 = math.exp %neg3A_171 : vector<16xf32>
          %add3A_173 = arith.constant 1.000000e+00 : f32
          %add3A_174 = vector.broadcast %add3A_173 : f32 to vector<16xf32>
          %add3A_175 = arith.addf %add3A_174, %exp3A_172 : vector<16xf32>
          %div3A_176 = arith.divf %add3A_168, %add3A_175 : vector<16xf32>
          %swap3A_177 = arith.index_cast %scan3A_132 : i32 to index
          %swap3A_178 = arith.constant 16 : index
          %swap3A_179 = tpu.vector_load %arg10[%swap3A_177, %swap3A_178] {strides = array<i32>} : memref<40x128xf32, #tpu.memory_space<vmem>>, vector<1x16xf32>,
          %swap3A_180 = vector.shape_cast %swap3A_179 : vector<1x16xf32> to vector<16xf32>
          %swap3A_181 = vector.shape_cast %div3A_176 : vector<16xf32> to vector<1x16xf32>
          tpu.vector_store %arg10[%swap3A_177, %swap3A_178], %swap3A_181 {strides = array<i32>} : memref<40x128xf32, #tpu.memory_space<vmem>>, vector<1x16xf32>,
          %get3A_182 = arith.index_cast %scan3A_132 : i32 to index
          %get3A_183 = arith.constant 32 : index
          %get3A_184 = tpu.vector_load %arg10[%get3A_182, %get3A_183] {strides = array<i32>} : memref<40x128xf32, #tpu.memory_space<vmem>>, vector<1x16xf32>,
          %get3A_185 = vector.shape_cast %get3A_184 : vector<1x16xf32> to vector<16xf32>
          %get3A_186 = arith.index_cast %scan3A_132 : i32 to index
          %get3A_187 = arith.constant 32 : index
          %get3A_188 = tpu.vector_load %arg11[%get3A_186, %get3A_187] {strides = array<i32>} : memref<40x128xf32, #tpu.memory_space<vmem>>, vector<1x16xf32>,
          %get3A_189 = vector.shape_cast %get3A_188 : vector<1x16xf32> to vector<16xf32>
          %add3A_190 = arith.addf %get3A_185, %get3A_189 : vector<16xf32>
          %get3A_191 = arith.index_cast %scan3A_132 : i32 to index
          %get3A_192 = arith.constant 32 : index
          %get3A_193 = tpu.vector_load %arg12[%get3A_191, %get3A_192] {strides = array<i32>} : memref<40x128xf32, #tpu.memory_space<vmem>>, vector<1x16xf32>,
          %get3A_194 = vector.shape_cast %get3A_193 : vector<1x16xf32> to vector<16xf32>
          %add3A_195 = arith.addf %add3A_190, %get3A_194 : vector<16xf32>
          %neg3A_196 = arith.constant 0.000000e+00 : f32
          %neg3A_197 = vector.broadcast %neg3A_196 : f32 to vector<16xf32>
          %neg3A_198 = arith.subf %neg3A_197, %add3A_195 : vector<16xf32>
          %exp3A_199 = math.exp %neg3A_198 : vector<16xf32>
          %add3A_200 = arith.constant 1.000000e+00 : f32
          %add3A_201 = vector.broadcast %add3A_200 : f32 to vector<16xf32>
          %add3A_202 = arith.addf %add3A_201, %exp3A_199 : vector<16xf32>
          %div3A_203 = arith.divf %add3A_195, %add3A_202 : vector<16xf32>
          %swap3A_204 = arith.index_cast %scan3A_132 : i32 to index
          %swap3A_205 = arith.constant 32 : index
          %swap3A_206 = tpu.vector_load %arg10[%swap3A_204, %swap3A_205] {strides = array<i32>} : memref<40x128xf32, #tpu.memory_space<vmem>>, vector<1x16xf32>,
          %swap3A_207 = vector.shape_cast %swap3A_206 : vector<1x16xf32> to vector<16xf32>
          %swap3A_208 = vector.shape_cast %div3A_203 : vector<16xf32> to vector<1x16xf32>
          tpu.vector_store %arg10[%swap3A_204, %swap3A_205], %swap3A_208 {strides = array<i32>} : memref<40x128xf32, #tpu.memory_space<vmem>>, vector<1x16xf32>,
          %get3A_209 = arith.index_cast %scan3A_132 : i32 to index
          %get3A_210 = arith.constant 48 : index
          %get3A_211 = tpu.vector_load %arg10[%get3A_209, %get3A_210] {strides = array<i32>} : memref<40x128xf32, #tpu.memory_space<vmem>>, vector<1x16xf32>,
          %get3A_212 = vector.shape_cast %get3A_211 : vector<1x16xf32> to vector<16xf32>
          %get3A_213 = arith.index_cast %scan3A_132 : i32 to index
          %get3A_214 = arith.constant 48 : index
          %get3A_215 = tpu.vector_load %arg11[%get3A_213, %get3A_214] {strides = array<i32>} : memref<40x128xf32, #tpu.memory_space<vmem>>, vector<1x16xf32>,
          %get3A_216 = vector.shape_cast %get3A_215 : vector<1x16xf32> to vector<16xf32>
          %add3A_217 = arith.addf %get3A_212, %get3A_216 : vector<16xf32>
          %get3A_218 = arith.index_cast %scan3A_132 : i32 to index
          %get3A_219 = arith.constant 48 : index
          %get3A_220 = tpu.vector_load %arg12[%get3A_218, %get3A_219] {strides = array<i32>} : memref<40x128xf32, #tpu.memory_space<vmem>>, vector<1x16xf32>,
          %get3A_221 = vector.shape_cast %get3A_220 : vector<1x16xf32> to vector<16xf32>
          %add3A_222 = arith.addf %add3A_217, %get3A_221 : vector<16xf32>
          %neg3A_223 = arith.constant 0.000000e+00 : f32
          %neg3A_224 = vector.broadcast %neg3A_223 : f32 to vector<16xf32>
          %neg3A_225 = arith.subf %neg3A_224, %add3A_222 : vector<16xf32>
          %exp3A_226 = math.exp %neg3A_225 : vector<16xf32>
          %add3A_227 = arith.constant 1.000000e+00 : f32
          %add3A_228 = vector.broadcast %add3A_227 : f32 to vector<16xf32>
          %add3A_229 = arith.addf %add3A_228, %exp3A_226 : vector<16xf32>
          %div3A_230 = arith.divf %add3A_222, %add3A_229 : vector<16xf32>
          %swap3A_231 = arith.index_cast %scan3A_132 : i32 to index
          %swap3A_232 = arith.constant 48 : index
          %swap3A_233 = tpu.vector_load %arg10[%swap3A_231, %swap3A_232] {strides = array<i32>} : memref<40x128xf32, #tpu.memory_space<vmem>>, vector<1x16xf32>,
          %swap3A_234 = vector.shape_cast %swap3A_233 : vector<1x16xf32> to vector<16xf32>
          %swap3A_235 = vector.shape_cast %div3A_230 : vector<16xf32> to vector<1x16xf32>
          tpu.vector_store %arg10[%swap3A_231, %swap3A_232], %swap3A_235 {strides = array<i32>} : memref<40x128xf32, #tpu.memory_space<vmem>>, vector<1x16xf32>,
          %get3A_236 = arith.index_cast %scan3A_132 : i32 to index
          %get3A_237 = arith.constant 64 : index
          %get3A_238 = tpu.vector_load %arg10[%get3A_236, %get3A_237] {strides = array<i32>} : memref<40x128xf32, #tpu.memory_space<vmem>>, vector<1x16xf32>,
          %get3A_239 = vector.shape_cast %get3A_238 : vector<1x16xf32> to vector<16xf32>
          %get3A_240 = arith.index_cast %scan3A_132 : i32 to index
          %get3A_241 = arith.constant 64 : index
          %get3A_242 = tpu.vector_load %arg11[%get3A_240, %get3A_241] {strides = array<i32>} : memref<40x128xf32, #tpu.memory_space<vmem>>, vector<1x16xf32>,
          %get3A_243 = vector.shape_cast %get3A_242 : vector<1x16xf32> to vector<16xf32>
          %add3A_244 = arith.addf %get3A_239, %get3A_243 : vector<16xf32>
          %get3A_245 = arith.index_cast %scan3A_132 : i32 to index
          %get3A_246 = arith.constant 64 : index
          %get3A_247 = tpu.vector_load %arg12[%get3A_245, %get3A_246] {strides = array<i32>} : memref<40x128xf32, #tpu.memory_space<vmem>>, vector<1x16xf32>,
          %get3A_248 = vector.shape_cast %get3A_247 : vector<1x16xf32> to vector<16xf32>
          %add3A_249 = arith.addf %add3A_244, %get3A_248 : vector<16xf32>
          %neg3A_250 = arith.constant 0.000000e+00 : f32
          %neg3A_251 = vector.broadcast %neg3A_250 : f32 to vector<16xf32>
          %neg3A_252 = arith.subf %neg3A_251, %add3A_249 : vector<16xf32>
          %exp3A_253 = math.exp %neg3A_252 : vector<16xf32>
          %add3A_254 = arith.constant 1.000000e+00 : f32
          %add3A_255 = vector.broadcast %add3A_254 : f32 to vector<16xf32>
          %add3A_256 = arith.addf %add3A_255, %exp3A_253 : vector<16xf32>
          %div3A_257 = arith.divf %add3A_249, %add3A_256 : vector<16xf32>
          %swap3A_258 = arith.index_cast %scan3A_132 : i32 to index
          %swap3A_259 = arith.constant 64 : index
          %swap3A_260 = tpu.vector_load %arg10[%swap3A_258, %swap3A_259] {strides = array<i32>} : memref<40x128xf32, #tpu.memory_space<vmem>>, vector<1x16xf32>,
          %swap3A_261 = vector.shape_cast %swap3A_260 : vector<1x16xf32> to vector<16xf32>
          %swap3A_262 = vector.shape_cast %div3A_257 : vector<16xf32> to vector<1x16xf32>
          tpu.vector_store %arg10[%swap3A_258, %swap3A_259], %swap3A_262 {strides = array<i32>} : memref<40x128xf32, #tpu.memory_space<vmem>>, vector<1x16xf32>,
          %get3A_263 = arith.index_cast %scan3A_132 : i32 to index
          %get3A_264 = arith.constant 80 : index
          %get3A_265 = tpu.vector_load %arg10[%get3A_263, %get3A_264] {strides = array<i32>} : memref<40x128xf32, #tpu.memory_space<vmem>>, vector<1x16xf32>,
          %get3A_266 = vector.shape_cast %get3A_265 : vector<1x16xf32> to vector<16xf32>
          %get3A_267 = arith.index_cast %scan3A_132 : i32 to index
          %get3A_268 = arith.constant 80 : index
          %get3A_269 = tpu.vector_load %arg11[%get3A_267, %get3A_268] {strides = array<i32>} : memref<40x128xf32, #tpu.memory_space<vmem>>, vector<1x16xf32>,
          %get3A_270 = vector.shape_cast %get3A_269 : vector<1x16xf32> to vector<16xf32>
          %add3A_271 = arith.addf %get3A_266, %get3A_270 : vector<16xf32>
          %get3A_272 = arith.index_cast %scan3A_132 : i32 to index
          %get3A_273 = arith.constant 80 : index
          %get3A_274 = tpu.vector_load %arg12[%get3A_272, %get3A_273] {strides = array<i32>} : memref<40x128xf32, #tpu.memory_space<vmem>>, vector<1x16xf32>,
          %get3A_275 = vector.shape_cast %get3A_274 : vector<1x16xf32> to vector<16xf32>
          %add3A_276 = arith.addf %add3A_271, %get3A_275 : vector<16xf32>
          %neg3A_277 = arith.constant 0.000000e+00 : f32
          %neg3A_278 = vector.broadcast %neg3A_277 : f32 to vector<16xf32>
          %neg3A_279 = arith.subf %neg3A_278, %add3A_276 : vector<16xf32>
          %exp3A_280 = math.exp %neg3A_279 : vector<16xf32>
          %add3A_281 = arith.constant 1.000000e+00 : f32
          %add3A_282 = vector.broadcast %add3A_281 : f32 to vector<16xf32>
          %add3A_283 = arith.addf %add3A_282, %exp3A_280 : vector<16xf32>
          %div3A_284 = arith.divf %add3A_276, %add3A_283 : vector<16xf32>
          %swap3A_285 = arith.index_cast %scan3A_132 : i32 to index
          %swap3A_286 = arith.constant 80 : index
          %swap3A_287 = tpu.vector_load %arg10[%swap3A_285, %swap3A_286] {strides = array<i32>} : memref<40x128xf32, #tpu.memory_space<vmem>>, vector<1x16xf32>,
          %swap3A_288 = vector.shape_cast %swap3A_287 : vector<1x16xf32> to vector<16xf32>
          %swap3A_289 = vector.shape_cast %div3A_284 : vector<16xf32> to vector<1x16xf32>
          tpu.vector_store %arg10[%swap3A_285, %swap3A_286], %swap3A_289 {strides = array<i32>} : memref<40x128xf32, #tpu.memory_space<vmem>>, vector<1x16xf32>,
          %get3A_290 = arith.index_cast %scan3A_132 : i32 to index
          %get3A_291 = arith.constant 96 : index
          %get3A_292 = tpu.vector_load %arg10[%get3A_290, %get3A_291] {strides = array<i32>} : memref<40x128xf32, #tpu.memory_space<vmem>>, vector<1x16xf32>,
          %get3A_293 = vector.shape_cast %get3A_292 : vector<1x16xf32> to vector<16xf32>
          %get3A_294 = arith.index_cast %scan3A_132 : i32 to index
          %get3A_295 = arith.constant 96 : index
          %get3A_296 = tpu.vector_load %arg11[%get3A_294, %get3A_295] {strides = array<i32>} : memref<40x128xf32, #tpu.memory_space<vmem>>, vector<1x16xf32>,
          %get3A_297 = vector.shape_cast %get3A_296 : vector<1x16xf32> to vector<16xf32>
          %add3A_298 = arith.addf %get3A_293, %get3A_297 : vector<16xf32>
          %get3A_299 = arith.index_cast %scan3A_132 : i32 to index
          %get3A_300 = arith.constant 96 : index
          %get3A_301 = tpu.vector_load %arg12[%get3A_299, %get3A_300] {strides = array<i32>} : memref<40x128xf32, #tpu.memory_space<vmem>>, vector<1x16xf32>,
          %get3A_302 = vector.shape_cast %get3A_301 : vector<1x16xf32> to vector<16xf32>
          %add3A_303 = arith.addf %add3A_298, %get3A_302 : vector<16xf32>
          %neg3A_304 = arith.constant 0.000000e+00 : f32
          %neg3A_305 = vector.broadcast %neg3A_304 : f32 to vector<16xf32>
          %neg3A_306 = arith.subf %neg3A_305, %add3A_303 : vector<16xf32>
          %exp3A_307 = math.exp %neg3A_306 : vector<16xf32>
          %add3A_308 = arith.constant 1.000000e+00 : f32
          %add3A_309 = vector.broadcast %add3A_308 : f32 to vector<16xf32>
          %add3A_310 = arith.addf %add3A_309, %exp3A_307 : vector<16xf32>
          %div3A_311 = arith.divf %add3A_303, %add3A_310 : vector<16xf32>
          %swap3A_312 = arith.index_cast %scan3A_132 : i32 to index
          %swap3A_313 = arith.constant 96 : index
          %swap3A_314 = tpu.vector_load %arg10[%swap3A_312, %swap3A_313] {strides = array<i32>} : memref<40x128xf32, #tpu.memory_space<vmem>>, vector<1x16xf32>,
          %swap3A_315 = vector.shape_cast %swap3A_314 : vector<1x16xf32> to vector<16xf32>
          %swap3A_316 = vector.shape_cast %div3A_311 : vector<16xf32> to vector<1x16xf32>
          tpu.vector_store %arg10[%swap3A_312, %swap3A_313], %swap3A_316 {strides = array<i32>} : memref<40x128xf32, #tpu.memory_space<vmem>>, vector<1x16xf32>,
          %get3A_317 = arith.index_cast %scan3A_132 : i32 to index
          %get3A_318 = arith.constant 112 : index
          %get3A_319 = tpu.vector_load %arg10[%get3A_317, %get3A_318] {strides = array<i32>} : memref<40x128xf32, #tpu.memory_space<vmem>>, vector<1x16xf32>,
          %get3A_320 = vector.shape_cast %get3A_319 : vector<1x16xf32> to vector<16xf32>
          %get3A_321 = arith.index_cast %scan3A_132 : i32 to index
          %get3A_322 = arith.constant 112 : index
          %get3A_323 = tpu.vector_load %arg11[%get3A_321, %get3A_322] {strides = array<i32>} : memref<40x128xf32, #tpu.memory_space<vmem>>, vector<1x16xf32>,
          %get3A_324 = vector.shape_cast %get3A_323 : vector<1x16xf32> to vector<16xf32>
          %add3A_325 = arith.addf %get3A_320, %get3A_324 : vector<16xf32>
          %get3A_326 = arith.index_cast %scan3A_132 : i32 to index
          %get3A_327 = arith.constant 112 : index
          %get3A_328 = tpu.vector_load %arg12[%get3A_326, %get3A_327] {strides = array<i32>} : memref<40x128xf32, #tpu.memory_space<vmem>>, vector<1x16xf32>,
          %get3A_329 = vector.shape_cast %get3A_328 : vector<1x16xf32> to vector<16xf32>
          %add3A_330 = arith.addf %add3A_325, %get3A_329 : vector<16xf32>
          %neg3A_331 = arith.constant 0.000000e+00 : f32
          %neg3A_332 = vector.broadcast %neg3A_331 : f32 to vector<16xf32>
          %neg3A_333 = arith.subf %neg3A_332, %add3A_330 : vector<16xf32>
          %exp3A_334 = math.exp %neg3A_333 : vector<16xf32>
          %add3A_335 = arith.constant 1.000000e+00 : f32
          %add3A_336 = vector.broadcast %add3A_335 : f32 to vector<16xf32>
          %add3A_337 = arith.addf %add3A_336, %exp3A_334 : vector<16xf32>
          %div3A_338 = arith.divf %add3A_330, %add3A_337 : vector<16xf32>
          %swap3A_339 = arith.index_cast %scan3A_132 : i32 to index
          %swap3A_340 = arith.constant 112 : index
          %swap3A_341 = tpu.vector_load %arg10[%swap3A_339, %swap3A_340] {strides = array<i32>} : memref<40x128xf32, #tpu.memory_space<vmem>>, vector<1x16xf32>,
          %swap3A_342 = vector.shape_cast %swap3A_341 : vector<1x16xf32> to vector<16xf32>
          %swap3A_343 = vector.shape_cast %div3A_338 : vector<16xf32> to vector<1x16xf32>
          tpu.vector_store %arg10[%swap3A_339, %swap3A_340], %swap3A_343 {strides = array<i32>} : memref<40x128xf32, #tpu.memory_space<vmem>>, vector<1x16xf32>,
        }
        %scan3A_105 = arith.constant 40 : i32
        "tpu.region"() ({
          %run_scoped3A = tpu.sem_alloc : memref<!tpu.dma_semaphore, #tpu.memory_space<semaphore_mem>>
          %dma_start3A_132 = arith.constant 0 : i32
          %dma_start3A_133 = tpu.memref_slice %arg8[%mul3A_34, %dma_start3A_132] : memref<50x40xi32, #tpu.memory_space<vmem>> -> memref<1x40xi32, #tpu.memory_space<vmem>>
          %dma_start3A_134 = tpu.memref_squeeze %dma_start3A_133 : memref<1x40xi32, #tpu.memory_space<vmem>> -> memref<40xi32, #tpu.memory_space<vmem>>
          %dma_start3A_135 = arith.constant 0 : i32
          %dma_start3A_136 = arith.constant 0 : i32
          %dma_start3A_137 = tpu.memref_slice %arg17[%dma_start3A_135, %dma_start3A_136] : memref<10000x128xf32, #tpu.memory_space<vmem_shared>> -> memref<10000x128xf32, #tpu.memory_space<vmem_shared>>
          tpu.enqueue_indirect_dma source(%arg10 : memref<40x128xf32, #tpu.memory_space<vmem>>) target(%dma_start3A_137 : memref<10000x128xf32, #tpu.memory_space<vmem_shared>>) offsets(%dma_start3A_134 : memref<40xi32, #tpu.memory_space<vmem>>) semaphore(%run_scoped3A : memref<!tpu.dma_semaphore, #tpu.memory_space<semaphore_mem>>) {add = true}
          %dma_wait3A_138 = arith.constant 0 : i32
          %dma_wait3A_139 = tpu.memref_slice %arg8[%mul3A_34, %dma_wait3A_138] : memref<50x40xi32, #tpu.memory_space<vmem>> -> memref<1x40xi32, #tpu.memory_space<vmem>>
          %dma_wait3A_140 = tpu.memref_squeeze %dma_wait3A_139 : memref<1x40xi32, #tpu.memory_space<vmem>> -> memref<40xi32, #tpu.memory_space<vmem>>
          %dma_wait3A_141 = arith.constant 0 : i32
          %dma_wait3A_142 = arith.constant 0 : i32
          %dma_wait3A_143 = tpu.memref_slice %arg17[%dma_wait3A_141, %dma_wait3A_142] : memref<10000x128xf32, #tpu.memory_space<vmem_shared>> -> memref<10000x128xf32, #tpu.memory_space<vmem_shared>>
          tpu.wait_indirect_dma semaphore(%run_scoped3A : memref<!tpu.dma_semaphore, #tpu.memory_space<semaphore_mem>>) src(%arg10 : memref<40x128xf32, #tpu.memory_space<vmem>>) dst(%dma_wait3A_143 : memref<10000x128xf32, #tpu.memory_space<vmem_shared>>)
          tpu.yield
        }) : () -> ()
        %dma_wait3A_106 = arith.constant 0 : i32
        %dma_wait3A_107 = arith.constant 0 : i32
        %dma_wait3A_108 = tpu.memref_slice %arg4[%add3A, %add3A_60, %dma_wait3A_106, %dma_wait3A_107] : memref<32x250x40x128xf32, #tpu.memory_space<hbm>> -> memref<1x1x40x128xf32, #tpu.memory_space<hbm>>
        %dma_wait3A_109 = tpu.memref_squeeze %dma_wait3A_108 : memref<1x1x40x128xf32, #tpu.memory_space<hbm>> -> memref<40x128xf32, #tpu.memory_space<hbm>>
        %dma_wait3A_110 = arith.constant 0 : i32
        %dma_wait3A_111 = arith.constant 0 : i32
        %dma_wait3A_112 = tpu.memref_slice %arg4[%add3A, %add3A_60, %dma_wait3A_110, %dma_wait3A_111] : memref<32x250x40x128xf32, #tpu.memory_space<hbm>> -> memref<1x1x40x128xf32, #tpu.memory_space<hbm>>
        %dma_wait3A_113 = tpu.memref_squeeze %dma_wait3A_112 : memref<1x1x40x128xf32, #tpu.memory_space<hbm>> -> memref<40x128xf32, #tpu.memory_space<hbm>>
        tpu.wait_dma2 semaphore(%arg18 : memref<!tpu.dma_semaphore, #tpu.memory_space<semaphore_mem>>) src(%dma_wait3A_113 : memref<40x128xf32, #tpu.memory_space<hbm>>) dst(%arg13 : memref<40x128xf32, #tpu.memory_space<vmem>>)
        %dma_wait3A_114 = arith.constant 0 : i32
        %dma_wait3A_115 = tpu.memref_slice %arg8[%add3A_36, %dma_wait3A_114] : memref<50x40xi32, #tpu.memory_space<vmem>> -> memref<1x40xi32, #tpu.memory_space<vmem>>
        %dma_wait3A_116 = tpu.memref_squeeze %dma_wait3A_115 : memref<1x40xi32, #tpu.memory_space<vmem>> -> memref<40xi32, #tpu.memory_space<vmem>>
        %dma_wait3A_117 = arith.constant 0 : i32
        %dma_wait3A_118 = arith.constant 0 : i32
        %dma_wait3A_119 = tpu.memref_slice %arg2[%dma_wait3A_117, %dma_wait3A_118] : memref<10000x128xf32, #tpu.memory_space<hbm>> -> memref<10000x128xf32, #tpu.memory_space<hbm>>
        tpu.wait_indirect_dma semaphore(%arg18 : memref<!tpu.dma_semaphore, #tpu.memory_space<semaphore_mem>>) src(%dma_wait3A_119 : memref<10000x128xf32, #tpu.memory_space<hbm>>) dst(%arg14 : memref<40x128xf32, #tpu.memory_space<vmem>>)
        %dma_wait3A_120 = arith.constant 0 : i32
        %dma_wait3A_121 = tpu.memref_slice %arg9[%add3A_36, %dma_wait3A_120] : memref<50x40xi32, #tpu.memory_space<vmem>> -> memref<1x40xi32, #tpu.memory_space<vmem>>
        %dma_wait3A_122 = tpu.memref_squeeze %dma_wait3A_121 : memref<1x40xi32, #tpu.memory_space<vmem>> -> memref<40xi32, #tpu.memory_space<vmem>>
        %dma_wait3A_123 = arith.constant 0 : i32
        %dma_wait3A_124 = arith.constant 0 : i32
        %dma_wait3A_125 = tpu.memref_slice %arg3[%dma_wait3A_123, %dma_wait3A_124] : memref<10000x128xf32, #tpu.memory_space<hbm>> -> memref<10000x128xf32, #tpu.memory_space<hbm>>
        tpu.wait_indirect_dma semaphore(%arg18 : memref<!tpu.dma_semaphore, #tpu.memory_space<semaphore_mem>>) src(%dma_wait3A_125 : memref<10000x128xf32, #tpu.memory_space<hbm>>) dst(%arg15 : memref<40x128xf32, #tpu.memory_space<vmem>>)
        %scan3A_126 = arith.constant 0 : i32
        %scan3A_127 = arith.constant 0 : i32
        %scan3A_128 = arith.constant 40 : i32
        %scan3A_129 = arith.addi %scan3A_127, %scan3A_128 : i32
        %scan3A_130 = arith.constant 1 : i32
        scf.for %scan3A_132 = %scan3A_127 to %scan3A_129 step %scan3A_130  : i32 {
          %get3A = arith.index_cast %scan3A_132 : i32 to index
          %get3A_133 = arith.constant 0 : index
          %get3A_134 = tpu.vector_load %arg13[%get3A, %get3A_133] {strides = array<i32>} : memref<40x128xf32, #tpu.memory_space<vmem>>, vector<1x16xf32>,
          %get3A_135 = vector.shape_cast %get3A_134 : vector<1x16xf32> to vector<16xf32>
          %get3A_136 = arith.index_cast %scan3A_132 : i32 to index
          %get3A_137 = arith.constant 0 : index
          %get3A_138 = tpu.vector_load %arg14[%get3A_136, %get3A_137] {strides = array<i32>} : memref<40x128xf32, #tpu.memory_space<vmem>>, vector<1x16xf32>,
          %get3A_139 = vector.shape_cast %get3A_138 : vector<1x16xf32> to vector<16xf32>
          %add3A_140 = arith.addf %get3A_135, %get3A_139 : vector<16xf32>
          %get3A_141 = arith.index_cast %scan3A_132 : i32 to index
          %get3A_142 = arith.constant 0 : index
          %get3A_143 = tpu.vector_load %arg15[%get3A_141, %get3A_142] {strides = array<i32>} : memref<40x128xf32, #tpu.memory_space<vmem>>, vector<1x16xf32>,
          %get3A_144 = vector.shape_cast %get3A_143 : vector<1x16xf32> to vector<16xf32>
          %add3A_145 = arith.addf %add3A_140, %get3A_144 : vector<16xf32>
          %neg3A = arith.constant 0.000000e+00 : f32
          %neg3A_146 = vector.broadcast %neg3A : f32 to vector<16xf32>
          %neg3A_147 = arith.subf %neg3A_146, %add3A_145 : vector<16xf32>
          %exp3A = math.exp %neg3A_147 : vector<16xf32>
          %add3A_148 = arith.constant 1.000000e+00 : f32
          %add3A_149 = vector.broadcast %add3A_148 : f32 to vector<16xf32>
          %add3A_150 = arith.addf %add3A_149, %exp3A : vector<16xf32>
          %div3A = arith.divf %add3A_145, %add3A_150 : vector<16xf32>
          %swap3A = arith.index_cast %scan3A_132 : i32 to index
          %swap3A_151 = arith.constant 0 : index
          %swap3A_152 = tpu.vector_load %arg13[%swap3A, %swap3A_151] {strides = array<i32>} : memref<40x128xf32, #tpu.memory_space<vmem>>, vector<1x16xf32>,
          %swap3A_153 = vector.shape_cast %swap3A_152 : vector<1x16xf32> to vector<16xf32>
          %swap3A_154 = vector.shape_cast %div3A : vector<16xf32> to vector<1x16xf32>
          tpu.vector_store %arg13[%swap3A, %swap3A_151], %swap3A_154 {strides = array<i32>} : memref<40x128xf32, #tpu.memory_space<vmem>>, vector<1x16xf32>,
          %get3A_155 = arith.index_cast %scan3A_132 : i32 to index
          %get3A_156 = arith.constant 16 : index
          %get3A_157 = tpu.vector_load %arg13[%get3A_155, %get3A_156] {strides = array<i32>} : memref<40x128xf32, #tpu.memory_space<vmem>>, vector<1x16xf32>,
          %get3A_158 = vector.shape_cast %get3A_157 : vector<1x16xf32> to vector<16xf32>
          %get3A_159 = arith.index_cast %scan3A_132 : i32 to index
          %get3A_160 = arith.constant 16 : index
          %get3A_161 = tpu.vector_load %arg14[%get3A_159, %get3A_160] {strides = array<i32>} : memref<40x128xf32, #tpu.memory_space<vmem>>, vector<1x16xf32>,
          %get3A_162 = vector.shape_cast %get3A_161 : vector<1x16xf32> to vector<16xf32>
          %add3A_163 = arith.addf %get3A_158, %get3A_162 : vector<16xf32>
          %get3A_164 = arith.index_cast %scan3A_132 : i32 to index
          %get3A_165 = arith.constant 16 : index
          %get3A_166 = tpu.vector_load %arg15[%get3A_164, %get3A_165] {strides = array<i32>} : memref<40x128xf32, #tpu.memory_space<vmem>>, vector<1x16xf32>,
          %get3A_167 = vector.shape_cast %get3A_166 : vector<1x16xf32> to vector<16xf32>
          %add3A_168 = arith.addf %add3A_163, %get3A_167 : vector<16xf32>
          %neg3A_169 = arith.constant 0.000000e+00 : f32
          %neg3A_170 = vector.broadcast %neg3A_169 : f32 to vector<16xf32>
          %neg3A_171 = arith.subf %neg3A_170, %add3A_168 : vector<16xf32>
          %exp3A_172 = math.exp %neg3A_171 : vector<16xf32>
          %add3A_173 = arith.constant 1.000000e+00 : f32
          %add3A_174 = vector.broadcast %add3A_173 : f32 to vector<16xf32>
          %add3A_175 = arith.addf %add3A_174, %exp3A_172 : vector<16xf32>
          %div3A_176 = arith.divf %add3A_168, %add3A_175 : vector<16xf32>
          %swap3A_177 = arith.index_cast %scan3A_132 : i32 to index
          %swap3A_178 = arith.constant 16 : index
          %swap3A_179 = tpu.vector_load %arg13[%swap3A_177, %swap3A_178] {strides = array<i32>} : memref<40x128xf32, #tpu.memory_space<vmem>>, vector<1x16xf32>,
          %swap3A_180 = vector.shape_cast %swap3A_179 : vector<1x16xf32> to vector<16xf32>
          %swap3A_181 = vector.shape_cast %div3A_176 : vector<16xf32> to vector<1x16xf32>
          tpu.vector_store %arg13[%swap3A_177, %swap3A_178], %swap3A_181 {strides = array<i32>} : memref<40x128xf32, #tpu.memory_space<vmem>>, vector<1x16xf32>,
          %get3A_182 = arith.index_cast %scan3A_132 : i32 to index
          %get3A_183 = arith.constant 32 : index
          %get3A_184 = tpu.vector_load %arg13[%get3A_182, %get3A_183] {strides = array<i32>} : memref<40x128xf32, #tpu.memory_space<vmem>>, vector<1x16xf32>,
          %get3A_185 = vector.shape_cast %get3A_184 : vector<1x16xf32> to vector<16xf32>
          %get3A_186 = arith.index_cast %scan3A_132 : i32 to index
          %get3A_187 = arith.constant 32 : index
          %get3A_188 = tpu.vector_load %arg14[%get3A_186, %get3A_187] {strides = array<i32>} : memref<40x128xf32, #tpu.memory_space<vmem>>, vector<1x16xf32>,
          %get3A_189 = vector.shape_cast %get3A_188 : vector<1x16xf32> to vector<16xf32>
          %add3A_190 = arith.addf %get3A_185, %get3A_189 : vector<16xf32>
          %get3A_191 = arith.index_cast %scan3A_132 : i32 to index
          %get3A_192 = arith.constant 32 : index
          %get3A_193 = tpu.vector_load %arg15[%get3A_191, %get3A_192] {strides = array<i32>} : memref<40x128xf32, #tpu.memory_space<vmem>>, vector<1x16xf32>,
          %get3A_194 = vector.shape_cast %get3A_193 : vector<1x16xf32> to vector<16xf32>
          %add3A_195 = arith.addf %add3A_190, %get3A_194 : vector<16xf32>
          %neg3A_196 = arith.constant 0.000000e+00 : f32
          %neg3A_197 = vector.broadcast %neg3A_196 : f32 to vector<16xf32>
          %neg3A_198 = arith.subf %neg3A_197, %add3A_195 : vector<16xf32>
          %exp3A_199 = math.exp %neg3A_198 : vector<16xf32>
          %add3A_200 = arith.constant 1.000000e+00 : f32
          %add3A_201 = vector.broadcast %add3A_200 : f32 to vector<16xf32>
          %add3A_202 = arith.addf %add3A_201, %exp3A_199 : vector<16xf32>
          %div3A_203 = arith.divf %add3A_195, %add3A_202 : vector<16xf32>
          %swap3A_204 = arith.index_cast %scan3A_132 : i32 to index
          %swap3A_205 = arith.constant 32 : index
          %swap3A_206 = tpu.vector_load %arg13[%swap3A_204, %swap3A_205] {strides = array<i32>} : memref<40x128xf32, #tpu.memory_space<vmem>>, vector<1x16xf32>,
          %swap3A_207 = vector.shape_cast %swap3A_206 : vector<1x16xf32> to vector<16xf32>
          %swap3A_208 = vector.shape_cast %div3A_203 : vector<16xf32> to vector<1x16xf32>
          tpu.vector_store %arg13[%swap3A_204, %swap3A_205], %swap3A_208 {strides = array<i32>} : memref<40x128xf32, #tpu.memory_space<vmem>>, vector<1x16xf32>,
          %get3A_209 = arith.index_cast %scan3A_132 : i32 to index
          %get3A_210 = arith.constant 48 : index
          %get3A_211 = tpu.vector_load %arg13[%get3A_209, %get3A_210] {strides = array<i32>} : memref<40x128xf32, #tpu.memory_space<vmem>>, vector<1x16xf32>,
          %get3A_212 = vector.shape_cast %get3A_211 : vector<1x16xf32> to vector<16xf32>
          %get3A_213 = arith.index_cast %scan3A_132 : i32 to index
          %get3A_214 = arith.constant 48 : index
          %get3A_215 = tpu.vector_load %arg14[%get3A_213, %get3A_214] {strides = array<i32>} : memref<40x128xf32, #tpu.memory_space<vmem>>, vector<1x16xf32>,
          %get3A_216 = vector.shape_cast %get3A_215 : vector<1x16xf32> to vector<16xf32>
          %add3A_217 = arith.addf %get3A_212, %get3A_216 : vector<16xf32>
          %get3A_218 = arith.index_cast %scan3A_132 : i32 to index
          %get3A_219 = arith.constant 48 : index
          %get3A_220 = tpu.vector_load %arg15[%get3A_218, %get3A_219] {strides = array<i32>} : memref<40x128xf32, #tpu.memory_space<vmem>>, vector<1x16xf32>,
          %get3A_221 = vector.shape_cast %get3A_220 : vector<1x16xf32> to vector<16xf32>
          %add3A_222 = arith.addf %add3A_217, %get3A_221 : vector<16xf32>
          %neg3A_223 = arith.constant 0.000000e+00 : f32
          %neg3A_224 = vector.broadcast %neg3A_223 : f32 to vector<16xf32>
          %neg3A_225 = arith.subf %neg3A_224, %add3A_222 : vector<16xf32>
          %exp3A_226 = math.exp %neg3A_225 : vector<16xf32>
          %add3A_227 = arith.constant 1.000000e+00 : f32
          %add3A_228 = vector.broadcast %add3A_227 : f32 to vector<16xf32>
          %add3A_229 = arith.addf %add3A_228, %exp3A_226 : vector<16xf32>
          %div3A_230 = arith.divf %add3A_222, %add3A_229 : vector<16xf32>
          %swap3A_231 = arith.index_cast %scan3A_132 : i32 to index
          %swap3A_232 = arith.constant 48 : index
          %swap3A_233 = tpu.vector_load %arg13[%swap3A_231, %swap3A_232] {strides = array<i32>} : memref<40x128xf32, #tpu.memory_space<vmem>>, vector<1x16xf32>,
          %swap3A_234 = vector.shape_cast %swap3A_233 : vector<1x16xf32> to vector<16xf32>
          %swap3A_235 = vector.shape_cast %div3A_230 : vector<16xf32> to vector<1x16xf32>
          tpu.vector_store %arg13[%swap3A_231, %swap3A_232], %swap3A_235 {strides = array<i32>} : memref<40x128xf32, #tpu.memory_space<vmem>>, vector<1x16xf32>,
          %get3A_236 = arith.index_cast %scan3A_132 : i32 to index
          %get3A_237 = arith.constant 64 : index
          %get3A_238 = tpu.vector_load %arg13[%get3A_236, %get3A_237] {strides = array<i32>} : memref<40x128xf32, #tpu.memory_space<vmem>>, vector<1x16xf32>,
          %get3A_239 = vector.shape_cast %get3A_238 : vector<1x16xf32> to vector<16xf32>
          %get3A_240 = arith.index_cast %scan3A_132 : i32 to index
          %get3A_241 = arith.constant 64 : index
          %get3A_242 = tpu.vector_load %arg14[%get3A_240, %get3A_241] {strides = array<i32>} : memref<40x128xf32, #tpu.memory_space<vmem>>, vector<1x16xf32>,
          %get3A_243 = vector.shape_cast %get3A_242 : vector<1x16xf32> to vector<16xf32>
          %add3A_244 = arith.addf %get3A_239, %get3A_243 : vector<16xf32>
          %get3A_245 = arith.index_cast %scan3A_132 : i32 to index
          %get3A_246 = arith.constant 64 : index
          %get3A_247 = tpu.vector_load %arg15[%get3A_245, %get3A_246] {strides = array<i32>} : memref<40x128xf32, #tpu.memory_space<vmem>>, vector<1x16xf32>,
          %get3A_248 = vector.shape_cast %get3A_247 : vector<1x16xf32> to vector<16xf32>
          %add3A_249 = arith.addf %add3A_244, %get3A_248 : vector<16xf32>
          %neg3A_250 = arith.constant 0.000000e+00 : f32
          %neg3A_251 = vector.broadcast %neg3A_250 : f32 to vector<16xf32>
          %neg3A_252 = arith.subf %neg3A_251, %add3A_249 : vector<16xf32>
          %exp3A_253 = math.exp %neg3A_252 : vector<16xf32>
          %add3A_254 = arith.constant 1.000000e+00 : f32
          %add3A_255 = vector.broadcast %add3A_254 : f32 to vector<16xf32>
          %add3A_256 = arith.addf %add3A_255, %exp3A_253 : vector<16xf32>
          %div3A_257 = arith.divf %add3A_249, %add3A_256 : vector<16xf32>
          %swap3A_258 = arith.index_cast %scan3A_132 : i32 to index
          %swap3A_259 = arith.constant 64 : index
          %swap3A_260 = tpu.vector_load %arg13[%swap3A_258, %swap3A_259] {strides = array<i32>} : memref<40x128xf32, #tpu.memory_space<vmem>>, vector<1x16xf32>,
          %swap3A_261 = vector.shape_cast %swap3A_260 : vector<1x16xf32> to vector<16xf32>
          %swap3A_262 = vector.shape_cast %div3A_257 : vector<16xf32> to vector<1x16xf32>
          tpu.vector_store %arg13[%swap3A_258, %swap3A_259], %swap3A_262 {strides = array<i32>} : memref<40x128xf32, #tpu.memory_space<vmem>>, vector<1x16xf32>,
          %get3A_263 = arith.index_cast %scan3A_132 : i32 to index
          %get3A_264 = arith.constant 80 : index
          %get3A_265 = tpu.vector_load %arg13[%get3A_263, %get3A_264] {strides = array<i32>} : memref<40x128xf32, #tpu.memory_space<vmem>>, vector<1x16xf32>,
          %get3A_266 = vector.shape_cast %get3A_265 : vector<1x16xf32> to vector<16xf32>
          %get3A_267 = arith.index_cast %scan3A_132 : i32 to index
          %get3A_268 = arith.constant 80 : index
          %get3A_269 = tpu.vector_load %arg14[%get3A_267, %get3A_268] {strides = array<i32>} : memref<40x128xf32, #tpu.memory_space<vmem>>, vector<1x16xf32>,
          %get3A_270 = vector.shape_cast %get3A_269 : vector<1x16xf32> to vector<16xf32>
          %add3A_271 = arith.addf %get3A_266, %get3A_270 : vector<16xf32>
          %get3A_272 = arith.index_cast %scan3A_132 : i32 to index
          %get3A_273 = arith.constant 80 : index
          %get3A_274 = tpu.vector_load %arg15[%get3A_272, %get3A_273] {strides = array<i32>} : memref<40x128xf32, #tpu.memory_space<vmem>>, vector<1x16xf32>,
          %get3A_275 = vector.shape_cast %get3A_274 : vector<1x16xf32> to vector<16xf32>
          %add3A_276 = arith.addf %add3A_271, %get3A_275 : vector<16xf32>
          %neg3A_277 = arith.constant 0.000000e+00 : f32
          %neg3A_278 = vector.broadcast %neg3A_277 : f32 to vector<16xf32>
          %neg3A_279 = arith.subf %neg3A_278, %add3A_276 : vector<16xf32>
          %exp3A_280 = math.exp %neg3A_279 : vector<16xf32>
          %add3A_281 = arith.constant 1.000000e+00 : f32
          %add3A_282 = vector.broadcast %add3A_281 : f32 to vector<16xf32>
          %add3A_283 = arith.addf %add3A_282, %exp3A_280 : vector<16xf32>
          %div3A_284 = arith.divf %add3A_276, %add3A_283 : vector<16xf32>
          %swap3A_285 = arith.index_cast %scan3A_132 : i32 to index
          %swap3A_286 = arith.constant 80 : index
          %swap3A_287 = tpu.vector_load %arg13[%swap3A_285, %swap3A_286] {strides = array<i32>} : memref<40x128xf32, #tpu.memory_space<vmem>>, vector<1x16xf32>,
          %swap3A_288 = vector.shape_cast %swap3A_287 : vector<1x16xf32> to vector<16xf32>
          %swap3A_289 = vector.shape_cast %div3A_284 : vector<16xf32> to vector<1x16xf32>
          tpu.vector_store %arg13[%swap3A_285, %swap3A_286], %swap3A_289 {strides = array<i32>} : memref<40x128xf32, #tpu.memory_space<vmem>>, vector<1x16xf32>,
          %get3A_290 = arith.index_cast %scan3A_132 : i32 to index
          %get3A_291 = arith.constant 96 : index
          %get3A_292 = tpu.vector_load %arg13[%get3A_290, %get3A_291] {strides = array<i32>} : memref<40x128xf32, #tpu.memory_space<vmem>>, vector<1x16xf32>,
          %get3A_293 = vector.shape_cast %get3A_292 : vector<1x16xf32> to vector<16xf32>
          %get3A_294 = arith.index_cast %scan3A_132 : i32 to index
          %get3A_295 = arith.constant 96 : index
          %get3A_296 = tpu.vector_load %arg14[%get3A_294, %get3A_295] {strides = array<i32>} : memref<40x128xf32, #tpu.memory_space<vmem>>, vector<1x16xf32>,
          %get3A_297 = vector.shape_cast %get3A_296 : vector<1x16xf32> to vector<16xf32>
          %add3A_298 = arith.addf %get3A_293, %get3A_297 : vector<16xf32>
          %get3A_299 = arith.index_cast %scan3A_132 : i32 to index
          %get3A_300 = arith.constant 96 : index
          %get3A_301 = tpu.vector_load %arg15[%get3A_299, %get3A_300] {strides = array<i32>} : memref<40x128xf32, #tpu.memory_space<vmem>>, vector<1x16xf32>,
          %get3A_302 = vector.shape_cast %get3A_301 : vector<1x16xf32> to vector<16xf32>
          %add3A_303 = arith.addf %add3A_298, %get3A_302 : vector<16xf32>
          %neg3A_304 = arith.constant 0.000000e+00 : f32
          %neg3A_305 = vector.broadcast %neg3A_304 : f32 to vector<16xf32>
          %neg3A_306 = arith.subf %neg3A_305, %add3A_303 : vector<16xf32>
          %exp3A_307 = math.exp %neg3A_306 : vector<16xf32>
          %add3A_308 = arith.constant 1.000000e+00 : f32
          %add3A_309 = vector.broadcast %add3A_308 : f32 to vector<16xf32>
          %add3A_310 = arith.addf %add3A_309, %exp3A_307 : vector<16xf32>
          %div3A_311 = arith.divf %add3A_303, %add3A_310 : vector<16xf32>
          %swap3A_312 = arith.index_cast %scan3A_132 : i32 to index
          %swap3A_313 = arith.constant 96 : index
          %swap3A_314 = tpu.vector_load %arg13[%swap3A_312, %swap3A_313] {strides = array<i32>} : memref<40x128xf32, #tpu.memory_space<vmem>>, vector<1x16xf32>,
          %swap3A_315 = vector.shape_cast %swap3A_314 : vector<1x16xf32> to vector<16xf32>
          %swap3A_316 = vector.shape_cast %div3A_311 : vector<16xf32> to vector<1x16xf32>
          tpu.vector_store %arg13[%swap3A_312, %swap3A_313], %swap3A_316 {strides = array<i32>} : memref<40x128xf32, #tpu.memory_space<vmem>>, vector<1x16xf32>,
          %get3A_317 = arith.index_cast %scan3A_132 : i32 to index
          %get3A_318 = arith.constant 112 : index
          %get3A_319 = tpu.vector_load %arg13[%get3A_317, %get3A_318] {strides = array<i32>} : memref<40x128xf32, #tpu.memory_space<vmem>>, vector<1x16xf32>,
          %get3A_320 = vector.shape_cast %get3A_319 : vector<1x16xf32> to vector<16xf32>
          %get3A_321 = arith.index_cast %scan3A_132 : i32 to index
          %get3A_322 = arith.constant 112 : index
          %get3A_323 = tpu.vector_load %arg14[%get3A_321, %get3A_322] {strides = array<i32>} : memref<40x128xf32, #tpu.memory_space<vmem>>, vector<1x16xf32>,
          %get3A_324 = vector.shape_cast %get3A_323 : vector<1x16xf32> to vector<16xf32>
          %add3A_325 = arith.addf %get3A_320, %get3A_324 : vector<16xf32>
          %get3A_326 = arith.index_cast %scan3A_132 : i32 to index
          %get3A_327 = arith.constant 112 : index
          %get3A_328 = tpu.vector_load %arg15[%get3A_326, %get3A_327] {strides = array<i32>} : memref<40x128xf32, #tpu.memory_space<vmem>>, vector<1x16xf32>,
          %get3A_329 = vector.shape_cast %get3A_328 : vector<1x16xf32> to vector<16xf32>
          %add3A_330 = arith.addf %add3A_325, %get3A_329 : vector<16xf32>
          %neg3A_331 = arith.constant 0.000000e+00 : f32
          %neg3A_332 = vector.broadcast %neg3A_331 : f32 to vector<16xf32>
          %neg3A_333 = arith.subf %neg3A_332, %add3A_330 : vector<16xf32>
          %exp3A_334 = math.exp %neg3A_333 : vector<16xf32>
          %add3A_335 = arith.constant 1.000000e+00 : f32
          %add3A_336 = vector.broadcast %add3A_335 : f32 to vector<16xf32>
          %add3A_337 = arith.addf %add3A_336, %exp3A_334 : vector<16xf32>
          %div3A_338 = arith.divf %add3A_330, %add3A_337 : vector<16xf32>
          %swap3A_339 = arith.index_cast %scan3A_132 : i32 to index
          %swap3A_340 = arith.constant 112 : index
          %swap3A_341 = tpu.vector_load %arg13[%swap3A_339, %swap3A_340] {strides = array<i32>} : memref<40x128xf32, #tpu.memory_space<vmem>>, vector<1x16xf32>,
          %swap3A_342 = vector.shape_cast %swap3A_341 : vector<1x16xf32> to vector<16xf32>
          %swap3A_343 = vector.shape_cast %div3A_338 : vector<16xf32> to vector<1x16xf32>
          tpu.vector_store %arg13[%swap3A_339, %swap3A_340], %swap3A_343 {strides = array<i32>} : memref<40x128xf32, #tpu.memory_space<vmem>>, vector<1x16xf32>,
        }
        %scan3A_131 = arith.constant 40 : i32
        "tpu.region"() ({
          %run_scoped3A = tpu.sem_alloc : memref<!tpu.dma_semaphore, #tpu.memory_space<semaphore_mem>>
          %dma_start3A_132 = arith.constant 0 : i32
          %dma_start3A_133 = tpu.memref_slice %arg8[%add3A_36, %dma_start3A_132] : memref<50x40xi32, #tpu.memory_space<vmem>> -> memref<1x40xi32, #tpu.memory_space<vmem>>
          %dma_start3A_134 = tpu.memref_squeeze %dma_start3A_133 : memref<1x40xi32, #tpu.memory_space<vmem>> -> memref<40xi32, #tpu.memory_space<vmem>>
          %dma_start3A_135 = arith.constant 0 : i32
          %dma_start3A_136 = arith.constant 0 : i32
          %dma_start3A_137 = tpu.memref_slice %arg17[%dma_start3A_135, %dma_start3A_136] : memref<10000x128xf32, #tpu.memory_space<vmem_shared>> -> memref<10000x128xf32, #tpu.memory_space<vmem_shared>>
          tpu.enqueue_indirect_dma source(%arg13 : memref<40x128xf32, #tpu.memory_space<vmem>>) target(%dma_start3A_137 : memref<10000x128xf32, #tpu.memory_space<vmem_shared>>) offsets(%dma_start3A_134 : memref<40xi32, #tpu.memory_space<vmem>>) semaphore(%run_scoped3A : memref<!tpu.dma_semaphore, #tpu.memory_space<semaphore_mem>>) {add = true}
          %dma_wait3A_138 = arith.constant 0 : i32
          %dma_wait3A_139 = tpu.memref_slice %arg8[%add3A_36, %dma_wait3A_138] : memref<50x40xi32, #tpu.memory_space<vmem>> -> memref<1x40xi32, #tpu.memory_space<vmem>>
          %dma_wait3A_140 = tpu.memref_squeeze %dma_wait3A_139 : memref<1x40xi32, #tpu.memory_space<vmem>> -> memref<40xi32, #tpu.memory_space<vmem>>
          %dma_wait3A_141 = arith.constant 0 : i32
          %dma_wait3A_142 = arith.constant 0 : i32
          %dma_wait3A_143 = tpu.memref_slice %arg17[%dma_wait3A_141, %dma_wait3A_142] : memref<10000x128xf32, #tpu.memory_space<vmem_shared>> -> memref<10000x128xf32, #tpu.memory_space<vmem_shared>>
          tpu.wait_indirect_dma semaphore(%run_scoped3A : memref<!tpu.dma_semaphore, #tpu.memory_space<semaphore_mem>>) src(%arg13 : memref<40x128xf32, #tpu.memory_space<vmem>>) dst(%dma_wait3A_143 : memref<10000x128xf32, #tpu.memory_space<vmem_shared>>)
          tpu.yield
        }) : () -> ()
      }
      %scan3A_31 = arith.constant 25 : i32
    }
    %scan3A_19 = arith.constant 5 : i32
    %barrier3A_20 = arith.constant 0 : index
    tpu.barrier barrier_id(%barrier3A_20)
    "tpu.region"() ({
      %run_scoped3A = tpu.sem_alloc : memref<!tpu.dma_semaphore, #tpu.memory_space<semaphore_mem>>
      %dma_start3A = arith.constant 0 : i32
      %dma_start3A_21 = tpu.memref_slice %arg7[%arg0, %mul3A_7, %dma_start3A] : memref<2x10000x128xf32, #tpu.memory_space<hbm>> -> memref<1x625x128xf32, #tpu.memory_space<hbm>>
      %dma_start3A_22 = tpu.memref_squeeze %dma_start3A_21 : memref<1x625x128xf32, #tpu.memory_space<hbm>> -> memref<625x128xf32, #tpu.memory_space<hbm>>
      %dma_start3A_23 = arith.constant 0 : i32
      %dma_start3A_24 = tpu.memref_slice %arg17[%mul3A_7, %dma_start3A_23] : memref<10000x128xf32, #tpu.memory_space<vmem_shared>> -> memref<625x128xf32, #tpu.memory_space<vmem_shared>>
      tpu.enqueue_dma source(%dma_start3A_24 : memref<625x128xf32, #tpu.memory_space<vmem_shared>>) target(%dma_start3A_22 : memref<625x128xf32, #tpu.memory_space<hbm>>) target_semaphore(%run_scoped3A : memref<!tpu.dma_semaphore, #tpu.memory_space<semaphore_mem>>)
      %dma_wait3A = arith.constant 0 : i32
      %dma_wait3A_25 = tpu.memref_slice %arg7[%arg0, %mul3A_7, %dma_wait3A] : memref<2x10000x128xf32, #tpu.memory_space<hbm>> -> memref<1x625x128xf32, #tpu.memory_space<hbm>>
      %dma_wait3A_26 = tpu.memref_squeeze %dma_wait3A_25 : memref<1x625x128xf32, #tpu.memory_space<hbm>> -> memref<625x128xf32, #tpu.memory_space<hbm>>
      %dma_wait3A_27 = arith.constant 0 : i32
      %dma_wait3A_28 = tpu.memref_slice %arg17[%mul3A_7, %dma_wait3A_27] : memref<10000x128xf32, #tpu.memory_space<vmem_shared>> -> memref<625x128xf32, #tpu.memory_space<vmem_shared>>
      tpu.wait_dma2 semaphore(%run_scoped3A : memref<!tpu.dma_semaphore, #tpu.memory_space<semaphore_mem>>) src(%dma_wait3A_28 : memref<625x128xf32, #tpu.memory_space<vmem_shared>>) dst(%dma_wait3A_26 : memref<625x128xf32, #tpu.memory_space<hbm>>)
      tpu.yield
    }) : () -> ()
    return
  }
}

#map = affine_map<(d0, d1) -> (0, 0, 0)>
module attributes {stable_mosaic.version = 14 : i64} {
  func.func @k(%arg0: i32, %arg1: i32, %arg2: memref<32x250x40xi32, #tpu.memory_space<hbm>>, %arg3: memref<2x10000x16xf32, #tpu.memory_space<hbm>>, %arg4: memref<250x40xi32, #tpu.memory_space<vmem>>, %arg5: memref<40x16xf32, #tpu.memory_space<vmem>>, %arg6: memref<125x16xf32, #tpu.memory_space<vmem>>, %arg7: memref<10000x16xf32, #tpu.memory_space<vmem_shared>>) attributes {dimension_semantics = [#tpu.dimension_semantics<core_parallel>, #tpu.dimension_semantics<subcore_parallel>], iteration_bounds = array<i64: 2, 16>, scalar_prefetch = 0 : i64, scratch_operands = 4 : i64, tpu.core_type = #tpu.core_type<sc_vector_subcore>, window_params = [{transform_indices = #map}, {transform_indices = #map}]} {
    %mul3A = arith.constant 16 : i32
    %mul3A_0 = arith.muli %arg0, %mul3A : i32
    %add3A = arith.addi %mul3A_0, %arg1 : i32
    %scan3A = arith.constant 0 : i32
    %scan3A_1 = arith.constant 0 : i32
    %scan3A_2 = arith.constant 40 : i32
    %scan3A_3 = arith.addi %scan3A_1, %scan3A_2 : i32
    %scan3A_4 = arith.constant 1 : i32
    scf.for %scan3A_27 = %scan3A_1 to %scan3A_3 step %scan3A_4  : i32 {
      %broadcast_in_dim3A = arith.constant 1.000000e+00 : f32
      %broadcast_in_dim3A_28 = vector.broadcast %broadcast_in_dim3A : f32 to vector<16xf32>
      %swap3A = arith.index_cast %scan3A_27 : i32 to index
      %swap3A_29 = arith.constant 0 : index
      %swap3A_30 = tpu.vector_load %arg5[%swap3A, %swap3A_29] {strides = array<i32>} : memref<40x16xf32, #tpu.memory_space<vmem>>, vector<1x16xf32>,
      %swap3A_31 = vector.shape_cast %swap3A_30 : vector<1x16xf32> to vector<16xf32>
      %swap3A_32 = vector.shape_cast %broadcast_in_dim3A_28 : vector<16xf32> to vector<1x16xf32>
      tpu.vector_store %arg5[%swap3A, %swap3A_29], %swap3A_32 {strides = array<i32>} : memref<40x16xf32, #tpu.memory_space<vmem>>, vector<1x16xf32>,
    }
    %scan3A_5 = arith.constant 40 : i32
    %scan3A_6 = arith.constant 0 : i32
    %scan3A_7 = arith.constant 0 : i32
    %scan3A_8 = arith.constant 125 : i32
    %scan3A_9 = arith.addi %scan3A_7, %scan3A_8 : i32
    %scan3A_10 = arith.constant 1 : i32
    scf.for %scan3A_27 = %scan3A_7 to %scan3A_9 step %scan3A_10  : i32 {
      %broadcast_in_dim3A = arith.constant 0.000000e+00 : f32
      %broadcast_in_dim3A_28 = vector.broadcast %broadcast_in_dim3A : f32 to vector<16xf32>
      %swap3A = arith.index_cast %scan3A_27 : i32 to index
      %swap3A_29 = arith.constant 0 : index
      %swap3A_30 = tpu.vector_load %arg6[%swap3A, %swap3A_29] {strides = array<i32>} : memref<125x16xf32, #tpu.memory_space<vmem>>, vector<1x16xf32>,
      %swap3A_31 = vector.shape_cast %swap3A_30 : vector<1x16xf32> to vector<16xf32>
      %swap3A_32 = vector.shape_cast %broadcast_in_dim3A_28 : vector<16xf32> to vector<1x16xf32>
      tpu.vector_store %arg6[%swap3A, %swap3A_29], %swap3A_32 {strides = array<i32>} : memref<125x16xf32, #tpu.memory_space<vmem>>, vector<1x16xf32>,
    }
    %scan3A_11 = arith.constant 125 : i32
    %mul3A_12 = arith.constant 625 : i32
    %mul3A_13 = arith.muli %arg1, %mul3A_12 : i32
    %scan3A_14 = arith.constant 0 : i32
    %scan3A_15 = arith.constant 0 : i32
    %scan3A_16 = arith.constant 5 : i32
    %scan3A_17 = arith.addi %scan3A_15, %scan3A_16 : i32
    %scan3A_18 = arith.constant 1 : i32
    scf.for %scan3A_27 = %scan3A_15 to %scan3A_17 step %scan3A_18  : i32 {
      %mul3A_28 = arith.constant 125 : i32
      %mul3A_29 = arith.muli %scan3A_27, %mul3A_28 : i32
      %add3A_30 = arith.addi %mul3A_13, %mul3A_29 : i32
      "tpu.region"() ({
        %run_scoped3A = tpu.sem_alloc : memref<!tpu.dma_semaphore, #tpu.memory_space<semaphore_mem>>
        %dma_start3A = arith.constant 0 : i32
        %dma_start3A_31 = tpu.memref_slice %arg7[%add3A_30, %dma_start3A] : memref<10000x16xf32, #tpu.memory_space<vmem_shared>> -> memref<125x16xf32, #tpu.memory_space<vmem_shared>>
        %dma_start3A_32 = arith.constant 0 : i32
        %dma_start3A_33 = tpu.memref_slice %arg7[%add3A_30, %dma_start3A_32] : memref<10000x16xf32, #tpu.memory_space<vmem_shared>> -> memref<125x16xf32, #tpu.memory_space<vmem_shared>>
        tpu.enqueue_dma source(%arg6 : memref<125x16xf32, #tpu.memory_space<vmem>>) target(%dma_start3A_33 : memref<125x16xf32, #tpu.memory_space<vmem_shared>>) target_semaphore(%run_scoped3A : memref<!tpu.dma_semaphore, #tpu.memory_space<semaphore_mem>>)
        %dma_wait3A = arith.constant 0 : i32
        %dma_wait3A_34 = tpu.memref_slice %arg7[%add3A_30, %dma_wait3A] : memref<10000x16xf32, #tpu.memory_space<vmem_shared>> -> memref<125x16xf32, #tpu.memory_space<vmem_shared>>
        %dma_wait3A_35 = arith.constant 0 : i32
        %dma_wait3A_36 = tpu.memref_slice %arg7[%add3A_30, %dma_wait3A_35] : memref<10000x16xf32, #tpu.memory_space<vmem_shared>> -> memref<125x16xf32, #tpu.memory_space<vmem_shared>>
        tpu.wait_dma2 semaphore(%run_scoped3A : memref<!tpu.dma_semaphore, #tpu.memory_space<semaphore_mem>>) src(%arg6 : memref<125x16xf32, #tpu.memory_space<vmem>>) dst(%dma_wait3A_36 : memref<125x16xf32, #tpu.memory_space<vmem_shared>>)
        tpu.yield
      }) : () -> ()
    }
    %scan3A_19 = arith.constant 5 : i32
    "tpu.region"() ({
      %run_scoped3A = tpu.sem_alloc : memref<!tpu.dma_semaphore, #tpu.memory_space<semaphore_mem>>
      %dma_start3A = arith.constant 0 : i32
      %dma_start3A_27 = arith.constant 0 : i32
      %dma_start3A_28 = tpu.memref_slice %arg2[%add3A, %dma_start3A, %dma_start3A_27] : memref<32x250x40xi32, #tpu.memory_space<hbm>> -> memref<1x250x40xi32, #tpu.memory_space<hbm>>
      %dma_start3A_29 = tpu.memref_squeeze %dma_start3A_28 : memref<1x250x40xi32, #tpu.memory_space<hbm>> -> memref<250x40xi32, #tpu.memory_space<hbm>>
      %dma_start3A_30 = arith.constant 0 : i32
      %dma_start3A_31 = arith.constant 0 : i32
      %dma_start3A_32 = tpu.memref_slice %arg2[%add3A, %dma_start3A_30, %dma_start3A_31] : memref<32x250x40xi32, #tpu.memory_space<hbm>> -> memref<1x250x40xi32, #tpu.memory_space<hbm>>
      %dma_start3A_33 = tpu.memref_squeeze %dma_start3A_32 : memref<1x250x40xi32, #tpu.memory_space<hbm>> -> memref<250x40xi32, #tpu.memory_space<hbm>>
      tpu.enqueue_dma source(%dma_start3A_33 : memref<250x40xi32, #tpu.memory_space<hbm>>) target(%arg4 : memref<250x40xi32, #tpu.memory_space<vmem>>) target_semaphore(%run_scoped3A : memref<!tpu.dma_semaphore, #tpu.memory_space<semaphore_mem>>)
      %dma_wait3A = arith.constant 0 : i32
      %dma_wait3A_34 = arith.constant 0 : i32
      %dma_wait3A_35 = tpu.memref_slice %arg2[%add3A, %dma_wait3A, %dma_wait3A_34] : memref<32x250x40xi32, #tpu.memory_space<hbm>> -> memref<1x250x40xi32, #tpu.memory_space<hbm>>
      %dma_wait3A_36 = tpu.memref_squeeze %dma_wait3A_35 : memref<1x250x40xi32, #tpu.memory_space<hbm>> -> memref<250x40xi32, #tpu.memory_space<hbm>>
      %dma_wait3A_37 = arith.constant 0 : i32
      %dma_wait3A_38 = arith.constant 0 : i32
      %dma_wait3A_39 = tpu.memref_slice %arg2[%add3A, %dma_wait3A_37, %dma_wait3A_38] : memref<32x250x40xi32, #tpu.memory_space<hbm>> -> memref<1x250x40xi32, #tpu.memory_space<hbm>>
      %dma_wait3A_40 = tpu.memref_squeeze %dma_wait3A_39 : memref<1x250x40xi32, #tpu.memory_space<hbm>> -> memref<250x40xi32, #tpu.memory_space<hbm>>
      tpu.wait_dma2 semaphore(%run_scoped3A : memref<!tpu.dma_semaphore, #tpu.memory_space<semaphore_mem>>) src(%dma_wait3A_40 : memref<250x40xi32, #tpu.memory_space<hbm>>) dst(%arg4 : memref<250x40xi32, #tpu.memory_space<vmem>>)
      tpu.yield
    }) : () -> ()
    %barrier3A = arith.constant 0 : index
    tpu.barrier barrier_id(%barrier3A)
    %scan3A_20 = arith.constant 0 : i32
    %scan3A_21 = arith.constant 0 : i32
    %scan3A_22 = arith.constant 250 : i32
    %scan3A_23 = arith.addi %scan3A_21, %scan3A_22 : i32
    %scan3A_24 = arith.constant 1 : i32
    scf.for %scan3A_27 = %scan3A_21 to %scan3A_23 step %scan3A_24  : i32 {
      "tpu.region"() ({
        %run_scoped3A = tpu.sem_alloc : memref<!tpu.dma_semaphore, #tpu.memory_space<semaphore_mem>>
        %dma_start3A = arith.constant 0 : i32
        %dma_start3A_28 = tpu.memref_slice %arg4[%scan3A_27, %dma_start3A] : memref<250x40xi32, #tpu.memory_space<vmem>> -> memref<1x40xi32, #tpu.memory_space<vmem>>
        %dma_start3A_29 = tpu.memref_squeeze %dma_start3A_28 : memref<1x40xi32, #tpu.memory_space<vmem>> -> memref<40xi32, #tpu.memory_space<vmem>>
        %dma_start3A_30 = arith.constant 0 : i32
        %dma_start3A_31 = arith.constant 0 : i32
        %dma_start3A_32 = tpu.memref_slice %arg7[%dma_start3A_30, %dma_start3A_31] : memref<10000x16xf32, #tpu.memory_space<vmem_shared>> -> memref<10000x16xf32, #tpu.memory_space<vmem_shared>>
        tpu.enqueue_indirect_dma source(%arg5 : memref<40x16xf32, #tpu.memory_space<vmem>>) target(%dma_start3A_32 : memref<10000x16xf32, #tpu.memory_space<vmem_shared>>) offsets(%dma_start3A_29 : memref<40xi32, #tpu.memory_space<vmem>>) semaphore(%run_scoped3A : memref<!tpu.dma_semaphore, #tpu.memory_space<semaphore_mem>>) {add = true}
        %dma_wait3A = arith.constant 0 : i32
        %dma_wait3A_33 = tpu.memref_slice %arg4[%scan3A_27, %dma_wait3A] : memref<250x40xi32, #tpu.memory_space<vmem>> -> memref<1x40xi32, #tpu.memory_space<vmem>>
        %dma_wait3A_34 = tpu.memref_squeeze %dma_wait3A_33 : memref<1x40xi32, #tpu.memory_space<vmem>> -> memref<40xi32, #tpu.memory_space<vmem>>
        %dma_wait3A_35 = arith.constant 0 : i32
        %dma_wait3A_36 = arith.constant 0 : i32
        %dma_wait3A_37 = tpu.memref_slice %arg7[%dma_wait3A_35, %dma_wait3A_36] : memref<10000x16xf32, #tpu.memory_space<vmem_shared>> -> memref<10000x16xf32, #tpu.memory_space<vmem_shared>>
        tpu.wait_indirect_dma semaphore(%run_scoped3A : memref<!tpu.dma_semaphore, #tpu.memory_space<semaphore_mem>>) src(%arg5 : memref<40x16xf32, #tpu.memory_space<vmem>>) dst(%dma_wait3A_37 : memref<10000x16xf32, #tpu.memory_space<vmem_shared>>)
        tpu.yield
      }) : () -> ()
    }
    %scan3A_25 = arith.constant 250 : i32
    %barrier3A_26 = arith.constant 0 : index
    tpu.barrier barrier_id(%barrier3A_26)
    "tpu.region"() ({
      %run_scoped3A = tpu.sem_alloc : memref<!tpu.dma_semaphore, #tpu.memory_space<semaphore_mem>>
      %dma_start3A = arith.constant 0 : i32
      %dma_start3A_27 = tpu.memref_slice %arg3[%arg0, %mul3A_13, %dma_start3A] : memref<2x10000x16xf32, #tpu.memory_space<hbm>> -> memref<1x625x16xf32, #tpu.memory_space<hbm>>
      %dma_start3A_28 = tpu.memref_squeeze %dma_start3A_27 : memref<1x625x16xf32, #tpu.memory_space<hbm>> -> memref<625x16xf32, #tpu.memory_space<hbm>>
      %dma_start3A_29 = arith.constant 0 : i32
      %dma_start3A_30 = tpu.memref_slice %arg7[%mul3A_13, %dma_start3A_29] : memref<10000x16xf32, #tpu.memory_space<vmem_shared>> -> memref<625x16xf32, #tpu.memory_space<vmem_shared>>
      tpu.enqueue_dma source(%dma_start3A_30 : memref<625x16xf32, #tpu.memory_space<vmem_shared>>) target(%dma_start3A_28 : memref<625x16xf32, #tpu.memory_space<hbm>>) target_semaphore(%run_scoped3A : memref<!tpu.dma_semaphore, #tpu.memory_space<semaphore_mem>>)
      %dma_wait3A = arith.constant 0 : i32
      %dma_wait3A_31 = tpu.memref_slice %arg3[%arg0, %mul3A_13, %dma_wait3A] : memref<2x10000x16xf32, #tpu.memory_space<hbm>> -> memref<1x625x16xf32, #tpu.memory_space<hbm>>
      %dma_wait3A_32 = tpu.memref_squeeze %dma_wait3A_31 : memref<1x625x16xf32, #tpu.memory_space<hbm>> -> memref<625x16xf32, #tpu.memory_space<hbm>>
      %dma_wait3A_33 = arith.constant 0 : i32
      %dma_wait3A_34 = tpu.memref_slice %arg7[%mul3A_13, %dma_wait3A_33] : memref<10000x16xf32, #tpu.memory_space<vmem_shared>> -> memref<625x16xf32, #tpu.memory_space<vmem_shared>>
      tpu.wait_dma2 semaphore(%run_scoped3A : memref<!tpu.dma_semaphore, #tpu.memory_space<semaphore_mem>>) src(%dma_wait3A_34 : memref<625x16xf32, #tpu.memory_space<vmem_shared>>) dst(%dma_wait3A_32 : memref<625x16xf32, #tpu.memory_space<hbm>>)
      tpu.yield
    }) : () -> ()
    return
  }
}

#map = affine_map<(d0, d1) -> (0, 0)>
#map1 = affine_map<(d0, d1) -> (0, 0, 0, 0)>
#map2 = affine_map<(d0, d1) -> (0, 0, 0)>
module attributes {stable_mosaic.version = 14 : i64} {
  func.func @k(%arg0: i32, %arg1: i32, %arg2: memref<10000x128xf32, #tpu.memory_space<hbm>>, %arg3: memref<10000x128xf32, #tpu.memory_space<hbm>>, %arg4: memref<32x250x40x128xf32, #tpu.memory_space<hbm>>, %arg5: memref<32x250x40xi32, #tpu.memory_space<hbm>>, %arg6: memref<32x250x40xi32, #tpu.memory_space<hbm>>, %arg7: memref<2x10000x128xf32, #tpu.memory_space<hbm>>, %arg8: memref<50x40xi32, #tpu.memory_space<vmem>>, %arg9: memref<50x40xi32, #tpu.memory_space<vmem>>, %arg10: memref<40x128xf32, #tpu.memory_space<vmem>>, %arg11: memref<40x128xf32, #tpu.memory_space<vmem>>, %arg12: memref<40x128xf32, #tpu.memory_space<vmem>>, %arg13: memref<40x128xf32, #tpu.memory_space<vmem>>, %arg14: memref<40x128xf32, #tpu.memory_space<vmem>>, %arg15: memref<40x128xf32, #tpu.memory_space<vmem>>, %arg16: memref<25x128xf32, #tpu.memory_space<vmem>>, %arg17: memref<10000x128xf32, #tpu.memory_space<vmem_shared>>, %arg18: memref<!tpu.dma_semaphore, #tpu.memory_space<semaphore_mem>>) attributes {dimension_semantics = [#tpu.dimension_semantics<core_parallel>, #tpu.dimension_semantics<subcore_parallel>], iteration_bounds = array<i64: 2, 16>, scalar_prefetch = 0 : i64, scratch_operands = 11 : i64, tpu.core_type = #tpu.core_type<sc_vector_subcore>, window_params = [{transform_indices = #map}, {transform_indices = #map}, {transform_indices = #map1}, {transform_indices = #map2}, {transform_indices = #map2}, {transform_indices = #map2}]} {
    %mul3A = arith.constant 16 : i32
    %mul3A_0 = arith.muli %arg0, %mul3A : i32
    %add3A = arith.addi %mul3A_0, %arg1 : i32
    %scan3A = arith.constant 0 : i32
    %scan3A_1 = arith.constant 0 : i32
    %scan3A_2 = arith.constant 25 : i32
    %scan3A_3 = arith.addi %scan3A_1, %scan3A_2 : i32
    %scan3A_4 = arith.constant 1 : i32
    scf.for %scan3A_21 = %scan3A_1 to %scan3A_3 step %scan3A_4  : i32 {
      %broadcast_in_dim3A = arith.constant 0.000000e+00 : f32
      %broadcast_in_dim3A_22 = vector.broadcast %broadcast_in_dim3A : f32 to vector<16xf32>
      %swap3A = arith.index_cast %scan3A_21 : i32 to index
      %swap3A_23 = arith.constant 0 : index
      %swap3A_24 = tpu.vector_load %arg16[%swap3A, %swap3A_23] {strides = array<i32>} : memref<25x128xf32, #tpu.memory_space<vmem>>, vector<1x16xf32>,
      %swap3A_25 = vector.shape_cast %swap3A_24 : vector<1x16xf32> to vector<16xf32>
      %swap3A_26 = vector.shape_cast %broadcast_in_dim3A_22 : vector<16xf32> to vector<1x16xf32>
      tpu.vector_store %arg16[%swap3A, %swap3A_23], %swap3A_26 {strides = array<i32>} : memref<25x128xf32, #tpu.memory_space<vmem>>, vector<1x16xf32>,
      %broadcast_in_dim3A_27 = arith.constant 0.000000e+00 : f32
      %broadcast_in_dim3A_28 = vector.broadcast %broadcast_in_dim3A_27 : f32 to vector<16xf32>
      %swap3A_29 = arith.index_cast %scan3A_21 : i32 to index
      %swap3A_30 = arith.constant 16 : index
      %swap3A_31 = tpu.vector_load %arg16[%swap3A_29, %swap3A_30] {strides = array<i32>} : memref<25x128xf32, #tpu.memory_space<vmem>>, vector<1x16xf32>,
      %swap3A_32 = vector.shape_cast %swap3A_31 : vector<1x16xf32> to vector<16xf32>
      %swap3A_33 = vector.shape_cast %broadcast_in_dim3A_28 : vector<16xf32> to vector<1x16xf32>
      tpu.vector_store %arg16[%swap3A_29, %swap3A_30], %swap3A_33 {strides = array<i32>} : memref<25x128xf32, #tpu.memory_space<vmem>>, vector<1x16xf32>,
      %broadcast_in_dim3A_34 = arith.constant 0.000000e+00 : f32
      %broadcast_in_dim3A_35 = vector.broadcast %broadcast_in_dim3A_34 : f32 to vector<16xf32>
      %swap3A_36 = arith.index_cast %scan3A_21 : i32 to index
      %swap3A_37 = arith.constant 32 : index
      %swap3A_38 = tpu.vector_load %arg16[%swap3A_36, %swap3A_37] {strides = array<i32>} : memref<25x128xf32, #tpu.memory_space<vmem>>, vector<1x16xf32>,
      %swap3A_39 = vector.shape_cast %swap3A_38 : vector<1x16xf32> to vector<16xf32>
      %swap3A_40 = vector.shape_cast %broadcast_in_dim3A_35 : vector<16xf32> to vector<1x16xf32>
      tpu.vector_store %arg16[%swap3A_36, %swap3A_37], %swap3A_40 {strides = array<i32>} : memref<25x128xf32, #tpu.memory_space<vmem>>, vector<1x16xf32>,
      %broadcast_in_dim3A_41 = arith.constant 0.000000e+00 : f32
      %broadcast_in_dim3A_42 = vector.broadcast %broadcast_in_dim3A_41 : f32 to vector<16xf32>
      %swap3A_43 = arith.index_cast %scan3A_21 : i32 to index
      %swap3A_44 = arith.constant 48 : index
      %swap3A_45 = tpu.vector_load %arg16[%swap3A_43, %swap3A_44] {strides = array<i32>} : memref<25x128xf32, #tpu.memory_space<vmem>>, vector<1x16xf32>,
      %swap3A_46 = vector.shape_cast %swap3A_45 : vector<1x16xf32> to vector<16xf32>
      %swap3A_47 = vector.shape_cast %broadcast_in_dim3A_42 : vector<16xf32> to vector<1x16xf32>
      tpu.vector_store %arg16[%swap3A_43, %swap3A_44], %swap3A_47 {strides = array<i32>} : memref<25x128xf32, #tpu.memory_space<vmem>>, vector<1x16xf32>,
      %broadcast_in_dim3A_48 = arith.constant 0.000000e+00 : f32
      %broadcast_in_dim3A_49 = vector.broadcast %broadcast_in_dim3A_48 : f32 to vector<16xf32>
      %swap3A_50 = arith.index_cast %scan3A_21 : i32 to index
      %swap3A_51 = arith.constant 64 : index
      %swap3A_52 = tpu.vector_load %arg16[%swap3A_50, %swap3A_51] {strides = array<i32>} : memref<25x128xf32, #tpu.memory_space<vmem>>, vector<1x16xf32>,
      %swap3A_53 = vector.shape_cast %swap3A_52 : vector<1x16xf32> to vector<16xf32>
      %swap3A_54 = vector.shape_cast %broadcast_in_dim3A_49 : vector<16xf32> to vector<1x16xf32>
      tpu.vector_store %arg16[%swap3A_50, %swap3A_51], %swap3A_54 {strides = array<i32>} : memref<25x128xf32, #tpu.memory_space<vmem>>, vector<1x16xf32>,
      %broadcast_in_dim3A_55 = arith.constant 0.000000e+00 : f32
      %broadcast_in_dim3A_56 = vector.broadcast %broadcast_in_dim3A_55 : f32 to vector<16xf32>
      %swap3A_57 = arith.index_cast %scan3A_21 : i32 to index
      %swap3A_58 = arith.constant 80 : index
      %swap3A_59 = tpu.vector_load %arg16[%swap3A_57, %swap3A_58] {strides = array<i32>} : memref<25x128xf32, #tpu.memory_space<vmem>>, vector<1x16xf32>,
      %swap3A_60 = vector.shape_cast %swap3A_59 : vector<1x16xf32> to vector<16xf32>
      %swap3A_61 = vector.shape_cast %broadcast_in_dim3A_56 : vector<16xf32> to vector<1x16xf32>
      tpu.vector_store %arg16[%swap3A_57, %swap3A_58], %swap3A_61 {strides = array<i32>} : memref<25x128xf32, #tpu.memory_space<vmem>>, vector<1x16xf32>,
      %broadcast_in_dim3A_62 = arith.constant 0.000000e+00 : f32
      %broadcast_in_dim3A_63 = vector.broadcast %broadcast_in_dim3A_62 : f32 to vector<16xf32>
      %swap3A_64 = arith.index_cast %scan3A_21 : i32 to index
      %swap3A_65 = arith.constant 96 : index
      %swap3A_66 = tpu.vector_load %arg16[%swap3A_64, %swap3A_65] {strides = array<i32>} : memref<25x128xf32, #tpu.memory_space<vmem>>, vector<1x16xf32>,
      %swap3A_67 = vector.shape_cast %swap3A_66 : vector<1x16xf32> to vector<16xf32>
      %swap3A_68 = vector.shape_cast %broadcast_in_dim3A_63 : vector<16xf32> to vector<1x16xf32>
      tpu.vector_store %arg16[%swap3A_64, %swap3A_65], %swap3A_68 {strides = array<i32>} : memref<25x128xf32, #tpu.memory_space<vmem>>, vector<1x16xf32>,
      %broadcast_in_dim3A_69 = arith.constant 0.000000e+00 : f32
      %broadcast_in_dim3A_70 = vector.broadcast %broadcast_in_dim3A_69 : f32 to vector<16xf32>
      %swap3A_71 = arith.index_cast %scan3A_21 : i32 to index
      %swap3A_72 = arith.constant 112 : index
      %swap3A_73 = tpu.vector_load %arg16[%swap3A_71, %swap3A_72] {strides = array<i32>} : memref<25x128xf32, #tpu.memory_space<vmem>>, vector<1x16xf32>,
      %swap3A_74 = vector.shape_cast %swap3A_73 : vector<1x16xf32> to vector<16xf32>
      %swap3A_75 = vector.shape_cast %broadcast_in_dim3A_70 : vector<16xf32> to vector<1x16xf32>
      tpu.vector_store %arg16[%swap3A_71, %swap3A_72], %swap3A_75 {strides = array<i32>} : memref<25x128xf32, #tpu.memory_space<vmem>>, vector<1x16xf32>,
    }
    %scan3A_5 = arith.constant 25 : i32
    %mul3A_6 = arith.constant 625 : i32
    %mul3A_7 = arith.muli %arg1, %mul3A_6 : i32
    %scan3A_8 = arith.constant 0 : i32
    %scan3A_9 = arith.constant 0 : i32
    %scan3A_10 = arith.constant 25 : i32
    %scan3A_11 = arith.addi %scan3A_9, %scan3A_10 : i32
    %scan3A_12 = arith.constant 1 : i32
    scf.for %scan3A_21 = %scan3A_9 to %scan3A_11 step %scan3A_12  : i32 {
      %mul3A_22 = arith.constant 25 : i32
      %mul3A_23 = arith.muli %scan3A_21, %mul3A_22 : i32
      %add3A_24 = arith.addi %mul3A_7, %mul3A_23 : i32
      "tpu.region"() ({
        %run_scoped3A = tpu.sem_alloc : memref<!tpu.dma_semaphore, #tpu.memory_space<semaphore_mem>>
        %dma_start3A = arith.constant 0 : i32
        %dma_start3A_25 = tpu.memref_slice %arg17[%add3A_24, %dma_start3A] : memref<10000x128xf32, #tpu.memory_space<vmem_shared>> -> memref<25x128xf32, #tpu.memory_space<vmem_shared>>
        %dma_start3A_26 = arith.constant 0 : i32
        %dma_start3A_27 = tpu.memref_slice %arg17[%add3A_24, %dma_start3A_26] : memref<10000x128xf32, #tpu.memory_space<vmem_shared>> -> memref<25x128xf32, #tpu.memory_space<vmem_shared>>
        tpu.enqueue_dma source(%arg16 : memref<25x128xf32, #tpu.memory_space<vmem>>) target(%dma_start3A_27 : memref<25x128xf32, #tpu.memory_space<vmem_shared>>) target_semaphore(%run_scoped3A : memref<!tpu.dma_semaphore, #tpu.memory_space<semaphore_mem>>)
        %dma_wait3A = arith.constant 0 : i32
        %dma_wait3A_28 = tpu.memref_slice %arg17[%add3A_24, %dma_wait3A] : memref<10000x128xf32, #tpu.memory_space<vmem_shared>> -> memref<25x128xf32, #tpu.memory_space<vmem_shared>>
        %dma_wait3A_29 = arith.constant 0 : i32
        %dma_wait3A_30 = tpu.memref_slice %arg17[%add3A_24, %dma_wait3A_29] : memref<10000x128xf32, #tpu.memory_space<vmem_shared>> -> memref<25x128xf32, #tpu.memory_space<vmem_shared>>
        tpu.wait_dma2 semaphore(%run_scoped3A : memref<!tpu.dma_semaphore, #tpu.memory_space<semaphore_mem>>) src(%arg16 : memref<25x128xf32, #tpu.memory_space<vmem>>) dst(%dma_wait3A_30 : memref<25x128xf32, #tpu.memory_space<vmem_shared>>)
        tpu.yield
      }) : () -> ()
    }
    %scan3A_13 = arith.constant 25 : i32
    %barrier3A = arith.constant 0 : index
    tpu.barrier barrier_id(%barrier3A)
    %scan3A_14 = arith.constant 0 : i32
    %scan3A_15 = arith.constant 0 : i32
    %scan3A_16 = arith.constant 5 : i32
    %scan3A_17 = arith.addi %scan3A_15, %scan3A_16 : i32
    %scan3A_18 = arith.constant 1 : i32
    scf.for %scan3A_21 = %scan3A_15 to %scan3A_17 step %scan3A_18  : i32 {
      %mul3A_22 = arith.constant 50 : i32
      %mul3A_23 = arith.muli %scan3A_21, %mul3A_22 : i32
      "tpu.region"() ({
        %run_scoped3A = tpu.sem_alloc : memref<!tpu.dma_semaphore, #tpu.memory_space<semaphore_mem>>
        %dma_start3A = arith.constant 0 : i32
        %dma_start3A_32 = tpu.memref_slice %arg5[%add3A, %mul3A_23, %dma_start3A] : memref<32x250x40xi32, #tpu.memory_space<hbm>> -> memref<1x50x40xi32, #tpu.memory_space<hbm>>
        %dma_start3A_33 = tpu.memref_squeeze %dma_start3A_32 : memref<1x50x40xi32, #tpu.memory_space<hbm>> -> memref<50x40xi32, #tpu.memory_space<hbm>>
        %dma_start3A_34 = arith.constant 0 : i32
        %dma_start3A_35 = tpu.memref_slice %arg5[%add3A, %mul3A_23, %dma_start3A_34] : memref<32x250x40xi32, #tpu.memory_space<hbm>> -> memref<1x50x40xi32, #tpu.memory_space<hbm>>
        %dma_start3A_36 = tpu.memref_squeeze %dma_start3A_35 : memref<1x50x40xi32, #tpu.memory_space<hbm>> -> memref<50x40xi32, #tpu.memory_space<hbm>>
        tpu.enqueue_dma source(%dma_start3A_36 : memref<50x40xi32, #tpu.memory_space<hbm>>) target(%arg8 : memref<50x40xi32, #tpu.memory_space<vmem>>) target_semaphore(%run_scoped3A : memref<!tpu.dma_semaphore, #tpu.memory_space<semaphore_mem>>)
        %dma_wait3A = arith.constant 0 : i32
        %dma_wait3A_37 = tpu.memref_slice %arg5[%add3A, %mul3A_23, %dma_wait3A] : memref<32x250x40xi32, #tpu.memory_space<hbm>> -> memref<1x50x40xi32, #tpu.memory_space<hbm>>
        %dma_wait3A_38 = tpu.memref_squeeze %dma_wait3A_37 : memref<1x50x40xi32, #tpu.memory_space<hbm>> -> memref<50x40xi32, #tpu.memory_space<hbm>>
        %dma_wait3A_39 = arith.constant 0 : i32
        %dma_wait3A_40 = tpu.memref_slice %arg5[%add3A, %mul3A_23, %dma_wait3A_39] : memref<32x250x40xi32, #tpu.memory_space<hbm>> -> memref<1x50x40xi32, #tpu.memory_space<hbm>>
        %dma_wait3A_41 = tpu.memref_squeeze %dma_wait3A_40 : memref<1x50x40xi32, #tpu.memory_space<hbm>> -> memref<50x40xi32, #tpu.memory_space<hbm>>
        tpu.wait_dma2 semaphore(%run_scoped3A : memref<!tpu.dma_semaphore, #tpu.memory_space<semaphore_mem>>) src(%dma_wait3A_41 : memref<50x40xi32, #tpu.memory_space<hbm>>) dst(%arg8 : memref<50x40xi32, #tpu.memory_space<vmem>>)
        tpu.yield
      }) : () -> ()
      %mul3A_24 = arith.constant 50 : i32
      %mul3A_25 = arith.muli %scan3A_21, %mul3A_24 : i32
      "tpu.region"() ({
        %run_scoped3A = tpu.sem_alloc : memref<!tpu.dma_semaphore, #tpu.memory_space<semaphore_mem>>
        %dma_start3A = arith.constant 0 : i32
        %dma_start3A_32 = tpu.memref_slice %arg6[%add3A, %mul3A_25, %dma_start3A] : memref<32x250x40xi32, #tpu.memory_space<hbm>> -> memref<1x50x40xi32, #tpu.memory_space<hbm>>
        %dma_start3A_33 = tpu.memref_squeeze %dma_start3A_32 : memref<1x50x40xi32, #tpu.memory_space<hbm>> -> memref<50x40xi32, #tpu.memory_space<hbm>>
        %dma_start3A_34 = arith.constant 0 : i32
        %dma_start3A_35 = tpu.memref_slice %arg6[%add3A, %mul3A_25, %dma_start3A_34] : memref<32x250x40xi32, #tpu.memory_space<hbm>> -> memref<1x50x40xi32, #tpu.memory_space<hbm>>
        %dma_start3A_36 = tpu.memref_squeeze %dma_start3A_35 : memref<1x50x40xi32, #tpu.memory_space<hbm>> -> memref<50x40xi32, #tpu.memory_space<hbm>>
        tpu.enqueue_dma source(%dma_start3A_36 : memref<50x40xi32, #tpu.memory_space<hbm>>) target(%arg9 : memref<50x40xi32, #tpu.memory_space<vmem>>) target_semaphore(%run_scoped3A : memref<!tpu.dma_semaphore, #tpu.memory_space<semaphore_mem>>)
        %dma_wait3A = arith.constant 0 : i32
        %dma_wait3A_37 = tpu.memref_slice %arg6[%add3A, %mul3A_25, %dma_wait3A] : memref<32x250x40xi32, #tpu.memory_space<hbm>> -> memref<1x50x40xi32, #tpu.memory_space<hbm>>
        %dma_wait3A_38 = tpu.memref_squeeze %dma_wait3A_37 : memref<1x50x40xi32, #tpu.memory_space<hbm>> -> memref<50x40xi32, #tpu.memory_space<hbm>>
        %dma_wait3A_39 = arith.constant 0 : i32
        %dma_wait3A_40 = tpu.memref_slice %arg6[%add3A, %mul3A_25, %dma_wait3A_39] : memref<32x250x40xi32, #tpu.memory_space<hbm>> -> memref<1x50x40xi32, #tpu.memory_space<hbm>>
        %dma_wait3A_41 = tpu.memref_squeeze %dma_wait3A_40 : memref<1x50x40xi32, #tpu.memory_space<hbm>> -> memref<50x40xi32, #tpu.memory_space<hbm>>
        tpu.wait_dma2 semaphore(%run_scoped3A : memref<!tpu.dma_semaphore, #tpu.memory_space<semaphore_mem>>) src(%dma_wait3A_41 : memref<50x40xi32, #tpu.memory_space<hbm>>) dst(%arg9 : memref<50x40xi32, #tpu.memory_space<vmem>>)
        tpu.yield
      }) : () -> ()
      %scan3A_26 = arith.constant 0 : i32
      %scan3A_27 = arith.constant 0 : i32
      %scan3A_28 = arith.constant 25 : i32
      %scan3A_29 = arith.addi %scan3A_27, %scan3A_28 : i32
      %scan3A_30 = arith.constant 1 : i32
      scf.for %scan3A_32 = %scan3A_27 to %scan3A_29 step %scan3A_30  : i32 {
        %mul3A_33 = arith.constant 2 : i32
        %mul3A_34 = arith.muli %mul3A_33, %scan3A_32 : i32
        %add3A_35 = arith.constant 1 : i32
        %add3A_36 = arith.addi %mul3A_34, %add3A_35 : i32
        %mul3A_37 = arith.constant 50 : i32
        %mul3A_38 = arith.muli %scan3A_21, %mul3A_37 : i32
        %add3A_39 = arith.addi %mul3A_38, %mul3A_34 : i32
        %dma_start3A = arith.constant 0 : i32
        %dma_start3A_40 = arith.constant 0 : i32
        %dma_start3A_41 = tpu.memref_slice %arg4[%add3A, %add3A_39, %dma_start3A, %dma_start3A_40] : memref<32x250x40x128xf32, #tpu.memory_space<hbm>> -> memref<1x1x40x128xf32, #tpu.memory_space<hbm>>
        %dma_start3A_42 = tpu.memref_squeeze %dma_start3A_41 : memref<1x1x40x128xf32, #tpu.memory_space<hbm>> -> memref<40x128xf32, #tpu.memory_space<hbm>>
        %dma_start3A_43 = arith.constant 0 : i32
        %dma_start3A_44 = arith.constant 0 : i32
        %dma_start3A_45 = tpu.memref_slice %arg4[%add3A, %add3A_39, %dma_start3A_43, %dma_start3A_44] : memref<32x250x40x128xf32, #tpu.memory_space<hbm>> -> memref<1x1x40x128xf32, #tpu.memory_space<hbm>>
        %dma_start3A_46 = tpu.memref_squeeze %dma_start3A_45 : memref<1x1x40x128xf32, #tpu.memory_space<hbm>> -> memref<40x128xf32, #tpu.memory_space<hbm>>
        tpu.enqueue_dma source(%dma_start3A_46 : memref<40x128xf32, #tpu.memory_space<hbm>>) target(%arg10 : memref<40x128xf32, #tpu.memory_space<vmem>>) target_semaphore(%arg18 : memref<!tpu.dma_semaphore, #tpu.memory_space<semaphore_mem>>)
        %dma_start3A_47 = arith.constant 0 : i32
        %dma_start3A_48 = tpu.memref_slice %arg8[%mul3A_34, %dma_start3A_47] : memref<50x40xi32, #tpu.memory_space<vmem>> -> memref<1x40xi32, #tpu.memory_space<vmem>>
        %dma_start3A_49 = tpu.memref_squeeze %dma_start3A_48 : memref<1x40xi32, #tpu.memory_space<vmem>> -> memref<40xi32, #tpu.memory_space<vmem>>
        %dma_start3A_50 = arith.constant 0 : i32
        %dma_start3A_51 = arith.constant 0 : i32
        %dma_start3A_52 = tpu.memref_slice %arg2[%dma_start3A_50, %dma_start3A_51] : memref<10000x128xf32, #tpu.memory_space<hbm>> -> memref<10000x128xf32, #tpu.memory_space<hbm>>
        tpu.enqueue_indirect_dma source(%dma_start3A_52 : memref<10000x128xf32, #tpu.memory_space<hbm>>) target(%arg11 : memref<40x128xf32, #tpu.memory_space<vmem>>) offsets(%dma_start3A_49 : memref<40xi32, #tpu.memory_space<vmem>>) semaphore(%arg18 : memref<!tpu.dma_semaphore, #tpu.memory_space<semaphore_mem>>)
        %dma_start3A_53 = arith.constant 0 : i32
        %dma_start3A_54 = tpu.memref_slice %arg9[%mul3A_34, %dma_start3A_53] : memref<50x40xi32, #tpu.memory_space<vmem>> -> memref<1x40xi32, #tpu.memory_space<vmem>>
        %dma_start3A_55 = tpu.memref_squeeze %dma_start3A_54 : memref<1x40xi32, #tpu.memory_space<vmem>> -> memref<40xi32, #tpu.memory_space<vmem>>
        %dma_start3A_56 = arith.constant 0 : i32
        %dma_start3A_57 = arith.constant 0 : i32
        %dma_start3A_58 = tpu.memref_slice %arg3[%dma_start3A_56, %dma_start3A_57] : memref<10000x128xf32, #tpu.memory_space<hbm>> -> memref<10000x128xf32, #tpu.memory_space<hbm>>
        tpu.enqueue_indirect_dma source(%dma_start3A_58 : memref<10000x128xf32, #tpu.memory_space<hbm>>) target(%arg12 : memref<40x128xf32, #tpu.memory_space<vmem>>) offsets(%dma_start3A_55 : memref<40xi32, #tpu.memory_space<vmem>>) semaphore(%arg18 : memref<!tpu.dma_semaphore, #tpu.memory_space<semaphore_mem>>)
        %add3A_59 = arith.constant 1 : i32
        %add3A_60 = arith.addi %add3A_39, %add3A_59 : i32
        %dma_start3A_61 = arith.constant 0 : i32
        %dma_start3A_62 = arith.constant 0 : i32
        %dma_start3A_63 = tpu.memref_slice %arg4[%add3A, %add3A_60, %dma_start3A_61, %dma_start3A_62] : memref<32x250x40x128xf32, #tpu.memory_space<hbm>> -> memref<1x1x40x128xf32, #tpu.memory_space<hbm>>
        %dma_start3A_64 = tpu.memref_squeeze %dma_start3A_63 : memref<1x1x40x128xf32, #tpu.memory_space<hbm>> -> memref<40x128xf32, #tpu.memory_space<hbm>>
        %dma_start3A_65 = arith.constant 0 : i32
        %dma_start3A_66 = arith.constant 0 : i32
        %dma_start3A_67 = tpu.memref_slice %arg4[%add3A, %add3A_60, %dma_start3A_65, %dma_start3A_66] : memref<32x250x40x128xf32, #tpu.memory_space<hbm>> -> memref<1x1x40x128xf32, #tpu.memory_space<hbm>>
        %dma_start3A_68 = tpu.memref_squeeze %dma_start3A_67 : memref<1x1x40x128xf32, #tpu.memory_space<hbm>> -> memref<40x128xf32, #tpu.memory_space<hbm>>
        tpu.enqueue_dma source(%dma_start3A_68 : memref<40x128xf32, #tpu.memory_space<hbm>>) target(%arg13 : memref<40x128xf32, #tpu.memory_space<vmem>>) target_semaphore(%arg18 : memref<!tpu.dma_semaphore, #tpu.memory_space<semaphore_mem>>)
        %dma_start3A_69 = arith.constant 0 : i32
        %dma_start3A_70 = tpu.memref_slice %arg8[%add3A_36, %dma_start3A_69] : memref<50x40xi32, #tpu.memory_space<vmem>> -> memref<1x40xi32, #tpu.memory_space<vmem>>
        %dma_start3A_71 = tpu.memref_squeeze %dma_start3A_70 : memref<1x40xi32, #tpu.memory_space<vmem>> -> memref<40xi32, #tpu.memory_space<vmem>>
        %dma_start3A_72 = arith.constant 0 : i32
        %dma_start3A_73 = arith.constant 0 : i32
        %dma_start3A_74 = tpu.memref_slice %arg2[%dma_start3A_72, %dma_start3A_73] : memref<10000x128xf32, #tpu.memory_space<hbm>> -> memref<10000x128xf32, #tpu.memory_space<hbm>>
        tpu.enqueue_indirect_dma source(%dma_start3A_74 : memref<10000x128xf32, #tpu.memory_space<hbm>>) target(%arg14 : memref<40x128xf32, #tpu.memory_space<vmem>>) offsets(%dma_start3A_71 : memref<40xi32, #tpu.memory_space<vmem>>) semaphore(%arg18 : memref<!tpu.dma_semaphore, #tpu.memory_space<semaphore_mem>>)
        %dma_start3A_75 = arith.constant 0 : i32
        %dma_start3A_76 = tpu.memref_slice %arg9[%add3A_36, %dma_start3A_75] : memref<50x40xi32, #tpu.memory_space<vmem>> -> memref<1x40xi32, #tpu.memory_space<vmem>>
        %dma_start3A_77 = tpu.memref_squeeze %dma_start3A_76 : memref<1x40xi32, #tpu.memory_space<vmem>> -> memref<40xi32, #tpu.memory_space<vmem>>
        %dma_start3A_78 = arith.constant 0 : i32
        %dma_start3A_79 = arith.constant 0 : i32
        %dma_start3A_80 = tpu.memref_slice %arg3[%dma_start3A_78, %dma_start3A_79] : memref<10000x128xf32, #tpu.memory_space<hbm>> -> memref<10000x128xf32, #tpu.memory_space<hbm>>
        tpu.enqueue_indirect_dma source(%dma_start3A_80 : memref<10000x128xf32, #tpu.memory_space<hbm>>) target(%arg15 : memref<40x128xf32, #tpu.memory_space<vmem>>) offsets(%dma_start3A_77 : memref<40xi32, #tpu.memory_space<vmem>>) semaphore(%arg18 : memref<!tpu.dma_semaphore, #tpu.memory_space<semaphore_mem>>)
        %dma_wait3A = arith.constant 0 : i32
        %dma_wait3A_81 = arith.constant 0 : i32
        %dma_wait3A_82 = tpu.memref_slice %arg4[%add3A, %add3A_39, %dma_wait3A, %dma_wait3A_81] : memref<32x250x40x128xf32, #tpu.memory_space<hbm>> -> memref<1x1x40x128xf32, #tpu.memory_space<hbm>>
        %dma_wait3A_83 = tpu.memref_squeeze %dma_wait3A_82 : memref<1x1x40x128xf32, #tpu.memory_space<hbm>> -> memref<40x128xf32, #tpu.memory_space<hbm>>
        %dma_wait3A_84 = arith.constant 0 : i32
        %dma_wait3A_85 = arith.constant 0 : i32
        %dma_wait3A_86 = tpu.memref_slice %arg4[%add3A, %add3A_39, %dma_wait3A_84, %dma_wait3A_85] : memref<32x250x40x128xf32, #tpu.memory_space<hbm>> -> memref<1x1x40x128xf32, #tpu.memory_space<hbm>>
        %dma_wait3A_87 = tpu.memref_squeeze %dma_wait3A_86 : memref<1x1x40x128xf32, #tpu.memory_space<hbm>> -> memref<40x128xf32, #tpu.memory_space<hbm>>
        tpu.wait_dma2 semaphore(%arg18 : memref<!tpu.dma_semaphore, #tpu.memory_space<semaphore_mem>>) src(%dma_wait3A_87 : memref<40x128xf32, #tpu.memory_space<hbm>>) dst(%arg10 : memref<40x128xf32, #tpu.memory_space<vmem>>)
        %dma_wait3A_88 = arith.constant 0 : i32
        %dma_wait3A_89 = tpu.memref_slice %arg8[%mul3A_34, %dma_wait3A_88] : memref<50x40xi32, #tpu.memory_space<vmem>> -> memref<1x40xi32, #tpu.memory_space<vmem>>
        %dma_wait3A_90 = tpu.memref_squeeze %dma_wait3A_89 : memref<1x40xi32, #tpu.memory_space<vmem>> -> memref<40xi32, #tpu.memory_space<vmem>>
        %dma_wait3A_91 = arith.constant 0 : i32
        %dma_wait3A_92 = arith.constant 0 : i32
        %dma_wait3A_93 = tpu.memref_slice %arg2[%dma_wait3A_91, %dma_wait3A_92] : memref<10000x128xf32, #tpu.memory_space<hbm>> -> memref<10000x128xf32, #tpu.memory_space<hbm>>
        tpu.wait_indirect_dma semaphore(%arg18 : memref<!tpu.dma_semaphore, #tpu.memory_space<semaphore_mem>>) src(%dma_wait3A_93 : memref<10000x128xf32, #tpu.memory_space<hbm>>) dst(%arg11 : memref<40x128xf32, #tpu.memory_space<vmem>>)
        %dma_wait3A_94 = arith.constant 0 : i32
        %dma_wait3A_95 = tpu.memref_slice %arg9[%mul3A_34, %dma_wait3A_94] : memref<50x40xi32, #tpu.memory_space<vmem>> -> memref<1x40xi32, #tpu.memory_space<vmem>>
        %dma_wait3A_96 = tpu.memref_squeeze %dma_wait3A_95 : memref<1x40xi32, #tpu.memory_space<vmem>> -> memref<40xi32, #tpu.memory_space<vmem>>
        %dma_wait3A_97 = arith.constant 0 : i32
        %dma_wait3A_98 = arith.constant 0 : i32
        %dma_wait3A_99 = tpu.memref_slice %arg3[%dma_wait3A_97, %dma_wait3A_98] : memref<10000x128xf32, #tpu.memory_space<hbm>> -> memref<10000x128xf32, #tpu.memory_space<hbm>>
        tpu.wait_indirect_dma semaphore(%arg18 : memref<!tpu.dma_semaphore, #tpu.memory_space<semaphore_mem>>) src(%dma_wait3A_99 : memref<10000x128xf32, #tpu.memory_space<hbm>>) dst(%arg12 : memref<40x128xf32, #tpu.memory_space<vmem>>)
        %scan3A_100 = arith.constant 0 : i32
        %scan3A_101 = arith.constant 0 : i32
        %scan3A_102 = arith.constant 40 : i32
        %scan3A_103 = arith.addi %scan3A_101, %scan3A_102 : i32
        %scan3A_104 = arith.constant 1 : i32
        scf.for %scan3A_132 = %scan3A_101 to %scan3A_103 step %scan3A_104  : i32 {
          %get3A = arith.index_cast %scan3A_132 : i32 to index
          %get3A_133 = arith.constant 0 : index
          %get3A_134 = tpu.vector_load %arg10[%get3A, %get3A_133] {strides = array<i32>} : memref<40x128xf32, #tpu.memory_space<vmem>>, vector<1x16xf32>,
          %get3A_135 = vector.shape_cast %get3A_134 : vector<1x16xf32> to vector<16xf32>
          %get3A_136 = arith.index_cast %scan3A_132 : i32 to index
          %get3A_137 = arith.constant 0 : index
          %get3A_138 = tpu.vector_load %arg11[%get3A_136, %get3A_137] {strides = array<i32>} : memref<40x128xf32, #tpu.memory_space<vmem>>, vector<1x16xf32>,
          %get3A_139 = vector.shape_cast %get3A_138 : vector<1x16xf32> to vector<16xf32>
          %add3A_140 = arith.addf %get3A_135, %get3A_139 : vector<16xf32>
          %get3A_141 = arith.index_cast %scan3A_132 : i32 to index
          %get3A_142 = arith.constant 0 : index
          %get3A_143 = tpu.vector_load %arg12[%get3A_141, %get3A_142] {strides = array<i32>} : memref<40x128xf32, #tpu.memory_space<vmem>>, vector<1x16xf32>,
          %get3A_144 = vector.shape_cast %get3A_143 : vector<1x16xf32> to vector<16xf32>
          %add3A_145 = arith.addf %add3A_140, %get3A_144 : vector<16xf32>
          %neg3A = arith.constant 0.000000e+00 : f32
          %neg3A_146 = vector.broadcast %neg3A : f32 to vector<16xf32>
          %neg3A_147 = arith.subf %neg3A_146, %add3A_145 : vector<16xf32>
          %exp3A = math.exp %neg3A_147 : vector<16xf32>
          %add3A_148 = arith.constant 1.000000e+00 : f32
          %add3A_149 = vector.broadcast %add3A_148 : f32 to vector<16xf32>
          %add3A_150 = arith.addf %add3A_149, %exp3A : vector<16xf32>
          %div3A = arith.divf %add3A_145, %add3A_150 : vector<16xf32>
          %swap3A = arith.index_cast %scan3A_132 : i32 to index
          %swap3A_151 = arith.constant 0 : index
          %swap3A_152 = tpu.vector_load %arg10[%swap3A, %swap3A_151] {strides = array<i32>} : memref<40x128xf32, #tpu.memory_space<vmem>>, vector<1x16xf32>,
          %swap3A_153 = vector.shape_cast %swap3A_152 : vector<1x16xf32> to vector<16xf32>
          %swap3A_154 = vector.shape_cast %div3A : vector<16xf32> to vector<1x16xf32>
          tpu.vector_store %arg10[%swap3A, %swap3A_151], %swap3A_154 {strides = array<i32>} : memref<40x128xf32, #tpu.memory_space<vmem>>, vector<1x16xf32>,
          %get3A_155 = arith.index_cast %scan3A_132 : i32 to index
          %get3A_156 = arith.constant 16 : index
          %get3A_157 = tpu.vector_load %arg10[%get3A_155, %get3A_156] {strides = array<i32>} : memref<40x128xf32, #tpu.memory_space<vmem>>, vector<1x16xf32>,
          %get3A_158 = vector.shape_cast %get3A_157 : vector<1x16xf32> to vector<16xf32>
          %get3A_159 = arith.index_cast %scan3A_132 : i32 to index
          %get3A_160 = arith.constant 16 : index
          %get3A_161 = tpu.vector_load %arg11[%get3A_159, %get3A_160] {strides = array<i32>} : memref<40x128xf32, #tpu.memory_space<vmem>>, vector<1x16xf32>,
          %get3A_162 = vector.shape_cast %get3A_161 : vector<1x16xf32> to vector<16xf32>
          %add3A_163 = arith.addf %get3A_158, %get3A_162 : vector<16xf32>
          %get3A_164 = arith.index_cast %scan3A_132 : i32 to index
          %get3A_165 = arith.constant 16 : index
          %get3A_166 = tpu.vector_load %arg12[%get3A_164, %get3A_165] {strides = array<i32>} : memref<40x128xf32, #tpu.memory_space<vmem>>, vector<1x16xf32>,
          %get3A_167 = vector.shape_cast %get3A_166 : vector<1x16xf32> to vector<16xf32>
          %add3A_168 = arith.addf %add3A_163, %get3A_167 : vector<16xf32>
          %neg3A_169 = arith.constant 0.000000e+00 : f32
          %neg3A_170 = vector.broadcast %neg3A_169 : f32 to vector<16xf32>
          %neg3A_171 = arith.subf %neg3A_170, %add3A_168 : vector<16xf32>
          %exp3A_172 = math.exp %neg3A_171 : vector<16xf32>
          %add3A_173 = arith.constant 1.000000e+00 : f32
          %add3A_174 = vector.broadcast %add3A_173 : f32 to vector<16xf32>
          %add3A_175 = arith.addf %add3A_174, %exp3A_172 : vector<16xf32>
          %div3A_176 = arith.divf %add3A_168, %add3A_175 : vector<16xf32>
          %swap3A_177 = arith.index_cast %scan3A_132 : i32 to index
          %swap3A_178 = arith.constant 16 : index
          %swap3A_179 = tpu.vector_load %arg10[%swap3A_177, %swap3A_178] {strides = array<i32>} : memref<40x128xf32, #tpu.memory_space<vmem>>, vector<1x16xf32>,
          %swap3A_180 = vector.shape_cast %swap3A_179 : vector<1x16xf32> to vector<16xf32>
          %swap3A_181 = vector.shape_cast %div3A_176 : vector<16xf32> to vector<1x16xf32>
          tpu.vector_store %arg10[%swap3A_177, %swap3A_178], %swap3A_181 {strides = array<i32>} : memref<40x128xf32, #tpu.memory_space<vmem>>, vector<1x16xf32>,
          %get3A_182 = arith.index_cast %scan3A_132 : i32 to index
          %get3A_183 = arith.constant 32 : index
          %get3A_184 = tpu.vector_load %arg10[%get3A_182, %get3A_183] {strides = array<i32>} : memref<40x128xf32, #tpu.memory_space<vmem>>, vector<1x16xf32>,
          %get3A_185 = vector.shape_cast %get3A_184 : vector<1x16xf32> to vector<16xf32>
          %get3A_186 = arith.index_cast %scan3A_132 : i32 to index
          %get3A_187 = arith.constant 32 : index
          %get3A_188 = tpu.vector_load %arg11[%get3A_186, %get3A_187] {strides = array<i32>} : memref<40x128xf32, #tpu.memory_space<vmem>>, vector<1x16xf32>,
          %get3A_189 = vector.shape_cast %get3A_188 : vector<1x16xf32> to vector<16xf32>
          %add3A_190 = arith.addf %get3A_185, %get3A_189 : vector<16xf32>
          %get3A_191 = arith.index_cast %scan3A_132 : i32 to index
          %get3A_192 = arith.constant 32 : index
          %get3A_193 = tpu.vector_load %arg12[%get3A_191, %get3A_192] {strides = array<i32>} : memref<40x128xf32, #tpu.memory_space<vmem>>, vector<1x16xf32>,
          %get3A_194 = vector.shape_cast %get3A_193 : vector<1x16xf32> to vector<16xf32>
          %add3A_195 = arith.addf %add3A_190, %get3A_194 : vector<16xf32>
          %neg3A_196 = arith.constant 0.000000e+00 : f32
          %neg3A_197 = vector.broadcast %neg3A_196 : f32 to vector<16xf32>
          %neg3A_198 = arith.subf %neg3A_197, %add3A_195 : vector<16xf32>
          %exp3A_199 = math.exp %neg3A_198 : vector<16xf32>
          %add3A_200 = arith.constant 1.000000e+00 : f32
          %add3A_201 = vector.broadcast %add3A_200 : f32 to vector<16xf32>
          %add3A_202 = arith.addf %add3A_201, %exp3A_199 : vector<16xf32>
          %div3A_203 = arith.divf %add3A_195, %add3A_202 : vector<16xf32>
          %swap3A_204 = arith.index_cast %scan3A_132 : i32 to index
          %swap3A_205 = arith.constant 32 : index
          %swap3A_206 = tpu.vector_load %arg10[%swap3A_204, %swap3A_205] {strides = array<i32>} : memref<40x128xf32, #tpu.memory_space<vmem>>, vector<1x16xf32>,
          %swap3A_207 = vector.shape_cast %swap3A_206 : vector<1x16xf32> to vector<16xf32>
          %swap3A_208 = vector.shape_cast %div3A_203 : vector<16xf32> to vector<1x16xf32>
          tpu.vector_store %arg10[%swap3A_204, %swap3A_205], %swap3A_208 {strides = array<i32>} : memref<40x128xf32, #tpu.memory_space<vmem>>, vector<1x16xf32>,
          %get3A_209 = arith.index_cast %scan3A_132 : i32 to index
          %get3A_210 = arith.constant 48 : index
          %get3A_211 = tpu.vector_load %arg10[%get3A_209, %get3A_210] {strides = array<i32>} : memref<40x128xf32, #tpu.memory_space<vmem>>, vector<1x16xf32>,
          %get3A_212 = vector.shape_cast %get3A_211 : vector<1x16xf32> to vector<16xf32>
          %get3A_213 = arith.index_cast %scan3A_132 : i32 to index
          %get3A_214 = arith.constant 48 : index
          %get3A_215 = tpu.vector_load %arg11[%get3A_213, %get3A_214] {strides = array<i32>} : memref<40x128xf32, #tpu.memory_space<vmem>>, vector<1x16xf32>,
          %get3A_216 = vector.shape_cast %get3A_215 : vector<1x16xf32> to vector<16xf32>
          %add3A_217 = arith.addf %get3A_212, %get3A_216 : vector<16xf32>
          %get3A_218 = arith.index_cast %scan3A_132 : i32 to index
          %get3A_219 = arith.constant 48 : index
          %get3A_220 = tpu.vector_load %arg12[%get3A_218, %get3A_219] {strides = array<i32>} : memref<40x128xf32, #tpu.memory_space<vmem>>, vector<1x16xf32>,
          %get3A_221 = vector.shape_cast %get3A_220 : vector<1x16xf32> to vector<16xf32>
          %add3A_222 = arith.addf %add3A_217, %get3A_221 : vector<16xf32>
          %neg3A_223 = arith.constant 0.000000e+00 : f32
          %neg3A_224 = vector.broadcast %neg3A_223 : f32 to vector<16xf32>
          %neg3A_225 = arith.subf %neg3A_224, %add3A_222 : vector<16xf32>
          %exp3A_226 = math.exp %neg3A_225 : vector<16xf32>
          %add3A_227 = arith.constant 1.000000e+00 : f32
          %add3A_228 = vector.broadcast %add3A_227 : f32 to vector<16xf32>
          %add3A_229 = arith.addf %add3A_228, %exp3A_226 : vector<16xf32>
          %div3A_230 = arith.divf %add3A_222, %add3A_229 : vector<16xf32>
          %swap3A_231 = arith.index_cast %scan3A_132 : i32 to index
          %swap3A_232 = arith.constant 48 : index
          %swap3A_233 = tpu.vector_load %arg10[%swap3A_231, %swap3A_232] {strides = array<i32>} : memref<40x128xf32, #tpu.memory_space<vmem>>, vector<1x16xf32>,
          %swap3A_234 = vector.shape_cast %swap3A_233 : vector<1x16xf32> to vector<16xf32>
          %swap3A_235 = vector.shape_cast %div3A_230 : vector<16xf32> to vector<1x16xf32>
          tpu.vector_store %arg10[%swap3A_231, %swap3A_232], %swap3A_235 {strides = array<i32>} : memref<40x128xf32, #tpu.memory_space<vmem>>, vector<1x16xf32>,
          %get3A_236 = arith.index_cast %scan3A_132 : i32 to index
          %get3A_237 = arith.constant 64 : index
          %get3A_238 = tpu.vector_load %arg10[%get3A_236, %get3A_237] {strides = array<i32>} : memref<40x128xf32, #tpu.memory_space<vmem>>, vector<1x16xf32>,
          %get3A_239 = vector.shape_cast %get3A_238 : vector<1x16xf32> to vector<16xf32>
          %get3A_240 = arith.index_cast %scan3A_132 : i32 to index
          %get3A_241 = arith.constant 64 : index
          %get3A_242 = tpu.vector_load %arg11[%get3A_240, %get3A_241] {strides = array<i32>} : memref<40x128xf32, #tpu.memory_space<vmem>>, vector<1x16xf32>,
          %get3A_243 = vector.shape_cast %get3A_242 : vector<1x16xf32> to vector<16xf32>
          %add3A_244 = arith.addf %get3A_239, %get3A_243 : vector<16xf32>
          %get3A_245 = arith.index_cast %scan3A_132 : i32 to index
          %get3A_246 = arith.constant 64 : index
          %get3A_247 = tpu.vector_load %arg12[%get3A_245, %get3A_246] {strides = array<i32>} : memref<40x128xf32, #tpu.memory_space<vmem>>, vector<1x16xf32>,
          %get3A_248 = vector.shape_cast %get3A_247 : vector<1x16xf32> to vector<16xf32>
          %add3A_249 = arith.addf %add3A_244, %get3A_248 : vector<16xf32>
          %neg3A_250 = arith.constant 0.000000e+00 : f32
          %neg3A_251 = vector.broadcast %neg3A_250 : f32 to vector<16xf32>
          %neg3A_252 = arith.subf %neg3A_251, %add3A_249 : vector<16xf32>
          %exp3A_253 = math.exp %neg3A_252 : vector<16xf32>
          %add3A_254 = arith.constant 1.000000e+00 : f32
          %add3A_255 = vector.broadcast %add3A_254 : f32 to vector<16xf32>
          %add3A_256 = arith.addf %add3A_255, %exp3A_253 : vector<16xf32>
          %div3A_257 = arith.divf %add3A_249, %add3A_256 : vector<16xf32>
          %swap3A_258 = arith.index_cast %scan3A_132 : i32 to index
          %swap3A_259 = arith.constant 64 : index
          %swap3A_260 = tpu.vector_load %arg10[%swap3A_258, %swap3A_259] {strides = array<i32>} : memref<40x128xf32, #tpu.memory_space<vmem>>, vector<1x16xf32>,
          %swap3A_261 = vector.shape_cast %swap3A_260 : vector<1x16xf32> to vector<16xf32>
          %swap3A_262 = vector.shape_cast %div3A_257 : vector<16xf32> to vector<1x16xf32>
          tpu.vector_store %arg10[%swap3A_258, %swap3A_259], %swap3A_262 {strides = array<i32>} : memref<40x128xf32, #tpu.memory_space<vmem>>, vector<1x16xf32>,
          %get3A_263 = arith.index_cast %scan3A_132 : i32 to index
          %get3A_264 = arith.constant 80 : index
          %get3A_265 = tpu.vector_load %arg10[%get3A_263, %get3A_264] {strides = array<i32>} : memref<40x128xf32, #tpu.memory_space<vmem>>, vector<1x16xf32>,
          %get3A_266 = vector.shape_cast %get3A_265 : vector<1x16xf32> to vector<16xf32>
          %get3A_267 = arith.index_cast %scan3A_132 : i32 to index
          %get3A_268 = arith.constant 80 : index
          %get3A_269 = tpu.vector_load %arg11[%get3A_267, %get3A_268] {strides = array<i32>} : memref<40x128xf32, #tpu.memory_space<vmem>>, vector<1x16xf32>,
          %get3A_270 = vector.shape_cast %get3A_269 : vector<1x16xf32> to vector<16xf32>
          %add3A_271 = arith.addf %get3A_266, %get3A_270 : vector<16xf32>
          %get3A_272 = arith.index_cast %scan3A_132 : i32 to index
          %get3A_273 = arith.constant 80 : index
          %get3A_274 = tpu.vector_load %arg12[%get3A_272, %get3A_273] {strides = array<i32>} : memref<40x128xf32, #tpu.memory_space<vmem>>, vector<1x16xf32>,
          %get3A_275 = vector.shape_cast %get3A_274 : vector<1x16xf32> to vector<16xf32>
          %add3A_276 = arith.addf %add3A_271, %get3A_275 : vector<16xf32>
          %neg3A_277 = arith.constant 0.000000e+00 : f32
          %neg3A_278 = vector.broadcast %neg3A_277 : f32 to vector<16xf32>
          %neg3A_279 = arith.subf %neg3A_278, %add3A_276 : vector<16xf32>
          %exp3A_280 = math.exp %neg3A_279 : vector<16xf32>
          %add3A_281 = arith.constant 1.000000e+00 : f32
          %add3A_282 = vector.broadcast %add3A_281 : f32 to vector<16xf32>
          %add3A_283 = arith.addf %add3A_282, %exp3A_280 : vector<16xf32>
          %div3A_284 = arith.divf %add3A_276, %add3A_283 : vector<16xf32>
          %swap3A_285 = arith.index_cast %scan3A_132 : i32 to index
          %swap3A_286 = arith.constant 80 : index
          %swap3A_287 = tpu.vector_load %arg10[%swap3A_285, %swap3A_286] {strides = array<i32>} : memref<40x128xf32, #tpu.memory_space<vmem>>, vector<1x16xf32>,
          %swap3A_288 = vector.shape_cast %swap3A_287 : vector<1x16xf32> to vector<16xf32>
          %swap3A_289 = vector.shape_cast %div3A_284 : vector<16xf32> to vector<1x16xf32>
          tpu.vector_store %arg10[%swap3A_285, %swap3A_286], %swap3A_289 {strides = array<i32>} : memref<40x128xf32, #tpu.memory_space<vmem>>, vector<1x16xf32>,
          %get3A_290 = arith.index_cast %scan3A_132 : i32 to index
          %get3A_291 = arith.constant 96 : index
          %get3A_292 = tpu.vector_load %arg10[%get3A_290, %get3A_291] {strides = array<i32>} : memref<40x128xf32, #tpu.memory_space<vmem>>, vector<1x16xf32>,
          %get3A_293 = vector.shape_cast %get3A_292 : vector<1x16xf32> to vector<16xf32>
          %get3A_294 = arith.index_cast %scan3A_132 : i32 to index
          %get3A_295 = arith.constant 96 : index
          %get3A_296 = tpu.vector_load %arg11[%get3A_294, %get3A_295] {strides = array<i32>} : memref<40x128xf32, #tpu.memory_space<vmem>>, vector<1x16xf32>,
          %get3A_297 = vector.shape_cast %get3A_296 : vector<1x16xf32> to vector<16xf32>
          %add3A_298 = arith.addf %get3A_293, %get3A_297 : vector<16xf32>
          %get3A_299 = arith.index_cast %scan3A_132 : i32 to index
          %get3A_300 = arith.constant 96 : index
          %get3A_301 = tpu.vector_load %arg12[%get3A_299, %get3A_300] {strides = array<i32>} : memref<40x128xf32, #tpu.memory_space<vmem>>, vector<1x16xf32>,
          %get3A_302 = vector.shape_cast %get3A_301 : vector<1x16xf32> to vector<16xf32>
          %add3A_303 = arith.addf %add3A_298, %get3A_302 : vector<16xf32>
          %neg3A_304 = arith.constant 0.000000e+00 : f32
          %neg3A_305 = vector.broadcast %neg3A_304 : f32 to vector<16xf32>
          %neg3A_306 = arith.subf %neg3A_305, %add3A_303 : vector<16xf32>
          %exp3A_307 = math.exp %neg3A_306 : vector<16xf32>
          %add3A_308 = arith.constant 1.000000e+00 : f32
          %add3A_309 = vector.broadcast %add3A_308 : f32 to vector<16xf32>
          %add3A_310 = arith.addf %add3A_309, %exp3A_307 : vector<16xf32>
          %div3A_311 = arith.divf %add3A_303, %add3A_310 : vector<16xf32>
          %swap3A_312 = arith.index_cast %scan3A_132 : i32 to index
          %swap3A_313 = arith.constant 96 : index
          %swap3A_314 = tpu.vector_load %arg10[%swap3A_312, %swap3A_313] {strides = array<i32>} : memref<40x128xf32, #tpu.memory_space<vmem>>, vector<1x16xf32>,
          %swap3A_315 = vector.shape_cast %swap3A_314 : vector<1x16xf32> to vector<16xf32>
          %swap3A_316 = vector.shape_cast %div3A_311 : vector<16xf32> to vector<1x16xf32>
          tpu.vector_store %arg10[%swap3A_312, %swap3A_313], %swap3A_316 {strides = array<i32>} : memref<40x128xf32, #tpu.memory_space<vmem>>, vector<1x16xf32>,
          %get3A_317 = arith.index_cast %scan3A_132 : i32 to index
          %get3A_318 = arith.constant 112 : index
          %get3A_319 = tpu.vector_load %arg10[%get3A_317, %get3A_318] {strides = array<i32>} : memref<40x128xf32, #tpu.memory_space<vmem>>, vector<1x16xf32>,
          %get3A_320 = vector.shape_cast %get3A_319 : vector<1x16xf32> to vector<16xf32>
          %get3A_321 = arith.index_cast %scan3A_132 : i32 to index
          %get3A_322 = arith.constant 112 : index
          %get3A_323 = tpu.vector_load %arg11[%get3A_321, %get3A_322] {strides = array<i32>} : memref<40x128xf32, #tpu.memory_space<vmem>>, vector<1x16xf32>,
          %get3A_324 = vector.shape_cast %get3A_323 : vector<1x16xf32> to vector<16xf32>
          %add3A_325 = arith.addf %get3A_320, %get3A_324 : vector<16xf32>
          %get3A_326 = arith.index_cast %scan3A_132 : i32 to index
          %get3A_327 = arith.constant 112 : index
          %get3A_328 = tpu.vector_load %arg12[%get3A_326, %get3A_327] {strides = array<i32>} : memref<40x128xf32, #tpu.memory_space<vmem>>, vector<1x16xf32>,
          %get3A_329 = vector.shape_cast %get3A_328 : vector<1x16xf32> to vector<16xf32>
          %add3A_330 = arith.addf %add3A_325, %get3A_329 : vector<16xf32>
          %neg3A_331 = arith.constant 0.000000e+00 : f32
          %neg3A_332 = vector.broadcast %neg3A_331 : f32 to vector<16xf32>
          %neg3A_333 = arith.subf %neg3A_332, %add3A_330 : vector<16xf32>
          %exp3A_334 = math.exp %neg3A_333 : vector<16xf32>
          %add3A_335 = arith.constant 1.000000e+00 : f32
          %add3A_336 = vector.broadcast %add3A_335 : f32 to vector<16xf32>
          %add3A_337 = arith.addf %add3A_336, %exp3A_334 : vector<16xf32>
          %div3A_338 = arith.divf %add3A_330, %add3A_337 : vector<16xf32>
          %swap3A_339 = arith.index_cast %scan3A_132 : i32 to index
          %swap3A_340 = arith.constant 112 : index
          %swap3A_341 = tpu.vector_load %arg10[%swap3A_339, %swap3A_340] {strides = array<i32>} : memref<40x128xf32, #tpu.memory_space<vmem>>, vector<1x16xf32>,
          %swap3A_342 = vector.shape_cast %swap3A_341 : vector<1x16xf32> to vector<16xf32>
          %swap3A_343 = vector.shape_cast %div3A_338 : vector<16xf32> to vector<1x16xf32>
          tpu.vector_store %arg10[%swap3A_339, %swap3A_340], %swap3A_343 {strides = array<i32>} : memref<40x128xf32, #tpu.memory_space<vmem>>, vector<1x16xf32>,
        }
        %scan3A_105 = arith.constant 40 : i32
        "tpu.region"() ({
          %run_scoped3A = tpu.sem_alloc : memref<!tpu.dma_semaphore, #tpu.memory_space<semaphore_mem>>
          %dma_start3A_132 = arith.constant 0 : i32
          %dma_start3A_133 = tpu.memref_slice %arg8[%mul3A_34, %dma_start3A_132] : memref<50x40xi32, #tpu.memory_space<vmem>> -> memref<1x40xi32, #tpu.memory_space<vmem>>
          %dma_start3A_134 = tpu.memref_squeeze %dma_start3A_133 : memref<1x40xi32, #tpu.memory_space<vmem>> -> memref<40xi32, #tpu.memory_space<vmem>>
          %dma_start3A_135 = arith.constant 0 : i32
          %dma_start3A_136 = arith.constant 0 : i32
          %dma_start3A_137 = tpu.memref_slice %arg17[%dma_start3A_135, %dma_start3A_136] : memref<10000x128xf32, #tpu.memory_space<vmem_shared>> -> memref<10000x128xf32, #tpu.memory_space<vmem_shared>>
          tpu.enqueue_indirect_dma source(%arg10 : memref<40x128xf32, #tpu.memory_space<vmem>>) target(%dma_start3A_137 : memref<10000x128xf32, #tpu.memory_space<vmem_shared>>) offsets(%dma_start3A_134 : memref<40xi32, #tpu.memory_space<vmem>>) semaphore(%run_scoped3A : memref<!tpu.dma_semaphore, #tpu.memory_space<semaphore_mem>>) {add = true}
          %dma_wait3A_138 = arith.constant 0 : i32
          %dma_wait3A_139 = tpu.memref_slice %arg8[%mul3A_34, %dma_wait3A_138] : memref<50x40xi32, #tpu.memory_space<vmem>> -> memref<1x40xi32, #tpu.memory_space<vmem>>
          %dma_wait3A_140 = tpu.memref_squeeze %dma_wait3A_139 : memref<1x40xi32, #tpu.memory_space<vmem>> -> memref<40xi32, #tpu.memory_space<vmem>>
          %dma_wait3A_141 = arith.constant 0 : i32
          %dma_wait3A_142 = arith.constant 0 : i32
          %dma_wait3A_143 = tpu.memref_slice %arg17[%dma_wait3A_141, %dma_wait3A_142] : memref<10000x128xf32, #tpu.memory_space<vmem_shared>> -> memref<10000x128xf32, #tpu.memory_space<vmem_shared>>
          tpu.wait_indirect_dma semaphore(%run_scoped3A : memref<!tpu.dma_semaphore, #tpu.memory_space<semaphore_mem>>) src(%arg10 : memref<40x128xf32, #tpu.memory_space<vmem>>) dst(%dma_wait3A_143 : memref<10000x128xf32, #tpu.memory_space<vmem_shared>>)
          tpu.yield
        }) : () -> ()
        %dma_wait3A_106 = arith.constant 0 : i32
        %dma_wait3A_107 = arith.constant 0 : i32
        %dma_wait3A_108 = tpu.memref_slice %arg4[%add3A, %add3A_60, %dma_wait3A_106, %dma_wait3A_107] : memref<32x250x40x128xf32, #tpu.memory_space<hbm>> -> memref<1x1x40x128xf32, #tpu.memory_space<hbm>>
        %dma_wait3A_109 = tpu.memref_squeeze %dma_wait3A_108 : memref<1x1x40x128xf32, #tpu.memory_space<hbm>> -> memref<40x128xf32, #tpu.memory_space<hbm>>
        %dma_wait3A_110 = arith.constant 0 : i32
        %dma_wait3A_111 = arith.constant 0 : i32
        %dma_wait3A_112 = tpu.memref_slice %arg4[%add3A, %add3A_60, %dma_wait3A_110, %dma_wait3A_111] : memref<32x250x40x128xf32, #tpu.memory_space<hbm>> -> memref<1x1x40x128xf32, #tpu.memory_space<hbm>>
        %dma_wait3A_113 = tpu.memref_squeeze %dma_wait3A_112 : memref<1x1x40x128xf32, #tpu.memory_space<hbm>> -> memref<40x128xf32, #tpu.memory_space<hbm>>
        tpu.wait_dma2 semaphore(%arg18 : memref<!tpu.dma_semaphore, #tpu.memory_space<semaphore_mem>>) src(%dma_wait3A_113 : memref<40x128xf32, #tpu.memory_space<hbm>>) dst(%arg13 : memref<40x128xf32, #tpu.memory_space<vmem>>)
        %dma_wait3A_114 = arith.constant 0 : i32
        %dma_wait3A_115 = tpu.memref_slice %arg8[%add3A_36, %dma_wait3A_114] : memref<50x40xi32, #tpu.memory_space<vmem>> -> memref<1x40xi32, #tpu.memory_space<vmem>>
        %dma_wait3A_116 = tpu.memref_squeeze %dma_wait3A_115 : memref<1x40xi32, #tpu.memory_space<vmem>> -> memref<40xi32, #tpu.memory_space<vmem>>
        %dma_wait3A_117 = arith.constant 0 : i32
        %dma_wait3A_118 = arith.constant 0 : i32
        %dma_wait3A_119 = tpu.memref_slice %arg2[%dma_wait3A_117, %dma_wait3A_118] : memref<10000x128xf32, #tpu.memory_space<hbm>> -> memref<10000x128xf32, #tpu.memory_space<hbm>>
        tpu.wait_indirect_dma semaphore(%arg18 : memref<!tpu.dma_semaphore, #tpu.memory_space<semaphore_mem>>) src(%dma_wait3A_119 : memref<10000x128xf32, #tpu.memory_space<hbm>>) dst(%arg14 : memref<40x128xf32, #tpu.memory_space<vmem>>)
        %dma_wait3A_120 = arith.constant 0 : i32
        %dma_wait3A_121 = tpu.memref_slice %arg9[%add3A_36, %dma_wait3A_120] : memref<50x40xi32, #tpu.memory_space<vmem>> -> memref<1x40xi32, #tpu.memory_space<vmem>>
        %dma_wait3A_122 = tpu.memref_squeeze %dma_wait3A_121 : memref<1x40xi32, #tpu.memory_space<vmem>> -> memref<40xi32, #tpu.memory_space<vmem>>
        %dma_wait3A_123 = arith.constant 0 : i32
        %dma_wait3A_124 = arith.constant 0 : i32
        %dma_wait3A_125 = tpu.memref_slice %arg3[%dma_wait3A_123, %dma_wait3A_124] : memref<10000x128xf32, #tpu.memory_space<hbm>> -> memref<10000x128xf32, #tpu.memory_space<hbm>>
        tpu.wait_indirect_dma semaphore(%arg18 : memref<!tpu.dma_semaphore, #tpu.memory_space<semaphore_mem>>) src(%dma_wait3A_125 : memref<10000x128xf32, #tpu.memory_space<hbm>>) dst(%arg15 : memref<40x128xf32, #tpu.memory_space<vmem>>)
        %scan3A_126 = arith.constant 0 : i32
        %scan3A_127 = arith.constant 0 : i32
        %scan3A_128 = arith.constant 40 : i32
        %scan3A_129 = arith.addi %scan3A_127, %scan3A_128 : i32
        %scan3A_130 = arith.constant 1 : i32
        scf.for %scan3A_132 = %scan3A_127 to %scan3A_129 step %scan3A_130  : i32 {
          %get3A = arith.index_cast %scan3A_132 : i32 to index
          %get3A_133 = arith.constant 0 : index
          %get3A_134 = tpu.vector_load %arg13[%get3A, %get3A_133] {strides = array<i32>} : memref<40x128xf32, #tpu.memory_space<vmem>>, vector<1x16xf32>,
          %get3A_135 = vector.shape_cast %get3A_134 : vector<1x16xf32> to vector<16xf32>
          %get3A_136 = arith.index_cast %scan3A_132 : i32 to index
          %get3A_137 = arith.constant 0 : index
          %get3A_138 = tpu.vector_load %arg14[%get3A_136, %get3A_137] {strides = array<i32>} : memref<40x128xf32, #tpu.memory_space<vmem>>, vector<1x16xf32>,
          %get3A_139 = vector.shape_cast %get3A_138 : vector<1x16xf32> to vector<16xf32>
          %add3A_140 = arith.addf %get3A_135, %get3A_139 : vector<16xf32>
          %get3A_141 = arith.index_cast %scan3A_132 : i32 to index
          %get3A_142 = arith.constant 0 : index
          %get3A_143 = tpu.vector_load %arg15[%get3A_141, %get3A_142] {strides = array<i32>} : memref<40x128xf32, #tpu.memory_space<vmem>>, vector<1x16xf32>,
          %get3A_144 = vector.shape_cast %get3A_143 : vector<1x16xf32> to vector<16xf32>
          %add3A_145 = arith.addf %add3A_140, %get3A_144 : vector<16xf32>
          %neg3A = arith.constant 0.000000e+00 : f32
          %neg3A_146 = vector.broadcast %neg3A : f32 to vector<16xf32>
          %neg3A_147 = arith.subf %neg3A_146, %add3A_145 : vector<16xf32>
          %exp3A = math.exp %neg3A_147 : vector<16xf32>
          %add3A_148 = arith.constant 1.000000e+00 : f32
          %add3A_149 = vector.broadcast %add3A_148 : f32 to vector<16xf32>
          %add3A_150 = arith.addf %add3A_149, %exp3A : vector<16xf32>
          %div3A = arith.divf %add3A_145, %add3A_150 : vector<16xf32>
          %swap3A = arith.index_cast %scan3A_132 : i32 to index
          %swap3A_151 = arith.constant 0 : index
          %swap3A_152 = tpu.vector_load %arg13[%swap3A, %swap3A_151] {strides = array<i32>} : memref<40x128xf32, #tpu.memory_space<vmem>>, vector<1x16xf32>,
          %swap3A_153 = vector.shape_cast %swap3A_152 : vector<1x16xf32> to vector<16xf32>
          %swap3A_154 = vector.shape_cast %div3A : vector<16xf32> to vector<1x16xf32>
          tpu.vector_store %arg13[%swap3A, %swap3A_151], %swap3A_154 {strides = array<i32>} : memref<40x128xf32, #tpu.memory_space<vmem>>, vector<1x16xf32>,
          %get3A_155 = arith.index_cast %scan3A_132 : i32 to index
          %get3A_156 = arith.constant 16 : index
          %get3A_157 = tpu.vector_load %arg13[%get3A_155, %get3A_156] {strides = array<i32>} : memref<40x128xf32, #tpu.memory_space<vmem>>, vector<1x16xf32>,
          %get3A_158 = vector.shape_cast %get3A_157 : vector<1x16xf32> to vector<16xf32>
          %get3A_159 = arith.index_cast %scan3A_132 : i32 to index
          %get3A_160 = arith.constant 16 : index
          %get3A_161 = tpu.vector_load %arg14[%get3A_159, %get3A_160] {strides = array<i32>} : memref<40x128xf32, #tpu.memory_space<vmem>>, vector<1x16xf32>,
          %get3A_162 = vector.shape_cast %get3A_161 : vector<1x16xf32> to vector<16xf32>
          %add3A_163 = arith.addf %get3A_158, %get3A_162 : vector<16xf32>
          %get3A_164 = arith.index_cast %scan3A_132 : i32 to index
          %get3A_165 = arith.constant 16 : index
          %get3A_166 = tpu.vector_load %arg15[%get3A_164, %get3A_165] {strides = array<i32>} : memref<40x128xf32, #tpu.memory_space<vmem>>, vector<1x16xf32>,
          %get3A_167 = vector.shape_cast %get3A_166 : vector<1x16xf32> to vector<16xf32>
          %add3A_168 = arith.addf %add3A_163, %get3A_167 : vector<16xf32>
          %neg3A_169 = arith.constant 0.000000e+00 : f32
          %neg3A_170 = vector.broadcast %neg3A_169 : f32 to vector<16xf32>
          %neg3A_171 = arith.subf %neg3A_170, %add3A_168 : vector<16xf32>
          %exp3A_172 = math.exp %neg3A_171 : vector<16xf32>
          %add3A_173 = arith.constant 1.000000e+00 : f32
          %add3A_174 = vector.broadcast %add3A_173 : f32 to vector<16xf32>
          %add3A_175 = arith.addf %add3A_174, %exp3A_172 : vector<16xf32>
          %div3A_176 = arith.divf %add3A_168, %add3A_175 : vector<16xf32>
          %swap3A_177 = arith.index_cast %scan3A_132 : i32 to index
          %swap3A_178 = arith.constant 16 : index
          %swap3A_179 = tpu.vector_load %arg13[%swap3A_177, %swap3A_178] {strides = array<i32>} : memref<40x128xf32, #tpu.memory_space<vmem>>, vector<1x16xf32>,
          %swap3A_180 = vector.shape_cast %swap3A_179 : vector<1x16xf32> to vector<16xf32>
          %swap3A_181 = vector.shape_cast %div3A_176 : vector<16xf32> to vector<1x16xf32>
          tpu.vector_store %arg13[%swap3A_177, %swap3A_178], %swap3A_181 {strides = array<i32>} : memref<40x128xf32, #tpu.memory_space<vmem>>, vector<1x16xf32>,
          %get3A_182 = arith.index_cast %scan3A_132 : i32 to index
          %get3A_183 = arith.constant 32 : index
          %get3A_184 = tpu.vector_load %arg13[%get3A_182, %get3A_183] {strides = array<i32>} : memref<40x128xf32, #tpu.memory_space<vmem>>, vector<1x16xf32>,
          %get3A_185 = vector.shape_cast %get3A_184 : vector<1x16xf32> to vector<16xf32>
          %get3A_186 = arith.index_cast %scan3A_132 : i32 to index
          %get3A_187 = arith.constant 32 : index
          %get3A_188 = tpu.vector_load %arg14[%get3A_186, %get3A_187] {strides = array<i32>} : memref<40x128xf32, #tpu.memory_space<vmem>>, vector<1x16xf32>,
          %get3A_189 = vector.shape_cast %get3A_188 : vector<1x16xf32> to vector<16xf32>
          %add3A_190 = arith.addf %get3A_185, %get3A_189 : vector<16xf32>
          %get3A_191 = arith.index_cast %scan3A_132 : i32 to index
          %get3A_192 = arith.constant 32 : index
          %get3A_193 = tpu.vector_load %arg15[%get3A_191, %get3A_192] {strides = array<i32>} : memref<40x128xf32, #tpu.memory_space<vmem>>, vector<1x16xf32>,
          %get3A_194 = vector.shape_cast %get3A_193 : vector<1x16xf32> to vector<16xf32>
          %add3A_195 = arith.addf %add3A_190, %get3A_194 : vector<16xf32>
          %neg3A_196 = arith.constant 0.000000e+00 : f32
          %neg3A_197 = vector.broadcast %neg3A_196 : f32 to vector<16xf32>
          %neg3A_198 = arith.subf %neg3A_197, %add3A_195 : vector<16xf32>
          %exp3A_199 = math.exp %neg3A_198 : vector<16xf32>
          %add3A_200 = arith.constant 1.000000e+00 : f32
          %add3A_201 = vector.broadcast %add3A_200 : f32 to vector<16xf32>
          %add3A_202 = arith.addf %add3A_201, %exp3A_199 : vector<16xf32>
          %div3A_203 = arith.divf %add3A_195, %add3A_202 : vector<16xf32>
          %swap3A_204 = arith.index_cast %scan3A_132 : i32 to index
          %swap3A_205 = arith.constant 32 : index
          %swap3A_206 = tpu.vector_load %arg13[%swap3A_204, %swap3A_205] {strides = array<i32>} : memref<40x128xf32, #tpu.memory_space<vmem>>, vector<1x16xf32>,
          %swap3A_207 = vector.shape_cast %swap3A_206 : vector<1x16xf32> to vector<16xf32>
          %swap3A_208 = vector.shape_cast %div3A_203 : vector<16xf32> to vector<1x16xf32>
          tpu.vector_store %arg13[%swap3A_204, %swap3A_205], %swap3A_208 {strides = array<i32>} : memref<40x128xf32, #tpu.memory_space<vmem>>, vector<1x16xf32>,
          %get3A_209 = arith.index_cast %scan3A_132 : i32 to index
          %get3A_210 = arith.constant 48 : index
          %get3A_211 = tpu.vector_load %arg13[%get3A_209, %get3A_210] {strides = array<i32>} : memref<40x128xf32, #tpu.memory_space<vmem>>, vector<1x16xf32>,
          %get3A_212 = vector.shape_cast %get3A_211 : vector<1x16xf32> to vector<16xf32>
          %get3A_213 = arith.index_cast %scan3A_132 : i32 to index
          %get3A_214 = arith.constant 48 : index
          %get3A_215 = tpu.vector_load %arg14[%get3A_213, %get3A_214] {strides = array<i32>} : memref<40x128xf32, #tpu.memory_space<vmem>>, vector<1x16xf32>,
          %get3A_216 = vector.shape_cast %get3A_215 : vector<1x16xf32> to vector<16xf32>
          %add3A_217 = arith.addf %get3A_212, %get3A_216 : vector<16xf32>
          %get3A_218 = arith.index_cast %scan3A_132 : i32 to index
          %get3A_219 = arith.constant 48 : index
          %get3A_220 = tpu.vector_load %arg15[%get3A_218, %get3A_219] {strides = array<i32>} : memref<40x128xf32, #tpu.memory_space<vmem>>, vector<1x16xf32>,
          %get3A_221 = vector.shape_cast %get3A_220 : vector<1x16xf32> to vector<16xf32>
          %add3A_222 = arith.addf %add3A_217, %get3A_221 : vector<16xf32>
          %neg3A_223 = arith.constant 0.000000e+00 : f32
          %neg3A_224 = vector.broadcast %neg3A_223 : f32 to vector<16xf32>
          %neg3A_225 = arith.subf %neg3A_224, %add3A_222 : vector<16xf32>
          %exp3A_226 = math.exp %neg3A_225 : vector<16xf32>
          %add3A_227 = arith.constant 1.000000e+00 : f32
          %add3A_228 = vector.broadcast %add3A_227 : f32 to vector<16xf32>
          %add3A_229 = arith.addf %add3A_228, %exp3A_226 : vector<16xf32>
          %div3A_230 = arith.divf %add3A_222, %add3A_229 : vector<16xf32>
          %swap3A_231 = arith.index_cast %scan3A_132 : i32 to index
          %swap3A_232 = arith.constant 48 : index
          %swap3A_233 = tpu.vector_load %arg13[%swap3A_231, %swap3A_232] {strides = array<i32>} : memref<40x128xf32, #tpu.memory_space<vmem>>, vector<1x16xf32>,
          %swap3A_234 = vector.shape_cast %swap3A_233 : vector<1x16xf32> to vector<16xf32>
          %swap3A_235 = vector.shape_cast %div3A_230 : vector<16xf32> to vector<1x16xf32>
          tpu.vector_store %arg13[%swap3A_231, %swap3A_232], %swap3A_235 {strides = array<i32>} : memref<40x128xf32, #tpu.memory_space<vmem>>, vector<1x16xf32>,
          %get3A_236 = arith.index_cast %scan3A_132 : i32 to index
          %get3A_237 = arith.constant 64 : index
          %get3A_238 = tpu.vector_load %arg13[%get3A_236, %get3A_237] {strides = array<i32>} : memref<40x128xf32, #tpu.memory_space<vmem>>, vector<1x16xf32>,
          %get3A_239 = vector.shape_cast %get3A_238 : vector<1x16xf32> to vector<16xf32>
          %get3A_240 = arith.index_cast %scan3A_132 : i32 to index
          %get3A_241 = arith.constant 64 : index
          %get3A_242 = tpu.vector_load %arg14[%get3A_240, %get3A_241] {strides = array<i32>} : memref<40x128xf32, #tpu.memory_space<vmem>>, vector<1x16xf32>,
          %get3A_243 = vector.shape_cast %get3A_242 : vector<1x16xf32> to vector<16xf32>
          %add3A_244 = arith.addf %get3A_239, %get3A_243 : vector<16xf32>
          %get3A_245 = arith.index_cast %scan3A_132 : i32 to index
          %get3A_246 = arith.constant 64 : index
          %get3A_247 = tpu.vector_load %arg15[%get3A_245, %get3A_246] {strides = array<i32>} : memref<40x128xf32, #tpu.memory_space<vmem>>, vector<1x16xf32>,
          %get3A_248 = vector.shape_cast %get3A_247 : vector<1x16xf32> to vector<16xf32>
          %add3A_249 = arith.addf %add3A_244, %get3A_248 : vector<16xf32>
          %neg3A_250 = arith.constant 0.000000e+00 : f32
          %neg3A_251 = vector.broadcast %neg3A_250 : f32 to vector<16xf32>
          %neg3A_252 = arith.subf %neg3A_251, %add3A_249 : vector<16xf32>
          %exp3A_253 = math.exp %neg3A_252 : vector<16xf32>
          %add3A_254 = arith.constant 1.000000e+00 : f32
          %add3A_255 = vector.broadcast %add3A_254 : f32 to vector<16xf32>
          %add3A_256 = arith.addf %add3A_255, %exp3A_253 : vector<16xf32>
          %div3A_257 = arith.divf %add3A_249, %add3A_256 : vector<16xf32>
          %swap3A_258 = arith.index_cast %scan3A_132 : i32 to index
          %swap3A_259 = arith.constant 64 : index
          %swap3A_260 = tpu.vector_load %arg13[%swap3A_258, %swap3A_259] {strides = array<i32>} : memref<40x128xf32, #tpu.memory_space<vmem>>, vector<1x16xf32>,
          %swap3A_261 = vector.shape_cast %swap3A_260 : vector<1x16xf32> to vector<16xf32>
          %swap3A_262 = vector.shape_cast %div3A_257 : vector<16xf32> to vector<1x16xf32>
          tpu.vector_store %arg13[%swap3A_258, %swap3A_259], %swap3A_262 {strides = array<i32>} : memref<40x128xf32, #tpu.memory_space<vmem>>, vector<1x16xf32>,
          %get3A_263 = arith.index_cast %scan3A_132 : i32 to index
          %get3A_264 = arith.constant 80 : index
          %get3A_265 = tpu.vector_load %arg13[%get3A_263, %get3A_264] {strides = array<i32>} : memref<40x128xf32, #tpu.memory_space<vmem>>, vector<1x16xf32>,
          %get3A_266 = vector.shape_cast %get3A_265 : vector<1x16xf32> to vector<16xf32>
          %get3A_267 = arith.index_cast %scan3A_132 : i32 to index
          %get3A_268 = arith.constant 80 : index
          %get3A_269 = tpu.vector_load %arg14[%get3A_267, %get3A_268] {strides = array<i32>} : memref<40x128xf32, #tpu.memory_space<vmem>>, vector<1x16xf32>,
          %get3A_270 = vector.shape_cast %get3A_269 : vector<1x16xf32> to vector<16xf32>
          %add3A_271 = arith.addf %get3A_266, %get3A_270 : vector<16xf32>
          %get3A_272 = arith.index_cast %scan3A_132 : i32 to index
          %get3A_273 = arith.constant 80 : index
          %get3A_274 = tpu.vector_load %arg15[%get3A_272, %get3A_273] {strides = array<i32>} : memref<40x128xf32, #tpu.memory_space<vmem>>, vector<1x16xf32>,
          %get3A_275 = vector.shape_cast %get3A_274 : vector<1x16xf32> to vector<16xf32>
          %add3A_276 = arith.addf %add3A_271, %get3A_275 : vector<16xf32>
          %neg3A_277 = arith.constant 0.000000e+00 : f32
          %neg3A_278 = vector.broadcast %neg3A_277 : f32 to vector<16xf32>
          %neg3A_279 = arith.subf %neg3A_278, %add3A_276 : vector<16xf32>
          %exp3A_280 = math.exp %neg3A_279 : vector<16xf32>
          %add3A_281 = arith.constant 1.000000e+00 : f32
          %add3A_282 = vector.broadcast %add3A_281 : f32 to vector<16xf32>
          %add3A_283 = arith.addf %add3A_282, %exp3A_280 : vector<16xf32>
          %div3A_284 = arith.divf %add3A_276, %add3A_283 : vector<16xf32>
          %swap3A_285 = arith.index_cast %scan3A_132 : i32 to index
          %swap3A_286 = arith.constant 80 : index
          %swap3A_287 = tpu.vector_load %arg13[%swap3A_285, %swap3A_286] {strides = array<i32>} : memref<40x128xf32, #tpu.memory_space<vmem>>, vector<1x16xf32>,
          %swap3A_288 = vector.shape_cast %swap3A_287 : vector<1x16xf32> to vector<16xf32>
          %swap3A_289 = vector.shape_cast %div3A_284 : vector<16xf32> to vector<1x16xf32>
          tpu.vector_store %arg13[%swap3A_285, %swap3A_286], %swap3A_289 {strides = array<i32>} : memref<40x128xf32, #tpu.memory_space<vmem>>, vector<1x16xf32>,
          %get3A_290 = arith.index_cast %scan3A_132 : i32 to index
          %get3A_291 = arith.constant 96 : index
          %get3A_292 = tpu.vector_load %arg13[%get3A_290, %get3A_291] {strides = array<i32>} : memref<40x128xf32, #tpu.memory_space<vmem>>, vector<1x16xf32>,
          %get3A_293 = vector.shape_cast %get3A_292 : vector<1x16xf32> to vector<16xf32>
          %get3A_294 = arith.index_cast %scan3A_132 : i32 to index
          %get3A_295 = arith.constant 96 : index
          %get3A_296 = tpu.vector_load %arg14[%get3A_294, %get3A_295] {strides = array<i32>} : memref<40x128xf32, #tpu.memory_space<vmem>>, vector<1x16xf32>,
          %get3A_297 = vector.shape_cast %get3A_296 : vector<1x16xf32> to vector<16xf32>
          %add3A_298 = arith.addf %get3A_293, %get3A_297 : vector<16xf32>
          %get3A_299 = arith.index_cast %scan3A_132 : i32 to index
          %get3A_300 = arith.constant 96 : index
          %get3A_301 = tpu.vector_load %arg15[%get3A_299, %get3A_300] {strides = array<i32>} : memref<40x128xf32, #tpu.memory_space<vmem>>, vector<1x16xf32>,
          %get3A_302 = vector.shape_cast %get3A_301 : vector<1x16xf32> to vector<16xf32>
          %add3A_303 = arith.addf %add3A_298, %get3A_302 : vector<16xf32>
          %neg3A_304 = arith.constant 0.000000e+00 : f32
          %neg3A_305 = vector.broadcast %neg3A_304 : f32 to vector<16xf32>
          %neg3A_306 = arith.subf %neg3A_305, %add3A_303 : vector<16xf32>
          %exp3A_307 = math.exp %neg3A_306 : vector<16xf32>
          %add3A_308 = arith.constant 1.000000e+00 : f32
          %add3A_309 = vector.broadcast %add3A_308 : f32 to vector<16xf32>
          %add3A_310 = arith.addf %add3A_309, %exp3A_307 : vector<16xf32>
          %div3A_311 = arith.divf %add3A_303, %add3A_310 : vector<16xf32>
          %swap3A_312 = arith.index_cast %scan3A_132 : i32 to index
          %swap3A_313 = arith.constant 96 : index
          %swap3A_314 = tpu.vector_load %arg13[%swap3A_312, %swap3A_313] {strides = array<i32>} : memref<40x128xf32, #tpu.memory_space<vmem>>, vector<1x16xf32>,
          %swap3A_315 = vector.shape_cast %swap3A_314 : vector<1x16xf32> to vector<16xf32>
          %swap3A_316 = vector.shape_cast %div3A_311 : vector<16xf32> to vector<1x16xf32>
          tpu.vector_store %arg13[%swap3A_312, %swap3A_313], %swap3A_316 {strides = array<i32>} : memref<40x128xf32, #tpu.memory_space<vmem>>, vector<1x16xf32>,
          %get3A_317 = arith.index_cast %scan3A_132 : i32 to index
          %get3A_318 = arith.constant 112 : index
          %get3A_319 = tpu.vector_load %arg13[%get3A_317, %get3A_318] {strides = array<i32>} : memref<40x128xf32, #tpu.memory_space<vmem>>, vector<1x16xf32>,
          %get3A_320 = vector.shape_cast %get3A_319 : vector<1x16xf32> to vector<16xf32>
          %get3A_321 = arith.index_cast %scan3A_132 : i32 to index
          %get3A_322 = arith.constant 112 : index
          %get3A_323 = tpu.vector_load %arg14[%get3A_321, %get3A_322] {strides = array<i32>} : memref<40x128xf32, #tpu.memory_space<vmem>>, vector<1x16xf32>,
          %get3A_324 = vector.shape_cast %get3A_323 : vector<1x16xf32> to vector<16xf32>
          %add3A_325 = arith.addf %get3A_320, %get3A_324 : vector<16xf32>
          %get3A_326 = arith.index_cast %scan3A_132 : i32 to index
          %get3A_327 = arith.constant 112 : index
          %get3A_328 = tpu.vector_load %arg15[%get3A_326, %get3A_327] {strides = array<i32>} : memref<40x128xf32, #tpu.memory_space<vmem>>, vector<1x16xf32>,
          %get3A_329 = vector.shape_cast %get3A_328 : vector<1x16xf32> to vector<16xf32>
          %add3A_330 = arith.addf %add3A_325, %get3A_329 : vector<16xf32>
          %neg3A_331 = arith.constant 0.000000e+00 : f32
          %neg3A_332 = vector.broadcast %neg3A_331 : f32 to vector<16xf32>
          %neg3A_333 = arith.subf %neg3A_332, %add3A_330 : vector<16xf32>
          %exp3A_334 = math.exp %neg3A_333 : vector<16xf32>
          %add3A_335 = arith.constant 1.000000e+00 : f32
          %add3A_336 = vector.broadcast %add3A_335 : f32 to vector<16xf32>
          %add3A_337 = arith.addf %add3A_336, %exp3A_334 : vector<16xf32>
          %div3A_338 = arith.divf %add3A_330, %add3A_337 : vector<16xf32>
          %swap3A_339 = arith.index_cast %scan3A_132 : i32 to index
          %swap3A_340 = arith.constant 112 : index
          %swap3A_341 = tpu.vector_load %arg13[%swap3A_339, %swap3A_340] {strides = array<i32>} : memref<40x128xf32, #tpu.memory_space<vmem>>, vector<1x16xf32>,
          %swap3A_342 = vector.shape_cast %swap3A_341 : vector<1x16xf32> to vector<16xf32>
          %swap3A_343 = vector.shape_cast %div3A_338 : vector<16xf32> to vector<1x16xf32>
          tpu.vector_store %arg13[%swap3A_339, %swap3A_340], %swap3A_343 {strides = array<i32>} : memref<40x128xf32, #tpu.memory_space<vmem>>, vector<1x16xf32>,
        }
        %scan3A_131 = arith.constant 40 : i32
        "tpu.region"() ({
          %run_scoped3A = tpu.sem_alloc : memref<!tpu.dma_semaphore, #tpu.memory_space<semaphore_mem>>
          %dma_start3A_132 = arith.constant 0 : i32
          %dma_start3A_133 = tpu.memref_slice %arg8[%add3A_36, %dma_start3A_132] : memref<50x40xi32, #tpu.memory_space<vmem>> -> memref<1x40xi32, #tpu.memory_space<vmem>>
          %dma_start3A_134 = tpu.memref_squeeze %dma_start3A_133 : memref<1x40xi32, #tpu.memory_space<vmem>> -> memref<40xi32, #tpu.memory_space<vmem>>
          %dma_start3A_135 = arith.constant 0 : i32
          %dma_start3A_136 = arith.constant 0 : i32
          %dma_start3A_137 = tpu.memref_slice %arg17[%dma_start3A_135, %dma_start3A_136] : memref<10000x128xf32, #tpu.memory_space<vmem_shared>> -> memref<10000x128xf32, #tpu.memory_space<vmem_shared>>
          tpu.enqueue_indirect_dma source(%arg13 : memref<40x128xf32, #tpu.memory_space<vmem>>) target(%dma_start3A_137 : memref<10000x128xf32, #tpu.memory_space<vmem_shared>>) offsets(%dma_start3A_134 : memref<40xi32, #tpu.memory_space<vmem>>) semaphore(%run_scoped3A : memref<!tpu.dma_semaphore, #tpu.memory_space<semaphore_mem>>) {add = true}
          %dma_wait3A_138 = arith.constant 0 : i32
          %dma_wait3A_139 = tpu.memref_slice %arg8[%add3A_36, %dma_wait3A_138] : memref<50x40xi32, #tpu.memory_space<vmem>> -> memref<1x40xi32, #tpu.memory_space<vmem>>
          %dma_wait3A_140 = tpu.memref_squeeze %dma_wait3A_139 : memref<1x40xi32, #tpu.memory_space<vmem>> -> memref<40xi32, #tpu.memory_space<vmem>>
          %dma_wait3A_141 = arith.constant 0 : i32
          %dma_wait3A_142 = arith.constant 0 : i32
          %dma_wait3A_143 = tpu.memref_slice %arg17[%dma_wait3A_141, %dma_wait3A_142] : memref<10000x128xf32, #tpu.memory_space<vmem_shared>> -> memref<10000x128xf32, #tpu.memory_space<vmem_shared>>
          tpu.wait_indirect_dma semaphore(%run_scoped3A : memref<!tpu.dma_semaphore, #tpu.memory_space<semaphore_mem>>) src(%arg13 : memref<40x128xf32, #tpu.memory_space<vmem>>) dst(%dma_wait3A_143 : memref<10000x128xf32, #tpu.memory_space<vmem_shared>>)
          tpu.yield
        }) : () -> ()
      }
      %scan3A_31 = arith.constant 25 : i32
    }
    %scan3A_19 = arith.constant 5 : i32
    %barrier3A_20 = arith.constant 0 : index
    tpu.barrier barrier_id(%barrier3A_20)
    "tpu.region"() ({
      %run_scoped3A = tpu.sem_alloc : memref<!tpu.dma_semaphore, #tpu.memory_space<semaphore_mem>>
      %dma_start3A = arith.constant 0 : i32
      %dma_start3A_21 = tpu.memref_slice %arg7[%arg0, %mul3A_7, %dma_start3A] : memref<2x10000x128xf32, #tpu.memory_space<hbm>> -> memref<1x625x128xf32, #tpu.memory_space<hbm>>
      %dma_start3A_22 = tpu.memref_squeeze %dma_start3A_21 : memref<1x625x128xf32, #tpu.memory_space<hbm>> -> memref<625x128xf32, #tpu.memory_space<hbm>>
      %dma_start3A_23 = arith.constant 0 : i32
      %dma_start3A_24 = tpu.memref_slice %arg17[%mul3A_7, %dma_start3A_23] : memref<10000x128xf32, #tpu.memory_space<vmem_shared>> -> memref<625x128xf32, #tpu.memory_space<vmem_shared>>
      tpu.enqueue_dma source(%dma_start3A_24 : memref<625x128xf32, #tpu.memory_space<vmem_shared>>) target(%dma_start3A_22 : memref<625x128xf32, #tpu.memory_space<hbm>>) target_semaphore(%run_scoped3A : memref<!tpu.dma_semaphore, #tpu.memory_space<semaphore_mem>>)
      %dma_wait3A = arith.constant 0 : i32
      %dma_wait3A_25 = tpu.memref_slice %arg7[%arg0, %mul3A_7, %dma_wait3A] : memref<2x10000x128xf32, #tpu.memory_space<hbm>> -> memref<1x625x128xf32, #tpu.memory_space<hbm>>
      %dma_wait3A_26 = tpu.memref_squeeze %dma_wait3A_25 : memref<1x625x128xf32, #tpu.memory_space<hbm>> -> memref<625x128xf32, #tpu.memory_space<hbm>>
      %dma_wait3A_27 = arith.constant 0 : i32
      %dma_wait3A_28 = tpu.memref_slice %arg17[%mul3A_7, %dma_wait3A_27] : memref<10000x128xf32, #tpu.memory_space<vmem_shared>> -> memref<625x128xf32, #tpu.memory_space<vmem_shared>>
      tpu.wait_dma2 semaphore(%run_scoped3A : memref<!tpu.dma_semaphore, #tpu.memory_space<semaphore_mem>>) src(%dma_wait3A_28 : memref<625x128xf32, #tpu.memory_space<vmem_shared>>) dst(%dma_wait3A_26 : memref<625x128xf32, #tpu.memory_space<hbm>>)
      tpu.yield
    }) : () -> ()
    return
  }
}

module attributes {stable_mosaic.version = 14 : i64} {
  func.func @_mm_bias_body(%arg0: i32, %arg1: memref<2000x128xf32, #tpu.memory_space<vmem>>, %arg2: memref<128x128xf32, #tpu.memory_space<vmem>>, %arg3: memref<1x128xf32, #tpu.memory_space<vmem>>, %arg4: memref<2000x128xf32, #tpu.memory_space<vmem>>) attributes {dimension_semantics = [#tpu.dimension_semantics<arbitrary>], iteration_bounds = array<i64: 5>, scalar_prefetch = 0 : i64, scratch_operands = 0 : i64, tpu.core_type = #tpu.core_type<tc>, window_params = [{transform_indices = @transform_0, window_bounds = array<i64: 2000, 128>}, {pipeline_mode = #tpu.pipeline_mode<synchronous>, transform_indices = @transform_1, window_bounds = array<i64: 128, 128>}, {pipeline_mode = #tpu.pipeline_mode<synchronous>, transform_indices = @transform_2, window_bounds = array<i64: 1, 128>}, {transform_indices = @transform_3, window_bounds = array<i64: 2000, 128>}]} {
    %get3A = arith.constant 0 : index
    %get3A_0 = arith.constant 0 : index
    %get3A_1 = vector.load %arg1[%get3A, %get3A_0] : memref<2000x128xf32, #tpu.memory_space<vmem>>, vector<2000x128xf32>
    %get3A_2 = arith.constant 0 : index
    %get3A_3 = arith.constant 0 : index
    %get3A_4 = vector.load %arg2[%get3A_2, %get3A_3] : memref<128x128xf32, #tpu.memory_space<vmem>>, vector<128x128xf32>
    %dot_general3A = arith.constant dense<0.000000e+00> : vector<2000x128xf32>
    %dot_general3A_5 = tpu.matmul %get3A_1, %get3A_4, %dot_general3A {dimension_numbers = #tpu.dot_dimension_numbers<[1], [0], [0], [1], [0, 0, 1, 1], [], []>, transpose_lhs_hint = false} : vector<2000x128xf32>, vector<128x128xf32>, vector<2000x128xf32> -> vector<2000x128xf32>
    %get3A_6 = arith.constant 0 : index
    %get3A_7 = arith.constant 0 : index
    %get3A_8 = vector.load %arg3[%get3A_6, %get3A_7] : memref<1x128xf32, #tpu.memory_space<vmem>>, vector<1x128xf32>
    %add3A = vector.broadcast %get3A_8 : vector<1x128xf32> to vector<2000x128xf32>
    %add3A_9 = arith.addf %dot_general3A_5, %add3A : vector<2000x128xf32>
    %swap3A = arith.constant 0 : index
    %swap3A_10 = arith.constant 0 : index
    %swap3A_11 = vector.load %arg4[%swap3A, %swap3A_10] : memref<2000x128xf32, #tpu.memory_space<vmem>>, vector<2000x128xf32>
    tpu.vector_store %arg4[%swap3A, %swap3A_10], %add3A_9 {strides = array<i32>} : memref<2000x128xf32, #tpu.memory_space<vmem>>, vector<2000x128xf32>,
    return
  }
  func.func @transform_0(%arg0: i32) -> (i32, i32) {
    %c0_i32 = arith.constant 0 : i32
    %c0_i32_0 = arith.constant 0 : i32
    return %arg0, %c0_i32 : i32, i32
  }
  func.func @transform_1(%arg0: i32) -> (i32, i32) {
    %c0_i32 = arith.constant 0 : i32
    %c0_i32_0 = arith.constant 0 : i32
    %c0_i32_1 = arith.constant 0 : i32
    return %c0_i32, %c0_i32_0 : i32, i32
  }
  func.func @transform_2(%arg0: i32) -> (i32, i32) {
    %c0_i32 = arith.constant 0 : i32
    %c0_i32_0 = arith.constant 0 : i32
    %c0_i32_1 = arith.constant 0 : i32
    return %c0_i32, %c0_i32_0 : i32, i32
  }
  func.func @transform_3(%arg0: i32) -> (i32, i32) {
    %c0_i32 = arith.constant 0 : i32
    %c0_i32_0 = arith.constant 0 : i32
    return %arg0, %c0_i32 : i32, i32
  }
}

module attributes {stable_mosaic.version = 14 : i64} {
  func.func @_ab_body(%arg0: i32, %arg1: memref<2000x128xf32, #tpu.memory_space<vmem>>, %arg2: memref<128x128xf32, #tpu.memory_space<vmem>>, %arg3: memref<128x128xf32, #tpu.memory_space<vmem>>, %arg4: memref<2000x128xf32, #tpu.memory_space<vmem>>, %arg5: memref<2000x128xf32, #tpu.memory_space<vmem>>) attributes {dimension_semantics = [#tpu.dimension_semantics<arbitrary>], iteration_bounds = array<i64: 5>, scalar_prefetch = 0 : i64, scratch_operands = 0 : i64, tpu.core_type = #tpu.core_type<tc>, window_params = [{transform_indices = @transform_0, window_bounds = array<i64: 2000, 128>}, {pipeline_mode = #tpu.pipeline_mode<synchronous>, transform_indices = @transform_1, window_bounds = array<i64: 128, 128>}, {pipeline_mode = #tpu.pipeline_mode<synchronous>, transform_indices = @transform_2, window_bounds = array<i64: 128, 128>}, {transform_indices = @transform_3, window_bounds = array<i64: 2000, 128>}, {transform_indices = @transform_4, window_bounds = array<i64: 2000, 128>}]} {
    %get3A = arith.constant 0 : index
    %get3A_0 = arith.constant 0 : index
    %get3A_1 = vector.load %arg1[%get3A, %get3A_0] : memref<2000x128xf32, #tpu.memory_space<vmem>>, vector<2000x128xf32>
    %get3A_2 = arith.constant 0 : index
    %get3A_3 = arith.constant 0 : index
    %get3A_4 = vector.load %arg2[%get3A_2, %get3A_3] : memref<128x128xf32, #tpu.memory_space<vmem>>, vector<128x128xf32>
    %dot_general3A = arith.constant dense<0.000000e+00> : vector<2000x128xf32>
    %dot_general3A_5 = tpu.matmul %get3A_1, %get3A_4, %dot_general3A {dimension_numbers = #tpu.dot_dimension_numbers<[1], [0], [0], [1], [0, 0, 1, 1], [], []>, transpose_lhs_hint = false} : vector<2000x128xf32>, vector<128x128xf32>, vector<2000x128xf32> -> vector<2000x128xf32>
    %swap3A = arith.constant 0 : index
    %swap3A_6 = arith.constant 0 : index
    %swap3A_7 = vector.load %arg4[%swap3A, %swap3A_6] : memref<2000x128xf32, #tpu.memory_space<vmem>>, vector<2000x128xf32>
    tpu.vector_store %arg4[%swap3A, %swap3A_6], %dot_general3A_5 {strides = array<i32>} : memref<2000x128xf32, #tpu.memory_space<vmem>>, vector<2000x128xf32>,
    %get3A_8 = arith.constant 0 : index
    %get3A_9 = arith.constant 0 : index
    %get3A_10 = vector.load %arg3[%get3A_8, %get3A_9] : memref<128x128xf32, #tpu.memory_space<vmem>>, vector<128x128xf32>
    %dot_general3A_11 = arith.constant dense<0.000000e+00> : vector<2000x128xf32>
    %dot_general3A_12 = tpu.matmul %get3A_1, %get3A_10, %dot_general3A_11 {dimension_numbers = #tpu.dot_dimension_numbers<[1], [0], [0], [1], [0, 0, 1, 1], [], []>, transpose_lhs_hint = false} : vector<2000x128xf32>, vector<128x128xf32>, vector<2000x128xf32> -> vector<2000x128xf32>
    %swap3A_13 = arith.constant 0 : index
    %swap3A_14 = arith.constant 0 : index
    %swap3A_15 = vector.load %arg5[%swap3A_13, %swap3A_14] : memref<2000x128xf32, #tpu.memory_space<vmem>>, vector<2000x128xf32>
    tpu.vector_store %arg5[%swap3A_13, %swap3A_14], %dot_general3A_12 {strides = array<i32>} : memref<2000x128xf32, #tpu.memory_space<vmem>>, vector<2000x128xf32>,
    return
  }
  func.func @transform_0(%arg0: i32) -> (i32, i32) {
    %c0_i32 = arith.constant 0 : i32
    %c0_i32_0 = arith.constant 0 : i32
    return %arg0, %c0_i32 : i32, i32
  }
  func.func @transform_1(%arg0: i32) -> (i32, i32) {
    %c0_i32 = arith.constant 0 : i32
    %c0_i32_0 = arith.constant 0 : i32
    %c0_i32_1 = arith.constant 0 : i32
    return %c0_i32, %c0_i32_0 : i32, i32
  }
  func.func @transform_2(%arg0: i32) -> (i32, i32) {
    %c0_i32 = arith.constant 0 : i32
    %c0_i32_0 = arith.constant 0 : i32
    %c0_i32_1 = arith.constant 0 : i32
    return %c0_i32, %c0_i32_0 : i32, i32
  }
  func.func @transform_3(%arg0: i32) -> (i32, i32) {
    %c0_i32 = arith.constant 0 : i32
    %c0_i32_0 = arith.constant 0 : i32
    return %arg0, %c0_i32 : i32, i32
  }
  func.func @transform_4(%arg0: i32) -> (i32, i32) {
    %c0_i32 = arith.constant 0 : i32
    %c0_i32_0 = arith.constant 0 : i32
    return %arg0, %c0_i32 : i32, i32
  }
}

module attributes {stable_mosaic.version = 14 : i64} {
  func.func @_mm_bias_body(%arg0: i32, %arg1: memref<4000x16xf32, #tpu.memory_space<vmem>>, %arg2: memref<16x128xf32, #tpu.memory_space<vmem>>, %arg3: memref<1x128xf32, #tpu.memory_space<vmem>>, %arg4: memref<4000x128xf32, #tpu.memory_space<vmem>>) attributes {dimension_semantics = [#tpu.dimension_semantics<arbitrary>], iteration_bounds = array<i64: 80>, scalar_prefetch = 0 : i64, scratch_operands = 0 : i64, tpu.core_type = #tpu.core_type<tc>, window_params = [{transform_indices = @transform_0, window_bounds = array<i64: 4000, 16>}, {pipeline_mode = #tpu.pipeline_mode<synchronous>, transform_indices = @transform_1, window_bounds = array<i64: 16, 128>}, {pipeline_mode = #tpu.pipeline_mode<synchronous>, transform_indices = @transform_2, window_bounds = array<i64: 1, 128>}, {transform_indices = @transform_3, window_bounds = array<i64: 4000, 128>}]} {
    %get3A = arith.constant 0 : index
    %get3A_0 = arith.constant 0 : index
    %get3A_1 = vector.load %arg1[%get3A, %get3A_0] : memref<4000x16xf32, #tpu.memory_space<vmem>>, vector<4000x16xf32>
    %get3A_2 = arith.constant 0 : index
    %get3A_3 = arith.constant 0 : index
    %get3A_4 = vector.load %arg2[%get3A_2, %get3A_3] : memref<16x128xf32, #tpu.memory_space<vmem>>, vector<16x128xf32>
    %dot_general3A = arith.constant dense<0.000000e+00> : vector<4000x128xf32>
    %dot_general3A_5 = tpu.matmul %get3A_1, %get3A_4, %dot_general3A {dimension_numbers = #tpu.dot_dimension_numbers<[1], [0], [0], [1], [0, 0, 1, 1], [], []>, transpose_lhs_hint = false} : vector<4000x16xf32>, vector<16x128xf32>, vector<4000x128xf32> -> vector<4000x128xf32>
    %get3A_6 = arith.constant 0 : index
    %get3A_7 = arith.constant 0 : index
    %get3A_8 = vector.load %arg3[%get3A_6, %get3A_7] : memref<1x128xf32, #tpu.memory_space<vmem>>, vector<1x128xf32>
    %add3A = vector.broadcast %get3A_8 : vector<1x128xf32> to vector<4000x128xf32>
    %add3A_9 = arith.addf %dot_general3A_5, %add3A : vector<4000x128xf32>
    %swap3A = arith.constant 0 : index
    %swap3A_10 = arith.constant 0 : index
    %swap3A_11 = vector.load %arg4[%swap3A, %swap3A_10] : memref<4000x128xf32, #tpu.memory_space<vmem>>, vector<4000x128xf32>
    tpu.vector_store %arg4[%swap3A, %swap3A_10], %add3A_9 {strides = array<i32>} : memref<4000x128xf32, #tpu.memory_space<vmem>>, vector<4000x128xf32>,
    return
  }
  func.func @transform_0(%arg0: i32) -> (i32, i32) {
    %c0_i32 = arith.constant 0 : i32
    %c0_i32_0 = arith.constant 0 : i32
    return %arg0, %c0_i32 : i32, i32
  }
  func.func @transform_1(%arg0: i32) -> (i32, i32) {
    %c0_i32 = arith.constant 0 : i32
    %c0_i32_0 = arith.constant 0 : i32
    %c0_i32_1 = arith.constant 0 : i32
    return %c0_i32, %c0_i32_0 : i32, i32
  }
  func.func @transform_2(%arg0: i32) -> (i32, i32) {
    %c0_i32 = arith.constant 0 : i32
    %c0_i32_0 = arith.constant 0 : i32
    %c0_i32_1 = arith.constant 0 : i32
    return %c0_i32, %c0_i32_0 : i32, i32
  }
  func.func @transform_3(%arg0: i32) -> (i32, i32) {
    %c0_i32 = arith.constant 0 : i32
    %c0_i32_0 = arith.constant 0 : i32
    return %arg0, %c0_i32 : i32, i32
  }
}

module attributes {stable_mosaic.version = 14 : i64} {
  func.func @_node_body(%arg0: i32, %arg1: memref<2000x128xf32, #tpu.memory_space<vmem>>, %arg2: memref<2000x128xf32, #tpu.memory_space<vmem>>, %arg3: memref<2000x128xf32, #tpu.memory_space<vmem>>, %arg4: memref<2000x16xf32, #tpu.memory_space<vmem>>, %arg5: memref<2000x16xf32, #tpu.memory_space<vmem>>, %arg6: memref<128x128xf32, #tpu.memory_space<vmem>>, %arg7: memref<1x128xf32, #tpu.memory_space<vmem>>, %arg8: memref<128x128xf32, #tpu.memory_space<vmem>>, %arg9: memref<128x128xf32, #tpu.memory_space<vmem>>, %arg10: memref<1x128xf32, #tpu.memory_space<vmem>>, %arg11: memref<128x128xf32, #tpu.memory_space<vmem>>, %arg12: memref<1x128xf32, #tpu.memory_space<vmem>>, %arg13: memref<2000x128xf32, #tpu.memory_space<vmem>>) attributes {dimension_semantics = [#tpu.dimension_semantics<arbitrary>], iteration_bounds = array<i64: 5>, scalar_prefetch = 0 : i64, scratch_operands = 0 : i64, tpu.core_type = #tpu.core_type<tc>, window_params = [{transform_indices = @transform_0, window_bounds = array<i64: 2000, 128>}, {transform_indices = @transform_1, window_bounds = array<i64: 2000, 128>}, {transform_indices = @transform_2, window_bounds = array<i64: 2000, 128>}, {transform_indices = @transform_3, window_bounds = array<i64: 2000, 16>}, {transform_indices = @transform_4, window_bounds = array<i64: 2000, 16>}, {pipeline_mode = #tpu.pipeline_mode<synchronous>, transform_indices = @transform_5, window_bounds = array<i64: 128, 128>}, {pipeline_mode = #tpu.pipeline_mode<synchronous>, transform_indices = @transform_6, window_bounds = array<i64: 1, 128>}, {pipeline_mode = #tpu.pipeline_mode<synchronous>, transform_indices = @transform_7, window_bounds = array<i64: 128, 128>}, {pipeline_mode = #tpu.pipeline_mode<synchronous>, transform_indices = @transform_8, window_bounds = array<i64: 128, 128>}, {pipeline_mode = #tpu.pipeline_mode<synchronous>, transform_indices = @transform_9, window_bounds = array<i64: 1, 128>}, {pipeline_mode = #tpu.pipeline_mode<synchronous>, transform_indices = @transform_10, window_bounds = array<i64: 128, 128>}, {pipeline_mode = #tpu.pipeline_mode<synchronous>, transform_indices = @transform_11, window_bounds = array<i64: 1, 128>}, {transform_indices = @transform_12, window_bounds = array<i64: 2000, 128>}]} {
    %get3A = arith.constant 0 : index
    %get3A_0 = arith.constant 0 : index
    %get3A_1 = vector.load %arg2[%get3A, %get3A_0] : memref<2000x128xf32, #tpu.memory_space<vmem>>, vector<2000x128xf32>
    %get3A_2 = arith.constant 0 : index
    %get3A_3 = arith.constant 0 : index
    %get3A_4 = vector.load %arg3[%get3A_2, %get3A_3] : memref<2000x128xf32, #tpu.memory_space<vmem>>, vector<2000x128xf32>
    %add3A = arith.addf %get3A_1, %get3A_4 : vector<2000x128xf32>
    %get3A_5 = arith.constant 0 : index
    %get3A_6 = arith.constant 0 : index
    %get3A_7 = vector.load %arg4[%get3A_5, %get3A_6] : memref<2000x16xf32, #tpu.memory_space<vmem>>, vector<2000x16xf32>
    %get3A_8 = arith.constant 0 : index
    %get3A_9 = arith.constant 0 : index
    %get3A_10 = vector.load %arg5[%get3A_8, %get3A_9] : memref<2000x16xf32, #tpu.memory_space<vmem>>, vector<2000x16xf32>
    %add3A_11 = arith.addf %get3A_7, %get3A_10 : vector<2000x16xf32>
    %slice3A = vector.extract_strided_slice %add3A_11 {offsets = [0, 0], sizes = [2000, 1], strides = [1, 1]} : vector<2000x16xf32> to vector<2000x1xf32>
    %get3A_12 = arith.constant 0 : index
    %get3A_13 = arith.constant 0 : index
    %get3A_14 = vector.load %arg6[%get3A_12, %get3A_13] : memref<128x128xf32, #tpu.memory_space<vmem>>, vector<128x128xf32>
    %dot_general3A = arith.constant dense<0.000000e+00> : vector<2000x128xf32>
    %dot_general3A_15 = tpu.matmul %add3A, %get3A_14, %dot_general3A {dimension_numbers = #tpu.dot_dimension_numbers<[1], [0], [0], [1], [0, 0, 1, 1], [], []>, transpose_lhs_hint = false} : vector<2000x128xf32>, vector<128x128xf32>, vector<2000x128xf32> -> vector<2000x128xf32>
    %get3A_16 = arith.constant 0 : index
    %get3A_17 = arith.constant 0 : index
    %get3A_18 = vector.load %arg7[%get3A_16, %get3A_17] : memref<1x128xf32, #tpu.memory_space<vmem>>, vector<1x128xf32>
    %mul3A = vector.broadcast %slice3A : vector<2000x1xf32> to vector<2000x128xf32>
    %mul3A_19 = vector.broadcast %get3A_18 : vector<1x128xf32> to vector<2000x128xf32>
    %mul3A_20 = arith.mulf %mul3A, %mul3A_19 : vector<2000x128xf32>
    %add3A_21 = arith.addf %dot_general3A_15, %mul3A_20 : vector<2000x128xf32>
    %get3A_22 = arith.constant 0 : index
    %get3A_23 = arith.constant 0 : index
    %get3A_24 = vector.load %arg1[%get3A_22, %get3A_23] : memref<2000x128xf32, #tpu.memory_space<vmem>>, vector<2000x128xf32>
    %get3A_25 = arith.constant 0 : index
    %get3A_26 = arith.constant 0 : index
    %get3A_27 = vector.load %arg8[%get3A_25, %get3A_26] : memref<128x128xf32, #tpu.memory_space<vmem>>, vector<128x128xf32>
    %dot_general3A_28 = arith.constant dense<0.000000e+00> : vector<2000x128xf32>
    %dot_general3A_29 = tpu.matmul %get3A_24, %get3A_27, %dot_general3A_28 {dimension_numbers = #tpu.dot_dimension_numbers<[1], [0], [0], [1], [0, 0, 1, 1], [], []>, transpose_lhs_hint = false} : vector<2000x128xf32>, vector<128x128xf32>, vector<2000x128xf32> -> vector<2000x128xf32>
    %get3A_30 = arith.constant 0 : index
    %get3A_31 = arith.constant 0 : index
    %get3A_32 = vector.load %arg9[%get3A_30, %get3A_31] : memref<128x128xf32, #tpu.memory_space<vmem>>, vector<128x128xf32>
    %dot_general3A_33 = arith.constant dense<0.000000e+00> : vector<2000x128xf32>
    %dot_general3A_34 = tpu.matmul %add3A_21, %get3A_32, %dot_general3A_33 {dimension_numbers = #tpu.dot_dimension_numbers<[1], [0], [0], [1], [0, 0, 1, 1], [], []>, transpose_lhs_hint = false} : vector<2000x128xf32>, vector<128x128xf32>, vector<2000x128xf32> -> vector<2000x128xf32>
    %add3A_35 = arith.addf %dot_general3A_29, %dot_general3A_34 : vector<2000x128xf32>
    %get3A_36 = arith.constant 0 : index
    %get3A_37 = arith.constant 0 : index
    %get3A_38 = vector.load %arg10[%get3A_36, %get3A_37] : memref<1x128xf32, #tpu.memory_space<vmem>>, vector<1x128xf32>
    %add3A_39 = vector.broadcast %get3A_38 : vector<1x128xf32> to vector<2000x128xf32>
    %add3A_40 = arith.addf %add3A_35, %add3A_39 : vector<2000x128xf32>
    %logistic3A = arith.negf %add3A_40 : vector<2000x128xf32>
    %logistic3A_41 = math.exp %logistic3A : vector<2000x128xf32>
    %logistic3A_42 = arith.constant 1.000000e+00 : f32
    %logistic3A_43 = vector.broadcast %logistic3A_42 : f32 to vector<2000x128xf32>
    %logistic3A_44 = arith.addf %logistic3A_43, %logistic3A_41 : vector<2000x128xf32>
    %logistic3A_45 = arith.divf %logistic3A_43, %logistic3A_44 : vector<2000x128xf32>
    %mul3A_46 = arith.mulf %add3A_40, %logistic3A_45 : vector<2000x128xf32>
    %get3A_47 = arith.constant 0 : index
    %get3A_48 = arith.constant 0 : index
    %get3A_49 = vector.load %arg11[%get3A_47, %get3A_48] : memref<128x128xf32, #tpu.memory_space<vmem>>, vector<128x128xf32>
    %dot_general3A_50 = arith.constant dense<0.000000e+00> : vector<2000x128xf32>
    %dot_general3A_51 = tpu.matmul %mul3A_46, %get3A_49, %dot_general3A_50 {dimension_numbers = #tpu.dot_dimension_numbers<[1], [0], [0], [1], [0, 0, 1, 1], [], []>, transpose_lhs_hint = false} : vector<2000x128xf32>, vector<128x128xf32>, vector<2000x128xf32> -> vector<2000x128xf32>
    %get3A_52 = arith.constant 0 : index
    %get3A_53 = arith.constant 0 : index
    %get3A_54 = vector.load %arg12[%get3A_52, %get3A_53] : memref<1x128xf32, #tpu.memory_space<vmem>>, vector<1x128xf32>
    %add3A_55 = vector.broadcast %get3A_54 : vector<1x128xf32> to vector<2000x128xf32>
    %add3A_56 = arith.addf %dot_general3A_51, %add3A_55 : vector<2000x128xf32>
    %logistic3A_57 = arith.negf %add3A_56 : vector<2000x128xf32>
    %logistic3A_58 = math.exp %logistic3A_57 : vector<2000x128xf32>
    %logistic3A_59 = arith.constant 1.000000e+00 : f32
    %logistic3A_60 = vector.broadcast %logistic3A_59 : f32 to vector<2000x128xf32>
    %logistic3A_61 = arith.addf %logistic3A_60, %logistic3A_58 : vector<2000x128xf32>
    %logistic3A_62 = arith.divf %logistic3A_60, %logistic3A_61 : vector<2000x128xf32>
    %mul3A_63 = arith.mulf %add3A_56, %logistic3A_62 : vector<2000x128xf32>
    %swap3A = arith.constant 0 : index
    %swap3A_64 = arith.constant 0 : index
    %swap3A_65 = vector.load %arg13[%swap3A, %swap3A_64] : memref<2000x128xf32, #tpu.memory_space<vmem>>, vector<2000x128xf32>
    tpu.vector_store %arg13[%swap3A, %swap3A_64], %mul3A_63 {strides = array<i32>} : memref<2000x128xf32, #tpu.memory_space<vmem>>, vector<2000x128xf32>,
    return
  }
  func.func @transform_0(%arg0: i32) -> (i32, i32) {
    %c0_i32 = arith.constant 0 : i32
    %c0_i32_0 = arith.constant 0 : i32
    return %arg0, %c0_i32 : i32, i32
  }
  func.func @transform_1(%arg0: i32) -> (i32, i32) {
    %c0_i32 = arith.constant 0 : i32
    %c0_i32_0 = arith.constant 0 : i32
    return %arg0, %c0_i32 : i32, i32
  }
  func.func @transform_2(%arg0: i32) -> (i32, i32) {
    %c0_i32 = arith.constant 0 : i32
    %c0_i32_0 = arith.constant 0 : i32
    return %arg0, %c0_i32 : i32, i32
  }
  func.func @transform_3(%arg0: i32) -> (i32, i32) {
    %c0_i32 = arith.constant 0 : i32
    %c0_i32_0 = arith.constant 0 : i32
    return %arg0, %c0_i32 : i32, i32
  }
  func.func @transform_4(%arg0: i32) -> (i32, i32) {
    %c0_i32 = arith.constant 0 : i32
    %c0_i32_0 = arith.constant 0 : i32
    return %arg0, %c0_i32 : i32, i32
  }
  func.func @transform_5(%arg0: i32) -> (i32, i32) {
    %c0_i32 = arith.constant 0 : i32
    %c0_i32_0 = arith.constant 0 : i32
    %c0_i32_1 = arith.constant 0 : i32
    return %c0_i32, %c0_i32_0 : i32, i32
  }
  func.func @transform_6(%arg0: i32) -> (i32, i32) {
    %c0_i32 = arith.constant 0 : i32
    %c0_i32_0 = arith.constant 0 : i32
    %c0_i32_1 = arith.constant 0 : i32
    return %c0_i32, %c0_i32_0 : i32, i32
  }
  func.func @transform_7(%arg0: i32) -> (i32, i32) {
    %c0_i32 = arith.constant 0 : i32
    %c0_i32_0 = arith.constant 0 : i32
    %c0_i32_1 = arith.constant 0 : i32
    return %c0_i32, %c0_i32_0 : i32, i32
  }
  func.func @transform_8(%arg0: i32) -> (i32, i32) {
    %c0_i32 = arith.constant 0 : i32
    %c0_i32_0 = arith.constant 0 : i32
    %c0_i32_1 = arith.constant 0 : i32
    return %c0_i32, %c0_i32_0 : i32, i32
  }
  func.func @transform_9(%arg0: i32) -> (i32, i32) {
    %c0_i32 = arith.constant 0 : i32
    %c0_i32_0 = arith.constant 0 : i32
    %c0_i32_1 = arith.constant 0 : i32
    return %c0_i32, %c0_i32_0 : i32, i32
  }
  func.func @transform_10(%arg0: i32) -> (i32, i32) {
    %c0_i32 = arith.constant 0 : i32
    %c0_i32_0 = arith.constant 0 : i32
    %c0_i32_1 = arith.constant 0 : i32
    return %c0_i32, %c0_i32_0 : i32, i32
  }
  func.func @transform_11(%arg0: i32) -> (i32, i32) {
    %c0_i32 = arith.constant 0 : i32
    %c0_i32_0 = arith.constant 0 : i32
    %c0_i32_1 = arith.constant 0 : i32
    return %c0_i32, %c0_i32_0 : i32, i32
  }
  func.func @transform_12(%arg0: i32) -> (i32, i32) {
    %c0_i32 = arith.constant 0 : i32
    %c0_i32_0 = arith.constant 0 : i32
    return %arg0, %c0_i32 : i32, i32
  }
}

module attributes {stable_mosaic.version = 14 : i64} {
  func.func @_pool_body(%arg0: i32, %arg1: memref<1x1x2000xi32, #tpu.memory_space<vmem>>, %arg2: memref<2000x128xf32, #tpu.memory_space<vmem>>, %arg3: memref<128x128xf32, #tpu.memory_space<vmem>>, %arg4: memref<1x128xf32, #tpu.memory_space<vmem>>, %arg5: memref<128x64xf32, #tpu.memory_space<vmem>>, %arg6: memref<1x64xf32, #tpu.memory_space<vmem>>, %arg7: memref<64x2xf32, #tpu.memory_space<vmem>>, %arg8: memref<1x2xf32, #tpu.memory_space<vmem>>, %arg9: memref<64x2xf32, #tpu.memory_space<vmem>>, %arg10: memref<64x128xf32, #tpu.memory_space<vmem>>, %arg11: memref<64x1xf32, #tpu.memory_space<vmem>>) attributes {dimension_semantics = [#tpu.dimension_semantics<arbitrary>], iteration_bounds = array<i64: 5>, scalar_prefetch = 0 : i64, scratch_operands = 2 : i64, tpu.core_type = #tpu.core_type<tc>, window_params = [{transform_indices = @transform_0, window_bounds = array<i64: 1, 1, 2000>}, {transform_indices = @transform_1, window_bounds = array<i64: 2000, 128>}, {pipeline_mode = #tpu.pipeline_mode<synchronous>, transform_indices = @transform_2, window_bounds = array<i64: 128, 128>}, {pipeline_mode = #tpu.pipeline_mode<synchronous>, transform_indices = @transform_3, window_bounds = array<i64: 1, 128>}, {pipeline_mode = #tpu.pipeline_mode<synchronous>, transform_indices = @transform_4, window_bounds = array<i64: 128, 64>}, {pipeline_mode = #tpu.pipeline_mode<synchronous>, transform_indices = @transform_5, window_bounds = array<i64: 1, 64>}, {pipeline_mode = #tpu.pipeline_mode<synchronous>, transform_indices = @transform_6, window_bounds = array<i64: 64, 2>}, {pipeline_mode = #tpu.pipeline_mode<synchronous>, transform_indices = @transform_7, window_bounds = array<i64: 1, 2>}, {pipeline_mode = #tpu.pipeline_mode<synchronous>, transform_indices = @transform_8, window_bounds = array<i64: 64, 2>}]} {
    %eq3A = arith.constant 0 : i32
    %eq3A_0 = arith.cmpi eq, %arg0, %eq3A : i32
    %convert_element_type3A = arith.extui %eq3A_0 : i1 to i32
    %cond3A = arith.constant 0 : i32
    %cond3A_1 = arith.cmpi ne, %convert_element_type3A, %cond3A : i32
    scf.if %cond3A_1 {
      %broadcast_in_dim3A_31 = arith.constant 0.000000e+00 : f32
      %broadcast_in_dim3A_32 = vector.broadcast %broadcast_in_dim3A_31 : f32 to vector<64x128xf32>
      %swap3A_33 = arith.constant 0 : index
      %swap3A_34 = arith.constant 0 : index
      %swap3A_35 = vector.load %arg10[%swap3A_33, %swap3A_34] : memref<64x128xf32, #tpu.memory_space<vmem>>, vector<64x128xf32>
      tpu.vector_store %arg10[%swap3A_33, %swap3A_34], %broadcast_in_dim3A_32 {strides = array<i32>} : memref<64x128xf32, #tpu.memory_space<vmem>>, vector<64x128xf32>,
      %broadcast_in_dim3A_36 = arith.constant 0.000000e+00 : f32
      %broadcast_in_dim3A_37 = vector.broadcast %broadcast_in_dim3A_36 : f32 to vector<64x1xf32>
      %swap3A_38 = arith.constant 0 : index
      %swap3A_39 = arith.constant 0 : index
      %swap3A_40 = vector.load %arg11[%swap3A_38, %swap3A_39] : memref<64x1xf32, #tpu.memory_space<vmem>>, vector<64x1xf32>
      tpu.vector_store %arg11[%swap3A_38, %swap3A_39], %broadcast_in_dim3A_37 {strides = array<i32>} : memref<64x1xf32, #tpu.memory_space<vmem>>, vector<64x1xf32>,
    } else {
    }
    %get3A = arith.constant 0 : index
    %get3A_2 = arith.constant 0 : index
    %get3A_3 = arith.constant 0 : index
    %get3A_4 = vector.load %arg1[%get3A, %get3A_2, %get3A_3] : memref<1x1x2000xi32, #tpu.memory_space<vmem>>, vector<1x1x2000xi32>
    %reshape3A = vector.shape_cast %get3A_4 : vector<1x1x2000xi32> to vector<1x2000xi32>
    %iota3A = tpu.iota {dimensions = array<i32: 0>} : vector<64x2000xi32>
    %eq3A_5 = vector.broadcast %reshape3A : vector<1x2000xi32> to vector<64x2000xi32>
    %eq3A_6 = arith.cmpi eq, %iota3A, %eq3A_5 : vector<64x2000xi32>
    %convert_element_type3A_7 = arith.extui %eq3A_6 : vector<64x2000xi1> to vector<64x2000xi32>
    %convert_element_type3A_8 = arith.sitofp %convert_element_type3A_7 : vector<64x2000xi32> to vector<64x2000xf32>
    %get3A_9 = arith.constant 0 : index
    %get3A_10 = arith.constant 0 : index
    %get3A_11 = vector.load %arg10[%get3A_9, %get3A_10] : memref<64x128xf32, #tpu.memory_space<vmem>>, vector<64x128xf32>
    %get3A_12 = arith.constant 0 : index
    %get3A_13 = arith.constant 0 : index
    %get3A_14 = vector.load %arg2[%get3A_12, %get3A_13] : memref<2000x128xf32, #tpu.memory_space<vmem>>, vector<2000x128xf32>
    %dot_general3A = arith.constant dense<0.000000e+00> : vector<64x128xf32>
    %dot_general3A_15 = tpu.matmul %convert_element_type3A_8, %get3A_14, %dot_general3A {dimension_numbers = #tpu.dot_dimension_numbers<[1], [0], [0], [1], [0, 0, 1, 1], [], []>, transpose_lhs_hint = false} : vector<64x2000xf32>, vector<2000x128xf32>, vector<64x128xf32> -> vector<64x128xf32>
    %add3A = arith.addf %get3A_11, %dot_general3A_15 : vector<64x128xf32>
    %swap3A = arith.constant 0 : index
    %swap3A_16 = arith.constant 0 : index
    %swap3A_17 = vector.load %arg10[%swap3A, %swap3A_16] : memref<64x128xf32, #tpu.memory_space<vmem>>, vector<64x128xf32>
    tpu.vector_store %arg10[%swap3A, %swap3A_16], %add3A {strides = array<i32>} : memref<64x128xf32, #tpu.memory_space<vmem>>, vector<64x128xf32>,
    %get3A_18 = arith.constant 0 : index
    %get3A_19 = arith.constant 0 : index
    %get3A_20 = vector.load %arg11[%get3A_18, %get3A_19] : memref<64x1xf32, #tpu.memory_space<vmem>>, vector<64x1xf32>
    %reduce_sum3A = arith.constant dense<0.000000e+00> : vector<64xf32>
    %reduce_sum3A_21 = vector.multi_reduction <add>, %convert_element_type3A_8, %reduce_sum3A [1] : vector<64x2000xf32> to vector<64xf32>
    %broadcast_in_dim3A = vector.shape_cast %reduce_sum3A_21 : vector<64xf32> to vector<64x1xf32>
    %add3A_22 = arith.addf %get3A_20, %broadcast_in_dim3A : vector<64x1xf32>
    %swap3A_23 = arith.constant 0 : index
    %swap3A_24 = arith.constant 0 : index
    %swap3A_25 = vector.load %arg11[%swap3A_23, %swap3A_24] : memref<64x1xf32, #tpu.memory_space<vmem>>, vector<64x1xf32>
    tpu.vector_store %arg11[%swap3A_23, %swap3A_24], %add3A_22 {strides = array<i32>} : memref<64x1xf32, #tpu.memory_space<vmem>>, vector<64x1xf32>,
    %eq3A_26 = arith.constant 4 : i32
    %eq3A_27 = arith.cmpi eq, %arg0, %eq3A_26 : i32
    %convert_element_type3A_28 = arith.extui %eq3A_27 : i1 to i32
    %cond3A_29 = arith.constant 0 : i32
    %cond3A_30 = arith.cmpi ne, %convert_element_type3A_28, %cond3A_29 : i32
    scf.if %cond3A_30 {
      %get3A_31 = arith.constant 0 : index
      %get3A_32 = arith.constant 0 : index
      %get3A_33 = vector.load %arg10[%get3A_31, %get3A_32] : memref<64x128xf32, #tpu.memory_space<vmem>>, vector<64x128xf32>
      %get3A_34 = arith.constant 0 : index
      %get3A_35 = arith.constant 0 : index
      %get3A_36 = vector.load %arg11[%get3A_34, %get3A_35] : memref<64x1xf32, #tpu.memory_space<vmem>>, vector<64x1xf32>
      %max3A = arith.constant 1.000000e+00 : f32
      %max3A_37 = vector.broadcast %max3A : f32 to vector<64x1xf32>
      %max3A_38 = arith.maximumf %get3A_36, %max3A_37 : vector<64x1xf32>
      %div3A = vector.broadcast %max3A_38 : vector<64x1xf32> to vector<64x128xf32>
      %div3A_39 = arith.divf %get3A_33, %div3A : vector<64x128xf32>
      %get3A_40 = arith.constant 0 : index
      %get3A_41 = arith.constant 0 : index
      %get3A_42 = vector.load %arg3[%get3A_40, %get3A_41] : memref<128x128xf32, #tpu.memory_space<vmem>>, vector<128x128xf32>
      %dot_general3A_43 = arith.constant dense<0.000000e+00> : vector<64x128xf32>
      %dot_general3A_44 = tpu.matmul %div3A_39, %get3A_42, %dot_general3A_43 {dimension_numbers = #tpu.dot_dimension_numbers<[1], [0], [0], [1], [0, 0, 1, 1], [], []>, transpose_lhs_hint = false} : vector<64x128xf32>, vector<128x128xf32>, vector<64x128xf32> -> vector<64x128xf32>
      %get3A_45 = arith.constant 0 : index
      %get3A_46 = arith.constant 0 : index
      %get3A_47 = vector.load %arg4[%get3A_45, %get3A_46] : memref<1x128xf32, #tpu.memory_space<vmem>>, vector<1x128xf32>
      %add3A_48 = vector.broadcast %get3A_47 : vector<1x128xf32> to vector<64x128xf32>
      %add3A_49 = arith.addf %dot_general3A_44, %add3A_48 : vector<64x128xf32>
      %logistic3A = arith.negf %add3A_49 : vector<64x128xf32>
      %logistic3A_50 = math.exp %logistic3A : vector<64x128xf32>
      %logistic3A_51 = arith.constant 1.000000e+00 : f32
      %logistic3A_52 = vector.broadcast %logistic3A_51 : f32 to vector<64x128xf32>
      %logistic3A_53 = arith.addf %logistic3A_52, %logistic3A_50 : vector<64x128xf32>
      %logistic3A_54 = arith.divf %logistic3A_52, %logistic3A_53 : vector<64x128xf32>
      %mul3A = arith.mulf %add3A_49, %logistic3A_54 : vector<64x128xf32>
      %get3A_55 = arith.constant 0 : index
      %get3A_56 = arith.constant 0 : index
      %get3A_57 = vector.load %arg5[%get3A_55, %get3A_56] : memref<128x64xf32, #tpu.memory_space<vmem>>, vector<128x64xf32>
      %dot_general3A_58 = arith.constant dense<0.000000e+00> : vector<64x64xf32>
      %dot_general3A_59 = tpu.matmul %mul3A, %get3A_57, %dot_general3A_58 {dimension_numbers = #tpu.dot_dimension_numbers<[1], [0], [0], [1], [0, 0, 1, 1], [], []>, transpose_lhs_hint = false} : vector<64x128xf32>, vector<128x64xf32>, vector<64x64xf32> -> vector<64x64xf32>
      %get3A_60 = arith.constant 0 : index
      %get3A_61 = arith.constant 0 : index
      %get3A_62 = vector.load %arg6[%get3A_60, %get3A_61] : memref<1x64xf32, #tpu.memory_space<vmem>>, vector<1x64xf32>
      %add3A_63 = vector.broadcast %get3A_62 : vector<1x64xf32> to vector<64x64xf32>
      %add3A_64 = arith.addf %dot_general3A_59, %add3A_63 : vector<64x64xf32>
      %logistic3A_65 = arith.negf %add3A_64 : vector<64x64xf32>
      %logistic3A_66 = math.exp %logistic3A_65 : vector<64x64xf32>
      %logistic3A_67 = arith.constant 1.000000e+00 : f32
      %logistic3A_68 = vector.broadcast %logistic3A_67 : f32 to vector<64x64xf32>
      %logistic3A_69 = arith.addf %logistic3A_68, %logistic3A_66 : vector<64x64xf32>
      %logistic3A_70 = arith.divf %logistic3A_68, %logistic3A_69 : vector<64x64xf32>
      %mul3A_71 = arith.mulf %add3A_64, %logistic3A_70 : vector<64x64xf32>
      %get3A_72 = arith.constant 0 : index
      %get3A_73 = arith.constant 0 : index
      %get3A_74 = vector.load %arg7[%get3A_72, %get3A_73] : memref<64x2xf32, #tpu.memory_space<vmem>>, vector<64x2xf32>
      %dot_general3A_75 = arith.constant dense<0.000000e+00> : vector<64x2xf32>
      %dot_general3A_76 = tpu.matmul %mul3A_71, %get3A_74, %dot_general3A_75 {dimension_numbers = #tpu.dot_dimension_numbers<[1], [0], [0], [1], [0, 0, 1, 1], [], []>, transpose_lhs_hint = false} : vector<64x64xf32>, vector<64x2xf32>, vector<64x2xf32> -> vector<64x2xf32>
      %get3A_77 = arith.constant 0 : index
      %get3A_78 = arith.constant 0 : index
      %get3A_79 = vector.load %arg8[%get3A_77, %get3A_78] : memref<1x2xf32, #tpu.memory_space<vmem>>, vector<1x2xf32>
      %add3A_80 = vector.broadcast %get3A_79 : vector<1x2xf32> to vector<64x2xf32>
      %add3A_81 = arith.addf %dot_general3A_76, %add3A_80 : vector<64x2xf32>
      %swap3A_82 = arith.constant 0 : index
      %swap3A_83 = arith.constant 0 : index
      %swap3A_84 = vector.load %arg9[%swap3A_82, %swap3A_83] : memref<64x2xf32, #tpu.memory_space<vmem>>, vector<64x2xf32>
      tpu.vector_store %arg9[%swap3A_82, %swap3A_83], %add3A_81 {strides = array<i32>} : memref<64x2xf32, #tpu.memory_space<vmem>>, vector<64x2xf32>,
    } else {
    }
    return
  }
  func.func @transform_0(%arg0: i32) -> (i32, i32, i32) {
    %c0_i32 = arith.constant 0 : i32
    %c0_i32_0 = arith.constant 0 : i32
    %c0_i32_1 = arith.constant 0 : i32
    return %arg0, %c0_i32, %c0_i32_0 : i32, i32, i32
  }
  func.func @transform_1(%arg0: i32) -> (i32, i32) {
    %c0_i32 = arith.constant 0 : i32
    %c0_i32_0 = arith.constant 0 : i32
    return %arg0, %c0_i32 : i32, i32
  }
  func.func @transform_2(%arg0: i32) -> (i32, i32) {
    %c0_i32 = arith.constant 0 : i32
    %c0_i32_0 = arith.constant 0 : i32
    %c0_i32_1 = arith.constant 0 : i32
    return %c0_i32, %c0_i32_0 : i32, i32
  }
  func.func @transform_3(%arg0: i32) -> (i32, i32) {
    %c0_i32 = arith.constant 0 : i32
    %c0_i32_0 = arith.constant 0 : i32
    %c0_i32_1 = arith.constant 0 : i32
    return %c0_i32, %c0_i32_0 : i32, i32
  }
  func.func @transform_4(%arg0: i32) -> (i32, i32) {
    %c0_i32 = arith.constant 0 : i32
    %c0_i32_0 = arith.constant 0 : i32
    %c0_i32_1 = arith.constant 0 : i32
    return %c0_i32, %c0_i32_0 : i32, i32
  }
  func.func @transform_5(%arg0: i32) -> (i32, i32) {
    %c0_i32 = arith.constant 0 : i32
    %c0_i32_0 = arith.constant 0 : i32
    %c0_i32_1 = arith.constant 0 : i32
    return %c0_i32, %c0_i32_0 : i32, i32
  }
  func.func @transform_6(%arg0: i32) -> (i32, i32) {
    %c0_i32 = arith.constant 0 : i32
    %c0_i32_0 = arith.constant 0 : i32
    %c0_i32_1 = arith.constant 0 : i32
    return %c0_i32, %c0_i32_0 : i32, i32
  }
  func.func @transform_7(%arg0: i32) -> (i32, i32) {
    %c0_i32 = arith.constant 0 : i32
    %c0_i32_0 = arith.constant 0 : i32
    %c0_i32_1 = arith.constant 0 : i32
    return %c0_i32, %c0_i32_0 : i32, i32
  }
  func.func @transform_8(%arg0: i32) -> (i32, i32) {
    %c0_i32 = arith.constant 0 : i32
    %c0_i32_0 = arith.constant 0 : i32
    %c0_i32_1 = arith.constant 0 : i32
    return %c0_i32, %c0_i32_0 : i32, i32
  }
}

</mosaic_0001>

<sc_bundles>
// kernel: kernel.17.cloned.1.call-start
scs
__scs_entry_jumppad:
0x0: {  	(pc) =	sbr.rel $0x88, $3  }
0x1: {  	(tag) =	ssettag $0x0;
	lr =	simm.s32 $0x1  }
0x2: {  	[smem:$0x3F7D] =	sst lr;
	_ =	strace $0xD0000000  }
0x3: {  	_ = 	snop  }
0x4: {  	_ = 	snop  }
0x5: {  	_ = 	snop  }
0x6: {  	_ = 	snop  }
0x7: {  	_ = 	snop  }
__scs_overlays_trampoline_lowered:
0x8: {  	[smem:$0x3F8C] =	sst s0  }
0x9: {  	[smem:$0x3F8D] =	sst s1  }
0xa: {  	[smem:$0x3F8E] =	sst s2  }
0xb: {  	[smem:$0x3F8F] =	sst s3  }
0xc: {  	[smem:$0x3F90] =	sst s4  }
0xd: {  	[smem:$0x3F91] =	sst s5  }
0xe: {  	[smem:$0x3F92] =	sst s6  }
0xf: {  	[smem:$0x3F93] =	sst s7  }
0x10: {  	[smem:$0x3F94] =	sst s8  }
0x11: {  	[smem:$0x3F95] =	sst s9;
	s0 =	simm.s32 @!p0 $0x0  }
0x12: {  	s1 =	sld [smem:$0x3F7B];
	s0 =	simm.s32 @p0 $0x1  }
0x13: {  	[smem:$0x3F96] =	sst s0;
	s0 =	simm.s32 @!p1 $0x0  }
0x14: {  	s2 =	sld [smem:$0x3F7A];
	s0 =	simm.s32 @p1 $0x1  }
0x15: {  	[smem:$0x3F97] =	sst s0;
	s0 =	simm.s32 @!p2 $0x0  }
0x16: {  	s3 =	sld [smem:$0x3FDB];
	s0 =	simm.s32 @p2 $0x1  }
0x17: {  	s4 =	simm.s32 $0x1BF5;
	[smem:$0x3F99] =	sst s0  }
0x18: {  	s0 =	sld [smem:$0x3F7C];
	_ =	swait.ge [sflag:s4], $0x0  }
0x19: {  	s7 =	sld [smem:$0x3F7D]  }
0x1a: {  	s8 =	sadd.s32 $0xFFFFE003, lr  }
0x1b: {  	s9 =	sadd.s32 $0xFFFFFEF7, lr;
	s5 =	simm.s32 $0xFFFFFFFF;
	p2 =	slt.u32 s8, $0xFFFFF086  }
0x1c: {  	p1 =	slt.u32 s9, $0xF7A;
	s5 =	simm.s32 @!p2 $0x0  }
0x1d: {  	s5 =	simm.s32 @p1 $0x1;
	p0 =	seq.s32 s7, s2  }
0x1e: {  	s7 =	smul.u32 @!p0 $0xF7A, s2;
	p2 =	seq.s32 @!p0 s5, $0x0  }
0x1f: {  	s9 =	smul.u32 $0xF7A, s1;
	s8 =	simm.s32 @!p0 $0x1BF5;
	p2 =	por !p2, p0  }
0x20: {  	[sflag:s8] =	ssyncset.s32 @!p0 $0xFFFFF086;
	s6 =	sadd.s32 @!p0 s3, s7;
	s7 =	simm.s32 @!p0 $0x108  }
0x21: {  	s3 =	sadd.s32 s3, s9;
	s6 =	sadd.s32 @!p0 $0x88, s6;
	s7 =	simm.s32 @p2 $0x1082  }
0x22: {  	[simem:s7], [sflag:s8] =	dma.local @!p0 [hbm:s6], $0xF7A  }
0x23: {  	s9 =	sor.u32 $0xD0000000, s2;
	s6 =	simm.s32 $0x108;
	_ =	swait.ge @!p0 [sflag:s8], $0x0  }
0x24: {  	s3 =	sadd.s32 $0x88, s3;
	s6 =	simm.s32 @!p1 $0x1082;
	[sflag:s4] =	ssyncset.s32 $0xFFFFF086  }
0x25: {  	[simem:s6], [sflag:s4] =	dma.local [hbm:s3], $0xF7A  }
0x26: {  	[smem:$0x3F7D] =	sst s1;
	(tag) =	ssettag s2;
	_ =	strace s9  }
0x27: {  	s1 =	sld [smem:$0x3F8D]  }
0x28: {  	s2 =	sld [smem:$0x3F8E]  }
0x29: {  	s4 =	sld [smem:$0x3F90]  }
0x2a: {  	p0 =	seq.s32 s5, $0x0;
	s5 =	sld [smem:$0x3F91]  }
0x2b: {  	s6 =	sld [smem:$0x3F92]  }
0x2c: {  	s7 =	sld [smem:$0x3F93]  }
0x2d: {  	s3 =	simm.s32 $0x108;
	s8 =	sld [smem:$0x3F94]  }
0x2e: {  	s3 =	simm.s32 @!p0 $0x1082;
	s9 =	sld [smem:$0x3F95]  }
0x2f: {  	lr =	sadd.s32 s0, s3;
	s0 =	sld [smem:$0x3F8C]  }
0x30: {  	s3 =	sld [smem:$0x3F8F]  }
0x31: {  	[smem:$0x3F98] =	sst s10  }
0x32: {  	s10 =	sld [smem:$0x3F96];
	_ =	sdelay $0x3  }
0x33: {  	p0 =	seq.s32 s10, $0x1;
	s10 =	sld [smem:$0x3F98];
	_ =	sdelay $0x3  }
0x34: {  	[smem:$0x3F98] =	sst s10  }
0x35: {  	s10 =	sld [smem:$0x3F97];
	_ =	sdelay $0x3  }
0x36: {  	p1 =	seq.s32 s10, $0x1;
	s10 =	sld [smem:$0x3F98];
	_ =	sdelay $0x3  }
0x37: {  	[smem:$0x3F98] =	sst s10  }
0x38: {  	s10 =	sld [smem:$0x3F99]  }
0x39: {  	_ = 	snop;
	(pc) =	sbr.ind lr, $3  }
0x3a: {  	_ = 	snop  }
0x3b: {  	_ = 	snop  }
0x3c: {  	p2 =	seq.s32 s10, $0x1;
	s10 =	sld [smem:$0x3F98]  }
0x3d: {  	_ =	shalt  }
0x3e: {  	_ =	shalt  }
0x3f: {  	_ =	shalt  }
0x40: {  	_ =	shalt  }
0x41: {  	_ =	shalt  }
0x42: {  	_ =	shalt  }
0x43: {  	_ =	shalt  }
0x44: {  	_ =	shalt  }
0x45: {  	_ =	shalt  }
0x46: {  	_ =	shalt  }
0x47: {  	_ =	shalt  }
0x48: {  	_ =	shalt  }
0x49: {  	_ =	shalt  }
0x4a: {  	_ =	shalt  }
0x4b: {  	_ =	shalt  }
0x4c: {  	_ =	shalt  }
0x4d: {  	_ =	shalt  }
0x4e: {  	_ =	shalt  }
0x4f: {  	_ =	shalt  }
0x50: {  	_ =	shalt  }
0x51: {  	_ =	shalt  }
0x52: {  	_ =	shalt  }
0x53: {  	_ =	shalt  }
0x54: {  	_ =	shalt  }
0x55: {  	_ =	shalt  }
0x56: {  	_ =	shalt  }
0x57: {  	_ =	shalt  }
0x58: {  	_ =	shalt  }
0x59: {  	_ =	shalt  }
0x5a: {  	_ =	shalt  }
0x5b: {  	_ =	shalt  }
0x5c: {  	_ =	shalt  }
0x5d: {  	_ =	shalt  }
0x5e: {  	_ =	shalt  }
0x5f: {  	_ =	shalt  }
0x60: {  	_ =	shalt  }
0x61: {  	_ =	shalt  }
0x62: {  	_ =	shalt  }
0x63: {  	_ =	shalt  }
0x64: {  	_ =	shalt  }
0x65: {  	_ =	shalt  }
0x66: {  	_ =	shalt  }
0x67: {  	_ =	shalt  }
0x68: {  	_ =	shalt  }
0x69: {  	_ =	shalt  }
0x6a: {  	_ =	shalt  }
0x6b: {  	_ =	shalt  }
0x6c: {  	_ =	shalt  }
0x6d: {  	_ =	shalt  }
0x6e: {  	_ =	shalt  }
0x6f: {  	_ =	shalt  }
0x70: {  	_ =	shalt  }
0x71: {  	_ =	shalt  }
0x72: {  	_ =	shalt  }
0x73: {  	_ =	shalt  }
0x74: {  	_ =	shalt  }
0x75: {  	_ =	shalt  }
0x76: {  	_ =	shalt  }
0x77: {  	_ =	shalt  }
0x78: {  	_ =	shalt  }
0x79: {  	_ =	shalt  }
0x7a: {  	_ =	shalt  }
0x7b: {  	_ =	shalt  }
0x7c: {  	_ =	shalt  }
0x7d: {  	_ =	shalt  }
0x7e: {  	_ =	shalt  }
0x7f: {  	_ =	shalt  }
0x80: {  	_ =	shalt  }
0x81: {  	_ =	shalt  }
0x82: {  	_ =	shalt  }
0x83: {  	_ =	shalt  }
0x84: {  	_ =	shalt  }
0x85: {  	_ =	shalt  }
0x86: {  	_ =	shalt  }
0x87: {  	_ =	shalt  }
.Lfunc_end0:
.L_simem_size_0:
called_computation_lowered:
.L_overlay_start_0:
0x88: {  	s2 =	sld [smem:$0x3FD9]  }
0x89: {  	s3 =	sld [smem:$0x3FFE];
	_ =	sdelay $0x1  }
0x8a: {  	s1 =	srdreg.scid  }
0x8b: {  	s0 =	sand.u32 $0x1, s1  }
0x8c: {  	s17 =	sshll.u32 s0, $0xA;
	s2 =	sadd.s32 s3, s2  }
0x8d: {  	s2 =	sadd.s32 s2, s17  }
0x8e: {  	[smem:$0x3FA4] =	sst s2  }
0x8f: {  	_ = 	snop  }
0x90: {  	(tm) =	ssettm $0x1  }
0x91: {  	s18 =	sld [smem:$0x3FFB];
	_ =	sdelay $0x3  }
0x92: {  	_ =	strace s18  }
0x93: {  	s2 =	sld [smem:$0x3FFC];
	_ =	sdelay $0x3  }
0x94: {  	_ =	strace s2  }
0x95: {  	s2 =	sld [smem:$0x3FFD];
	_ =	sdelay $0x3  }
0x96: {  	_ =	strace s2  }
0x97: {  	_ =	strace $0x8FFFFFFF  }
0x98: {  	s19 =	sld [smem:$0x3FDB];
	_ =	sdelay $0x1  }
0x99: {  	s20 =	simm.s32 $_scs_section_size  }
0x9a: {  	s4 =	simm.s32 $_size__tile_overlayer_lowered;
	s5 =	simm.s32 $_tile_overlayer_lowered  }
0x9b: {  	s6 =	simm.s32 $0x1BFF;
	s21 =	sshll.u32 s5, $0x1;
	s3 =	sadd.s32 s20, s19  }
0x9c: {  	s22 =	simm.s32 $0x0;
	s4 =	sshll.u32 s4, $0x1;
	s5 =	sadd.s32 s21, s3  }
0x9d: {  	[timem:s22], [sflag:s6] =	dma.local [hbm:s5], s4  }
0x9e: {  	_ =	swait.ge [sflag:s6], s4  }
0x9f: {  	s4 =	ssub.s32 $0x0, s4;
	[sflag:s6] =	ssyncset.done $0x0  }
0xa0: {  	[sflag:s6] =	ssyncadd.s32 s4;
	_ =	sdelay $0x1  }
0xa1: {  	s23 =	simm.s32 $0x1B8B  }
0xa2: {  	_ =	swait.ge [sflag:s23], $0x1  }
0xa3: {  	[sflag:s23] =	ssyncset.done $0x0  }
0xa4: {  	[sflag:s23] =	ssyncadd.s32 $0xFFFFFFFF  }
0xa5: {  	s4 =	sld [smem:$0x0]  }
0xa6: {  	s5 =	sand.u32 $0xFFFFFFFE, s1  }
0xa7: {  	p0 =	sne.s32 s1, s5  }
0xa8: {  	s5 =	sshll.u32 @p0 s5, $0xE  }
0xa9: {  	s5 =	sadd.s32 @p0 $0x11B8D, s5;
	s6 =	sshll.u32 @p0 s4, $0x11  }
0xaa: {  	s5 =	sor.u32 @p0 s6, s5  }
0xab: {  	[sflag:s5] =	ssyncadd.remote.s32 @p0 $0x1;
	_ =	sdelay $0x1  }
0xac: {  	s5 =	simm.s32 @p0 $0x1B8D  }
0xad: {  	_ =	swait.eq @p0 [sflag:s5], $0x1  }
0xae: {  	[sflag:s5] =	ssyncadd.s32 @p0 $0xFFFFFFFF  }
0xaf: {  	s6 =	sshll.u32 @!p0 s1, $0xE  }
0xb0: {  	s6 =	sor.u32 @!p0 $0x4000, s6;
	s5 =	simm.s32 @!p0 $0x1B8D  }
0xb1: {  	s4 =	sshll.u32 @!p0 s4, $0x11;
	s6 =	sadd.s32 @!p0 $0x11B8D, s6;
	_ =	swait.eq @!p0 [sflag:s5], $0x1  }
0xb2: {  	s4 =	sor.u32 @!p0 s4, s6;
	[sflag:s5] =	ssyncadd.s32 @!p0 $0xFFFFFFFF  }
0xb3: {  	s25 =	simm.s32 $0x1B8E;
	s24 =	sld [smem:$0x3FFE];
	[sflag:s4] =	ssyncadd.remote.s32 @!p0 $0x1  }
0xb4: {  	s26 =	simm.s32 $execute0_lowered;
	[smem:$0x3FD2] =	sst s25  }
0xb5: {  	s5 =	sshll.u32 s26, $0x1;
	_ =	strace $0x80000049;
	[dreg:$0x1] =	wrdreg $0xFFFFFFFF  }
0xb6: {  	s28 =	simm.s32 $_size_execute0_lowered;
	s3 =	sadd.s32 s3, s5;
	[dreg:$0x0] =	wrdreg $0x0  }
0xb7: {  	s5 =	sshll.u32 s28, $0x1;
	[dreg:$0x2] =	wrdreg s3  }
0xb8: {  	[dreg:$0x3] =	wrdreg s5  }
0xb9: {  	[dreg:$0x4] =	wrdreg $0xC0  }
0xba: {  	_ =	task [dreg:s22], $0x5FFFF  }
0xbb: {  	[dreg:$0x1] =	wrdreg $0xFFFFFFFF  }
0xbc: {  	[dreg:$0x0] =	wrdreg $0x60  }
0xbd: {  	[dreg:$0x2] =	wrdreg s24  }
0xbe: {  	[dreg:$0x3] =	wrdreg $0x31600  }
0xbf: {  	[dreg:$0x4] =	wrdreg $0x9  }
0xc0: {  	_ =	task.clear_ibuf [dreg:s22], $0x5FFFF;
	_ =	strace $0x90000049  }
0xc1: {  	s29 =	simm.s32 $0x9;
	_ =	strace $0x8000004B  }
0xc2: {  	_ =	swait.ge [sflag:s29], $0x1  }
0xc3: {  	[sflag:s29] =	ssyncadd.s32 $0xFFFFFFFF  }
0xc4: {  	_ =	strace $0x9000004B  }
0xc5: {  	_ =	sfence  }
0xc6: {  	s30 =	sld [smem:$0x0];
	_ =	sdelay $0x2  }
0xc7: {  	s31 =	sshll.u32 s1, $0xD;
	s1 =	sshrl.u32 s1, $0x2  }
0xc8: {  	s4 =	sand.u32 $0x4000, s31;
	s1 =	sadd.s32 s1, s30  }
0xc9: {  	s0 =	sor.u32 s4, s0;
	s1 =	sshll.u32 s1, $0x11  }
0xca: {  	s0 =	sor.u32 s1, s0  }
0xcb: {  	s0 =	sadd.s32 $0x8F2B, s0  }
0xcc: {  	[sflag:s0] =	ssyncadd.remote.s32 $0x1  }
0xcd: {  	_ =	sfence.sel $0xFFFF  }
0xce: {  	[dreg:$0x0] =	wrdreg $0xFFFFFFFF;
	(pc) =	sbr.abs _section_cstart, $3  }
0xcf: {  	[dreg:$0x1] =	wrdreg $0xFFFFFFFF  }
0xd0: {  	_ =	task.clear_ibuf [dreg:s22], $0x2FFFF;
	_ =	strace $0x9FFFFFFF  }
0xd1: {  	(tm) =	ssettm $0x7FFFFFFF  }
tec
execute0_lowered:
.L_overlay_start_1:
0x0: {  	(tag) =	ssettag $0x1  }
0x1: {  	s4 =	rddreg [dreg:$0x0]  }
0x2: {  	s2 =	rddreg [dreg:$0x1];
	s1 =	srdreg.scid  }
0x3: {  	s0 =	rddreg [dreg:$0x2];
	s3 =	simm.s32 $0x0;
	s12 =	simm.s32 $0x2990  }
0x4: {  	s13 =	simm.s32 $0x1;
	s14 =	simm.s32 $0x28;
	s5 =	sand.u32 $0x1, s1  }
0x5: {  	s15 =	simm.s32 $0x2710;
	s1 =	stileid.u32;
	s6 =	smul.u32 $0x27100, s5  }
0x6: {  	[smem:$0x7FF] =	sst s3;
	s7 =	sshll.u32 s5, $0x4;
	s8 =	smul.u32 $0x2710, s1  }
0x7: {  	_ =	strace $0x8000004A;
	s5 =	ssub.s32 $0x2, s5;
	s9 =	smul.u32 $0x9C40, s1  }
0x8: {  	s16 =	sshll.u32 s1, $0x6;
	s7 =	sor.u32 s1, s7;
	s30 =	sshrl.u32 s5, $0x1  }
0x9: {  	s16 =	sor.u32 $0x1C01, s16;
	s7 =	smul.u32 $0x4E2, s7;
	s6 =	sadd.s32 s8, s6  }
0xa: {  	s10 =	ssub.s32 s5, s30;
	s17 =	sadd.s32 s8, s2;
	s6 =	sshrl.u32 s6, $0x3  }
0xb: {  	s31 =	sshrl.u32 s9, $0x2;
	s17 =	sshrl.u32 s17, $0x3;
	s6 =	sadd.s32 s6, s4  }
0xc: {  	s7 =	sadd.s32 s7, s4;
	s5 =	sadd.s32 $0xAA4200, s6;
	s6 =	sadd.s32 s31, s2  }
0xd: {  	s4 =	sadd.s32 $0x12C00, s7;
	s7 =	smax.u32 s10, $0x1;
	s8 =	sadd.s32 $0x7D0, s6  }
0xe: {  	v0 =	vimm.f32 $1.000000000e+00;
	v1 =	vimm.f32 $0.0e+00;
	s9 =	sadd.s32 $0xFA0, s6;
	s10 =	sadd.s32 $0x1770, s6;
	s11 =	sadd.s32 $0x1F40, s6  }
.LBB2_1:
0xf: {  	[tilespmem:$0x2710] =	vst v0  }
0x10: {  	[tilespmem:$0x2720] =	vst v0  }
0x11: {  	[tilespmem:$0x2730] =	vst v0  }
0x12: {  	[tilespmem:$0x2740] =	vst v0  }
0x13: {  	[tilespmem:$0x2750] =	vst v0  }
0x14: {  	[tilespmem:$0x2760] =	vst v0  }
0x15: {  	[tilespmem:$0x2770] =	vst v0  }
0x16: {  	[tilespmem:$0x2780] =	vst v0  }
0x17: {  	[tilespmem:$0x2790] =	vst v0  }
0x18: {  	[tilespmem:$0x27A0] =	vst v0  }
0x19: {  	[tilespmem:$0x27B0] =	vst v0  }
0x1a: {  	[tilespmem:$0x27C0] =	vst v0  }
0x1b: {  	[tilespmem:$0x27D0] =	vst v0  }
0x1c: {  	[tilespmem:$0x27E0] =	vst v0  }
0x1d: {  	[tilespmem:$0x27F0] =	vst v0  }
0x1e: {  	[tilespmem:$0x2800] =	vst v0  }
0x1f: {  	[tilespmem:$0x2810] =	vst v0  }
0x20: {  	[tilespmem:$0x2820] =	vst v0  }
0x21: {  	[tilespmem:$0x2830] =	vst v0  }
0x22: {  	[tilespmem:$0x2840] =	vst v0  }
0x23: {  	[tilespmem:$0x2850] =	vst v0  }
0x24: {  	[tilespmem:$0x2860] =	vst v0  }
0x25: {  	[tilespmem:$0x2870] =	vst v0  }
0x26: {  	[tilespmem:$0x2880] =	vst v0  }
0x27: {  	[tilespmem:$0x2890] =	vst v0  }
0x28: {  	[tilespmem:$0x28A0] =	vst v0  }
0x29: {  	[tilespmem:$0x28B0] =	vst v0  }
0x2a: {  	[tilespmem:$0x28C0] =	vst v0  }
0x2b: {  	[tilespmem:$0x28D0] =	vst v0  }
0x2c: {  	[tilespmem:$0x28E0] =	vst v0  }
0x2d: {  	[tilespmem:$0x28F0] =	vst v0  }
0x2e: {  	[tilespmem:$0x2900] =	vst v0  }
0x2f: {  	[tilespmem:$0x2910] =	vst v0  }
0x30: {  	[tilespmem:$0x2920] =	vst v0  }
0x31: {  	[tilespmem:$0x2930] =	vst v0  }
0x32: {  	[tilespmem:$0x2940] =	vst v0  }
0x33: {  	[tilespmem:$0x2950] =	vst v0  }
0x34: {  	[tilespmem:$0x2960] =	vst v0  }
0x35: {  	[tilespmem:$0x2970] =	vst v0  }
0x36: {  	[tilespmem:$0x2980] =	vst v0;
	s18 =	simm.s32 $0x40;
	s19 =	simm.s32 $0x0  }
.LBB2_2:
0x37: {  	p0 =	sne.s32 s18, $0x1F00;
	[tilespmem:s19+$0x2990] =	vst v1;
	s19 =	smov.u32 s18;
	s18 =	sadd.s32 $0x40, s18  }
.Ltmp0:
0x38: {  	(pc) =	sbr.rel @p0 .LBB2_2-.Ltmp0, $2  }
0x39: {  	_ =	sdelay $0x2  }
0x3a: {  	s19 =	sshra.s32 s19, $0x2  }
0x3b: {  	[tilespmem:s19+$0x2990] =	vst v1  }
0x3c: {  	[spmem:s6] =	stream.linear.scatter [tilespmem:s12], [sflag:$0x1], $0x7D0, $0x38;
	[tilespmem:$0x5870] =	vst v63  }
0x3d: {  	_ =	swait.ge [sflag:s13], $0x7D0  }
0x3e: {  	[sflag:s13] =	ssyncset.done $0x0  }
0x3f: {  	[sflag:s13] =	ssyncadd.s32 $0xFFFFF830  }
0x40: {  	[spmem:s8] =	stream.linear.scatter [tilespmem:s12], [sflag:$0x1], $0x7D0, $0x38;
	[tilespmem:$0x5870] =	vst v63  }
0x41: {  	_ =	swait.ge [sflag:s13], $0x7D0  }
0x42: {  	[sflag:s13] =	ssyncset.done $0x0  }
0x43: {  	[sflag:s13] =	ssyncadd.s32 $0xFFFFF830  }
0x44: {  	[spmem:s9] =	stream.linear.scatter [tilespmem:s12], [sflag:$0x1], $0x7D0, $0x38;
	[tilespmem:$0x5870] =	vst v63  }
0x45: {  	_ =	swait.ge [sflag:s13], $0x7D0  }
0x46: {  	[sflag:s13] =	ssyncset.done $0x0  }
0x47: {  	[sflag:s13] =	ssyncadd.s32 $0xFFFFF830  }
0x48: {  	[spmem:s10] =	stream.linear.scatter [tilespmem:s12], [sflag:$0x1], $0x7D0, $0x38;
	[tilespmem:$0x5870] =	vst v63  }
0x49: {  	_ =	swait.ge [sflag:s13], $0x7D0  }
0x4a: {  	[sflag:s13] =	ssyncset.done $0x0  }
0x4b: {  	[sflag:s13] =	ssyncadd.s32 $0xFFFFF830  }
0x4c: {  	[spmem:s11] =	stream.linear.scatter [tilespmem:s12], [sflag:$0x1], $0x7D0, $0x38;
	[tilespmem:$0x5870] =	vst v63  }
0x4d: {  	_ =	swait.ge [sflag:s13], $0x7D0  }
0x4e: {  	[sflag:s13] =	ssyncset.done $0x0  }
0x4f: {  	s18 =	simm.s32 $0x0;
	[sflag:s13] =	ssyncadd.s32 $0xFFFFF830  }
0x50: {  	[tilespmem:s18], [sflag:$0x1] =	stream.linear.gather [hbm4b:s4+s18], $0x2710, $0x38;
	[tilespmem:$0x5870] =	vst v63  }
0x51: {  	_ =	swait.ge [sflag:s13], $0x2710  }
0x52: {  	[sflag:s13] =	ssyncset.done $0x0  }
0x53: {  	[sflag:s13] =	ssyncadd.s32 $0xFFFFD8F0  }
0x54: {  	s31 =	simm.s32 $0x0;
	[bflag:$0x0] =	sbarrier.arrive $0xFFFF  }
0x55: {  	[spmem:s2] =	stream.indirect.scatter.add.f32 [tilespmem:s15], [sflag:$0x1], $0x10, s31, s14, $0xb8;
	[tilespmem:$0x5870] =	vst v63  }
0x56: {  	_ =	swait.ge [sflag:s13], $0x280  }
0x57: {  	s18 =	simm.s32 $0xA0;
	[sflag:s13] =	ssyncset.done $0x0  }
.LBB2_4:
0x58: {  	s19 =	sshra.s32 s18, $0x2;
	[sflag:s13] =	ssyncadd.s32 $0xFFFFFD80;
	p0 =	sne.s32 s18, $0x9BA0  }
0x59: {  	[spmem:s2] =	stream.indirect.scatter.add.f32 [tilespmem:s15], [sflag:$0x1], $0x10, s19, s14, $0xb8;
	[tilespmem:$0x5870] =	vst v63  }
.Ltmp1:
0x5a: {  	_ = 	snop;
	(pc) =	sbr.rel @p0 .LBB2_4-.Ltmp1, $4  }
0x5b: {  	_ = 	snop  }
0x5c: {  	s18 =	sadd.s32 $0xA0, s18  }
0x5d: {  	_ =	swait.ge [sflag:s13], $0x280  }
0x5e: {  	[sflag:s13] =	ssyncset.done $0x0  }
0x5f: {  	s3 =	sadd.s32 $0x1, s3  }
0x60: {  	[sflag:s13] =	ssyncadd.s32 $0xFFFFFD80;
	p0 =	sne.s32 s3, s7  }
.Ltmp2:
0x61: {  	[bflag:$0x0] =	sbarrier.arrive $0xFFFF;
	(pc) =	sbr.rel @p0 .LBB2_1-.Ltmp2, $4  }
0x62: {  	[hbm:s5], [sflag:s16] =	dma.local [spmem:s17], $0x4E2  }
0x63: {  	_ =	swait.ge [sflag:s13], $0x4E2  }
0x64: {  	[sflag:s13] =	ssyncset.done $0x0  }
0x65: {  	[sflag:s13] =	ssyncadd.s32 $0xFFFFFB1E  }
0x66: {  	_ =	sfence.sel $0x180000  }
0x67: {  	[bflag:$0x0] =	sbarrier.arrive $0xFFFF  }
0x68: {  	p0 =	sne.s32 s1, $0x0;
	_ =	strace $0x9000004A  }
0x69: {  	s0 =	sadd.s32 @!p0 $0x100000, s0;
	[bflag:$0x2] =	sbarrier.arrive $0xFFFF  }
0x6a: {  	[sflag:s0] =	ssyncadd.tile.s32 @!p0 $0x1;
	_ =	shalt  }
.Lfunc_end2:
_tile_overlayer_lowered:
.L_overlay_start_2:
0x6b: {  	(tag) =	ssettag $0x2  }
0x6c: {  	s0 =	rddreg [dreg:$0x0];
	s2 =	stileid.u32  }
0x6d: {  	s1 =	rddreg [dreg:$0x1];
	p0 =	sne.s32 s2, $0x0  }
0x6e: {  	s3 =	rddreg [dreg:$0x2];
	[bflag:$0x3] =	sbarrier.arrive $0xFFFF;
	s2 =	simm.s32 @!p0 $0x1C01  }
0x6f: {  	[timem:s3], [sflag:s2] =	dma.local @!p0 [hbm:s0], s1  }
0x70: {  	s0 =	simm.s32 @!p0 $0x1  }
0x71: {  	_ =	swait.ge @!p0 [sflag:s0], s1  }
0x72: {  	s1 =	ssub.s32 @!p0 $0x0, s1;
	[sflag:s0] =	ssyncset.done @!p0 $0x0  }
0x73: {  	[sflag:s0] =	ssyncadd.s32 @!p0 s1  }
0x74: {  	[bflag:$0x3] =	sbarrier.arrive $0xFFFF  }
0x75: {  	_ =	shalt  }

// kernel: kernel.20.cloned.1.call-start
scs
__scs_entry_jumppad:
0x0: {  	(pc) =	sbr.rel $0x88, $3  }
0x1: {  	(tag) =	ssettag $0x0;
	lr =	simm.s32 $0x1  }
0x2: {  	[smem:$0x3F7D] =	sst lr;
	_ =	strace $0xD0000000  }
0x3: {  	_ = 	snop  }
0x4: {  	_ = 	snop  }
0x5: {  	_ = 	snop  }
0x6: {  	_ = 	snop  }
0x7: {  	_ = 	snop  }
__scs_overlays_trampoline_lowered:
0x8: {  	[smem:$0x3F8C] =	sst s0  }
0x9: {  	[smem:$0x3F8D] =	sst s1  }
0xa: {  	[smem:$0x3F8E] =	sst s2  }
0xb: {  	[smem:$0x3F8F] =	sst s3  }
0xc: {  	[smem:$0x3F90] =	sst s4  }
0xd: {  	[smem:$0x3F91] =	sst s5  }
0xe: {  	[smem:$0x3F92] =	sst s6  }
0xf: {  	[smem:$0x3F93] =	sst s7  }
0x10: {  	[smem:$0x3F94] =	sst s8  }
0x11: {  	[smem:$0x3F95] =	sst s9;
	s0 =	simm.s32 @!p0 $0x0  }
0x12: {  	s1 =	sld [smem:$0x3F7B];
	s0 =	simm.s32 @p0 $0x1  }
0x13: {  	[smem:$0x3F96] =	sst s0;
	s0 =	simm.s32 @!p1 $0x0  }
0x14: {  	s2 =	sld [smem:$0x3F7A];
	s0 =	simm.s32 @p1 $0x1  }
0x15: {  	[smem:$0x3F97] =	sst s0;
	s0 =	simm.s32 @!p2 $0x0  }
0x16: {  	s3 =	sld [smem:$0x3FDB];
	s0 =	simm.s32 @p2 $0x1  }
0x17: {  	s4 =	simm.s32 $0x1BF5;
	[smem:$0x3F99] =	sst s0  }
0x18: {  	s0 =	sld [smem:$0x3F7C];
	_ =	swait.ge [sflag:s4], $0x0  }
0x19: {  	s7 =	sld [smem:$0x3F7D]  }
0x1a: {  	s8 =	sadd.s32 $0xFFFFE003, lr  }
0x1b: {  	s9 =	sadd.s32 $0xFFFFFEF7, lr;
	s5 =	simm.s32 $0xFFFFFFFF;
	p2 =	slt.u32 s8, $0xFFFFF086  }
0x1c: {  	p1 =	slt.u32 s9, $0xF7A;
	s5 =	simm.s32 @!p2 $0x0  }
0x1d: {  	s5 =	simm.s32 @p1 $0x1;
	p0 =	seq.s32 s7, s2  }
0x1e: {  	s7 =	smul.u32 @!p0 $0xF7A, s2;
	p2 =	seq.s32 @!p0 s5, $0x0  }
0x1f: {  	s9 =	smul.u32 $0xF7A, s1;
	s8 =	simm.s32 @!p0 $0x1BF5;
	p2 =	por !p2, p0  }
0x20: {  	[sflag:s8] =	ssyncset.s32 @!p0 $0xFFFFF086;
	s6 =	sadd.s32 @!p0 s3, s7;
	s7 =	simm.s32 @!p0 $0x108  }
0x21: {  	s3 =	sadd.s32 s3, s9;
	s6 =	sadd.s32 @!p0 $0x88, s6;
	s7 =	simm.s32 @p2 $0x1082  }
0x22: {  	[simem:s7], [sflag:s8] =	dma.local @!p0 [hbm:s6], $0xF7A  }
0x23: {  	s9 =	sor.u32 $0xD0000000, s2;
	s6 =	simm.s32 $0x108;
	_ =	swait.ge @!p0 [sflag:s8], $0x0  }
0x24: {  	s3 =	sadd.s32 $0x88, s3;
	s6 =	simm.s32 @!p1 $0x1082;
	[sflag:s4] =	ssyncset.s32 $0xFFFFF086  }
0x25: {  	[simem:s6], [sflag:s4] =	dma.local [hbm:s3], $0xF7A  }
0x26: {  	[smem:$0x3F7D] =	sst s1;
	(tag) =	ssettag s2;
	_ =	strace s9  }
0x27: {  	s1 =	sld [smem:$0x3F8D]  }
0x28: {  	s2 =	sld [smem:$0x3F8E]  }
0x29: {  	s4 =	sld [smem:$0x3F90]  }
0x2a: {  	p0 =	seq.s32 s5, $0x0;
	s5 =	sld [smem:$0x3F91]  }
0x2b: {  	s6 =	sld [smem:$0x3F92]  }
0x2c: {  	s7 =	sld [smem:$0x3F93]  }
0x2d: {  	s3 =	simm.s32 $0x108;
	s8 =	sld [smem:$0x3F94]  }
0x2e: {  	s3 =	simm.s32 @!p0 $0x1082;
	s9 =	sld [smem:$0x3F95]  }
0x2f: {  	lr =	sadd.s32 s0, s3;
	s0 =	sld [smem:$0x3F8C]  }
0x30: {  	s3 =	sld [smem:$0x3F8F]  }
0x31: {  	[smem:$0x3F98] =	sst s10  }
0x32: {  	s10 =	sld [smem:$0x3F96];
	_ =	sdelay $0x3  }
0x33: {  	p0 =	seq.s32 s10, $0x1;
	s10 =	sld [smem:$0x3F98];
	_ =	sdelay $0x3  }
0x34: {  	[smem:$0x3F98] =	sst s10  }
0x35: {  	s10 =	sld [smem:$0x3F97];
	_ =	sdelay $0x3  }
0x36: {  	p1 =	seq.s32 s10, $0x1;
	s10 =	sld [smem:$0x3F98];
	_ =	sdelay $0x3  }
0x37: {  	[smem:$0x3F98] =	sst s10  }
0x38: {  	s10 =	sld [smem:$0x3F99]  }
0x39: {  	_ = 	snop;
	(pc) =	sbr.ind lr, $3  }
0x3a: {  	_ = 	snop  }
0x3b: {  	_ = 	snop  }
0x3c: {  	p2 =	seq.s32 s10, $0x1;
	s10 =	sld [smem:$0x3F98]  }
0x3d: {  	_ =	shalt  }
0x3e: {  	_ =	shalt  }
0x3f: {  	_ =	shalt  }
0x40: {  	_ =	shalt  }
0x41: {  	_ =	shalt  }
0x42: {  	_ =	shalt  }
0x43: {  	_ =	shalt  }
0x44: {  	_ =	shalt  }
0x45: {  	_ =	shalt  }
0x46: {  	_ =	shalt  }
0x47: {  	_ =	shalt  }
0x48: {  	_ =	shalt  }
0x49: {  	_ =	shalt  }
0x4a: {  	_ =	shalt  }
0x4b: {  	_ =	shalt  }
0x4c: {  	_ =	shalt  }
0x4d: {  	_ =	shalt  }
0x4e: {  	_ =	shalt  }
0x4f: {  	_ =	shalt  }
0x50: {  	_ =	shalt  }
0x51: {  	_ =	shalt  }
0x52: {  	_ =	shalt  }
0x53: {  	_ =	shalt  }
0x54: {  	_ =	shalt  }
0x55: {  	_ =	shalt  }
0x56: {  	_ =	shalt  }
0x57: {  	_ =	shalt  }
0x58: {  	_ =	shalt  }
0x59: {  	_ =	shalt  }
0x5a: {  	_ =	shalt  }
0x5b: {  	_ =	shalt  }
0x5c: {  	_ =	shalt  }
0x5d: {  	_ =	shalt  }
0x5e: {  	_ =	shalt  }
0x5f: {  	_ =	shalt  }
0x60: {  	_ =	shalt  }
0x61: {  	_ =	shalt  }
0x62: {  	_ =	shalt  }
0x63: {  	_ =	shalt  }
0x64: {  	_ =	shalt  }
0x65: {  	_ =	shalt  }
0x66: {  	_ =	shalt  }
0x67: {  	_ =	shalt  }
0x68: {  	_ =	shalt  }
0x69: {  	_ =	shalt  }
0x6a: {  	_ =	shalt  }
0x6b: {  	_ =	shalt  }
0x6c: {  	_ =	shalt  }
0x6d: {  	_ =	shalt  }
0x6e: {  	_ =	shalt  }
0x6f: {  	_ =	shalt  }
0x70: {  	_ =	shalt  }
0x71: {  	_ =	shalt  }
0x72: {  	_ =	shalt  }
0x73: {  	_ =	shalt  }
0x74: {  	_ =	shalt  }
0x75: {  	_ =	shalt  }
0x76: {  	_ =	shalt  }
0x77: {  	_ =	shalt  }
0x78: {  	_ =	shalt  }
0x79: {  	_ =	shalt  }
0x7a: {  	_ =	shalt  }
0x7b: {  	_ =	shalt  }
0x7c: {  	_ =	shalt  }
0x7d: {  	_ =	shalt  }
0x7e: {  	_ =	shalt  }
0x7f: {  	_ =	shalt  }
0x80: {  	_ =	shalt  }
0x81: {  	_ =	shalt  }
0x82: {  	_ =	shalt  }
0x83: {  	_ =	shalt  }
0x84: {  	_ =	shalt  }
0x85: {  	_ =	shalt  }
0x86: {  	_ =	shalt  }
0x87: {  	_ =	shalt  }
.Lfunc_end0:
.L_simem_size_0:
called_computation.1_lowered:
.L_overlay_start_0:
0x88: {  	s2 =	sld [smem:$0x3FD9]  }
0x89: {  	s3 =	sld [smem:$0x3FFE];
	_ =	sdelay $0x1  }
0x8a: {  	s1 =	srdreg.scid  }
0x8b: {  	s0 =	sand.u32 $0x1, s1  }
0x8c: {  	s16 =	sshll.u32 s0, $0xA;
	s2 =	sadd.s32 s3, s2  }
0x8d: {  	s2 =	sadd.s32 s2, s16  }
0x8e: {  	[smem:$0x3FA4] =	sst s2  }
0x8f: {  	_ = 	snop  }
0x90: {  	(tm) =	ssettm $0x1  }
0x91: {  	s17 =	sld [smem:$0x3FFB];
	_ =	sdelay $0x3  }
0x92: {  	_ =	strace s17  }
0x93: {  	s2 =	sld [smem:$0x3FFC];
	_ =	sdelay $0x3  }
0x94: {  	_ =	strace s2  }
0x95: {  	s2 =	sld [smem:$0x3FFD];
	_ =	sdelay $0x3  }
0x96: {  	_ =	strace s2  }
0x97: {  	_ =	strace $0x8FFFFFFF  }
0x98: {  	s18 =	sld [smem:$0x3FDB];
	_ =	sdelay $0x1  }
0x99: {  	s19 =	simm.s32 $_scs_section_size  }
0x9a: {  	s4 =	simm.s32 $_size__tile_overlayer_lowered;
	s5 =	simm.s32 $_tile_overlayer_lowered  }
0x9b: {  	s22 =	simm.s32 $0x1BFF;
	s21 =	sshll.u32 s5, $0x1;
	s2 =	sadd.s32 s19, s18  }
0x9c: {  	s6 =	simm.s32 $0x0;
	s20 =	sshll.u32 s4, $0x1;
	s4 =	sadd.s32 s21, s2  }
0x9d: {  	[timem:s6], [sflag:s22] =	dma.local [hbm:s4], s20  }
0x9e: {  	_ =	swait.ge [sflag:s22], s20  }
0x9f: {  	s3 =	ssub.s32 $0x0, s20;
	[sflag:s22] =	ssyncset.done $0x0  }
0xa0: {  	[sflag:s22] =	ssyncadd.s32 s3;
	_ =	sdelay $0x1  }
0xa1: {  	s23 =	simm.s32 $0x1B8B  }
0xa2: {  	_ =	swait.ge [sflag:s23], $0x1  }
0xa3: {  	[sflag:s23] =	ssyncset.done $0x0  }
0xa4: {  	s25 =	simm.s32 $0x1B8E;
	s24 =	sld [smem:$0x3FFE];
	[sflag:s23] =	ssyncadd.s32 $0xFFFFFFFF  }
0xa5: {  	s26 =	simm.s32 $execute0_lowered;
	[smem:$0x3FD2] =	sst s25  }
0xa6: {  	s4 =	sshll.u32 s26, $0x1;
	_ =	strace $0x80000046;
	[dreg:$0x1] =	wrdreg $0xFFFFFFFF  }
0xa7: {  	s28 =	simm.s32 $_size_execute0_lowered;
	s2 =	sadd.s32 s2, s4;
	[dreg:$0x0] =	wrdreg $0x0  }
0xa8: {  	s4 =	sshll.u32 s28, $0x1;
	[dreg:$0x2] =	wrdreg s2  }
0xa9: {  	[dreg:$0x3] =	wrdreg s4  }
0xaa: {  	[dreg:$0x4] =	wrdreg $0xC0  }
0xab: {  	_ =	task [dreg:s6], $0x5FFFF  }
0xac: {  	[dreg:$0x1] =	wrdreg $0xFFFFFFFF  }
0xad: {  	[dreg:$0x0] =	wrdreg $0x60  }
0xae: {  	[dreg:$0x2] =	wrdreg s24  }
0xaf: {  	[dreg:$0x3] =	wrdreg $0x94200  }
0xb0: {  	[dreg:$0x4] =	wrdreg $0xA  }
0xb1: {  	_ =	task.clear_ibuf [dreg:s6], $0x5FFFF;
	_ =	strace $0x90000046  }
0xb2: {  	s29 =	simm.s32 $0xA;
	_ =	strace $0x80000048  }
0xb3: {  	_ =	swait.ge [sflag:s29], $0x1  }
0xb4: {  	[sflag:s29] =	ssyncadd.s32 $0xFFFFFFFF  }
0xb5: {  	_ =	strace $0x90000048  }
0xb6: {  	_ =	sfence  }
0xb7: {  	s30 =	sld [smem:$0x0];
	_ =	sdelay $0x2  }
0xb8: {  	s31 =	sshll.u32 s1, $0xD;
	s1 =	sshrl.u32 s1, $0x2  }
0xb9: {  	s3 =	sand.u32 $0x4000, s31;
	s1 =	sadd.s32 s1, s30  }
0xba: {  	s0 =	sor.u32 s3, s0;
	s1 =	sshll.u32 s1, $0x11  }
0xbb: {  	s0 =	sor.u32 s1, s0  }
0xbc: {  	s0 =	sadd.s32 $0x8F2B, s0  }
0xbd: {  	[sflag:s0] =	ssyncadd.remote.s32 $0x1  }
0xbe: {  	_ =	sfence.sel $0xFFFF  }
0xbf: {  	[dreg:$0x0] =	wrdreg $0xFFFFFFFF;
	(pc) =	sbr.abs _section_cstart, $3  }
0xc0: {  	[dreg:$0x1] =	wrdreg $0xFFFFFFFF  }
0xc1: {  	_ =	task.clear_ibuf [dreg:s6], $0x2FFFF;
	_ =	strace $0x9FFFFFFF  }
0xc2: {  	(tm) =	ssettm $0x7FFFFFFF  }
0xc3: {  	_ =	shalt  }
tec
execute0_lowered:
.L_overlay_start_1:
0x0: {  	(tag) =	ssettag $0x1  }
0x1: {  	s0 =	rddreg [dreg:$0x0]  }
0x2: {  	s1 =	rddreg [dreg:$0x1];
	s25 =	simm.s32 $0x0  }
0x3: {  	s2 =	srdreg.scid;
	s13 =	stileid.u32;
	s15 =	simm.s32 $0x87A0  }
0x4: {  	s16 =	simm.s32 $0x2;
	s17 =	simm.s32 $0x7D0;
	s18 =	simm.s32 $0xFA0  }
0x5: {  	s19 =	simm.s32 $0x28;
	s20 =	simm.s32 $0x23A0;
	s21 =	simm.s32 $0x37A0  }
0x6: {  	s22 =	simm.s32 $0x4BA0;
	s23 =	simm.s32 $0x5FA0;
	s24 =	simm.s32 $0x73A0  }
0x7: {  	s26 =	simm.s32 $0x1;
	s28 =	simm.s32 $0x0;
	[smem:$0x7FF] =	sst s25  }
0x8: {  	s4 =	sadd.s32 $0x525C00, s0;
	s2 =	sand.u32 $0x1, s2;
	s5 =	sadd.s32 $0x54CE00, s0  }
0x9: {  	s6 =	sadd.s32 $0x574000, s0;
	s12 =	smul.u32 $0x13880, s13;
	s7 =	sadd.s32 $0x12C00, s0  }
0xa: {  	s8 =	sadd.s32 $0x8E00, s0;
	_ =	strace $0x80000047;
	s9 =	sshll.u32 s2, $0x4  }
0xb: {  	s3 =	smul.u32 $0x138800, s2;
	s2 =	ssub.s32 $0x2, s2;
	s10 =	sor.u32 s13, s9  }
0xc: {  	s11 =	sshrl.u32 s2, $0x1;
	s13 =	smul.u32 $0x4E200, s13;
	s30 =	sadd.s32 s12, s1  }
0xd: {  	s3 =	sadd.s32 s12, s3;
	s9 =	smul.u32 $0x138800, s10;
	s2 =	ssub.s32 s2, s11  }
0xe: {  	s10 =	smul.u32 $0x2710, s10;
	s31 =	sshrl.u32 s30, $0x3;
	s3 =	sshrl.u32 s3, $0x3  }
0xf: {  	s2 =	smax.u32 s2, $0x1;
	[dreg:$0x6] =	wrdreg s31;
	s0 =	sadd.s32 s3, s0  }
0x10: {  	s29 =	sshrl.u32 s13, $0x2;
	[dreg:$0x5] =	wrdreg s2;
	s0 =	sadd.s32 $0xA56000, s0  }
0x11: {  	v0 =	vimm.f32 $0.0e+00;
	s11 =	sadd.s32 $0x1400, s9;
	s14 =	sadd.s32 s29, s1;
	[dreg:$0x4] =	wrdreg s0  }
.LBB2_1:
0x12: {  	s0 =	simm.s32 $0x0;
	s2 =	simm.s32 $0x200  }
.LBB2_2:
0x13: {  	p0 =	sne.s32 s2, $0x3000;
	[tilespmem:s0+$0x8810] =	vst v0  }
0x14: {  	[tilespmem:s0+$0x87A0] =	vst v0  }
0x15: {  	[tilespmem:s0+$0x87B0] =	vst v0  }
.Ltmp0:
0x16: {  	[tilespmem:s0+$0x87C0] =	vst v0;
	(pc) =	sbr.rel @p0 .LBB2_2-.Ltmp0, $4  }
0x17: {  	[tilespmem:s0+$0x87D0] =	vst v0  }
0x18: {  	[tilespmem:s0+$0x87E0] =	vst v0  }
0x19: {  	[tilespmem:s0+$0x87F0] =	vst v0  }
0x1a: {  	[tilespmem:s0+$0x8800] =	vst v0;
	s0 =	sshra.s32 s2, $0x2;
	s2 =	sadd.s32 $0x200, s2  }
0x1b: {  	[tilespmem:s0+$0x8810] =	vst v0  }
0x1c: {  	[tilespmem:s0+$0x87A0] =	vst v0  }
0x1d: {  	[tilespmem:s0+$0x87B0] =	vst v0  }
0x1e: {  	[tilespmem:s0+$0x87C0] =	vst v0  }
0x1f: {  	[tilespmem:s0+$0x87D0] =	vst v0  }
0x20: {  	[tilespmem:s0+$0x87E0] =	vst v0  }
0x21: {  	[tilespmem:s0+$0x87F0] =	vst v0  }
0x22: {  	[dreg:$0x3] =	wrdreg s25;
	[tilespmem:s0+$0x8800] =	vst v0;
	s31 =	sadd.s32 $0x0, s14  }
0x23: {  	[spmem:s31] =	stream.linear.scatter [tilespmem:s15], [sflag:$0x2], $0xC80, $0x38;
	[tilespmem:$0x1CCA0] =	vst v63  }
0x24: {  	s0 =	simm.s32 $0x3200;
	_ =	swait.ge [sflag:s16], $0xC80  }
.LBB2_4:
0x25: {  	s2 =	sshra.s32 s0, $0x2;
	[sflag:s16] =	ssyncset.done $0x0;
	p0 =	sne.s32 s0, $0x4B000  }
.Ltmp1:
0x26: {  	s2 =	sadd.s32 s2, s14;
	[sflag:s16] =	ssyncadd.s32 $0xFFFFF380;
	(pc) =	sbr.rel @p0 .LBB2_4-.Ltmp1, $3  }
0x27: {  	[spmem:s2] =	stream.linear.scatter [tilespmem:s15], [sflag:$0x2], $0xC80, $0x38;
	[tilespmem:$0x1CCA0] =	vst v63  }
0x28: {  	s0 =	sadd.s32 $0x3200, s0;
	_ =	sdelay $0x1  }
0x29: {  	_ =	swait.ge [sflag:s16], $0xC80  }
0x2a: {  	[sflag:s16] =	ssyncset.done $0x0  }
0x2b: {  	[sflag:s16] =	ssyncadd.s32 $0xFFFFF380  }
0x2c: {  	s29 =	simm.s32 $0x0;
	[bflag:$0x0] =	sbarrier.arrive $0xFFFF  }
.LBB2_6:
0x2d: {  	s0 =	smul.u32 $0x7D0, s29;
	_ =	sdelay $0x1  }
0x2e: {  	s0 =	sadd.s32 s10, s0  }
0x2f: {  	s0 =	sshrl.u32 s0, $0x3  }
0x30: {  	s2 =	sadd.s32 s7, s0  }
0x31: {  	[tilespmem:s28], [sflag:$0x2] =	stream.linear.gather [hbm4b:s2+s28], $0x7D0, $0x38;
	[tilespmem:$0x1CCA0] =	vst v63  }
0x32: {  	_ =	swait.ge [sflag:s16], $0x7D0  }
0x33: {  	[sflag:s16] =	ssyncset.done $0x0  }
0x34: {  	s0 =	sadd.s32 s8, s0;
	[sflag:s16] =	ssyncadd.s32 $0xFFFFF830  }
0x35: {  	[tilespmem:s17], [sflag:$0x2] =	stream.linear.gather [hbm4b:s0+s28], $0x7D0, $0x38;
	[tilespmem:$0x1CCA0] =	vst v63  }
0x36: {  	_ =	swait.ge [sflag:s16], $0x7D0  }
0x37: {  	[sflag:s16] =	ssyncset.done $0x0  }
0x38: {  	s30 =	smul.u32 $0x32, s29;
	s31 =	simm.s32 $0x0;
	[sflag:s16] =	ssyncadd.s32 $0xFFFFF830  }
.LBB2_7:
0x39: {  	s0 =	sshll.u32 s31, $0x1  }
0x3a: {  	s0 =	sadd.s32 s30, s0  }
0x3b: {  	s0 =	smul.u32 $0x1400, s0;
	_ =	sdelay $0x1  }
0x3c: {  	s2 =	sadd.s32 s9, s0  }
0x3d: {  	s2 =	sshrl.u32 s2, $0x3  }
0x3e: {  	s12 =	simm.s32 $0x0;
	s3 =	smul.u32 $0x50, s31;
	s2 =	sadd.s32 s6, s2  }
0x3f: {  	[tilespmem:s18], [sflag:$0x1] =	stream.linear.gather [hbm4b:s2+s12], $0x1400, $0x38;
	[tilespmem:$0x1CCA0] =	vst v63  }
0x40: {  	s0 =	sadd.s32 s11, s0  }
0x41: {  	[tilespmem:s20], [sflag:$0x1] =	stream.indirect.gather [hbm4b:s4+s19], $0x80, s3, s19, $0xb8;
	[tilespmem:$0x1CCA0] =	vst v63  }
0x42: {  	s13 =	sadd.s32 $0x7D0, s3;
	s0 =	sshrl.u32 s0, $0x3  }
0x43: {  	[tilespmem:s21], [sflag:$0x1] =	stream.indirect.gather [hbm4b:s5+s19], $0x80, s13, s19, $0xb8;
	[tilespmem:$0x1CCA0] =	vst v63  }
0x44: {  	s0 =	sadd.s32 s6, s0  }
0x45: {  	[tilespmem:s22], [sflag:$0x1] =	stream.linear.gather [hbm4b:s0+s12], $0x1400, $0x38;
	[tilespmem:$0x1CCA0] =	vst v63  }
0x46: {  	s0 =	sadd.s32 $0x28, s3  }
0x47: {  	[tilespmem:s23], [sflag:$0x1] =	stream.indirect.gather [hbm4b:s4+s19], $0x80, s0, s19, $0xb8;
	[tilespmem:$0x1CCA0] =	vst v63  }
0x48: {  	s25 =	sadd.s32 $0x7F8, s3  }
0x49: {  	[tilespmem:s24], [sflag:$0x1] =	stream.indirect.gather [hbm4b:s5+s19], $0x80, s25, s19, $0xb8;
	[tilespmem:$0x1CCA0] =	vst v63  }
0x4a: {  	_ =	swait.ge [sflag:s26], $0x1400  }
0x4b: {  	[sflag:s26] =	ssyncset.done $0x0  }
0x4c: {  	[sflag:s26] =	ssyncadd.s32 $0xFFFFEC00  }
0x4d: {  	_ =	swait.ge [sflag:s26], $0x1400  }
0x4e: {  	[sflag:s26] =	ssyncset.done $0x0  }
0x4f: {  	[sflag:s26] =	ssyncadd.s32 $0xFFFFEC00  }
0x50: {  	_ =	swait.ge [sflag:s26], $0x1400  }
0x51: {  	[sflag:s26] =	ssyncset.done $0x0  }
0x52: {  	s12 =	simm.s32 $0x0;
	[sflag:s26] =	ssyncadd.s32 $0xFFFFEC00  }
0x53: {  	v1 =	vld [tilespmem:s12+$0x37F0]  }
0x54: {  	v2 =	vld [tilespmem:s12+$0x37D0]  }
0x55: {  	v6 =	vld [tilespmem:s12+$0x23F0]  }
0x56: {  	v3 =	vld [tilespmem:s12+$0x23E0]  }
0x57: {  	v4 =	vld [tilespmem:s12+$0x23D0]  }
0x58: {  	v5 =	vld [tilespmem:s12+$0xFD0]  }
0x59: {  	v9 =	vld [tilespmem:s12+$0x2410]  }
0x5a: {  	v7 =	vld [tilespmem:s12+$0x23B0]  }
0x5b: {  	v8 =	vld [tilespmem:s12+$0x23A0]  }
0x5c: {  	v10 =	vld [tilespmem:s12+$0x23C0]  }
0x5d: {  	v4 =	vadd.f32 v4, v5;
	v5 =	vld [tilespmem:s12+$0xFE0]  }
0x5e: {  	v11 =	vld [tilespmem:s12+$0xFC0]  }
0x5f: {  	v12 =	vld [tilespmem:s12+$0x37E0]  }
0x60: {  	v4 =	vadd.f32 v2, v4;
	v2 =	vld [tilespmem:s12+$0x37C0]  }
0x61: {  	v13 =	vld [tilespmem:s12+$0x37B0]  }
0x62: {  	v15 =	vld [tilespmem:s12+$0xFB0];
	v14 =	vsub.f32 $0.0e+00, v4;
	v3 =	vadd.f32 v3, v5  }
0x63: {  	v16 =	vld [tilespmem:s12+$0xFF0];
	v10 =	vadd.f32 v10, v11  }
0x64: {  	v56 =	vld [tilespmem:s12+$0xFA0];
	v14 =	vmul.f32 $1.442695020e+00, v14;
	v5 =	vadd.f32 v12, v3  }
0x65: {  	v57 =	vld [tilespmem:s12+$0x37A0];
	v3 =	vadd.f32 v2, v10  }
0x66: {  	v11 =	vld [tilespmem:s12+$0x2400];
	(erf) = vpow2.f32 v14;
	v10 =	vsub.f32 $0.0e+00, v5  }
0x67: {  	v7 =	vadd.f32 v7, v15;
	v2 =	vld [tilespmem:s12+$0x1000];
	v17 =	vsub.f32 $0.0e+00, v3  }
0x68: {  	v59 =	vld [tilespmem:s12+$0x1010];
	v6 =	vadd.f32 v6, v16;
	v10 =	vmul.f32 $1.442695020e+00, v10  }
0x69: {  	v58 =	vld [tilespmem:s12+$0x3800];
	v7 =	vadd.f32 v13, v7;
	v17 =	vmul.f32 $1.442695020e+00, v17  }
0x6a: {  	(erf) = vpow2.f32 v10;
	v10 =	vadd.f32 v8, v56;
	v8 =	vadd.f32 v1, v6;
	v1 =	vld [tilespmem:s12+$0x3810]  }
0x6b: {  	v60 =	vsub.f32 $0.0e+00, v7  }
0x6c: {  	v2 =	vadd.f32 v11, v2;
	(erf) = vpow2.f32 v17;
	v6 =	vadd.f32 v57, v10  }
0x6d: {  	v9 =	vadd.f32 v9, v59;
	v11 =	vmul.f32 $1.442695020e+00, v60;
	v10 =	vsub.f32 $0.0e+00, v8  }
0x6e: {  	v2 =	vadd.f32 v58, v2;
	v62 =	vsub.f32 $0.0e+00, v6  }
0x6f: {  	(erf) = vpow2.f32 v11;
	v61 =	vpop (erf);
	v10 =	vmul.f32 $1.442695020e+00, v10;
	v1 =	vadd.f32 v1, v9  }
0x70: {  	v63 =	vsub.f32 $0.0e+00, v2;
	v12 =	vadd.f32 $1.000000000e+00, v61;
	v9 =	vmul.f32 $1.442695020e+00, v62  }
0x71: {  	(erf) = vpow2.f32 v10;
	v11 =	vsub.f32 $0.0e+00, v1  }
0x72: {  	v10 =	vmul.f32 $1.442695020e+00, v63;
	(erf) = vrcp.f32 v12  }
0x73: {  	(erf) = vpow2.f32 v9  }
0x74: {  	(erf) = vpow2.f32 v10;
	v9 =	vpop (erf)  }
0x75: {  	s13 =	simm.s32 $0x400;
	s25 =	simm.s32 $0x200;
	v10 =	vmul.f32 $1.442695020e+00, v11;
	v9 =	vadd.f32 $1.000000000e+00, v9;
	v11 =	vpop (erf)  }
.LBB2_8:
0x76: {  	p0 =	sne.s32 s13, $0x4E00  }
0x77: {  	s2 =	sshra.s32 s25, $0x2;
	v11 =	vadd.f32 $1.000000000e+00, v11;
	(erf) = vpow2.f32 v10;
	s25 =	smov.u32 s13;
	s13 =	sadd.s32 $0x200, s13  }
0x78: {  	v10 =	vld [tilespmem:s2+$0x37F0];
	(erf) = vrcp.f32 v9  }
0x79: {  	v9 =	vld [tilespmem:s2+$0x37D0];
	v12 =	vpop (erf);
	(erf) = vrcp.f32 v11  }
0x7a: {  	v11 =	vld [tilespmem:s2+$0x23F0];
	v12 =	vadd.f32 $1.000000000e+00, v12;
	v13 =	vpop (erf)  }
0x7b: {  	v14 =	vld [tilespmem:s2+$0x23E0];
	v17 =	vadd.f32 $1.000000000e+00, v13;
	v15 =	vpop (erf)  }
0x7c: {  	v16 =	vld [tilespmem:s2+$0x2410];
	v4 =	vmul.f32 v15, v4;
	v15 =	vpop (erf);
	(erf) = vrcp.f32 v12  }
0x7d: {  	v12 =	vld [tilespmem:s2+$0x23D0];
	v15 =	vadd.f32 $1.000000000e+00, v15;
	(erf) = vrcp.f32 v17;
	v13 =	vpop (erf)  }
0x7e: {  	v17 =	vld [tilespmem:s2+$0x23B0];
	[tilespmem:s12+$0xFD0] =	vst v4;
	v19 =	vadd.f32 $1.000000000e+00, v13  }
0x7f: {  	v13 =	vld [tilespmem:s2+$0xFD0];
	(erf) = vrcp.f32 v15  }
0x80: {  	v15 =	vld [tilespmem:s2+$0x23A0];
	(erf) = vrcp.f32 v19;
	v4 =	vpop (erf)  }
0x81: {  	v4 =	vadd.f32 $1.000000000e+00, v4;
	v18 =	vpop (erf)  }
0x82: {  	v5 =	vmul.f32 v18, v5;
	v18 =	vpop (erf)  }
0x83: {  	v19 =	vld [tilespmem:s2+$0x37E0];
	v20 =	vmul.f32 v18, v3;
	(erf) = vrcp.f32 v4  }
0x84: {  	v18 =	vld [tilespmem:s2+$0x23C0];
	v4 =	vadd.f32 v12, v13;
	[tilespmem:s12+$0xFE0] =	vst v5  }
0x85: {  	v5 =	vld [tilespmem:s2+$0xFE0];
	[tilespmem:s12+$0xFC0] =	vst v20;
	v3 =	vpop (erf)  }
0x86: {  	v12 =	vld [tilespmem:s2+$0xFC0];
	v4 =	vadd.f32 v9, v4;
	v20 =	vmul.f32 v3, v7;
	v7 =	vpop (erf)  }
0x87: {  	v9 =	vld [tilespmem:s2+$0x37B0];
	v7 =	vmul.f32 v7, v8  }
0x88: {  	v8 =	vld [tilespmem:s2+$0x37C0];
	v13 =	vsub.f32 $0.0e+00, v4;
	[tilespmem:s12+$0xFB0] =	vst v20;
	v3 =	vpop (erf)  }
0x89: {  	v20 =	vld [tilespmem:s2+$0xFB0];
	v3 =	vmul.f32 v3, v6;
	[tilespmem:s12+$0xFF0] =	vst v7;
	v6 =	vpop (erf)  }
0x8a: {  	v7 =	vmul.f32 $1.442695020e+00, v13;
	v5 =	vadd.f32 v14, v5;
	v13 =	vld [tilespmem:s2+$0xFF0];
	v21 =	vmul.f32 v6, v2  }
0x8b: {  	v6 =	vadd.f32 v18, v12;
	v12 =	vld [tilespmem:s2+$0x2400];
	[tilespmem:s12+$0xFA0] =	vst v3  }
0x8c: {  	v14 =	vld [tilespmem:s2+$0xFA0];
	v5 =	vadd.f32 v19, v5;
	(erf) = vpow2.f32 v7;
	[tilespmem:s12+$0x1000] =	vst v21;
	v2 =	vpop (erf)  }
0x8d: {  	v3 =	vadd.f32 v8, v6;
	v6 =	vld [tilespmem:s2+$0x1000];
	v1 =	vmul.f32 v2, v1  }
0x8e: {  	v2 =	vld [tilespmem:s2+$0x37A0];
	v7 =	vadd.f32 v17, v20;
	v8 =	vsub.f32 $0.0e+00, v5  }
0x8f: {  	v17 =	vsub.f32 $0.0e+00, v3;
	v11 =	vadd.f32 v11, v13;
	v13 =	vld [tilespmem:s2+$0x3800];
	[tilespmem:s12+$0x1010] =	vst v1;
	s12 =	smov.u32 s2  }
0x90: {  	v7 =	vadd.f32 v9, v7;
	v1 =	vmul.f32 $1.442695020e+00, v8;
	v9 =	vld [tilespmem:s12+$0x1010]  }
0x91: {  	v14 =	vadd.f32 v15, v14;
	v15 =	vmul.f32 $1.442695020e+00, v17;
	v8 =	vadd.f32 v10, v11;
	v10 =	vld [tilespmem:s12+$0x3810]  }
0x92: {  	v11 =	vsub.f32 $0.0e+00, v7;
	v12 =	vadd.f32 v12, v6;
	(erf) = vpow2.f32 v1  }
0x93: {  	v6 =	vadd.f32 v2, v14;
	v1 =	vsub.f32 $0.0e+00, v8;
	(erf) = vpow2.f32 v15  }
0x94: {  	v11 =	vmul.f32 $1.442695020e+00, v11;
	v2 =	vadd.f32 v13, v12  }
0x95: {  	v12 =	vsub.f32 $0.0e+00, v6;
	v13 =	vmul.f32 $1.442695020e+00, v1;
	v1 =	vadd.f32 v16, v9;
	v9 =	vpop (erf)  }
0x96: {  	v9 =	vadd.f32 $1.000000000e+00, v9;
	v14 =	vsub.f32 $0.0e+00, v2;
	(erf) = vpow2.f32 v11  }
0x97: {  	v11 =	vmul.f32 $1.442695020e+00, v12;
	v1 =	vadd.f32 v10, v1;
	(erf) = vpow2.f32 v13  }
.Ltmp2:
0x98: {  	v10 =	vmul.f32 $1.442695020e+00, v14;
	(erf) = vrcp.f32 v9;
	(pc) =	sbr.rel @p0 .LBB2_8-.Ltmp2, $4  }
0x99: {  	v12 =	vsub.f32 $0.0e+00, v1;
	(erf) = vpow2.f32 v11  }
0x9a: {  	(erf) = vpow2.f32 v10  }
0x9b: {  	v10 =	vmul.f32 $1.442695020e+00, v12;
	v9 =	vpop (erf)  }
0x9c: {  	v9 =	vadd.f32 $1.000000000e+00, v9;
	v11 =	vpop (erf)  }
0x9d: {  	(erf) = vpow2.f32 v10;
	v10 =	vadd.f32 $1.000000000e+00, v11  }
0x9e: {  	(erf) = vrcp.f32 v9  }
0x9f: {  	s13 =	sshra.s32 s25, $0x2;
	(erf) = vrcp.f32 v10  }
0xa0: {  	v11 =	vld [tilespmem:s13+$0x37F0]  }
0xa1: {  	v9 =	vld [tilespmem:s13+$0x37D0];
	v12 =	vpop (erf)  }
0xa2: {  	v14 =	vld [tilespmem:s13+$0x23E0];
	v13 =	vpop (erf)  }
0xa3: {  	v16 =	vld [tilespmem:s13+$0x2410];
	v12 =	vadd.f32 $1.000000000e+00, v12;
	v15 =	vpop (erf)  }
0xa4: {  	v34 =	vld [tilespmem:s13+$0x23D0];
	v13 =	vadd.f32 $1.000000000e+00, v13;
	v4 =	vmul.f32 v15, v4;
	v17 =	vpop (erf)  }
0xa5: {  	v35 =	vld [tilespmem:s13+$0x23B0];
	(erf) = vrcp.f32 v12;
	v18 =	vpop (erf)  }
0xa6: {  	v10 =	vld [tilespmem:s13+$0x23F0];
	(erf) = vrcp.f32 v13;
	v17 =	vadd.f32 $1.000000000e+00, v17;
	[tilespmem:s12+$0xFD0] =	vst v4;
	v36 =	vpop (erf)  }
0xa7: {  	v4 =	vld [tilespmem:s13+$0xFD0];
	v20 =	vpop (erf)  }
0xa8: {  	v18 =	vadd.f32 $1.000000000e+00, v18;
	v19 =	vld [tilespmem:s13+$0x23A0];
	(erf) = vrcp.f32 v17;
	v5 =	vmul.f32 v20, v5;
	v38 =	vpop (erf)  }
0xa9: {  	v37 =	vld [tilespmem:s13+$0x37E0];
	v3 =	vmul.f32 v38, v3  }
0xaa: {  	v21 =	vld [tilespmem:s13+$0x23C0];
	(erf) = vrcp.f32 v18;
	[tilespmem:s12+$0xFE0] =	vst v5  }
0xab: {  	v5 =	vld [tilespmem:s13+$0xFE0];
	[tilespmem:s12+$0xFC0] =	vst v3;
	v3 =	vadd.f32 $1.000000000e+00, v36;
	_ =	sdelay $0x1  }
0xac: {  	(erf) = vrcp.f32 v3  }
0xad: {  	v39 =	vpop (erf)  }
0xae: {  	v40 =	vld [tilespmem:s13+$0xFC0];
	v7 =	vmul.f32 v39, v7;
	v3 =	vpop (erf)  }
0xaf: {  	v4 =	vadd.f32 v34, v4;
	v41 =	vld [tilespmem:s13+$0x37B0];
	v3 =	vmul.f32 v3, v8  }
0xb0: {  	v42 =	vld [tilespmem:s13+$0x37C0];
	[tilespmem:s12+$0xFB0] =	vst v7;
	v8 =	vpop (erf)  }
0xb1: {  	v4 =	vadd.f32 v9, v4;
	v7 =	vld [tilespmem:s13+$0xFB0];
	[tilespmem:s12+$0xFF0] =	vst v3;
	v3 =	vmul.f32 v8, v6  }
0xb2: {  	v8 =	vpop (erf);
	v6 =	vld [tilespmem:s13+$0xFF0]  }
0xb3: {  	v9 =	vld [tilespmem:s13+$0x2400];
	v2 =	vmul.f32 v8, v2;
	[tilespmem:s12+$0xFA0] =	vst v3;
	v3 =	vsub.f32 $0.0e+00, v4;
	_ =	sdelay $0x1  }
0xb4: {  	v8 =	vld [tilespmem:s13+$0xFA0];
	[tilespmem:s12+$0x1000] =	vst v2;
	v2 =	vmul.f32 $1.442695020e+00, v3;
	v3 =	vadd.f32 v14, v5;
	v5 =	vpop (erf)  }
0xb5: {  	v43 =	vld [tilespmem:s13+$0x1000];
	v1 =	vmul.f32 v5, v1  }
0xb6: {  	v44 =	vadd.f32 v21, v40;
	v7 =	vadd.f32 v35, v7;
	v5 =	vld [tilespmem:s13+$0x37A0];
	(erf) = vpow2.f32 v2  }
0xb7: {  	v3 =	vadd.f32 v37, v3;
	v2 =	vld [tilespmem:s13+$0x3800];
	[tilespmem:s12+$0x1010] =	vst v1  }
0xb8: {  	v7 =	vadd.f32 v41, v7;
	v1 =	vadd.f32 v42, v44;
	v46 =	vld [tilespmem:s13+$0x1010]  }
0xb9: {  	v6 =	vadd.f32 v10, v6;
	v45 =	vsub.f32 $0.0e+00, v3  }
0xba: {  	v8 =	vadd.f32 v19, v8;
	v47 =	vld [tilespmem:s13+$0x3810];
	v10 =	vsub.f32 $0.0e+00, v1  }
0xbb: {  	v6 =	vadd.f32 v11, v6;
	v11 =	vsub.f32 $0.0e+00, v7;
	v12 =	vmul.f32 $1.442695020e+00, v45  }
0xbc: {  	v9 =	vadd.f32 v9, v43;
	v5 =	vadd.f32 v5, v8;
	v10 =	vmul.f32 $1.442695020e+00, v10  }
0xbd: {  	v8 =	vsub.f32 $0.0e+00, v6;
	(erf) = vpow2.f32 v12;
	v48 =	vadd.f32 v16, v46  }
0xbe: {  	v2 =	vadd.f32 v2, v9;
	(erf) = vpow2.f32 v10;
	v10 =	vmul.f32 $1.442695020e+00, v11  }
0xbf: {  	v9 =	vsub.f32 $0.0e+00, v5;
	v8 =	vmul.f32 $1.442695020e+00, v8;
	v11 =	vpop (erf);
	v12 =	vadd.f32 v47, v48  }
0xc0: {  	v49 =	vsub.f32 $0.0e+00, v2;
	(erf) = vpow2.f32 v10;
	v11 =	vadd.f32 $1.000000000e+00, v11  }
0xc1: {  	v9 =	vmul.f32 $1.442695020e+00, v9;
	(erf) = vpow2.f32 v8;
	v8 =	vsub.f32 $0.0e+00, v12  }
0xc2: {  	v10 =	vmul.f32 $1.442695020e+00, v49;
	(erf) = vrcp.f32 v11  }
0xc3: {  	(erf) = vpow2.f32 v9;
	v8 =	vmul.f32 $1.442695020e+00, v8  }
0xc4: {  	(erf) = vpow2.f32 v10  }
0xc5: {  	(erf) = vpow2.f32 v8;
	_ =	sdelay $0x1  }
0xc6: {  	v8 =	vpop (erf)  }
0xc7: {  	v9 =	vpop (erf)  }
0xc8: {  	v8 =	vadd.f32 $1.000000000e+00, v8;
	v10 =	vpop (erf)  }
0xc9: {  	v9 =	vadd.f32 $1.000000000e+00, v9;
	v11 =	vpop (erf)  }
0xca: {  	(erf) = vrcp.f32 v8;
	v8 =	vadd.f32 $1.000000000e+00, v10;
	v10 =	vpop (erf)  }
0xcb: {  	(erf) = vrcp.f32 v9;
	v9 =	vadd.f32 $1.000000000e+00, v11;
	v11 =	vpop (erf)  }
0xcc: {  	(erf) = vrcp.f32 v8;
	v8 =	vadd.f32 $1.000000000e+00, v11;
	v11 =	vpop (erf)  }
0xcd: {  	(erf) = vrcp.f32 v9;
	v9 =	vadd.f32 $1.000000000e+00, v11;
	v11 =	vpop (erf)  }
0xce: {  	(erf) = vrcp.f32 v8;
	v8 =	vadd.f32 $1.000000000e+00, v11  }
0xcf: {  	(erf) = vrcp.f32 v9  }
0xd0: {  	(erf) = vrcp.f32 v8  }
0xd1: {  	v4 =	vmul.f32 v10, v4;
	_ =	sdelay $0x1  }
0xd2: {  	v8 =	vpop (erf)  }
0xd3: {  	v3 =	vmul.f32 v8, v3;
	v8 =	vpop (erf)  }
0xd4: {  	[tilespmem:s13+$0xFD0] =	vst v4;
	v1 =	vmul.f32 v8, v1;
	v4 =	vpop (erf)  }
0xd5: {  	[tilespmem:s13+$0xFE0] =	vst v3;
	v3 =	vmul.f32 v4, v7;
	v4 =	vpop (erf)  }
0xd6: {  	[tilespmem:s13+$0xFC0] =	vst v1;
	v1 =	vmul.f32 v4, v6;
	v4 =	vpop (erf)  }
0xd7: {  	[tilespmem:s13+$0xFB0] =	vst v3;
	v3 =	vmul.f32 v4, v5;
	v4 =	vpop (erf)  }
0xd8: {  	[tilespmem:s13+$0xFF0] =	vst v1;
	v1 =	vmul.f32 v4, v2;
	v2 =	vpop (erf)  }
0xd9: {  	[tilespmem:s13+$0xFA0] =	vst v3;
	v2 =	vmul.f32 v2, v12  }
0xda: {  	[tilespmem:s13+$0x1000] =	vst v1  }
0xdb: {  	[tilespmem:s13+$0x1010] =	vst v2  }
0xdc: {  	[spmem:s1] =	stream.indirect.scatter.add.f32 [tilespmem:s18], [sflag:$0x2], $0x80, s3, s19, $0xb8;
	[tilespmem:$0x1CCA0] =	vst v63  }
0xdd: {  	_ =	swait.ge [sflag:s16], $0x1400  }
0xde: {  	[sflag:s16] =	ssyncset.done $0x0  }
0xdf: {  	[sflag:s16] =	ssyncadd.s32 $0xFFFFEC00  }
0xe0: {  	_ =	swait.ge [sflag:s26], $0x1400  }
0xe1: {  	[sflag:s26] =	ssyncset.done $0x0  }
0xe2: {  	[sflag:s26] =	ssyncadd.s32 $0xFFFFEC00  }
0xe3: {  	_ =	swait.ge [sflag:s26], $0x1400  }
0xe4: {  	[sflag:s26] =	ssyncset.done $0x0  }
0xe5: {  	[sflag:s26] =	ssyncadd.s32 $0xFFFFEC00  }
0xe6: {  	_ =	swait.ge [sflag:s26], $0x1400  }
0xe7: {  	[sflag:s26] =	ssyncset.done $0x0  }
0xe8: {  	s3 =	simm.s32 $0x0;
	[sflag:s26] =	ssyncadd.s32 $0xFFFFEC00  }
0xe9: {  	v1 =	vld [tilespmem:s3+$0x73F0]  }
0xea: {  	v2 =	vld [tilespmem:s3+$0x73D0]  }
0xeb: {  	v6 =	vld [tilespmem:s3+$0x5FF0]  }
0xec: {  	v3 =	vld [tilespmem:s3+$0x5FE0]  }
0xed: {  	v4 =	vld [tilespmem:s3+$0x5FD0]  }
0xee: {  	v5 =	vld [tilespmem:s3+$0x4BD0]  }
0xef: {  	v9 =	vld [tilespmem:s3+$0x6010]  }
0xf0: {  	v7 =	vld [tilespmem:s3+$0x5FB0]  }
0xf1: {  	v8 =	vld [tilespmem:s3+$0x5FA0]  }
0xf2: {  	v10 =	vld [tilespmem:s3+$0x5FC0]  }
0xf3: {  	v11 =	vld [tilespmem:s3+$0x4BC0]  }
0xf4: {  	v4 =	vadd.f32 v4, v5;
	v5 =	vld [tilespmem:s3+$0x4BE0]  }
0xf5: {  	v50 =	vld [tilespmem:s3+$0x73E0]  }
0xf6: {  	v51 =	vld [tilespmem:s3+$0x73B0]  }
0xf7: {  	v4 =	vadd.f32 v2, v4;
	v2 =	vld [tilespmem:s3+$0x73C0]  }
0xf8: {  	v53 =	vld [tilespmem:s3+$0x4BB0]  }
0xf9: {  	v54 =	vld [tilespmem:s3+$0x4BF0];
	v52 =	vsub.f32 $0.0e+00, v4;
	v3 =	vadd.f32 v3, v5  }
0xfa: {  	v55 =	vld [tilespmem:s3+$0x4BA0];
	v10 =	vadd.f32 v10, v11  }
0xfb: {  	v59 =	vld [tilespmem:s3+$0x4C10];
	v14 =	vmul.f32 $1.442695020e+00, v52;
	v5 =	vadd.f32 v50, v3  }
0xfc: {  	v11 =	vld [tilespmem:s3+$0x6000];
	v3 =	vadd.f32 v2, v10  }
0xfd: {  	v2 =	vld [tilespmem:s3+$0x4C00];
	(erf) = vpow2.f32 v14;
	v10 =	vsub.f32 $0.0e+00, v5  }
0xfe: {  	v56 =	vld [tilespmem:s3+$0x73A0];
	v7 =	vadd.f32 v7, v53;
	v57 =	vsub.f32 $0.0e+00, v3  }
0xff: {  	v58 =	vld [tilespmem:s3+$0x7400];
	v6 =	vadd.f32 v6, v54;
	v10 =	vmul.f32 $1.442695020e+00, v10  }
0x100: {  	v7 =	vadd.f32 v51, v7;
	v17 =	vmul.f32 $1.442695020e+00, v57  }
0x101: {  	(erf) = vpow2.f32 v10;
	v10 =	vadd.f32 v8, v55;
	v8 =	vadd.f32 v1, v6;
	v1 =	vld [tilespmem:s3+$0x7410]  }
0x102: {  	v9 =	vadd.f32 v9, v59;
	v2 =	vadd.f32 v11, v2  }
0x103: {  	v60 =	vsub.f32 $0.0e+00, v7;
	(erf) = vpow2.f32 v17;
	v6 =	vadd.f32 v56, v10  }
0x104: {  	v2 =	vadd.f32 v58, v2;
	v10 =	vsub.f32 $0.0e+00, v8  }
0x105: {  	v11 =	vmul.f32 $1.442695020e+00, v60;
	v62 =	vsub.f32 $0.0e+00, v6  }
0x106: {  	v63 =	vsub.f32 $0.0e+00, v2;
	v61 =	vpop (erf);
	v10 =	vmul.f32 $1.442695020e+00, v10;
	v1 =	vadd.f32 v1, v9  }
0x107: {  	(erf) = vpow2.f32 v11;
	v12 =	vadd.f32 $1.000000000e+00, v61;
	v9 =	vmul.f32 $1.442695020e+00, v62  }
0x108: {  	(erf) = vpow2.f32 v10;
	v11 =	vsub.f32 $0.0e+00, v1  }
0x109: {  	v10 =	vmul.f32 $1.442695020e+00, v63;
	(erf) = vrcp.f32 v12  }
0x10a: {  	(erf) = vpow2.f32 v9  }
0x10b: {  	(erf) = vpow2.f32 v10;
	v9 =	vpop (erf)  }
0x10c: {  	s12 =	simm.s32 $0x400;
	s13 =	simm.s32 $0x200;
	v10 =	vmul.f32 $1.442695020e+00, v11;
	v9 =	vadd.f32 $1.000000000e+00, v9;
	v11 =	vpop (erf)  }
.LBB2_10:
0x10d: {  	p0 =	sne.s32 s12, $0x4E00  }
0x10e: {  	s2 =	sshra.s32 s13, $0x2;
	v11 =	vadd.f32 $1.000000000e+00, v11;
	(erf) = vpow2.f32 v10;
	s13 =	smov.u32 s12;
	s12 =	sadd.s32 $0x200, s12  }
0x10f: {  	v10 =	vld [tilespmem:s2+$0x73F0];
	(erf) = vrcp.f32 v9  }
0x110: {  	v9 =	vld [tilespmem:s2+$0x73D0];
	v12 =	vpop (erf);
	(erf) = vrcp.f32 v11  }
0x111: {  	v11 =	vld [tilespmem:s2+$0x5FF0];
	v12 =	vadd.f32 $1.000000000e+00, v12;
	v13 =	vpop (erf)  }
0x112: {  	v14 =	vld [tilespmem:s2+$0x5FE0];
	v17 =	vadd.f32 $1.000000000e+00, v13;
	v15 =	vpop (erf)  }
0x113: {  	v16 =	vld [tilespmem:s2+$0x6010];
	v4 =	vmul.f32 v15, v4;
	v15 =	vpop (erf);
	(erf) = vrcp.f32 v12  }
0x114: {  	v12 =	vld [tilespmem:s2+$0x5FD0];
	v15 =	vadd.f32 $1.000000000e+00, v15;
	(erf) = vrcp.f32 v17;
	v13 =	vpop (erf)  }
0x115: {  	v17 =	vld [tilespmem:s2+$0x5FB0];
	[tilespmem:s3+$0x4BD0] =	vst v4;
	v19 =	vadd.f32 $1.000000000e+00, v13  }
0x116: {  	v13 =	vld [tilespmem:s2+$0x4BD0];
	(erf) = vrcp.f32 v15  }
0x117: {  	v15 =	vld [tilespmem:s2+$0x5FA0];
	(erf) = vrcp.f32 v19;
	v4 =	vpop (erf)  }
0x118: {  	v4 =	vadd.f32 $1.000000000e+00, v4;
	v18 =	vpop (erf)  }
0x119: {  	v5 =	vmul.f32 v18, v5;
	v18 =	vpop (erf)  }
0x11a: {  	v19 =	vld [tilespmem:s2+$0x73E0];
	v20 =	vmul.f32 v18, v3;
	(erf) = vrcp.f32 v4  }
0x11b: {  	v18 =	vld [tilespmem:s2+$0x5FC0];
	v4 =	vadd.f32 v12, v13;
	[tilespmem:s3+$0x4BE0] =	vst v5  }
0x11c: {  	v5 =	vld [tilespmem:s2+$0x4BE0];
	[tilespmem:s3+$0x4BC0] =	vst v20;
	v3 =	vpop (erf)  }
0x11d: {  	v12 =	vld [tilespmem:s2+$0x4BC0];
	v4 =	vadd.f32 v9, v4;
	v20 =	vmul.f32 v3, v7;
	v7 =	vpop (erf)  }
0x11e: {  	v9 =	vld [tilespmem:s2+$0x73B0];
	v7 =	vmul.f32 v7, v8  }
0x11f: {  	v8 =	vld [tilespmem:s2+$0x73C0];
	v13 =	vsub.f32 $0.0e+00, v4;
	[tilespmem:s3+$0x4BB0] =	vst v20;
	v3 =	vpop (erf)  }
0x120: {  	v20 =	vld [tilespmem:s2+$0x4BB0];
	v3 =	vmul.f32 v3, v6;
	[tilespmem:s3+$0x4BF0] =	vst v7;
	v6 =	vpop (erf)  }
0x121: {  	v7 =	vmul.f32 $1.442695020e+00, v13;
	v5 =	vadd.f32 v14, v5;
	v13 =	vld [tilespmem:s2+$0x4BF0];
	v21 =	vmul.f32 v6, v2  }
0x122: {  	v6 =	vadd.f32 v18, v12;
	v12 =	vld [tilespmem:s2+$0x6000];
	[tilespmem:s3+$0x4BA0] =	vst v3  }
0x123: {  	v14 =	vld [tilespmem:s2+$0x4BA0];
	v5 =	vadd.f32 v19, v5;
	(erf) = vpow2.f32 v7;
	[tilespmem:s3+$0x4C00] =	vst v21;
	v2 =	vpop (erf)  }
0x124: {  	v3 =	vadd.f32 v8, v6;
	v6 =	vld [tilespmem:s2+$0x4C00];
	v1 =	vmul.f32 v2, v1  }
0x125: {  	v2 =	vld [tilespmem:s2+$0x73A0];
	v7 =	vadd.f32 v17, v20;
	v8 =	vsub.f32 $0.0e+00, v5  }
0x126: {  	v17 =	vsub.f32 $0.0e+00, v3;
	v11 =	vadd.f32 v11, v13;
	v13 =	vld [tilespmem:s2+$0x7400];
	[tilespmem:s3+$0x4C10] =	vst v1;
	s3 =	smov.u32 s2  }
0x127: {  	v7 =	vadd.f32 v9, v7;
	v1 =	vmul.f32 $1.442695020e+00, v8;
	v9 =	vld [tilespmem:s3+$0x4C10]  }
0x128: {  	v14 =	vadd.f32 v15, v14;
	v15 =	vmul.f32 $1.442695020e+00, v17;
	v8 =	vadd.f32 v10, v11;
	v10 =	vld [tilespmem:s3+$0x7410]  }
0x129: {  	v11 =	vsub.f32 $0.0e+00, v7;
	v12 =	vadd.f32 v12, v6;
	(erf) = vpow2.f32 v1  }
0x12a: {  	v6 =	vadd.f32 v2, v14;
	v1 =	vsub.f32 $0.0e+00, v8;
	(erf) = vpow2.f32 v15  }
0x12b: {  	v11 =	vmul.f32 $1.442695020e+00, v11;
	v2 =	vadd.f32 v13, v12  }
0x12c: {  	v12 =	vsub.f32 $0.0e+00, v6;
	v13 =	vmul.f32 $1.442695020e+00, v1;
	v1 =	vadd.f32 v16, v9;
	v9 =	vpop (erf)  }
0x12d: {  	v9 =	vadd.f32 $1.000000000e+00, v9;
	v14 =	vsub.f32 $0.0e+00, v2;
	(erf) = vpow2.f32 v11  }
0x12e: {  	v11 =	vmul.f32 $1.442695020e+00, v12;
	v1 =	vadd.f32 v10, v1;
	(erf) = vpow2.f32 v13  }
.Ltmp3:
0x12f: {  	v10 =	vmul.f32 $1.442695020e+00, v14;
	(erf) = vrcp.f32 v9;
	(pc) =	sbr.rel @p0 .LBB2_10-.Ltmp3, $4  }
0x130: {  	v12 =	vsub.f32 $0.0e+00, v1;
	(erf) = vpow2.f32 v11  }
0x131: {  	(erf) = vpow2.f32 v10  }
0x132: {  	v10 =	vmul.f32 $1.442695020e+00, v12;
	v9 =	vpop (erf)  }
0x133: {  	v9 =	vadd.f32 $1.000000000e+00, v9;
	v11 =	vpop (erf)  }
0x134: {  	(erf) = vpow2.f32 v10;
	v52 =	vadd.f32 $1.000000000e+00, v11  }
0x135: {  	(erf) = vrcp.f32 v9  }
0x136: {  	s12 =	sshra.s32 s13, $0x2;
	v12 =	vpop (erf);
	(erf) = vrcp.f32 v52  }
0x137: {  	v53 =	vld [tilespmem:s12+$0x73F0]  }
0x138: {  	v54 =	vld [tilespmem:s12+$0x73D0]  }
0x139: {  	v55 =	vld [tilespmem:s12+$0x5FF0];
	v13 =	vpop (erf)  }
0x13a: {  	v14 =	vld [tilespmem:s12+$0x5FE0];
	v12 =	vadd.f32 $1.000000000e+00, v12;
	v15 =	vpop (erf)  }
0x13b: {  	v16 =	vld [tilespmem:s12+$0x6010];
	v13 =	vadd.f32 $1.000000000e+00, v13;
	v4 =	vmul.f32 v15, v4;
	v17 =	vpop (erf)  }
0x13c: {  	v56 =	vld [tilespmem:s12+$0x5FD0];
	(erf) = vrcp.f32 v12;
	v18 =	vpop (erf)  }
0x13d: {  	v57 =	vld [tilespmem:s12+$0x5FB0];
	(erf) = vrcp.f32 v13;
	v17 =	vadd.f32 $1.000000000e+00, v17;
	[tilespmem:s3+$0x4BD0] =	vst v4;
	v58 =	vpop (erf)  }
0x13e: {  	v4 =	vld [tilespmem:s12+$0x4BD0];
	v20 =	vpop (erf)  }
0x13f: {  	v18 =	vadd.f32 $1.000000000e+00, v18;
	v19 =	vld [tilespmem:s12+$0x5FA0];
	(erf) = vrcp.f32 v17;
	v5 =	vmul.f32 v20, v5;
	v60 =	vpop (erf)  }
0x140: {  	v59 =	vld [tilespmem:s12+$0x73E0];
	v3 =	vmul.f32 v60, v3  }
0x141: {  	v21 =	vld [tilespmem:s12+$0x5FC0];
	(erf) = vrcp.f32 v18;
	[tilespmem:s3+$0x4BE0] =	vst v5  }
0x142: {  	v5 =	vld [tilespmem:s12+$0x4BE0];
	[tilespmem:s3+$0x4BC0] =	vst v3;
	v3 =	vadd.f32 $1.000000000e+00, v58;
	_ =	sdelay $0x1  }
0x143: {  	(erf) = vrcp.f32 v3  }
0x144: {  	v61 =	vpop (erf)  }
0x145: {  	v62 =	vld [tilespmem:s12+$0x4BC0];
	v7 =	vmul.f32 v61, v7;
	v3 =	vpop (erf)  }
0x146: {  	v4 =	vadd.f32 v56, v4;
	v63 =	vld [tilespmem:s12+$0x73B0];
	v3 =	vmul.f32 v3, v8  }
0x147: {  	v22 =	vld [tilespmem:s12+$0x73C0];
	[tilespmem:s3+$0x4BB0] =	vst v7;
	v23 =	vpop (erf)  }
0x148: {  	v4 =	vadd.f32 v54, v4;
	v7 =	vld [tilespmem:s12+$0x4BB0];
	[tilespmem:s3+$0x4BF0] =	vst v3;
	v3 =	vmul.f32 v23, v6  }
0x149: {  	v25 =	vpop (erf);
	v24 =	vld [tilespmem:s12+$0x4BF0]  }
0x14a: {  	v2 =	vmul.f32 v25, v2;
	v26 =	vld [tilespmem:s12+$0x6000];
	[tilespmem:s3+$0x4BA0] =	vst v3;
	v3 =	vsub.f32 $0.0e+00, v4;
	_ =	sdelay $0x1  }
0x14b: {  	v27 =	vld [tilespmem:s12+$0x4BA0];
	[tilespmem:s3+$0x4C00] =	vst v2;
	v2 =	vmul.f32 $1.442695020e+00, v3;
	v28 =	vpop (erf)  }
0x14c: {  	v7 =	vadd.f32 v57, v7;
	v29 =	vld [tilespmem:s12+$0x4C00];
	v1 =	vmul.f32 v28, v1  }
0x14d: {  	v3 =	vadd.f32 v14, v5;
	v30 =	vld [tilespmem:s12+$0x73A0];
	(erf) = vpow2.f32 v2  }
0x14e: {  	v31 =	vadd.f32 v21, v62;
	v7 =	vadd.f32 v63, v7;
	v2 =	vld [tilespmem:s12+$0x7400];
	[tilespmem:s3+$0x4C10] =	vst v1  }
0x14f: {  	v3 =	vadd.f32 v59, v3;
	v6 =	vadd.f32 v55, v24;
	v33 =	vld [tilespmem:s12+$0x4C10]  }
0x150: {  	v36 =	vsub.f32 $0.0e+00, v7;
	v1 =	vadd.f32 v22, v31  }
0x151: {  	v32 =	vsub.f32 $0.0e+00, v3;
	v8 =	vadd.f32 v19, v27;
	v35 =	vld [tilespmem:s12+$0x7410]  }
0x152: {  	v6 =	vadd.f32 v53, v6;
	v39 =	vmul.f32 $1.442695020e+00, v36;
	v34 =	vsub.f32 $0.0e+00, v1  }
0x153: {  	v9 =	vadd.f32 v26, v29;
	v12 =	vmul.f32 $1.442695020e+00, v32;
	v5 =	vadd.f32 v30, v8  }
0x154: {  	v37 =	vsub.f32 $0.0e+00, v6;
	v10 =	vmul.f32 $1.442695020e+00, v34;
	v38 =	vadd.f32 v16, v33  }
0x155: {  	v2 =	vadd.f32 v2, v9;
	(erf) = vpow2.f32 v12;
	v40 =	vsub.f32 $0.0e+00, v5  }
0x156: {  	v8 =	vmul.f32 $1.442695020e+00, v37;
	(erf) = vpow2.f32 v10;
	v41 =	vpop (erf);
	v12 =	vadd.f32 v35, v38  }
0x157: {  	v42 =	vsub.f32 $0.0e+00, v2;
	(erf) = vpow2.f32 v39;
	v11 =	vadd.f32 $1.000000000e+00, v41  }
0x158: {  	v9 =	vmul.f32 $1.442695020e+00, v40;
	(erf) = vpow2.f32 v8;
	v43 =	vsub.f32 $0.0e+00, v12  }
0x159: {  	v44 =	vmul.f32 $1.442695020e+00, v42;
	(erf) = vrcp.f32 v11  }
0x15a: {  	(erf) = vpow2.f32 v9;
	v8 =	vmul.f32 $1.442695020e+00, v43  }
0x15b: {  	(erf) = vpow2.f32 v44  }
0x15c: {  	(erf) = vpow2.f32 v8;
	_ =	sdelay $0x1  }
0x15d: {  	v45 =	vpop (erf)  }
0x15e: {  	v46 =	vpop (erf)  }
0x15f: {  	v8 =	vadd.f32 $1.000000000e+00, v45;
	v47 =	vpop (erf)  }
0x160: {  	v9 =	vadd.f32 $1.000000000e+00, v46;
	v48 =	vpop (erf)  }
0x161: {  	(erf) = vrcp.f32 v8;
	v49 =	vadd.f32 $1.000000000e+00, v47;
	v50 =	vpop (erf)  }
0x162: {  	(erf) = vrcp.f32 v9;
	v51 =	vadd.f32 $1.000000000e+00, v48;
	v52 =	vpop (erf)  }
0x163: {  	(erf) = vrcp.f32 v49;
	v53 =	vadd.f32 $1.000000000e+00, v52;
	v54 =	vpop (erf)  }
0x164: {  	(erf) = vrcp.f32 v51;
	v55 =	vadd.f32 $1.000000000e+00, v54;
	v56 =	vpop (erf)  }
0x165: {  	(erf) = vrcp.f32 v53;
	v57 =	vadd.f32 $1.000000000e+00, v56  }
0x166: {  	(erf) = vrcp.f32 v55  }
0x167: {  	(erf) = vrcp.f32 v57;
	_ =	sdelay $0x2  }
0x168: {  	v4 =	vmul.f32 v50, v4;
	v58 =	vpop (erf)  }
0x169: {  	v3 =	vmul.f32 v58, v3;
	v59 =	vpop (erf)  }
0x16a: {  	[tilespmem:s12+$0x4BD0] =	vst v4;
	v1 =	vmul.f32 v59, v1;
	v60 =	vpop (erf)  }
0x16b: {  	[tilespmem:s12+$0x4BE0] =	vst v3;
	v3 =	vmul.f32 v60, v7;
	v61 =	vpop (erf)  }
0x16c: {  	[tilespmem:s12+$0x4BC0] =	vst v1;
	v1 =	vmul.f32 v61, v6;
	v62 =	vpop (erf)  }
0x16d: {  	[tilespmem:s12+$0x4BB0] =	vst v3;
	v3 =	vmul.f32 v62, v5;
	v63 =	vpop (erf)  }
0x16e: {  	[tilespmem:s12+$0x4BF0] =	vst v1;
	v1 =	vmul.f32 v63, v2;
	v2 =	vpop (erf)  }
0x16f: {  	s31 =	sadd.s32 $0x1, s31;
	[tilespmem:s12+$0x4BA0] =	vst v3;
	v2 =	vmul.f32 v2, v12  }
0x170: {  	p0 =	sne.s32 s31, $0x19;
	[tilespmem:s12+$0x4C00] =	vst v1  }
.Ltmp4:
0x171: {  	[tilespmem:s12+$0x4C10] =	vst v2;
	(pc) =	sbr.rel @p0 .LBB2_7-.Ltmp4, $4  }
0x172: {  	[spmem:s1] =	stream.indirect.scatter.add.f32 [tilespmem:s22], [sflag:$0x2], $0x80, s0, s19, $0xb8;
	[tilespmem:$0x1CCA0] =	vst v63  }
0x173: {  	_ =	swait.ge [sflag:s16], $0x1400  }
0x174: {  	[sflag:s16] =	ssyncset.done $0x0  }
0x175: {  	[sflag:s16] =	ssyncadd.s32 $0xFFFFEC00  }
0x176: {  	s29 =	sadd.s32 $0x1, s29  }
0x177: {  	p0 =	sne.s32 s29, $0x5  }
.Ltmp5:
0x178: {  	_ = 	snop;
	(pc) =	sbr.rel @p0 .LBB2_6-.Ltmp5, $1  }
0x179: {  	_ =	sdelay $0x3  }
0x17a: {  	s0 =	stileid.u32;
	[bflag:$0x0] =	sbarrier.arrive $0xFFFF  }
0x17b: {  	s0 =	sshll.u32 s0, $0x6;
	s2 =	rddreg [dreg:$0x4]  }
0x17c: {  	s3 =	rddreg [dreg:$0x6];
	s0 =	sor.u32 $0x1C02, s0  }
0x17d: {  	[hbm:s2], [sflag:s0] =	dma.local [spmem:s3], $0x2710  }
0x17e: {  	_ =	swait.ge [sflag:s16], $0x2710  }
0x17f: {  	s25 =	rddreg [dreg:$0x3]  }
0x180: {  	s31 =	rddreg [dreg:$0x5];
	s25 =	sadd.s32 $0x1, s25  }
0x181: {  	p0 =	sne.s32 s25, s31  }
.Ltmp6:
0x182: {  	_ = 	snop;
	(pc) =	sbr.rel @p0 .LBB2_1-.Ltmp6, $3  }
0x183: {  	_ =	sdelay $0x1  }
0x184: {  	[sflag:s16] =	ssyncset.done $0x0  }
0x185: {  	[sflag:s16] =	ssyncadd.s32 $0xFFFFD8F0  }
0x186: {  	_ =	sfence.sel $0x180000  }
0x187: {  	[bflag:$0x0] =	sbarrier.arrive $0xFFFF  }
0x188: {  	_ =	strace $0x90000047  }
0x189: {  	s0 =	stileid.u32;
	[bflag:$0x2] =	sbarrier.arrive $0xFFFF  }
0x18a: {  	p0 =	sne.s32 s0, $0x0;
	s0 =	rddreg [dreg:$0x2]  }
0x18b: {  	s0 =	sadd.s32 @!p0 $0x100000, s0  }
0x18c: {  	[sflag:s0] =	ssyncadd.tile.s32 @!p0 $0x1;
	_ =	shalt  }
.Lfunc_end2:
_tile_overlayer_lowered:
.L_overlay_start_2:
0x18d: {  	(tag) =	ssettag $0x2  }
0x18e: {  	s0 =	rddreg [dreg:$0x0];
	s2 =	stileid.u32  }
0x18f: {  	s1 =	rddreg [dreg:$0x1];
	p0 =	sne.s32 s2, $0x0  }
0x190: {  	s3 =	rddreg [dreg:$0x2];
	[bflag:$0x3] =	sbarrier.arrive $0xFFFF;
	s2 =	simm.s32 @!p0 $0x1C02  }
0x191: {  	[timem:s3], [sflag:s2] =	dma.local @!p0 [hbm:s0], s1  }
0x192: {  	s0 =	simm.s32 @!p0 $0x2  }
0x193: {  	_ =	swait.ge @!p0 [sflag:s0], s1  }
0x194: {  	s1 =	ssub.s32 @!p0 $0x0, s1;
	[sflag:s0] =	ssyncset.done @!p0 $0x0  }
0x195: {  	[sflag:s0] =	ssyncadd.s32 @!p0 s1  }
0x196: {  	[bflag:$0x3] =	sbarrier.arrive $0xFFFF  }
0x197: {  	_ =	shalt  }

// kernel: kernel.23.cloned.1.call-start
scs
__scs_entry_jumppad:
0x0: {  	(pc) =	sbr.rel $0x88, $3  }
0x1: {  	(tag) =	ssettag $0x0;
	lr =	simm.s32 $0x1  }
0x2: {  	[smem:$0x3F7D] =	sst lr;
	_ =	strace $0xD0000000  }
0x3: {  	_ = 	snop  }
0x4: {  	_ = 	snop  }
0x5: {  	_ = 	snop  }
0x6: {  	_ = 	snop  }
0x7: {  	_ = 	snop  }
__scs_overlays_trampoline_lowered:
0x8: {  	[smem:$0x3F8C] =	sst s0  }
0x9: {  	[smem:$0x3F8D] =	sst s1  }
0xa: {  	[smem:$0x3F8E] =	sst s2  }
0xb: {  	[smem:$0x3F8F] =	sst s3  }
0xc: {  	[smem:$0x3F90] =	sst s4  }
0xd: {  	[smem:$0x3F91] =	sst s5  }
0xe: {  	[smem:$0x3F92] =	sst s6  }
0xf: {  	[smem:$0x3F93] =	sst s7  }
0x10: {  	[smem:$0x3F94] =	sst s8  }
0x11: {  	[smem:$0x3F95] =	sst s9;
	s0 =	simm.s32 @!p0 $0x0  }
0x12: {  	s1 =	sld [smem:$0x3F7B];
	s0 =	simm.s32 @p0 $0x1  }
0x13: {  	[smem:$0x3F96] =	sst s0;
	s0 =	simm.s32 @!p1 $0x0  }
0x14: {  	s2 =	sld [smem:$0x3F7A];
	s0 =	simm.s32 @p1 $0x1  }
0x15: {  	[smem:$0x3F97] =	sst s0;
	s0 =	simm.s32 @!p2 $0x0  }
0x16: {  	s3 =	sld [smem:$0x3FDB];
	s0 =	simm.s32 @p2 $0x1  }
0x17: {  	s4 =	simm.s32 $0x1BF5;
	[smem:$0x3F99] =	sst s0  }
0x18: {  	s0 =	sld [smem:$0x3F7C];
	_ =	swait.ge [sflag:s4], $0x0  }
0x19: {  	s7 =	sld [smem:$0x3F7D]  }
0x1a: {  	s8 =	sadd.s32 $0xFFFFE003, lr  }
0x1b: {  	s9 =	sadd.s32 $0xFFFFFEF7, lr;
	s5 =	simm.s32 $0xFFFFFFFF;
	p2 =	slt.u32 s8, $0xFFFFF086  }
0x1c: {  	p1 =	slt.u32 s9, $0xF7A;
	s5 =	simm.s32 @!p2 $0x0  }
0x1d: {  	s5 =	simm.s32 @p1 $0x1;
	p0 =	seq.s32 s7, s2  }
0x1e: {  	s7 =	smul.u32 @!p0 $0xF7A, s2;
	p2 =	seq.s32 @!p0 s5, $0x0  }
0x1f: {  	s9 =	smul.u32 $0xF7A, s1;
	s8 =	simm.s32 @!p0 $0x1BF5;
	p2 =	por !p2, p0  }
0x20: {  	[sflag:s8] =	ssyncset.s32 @!p0 $0xFFFFF086;
	s6 =	sadd.s32 @!p0 s3, s7;
	s7 =	simm.s32 @!p0 $0x108  }
0x21: {  	s3 =	sadd.s32 s3, s9;
	s6 =	sadd.s32 @!p0 $0x88, s6;
	s7 =	simm.s32 @p2 $0x1082  }
0x22: {  	[simem:s7], [sflag:s8] =	dma.local @!p0 [hbm:s6], $0xF7A  }
0x23: {  	s9 =	sor.u32 $0xD0000000, s2;
	s6 =	simm.s32 $0x108;
	_ =	swait.ge @!p0 [sflag:s8], $0x0  }
0x24: {  	s3 =	sadd.s32 $0x88, s3;
	s6 =	simm.s32 @!p1 $0x1082;
	[sflag:s4] =	ssyncset.s32 $0xFFFFF086  }
0x25: {  	[simem:s6], [sflag:s4] =	dma.local [hbm:s3], $0xF7A  }
0x26: {  	[smem:$0x3F7D] =	sst s1;
	(tag) =	ssettag s2;
	_ =	strace s9  }
0x27: {  	s1 =	sld [smem:$0x3F8D]  }
0x28: {  	s2 =	sld [smem:$0x3F8E]  }
0x29: {  	s4 =	sld [smem:$0x3F90]  }
0x2a: {  	p0 =	seq.s32 s5, $0x0;
	s5 =	sld [smem:$0x3F91]  }
0x2b: {  	s6 =	sld [smem:$0x3F92]  }
0x2c: {  	s7 =	sld [smem:$0x3F93]  }
0x2d: {  	s3 =	simm.s32 $0x108;
	s8 =	sld [smem:$0x3F94]  }
0x2e: {  	s3 =	simm.s32 @!p0 $0x1082;
	s9 =	sld [smem:$0x3F95]  }
0x2f: {  	lr =	sadd.s32 s0, s3;
	s0 =	sld [smem:$0x3F8C]  }
0x30: {  	s3 =	sld [smem:$0x3F8F]  }
0x31: {  	[smem:$0x3F98] =	sst s10  }
0x32: {  	s10 =	sld [smem:$0x3F96];
	_ =	sdelay $0x3  }
0x33: {  	p0 =	seq.s32 s10, $0x1;
	s10 =	sld [smem:$0x3F98];
	_ =	sdelay $0x3  }
0x34: {  	[smem:$0x3F98] =	sst s10  }
0x35: {  	s10 =	sld [smem:$0x3F97];
	_ =	sdelay $0x3  }
0x36: {  	p1 =	seq.s32 s10, $0x1;
	s10 =	sld [smem:$0x3F98];
	_ =	sdelay $0x3  }
0x37: {  	[smem:$0x3F98] =	sst s10  }
0x38: {  	s10 =	sld [smem:$0x3F99]  }
0x39: {  	_ = 	snop;
	(pc) =	sbr.ind lr, $3  }
0x3a: {  	_ = 	snop  }
0x3b: {  	_ = 	snop  }
0x3c: {  	p2 =	seq.s32 s10, $0x1;
	s10 =	sld [smem:$0x3F98]  }
0x3d: {  	_ =	shalt  }
0x3e: {  	_ =	shalt  }
0x3f: {  	_ =	shalt  }
0x40: {  	_ =	shalt  }
0x41: {  	_ =	shalt  }
0x42: {  	_ =	shalt  }
0x43: {  	_ =	shalt  }
0x44: {  	_ =	shalt  }
0x45: {  	_ =	shalt  }
0x46: {  	_ =	shalt  }
0x47: {  	_ =	shalt  }
0x48: {  	_ =	shalt  }
0x49: {  	_ =	shalt  }
0x4a: {  	_ =	shalt  }
0x4b: {  	_ =	shalt  }
0x4c: {  	_ =	shalt  }
0x4d: {  	_ =	shalt  }
0x4e: {  	_ =	shalt  }
0x4f: {  	_ =	shalt  }
0x50: {  	_ =	shalt  }
0x51: {  	_ =	shalt  }
0x52: {  	_ =	shalt  }
0x53: {  	_ =	shalt  }
0x54: {  	_ =	shalt  }
0x55: {  	_ =	shalt  }
0x56: {  	_ =	shalt  }
0x57: {  	_ =	shalt  }
0x58: {  	_ =	shalt  }
0x59: {  	_ =	shalt  }
0x5a: {  	_ =	shalt  }
0x5b: {  	_ =	shalt  }
0x5c: {  	_ =	shalt  }
0x5d: {  	_ =	shalt  }
0x5e: {  	_ =	shalt  }
0x5f: {  	_ =	shalt  }
0x60: {  	_ =	shalt  }
0x61: {  	_ =	shalt  }
0x62: {  	_ =	shalt  }
0x63: {  	_ =	shalt  }
0x64: {  	_ =	shalt  }
0x65: {  	_ =	shalt  }
0x66: {  	_ =	shalt  }
0x67: {  	_ =	shalt  }
0x68: {  	_ =	shalt  }
0x69: {  	_ =	shalt  }
0x6a: {  	_ =	shalt  }
0x6b: {  	_ =	shalt  }
0x6c: {  	_ =	shalt  }
0x6d: {  	_ =	shalt  }
0x6e: {  	_ =	shalt  }
0x6f: {  	_ =	shalt  }
0x70: {  	_ =	shalt  }
0x71: {  	_ =	shalt  }
0x72: {  	_ =	shalt  }
0x73: {  	_ =	shalt  }
0x74: {  	_ =	shalt  }
0x75: {  	_ =	shalt  }
0x76: {  	_ =	shalt  }
0x77: {  	_ =	shalt  }
0x78: {  	_ =	shalt  }
0x79: {  	_ =	shalt  }
0x7a: {  	_ =	shalt  }
0x7b: {  	_ =	shalt  }
0x7c: {  	_ =	shalt  }
0x7d: {  	_ =	shalt  }
0x7e: {  	_ =	shalt  }
0x7f: {  	_ =	shalt  }
0x80: {  	_ =	shalt  }
0x81: {  	_ =	shalt  }
0x82: {  	_ =	shalt  }
0x83: {  	_ =	shalt  }
0x84: {  	_ =	shalt  }
0x85: {  	_ =	shalt  }
0x86: {  	_ =	shalt  }
0x87: {  	_ =	shalt  }
.Lfunc_end0:
.L_simem_size_0:
called_computation.2_lowered:
.L_overlay_start_0:
0x88: {  	s2 =	sld [smem:$0x3FD9]  }
0x89: {  	s3 =	sld [smem:$0x3FFE];
	_ =	sdelay $0x1  }
0x8a: {  	s1 =	srdreg.scid  }
0x8b: {  	s0 =	sand.u32 $0x1, s1  }
0x8c: {  	s16 =	sshll.u32 s0, $0xA;
	s2 =	sadd.s32 s3, s2  }
0x8d: {  	s2 =	sadd.s32 s2, s16  }
0x8e: {  	[smem:$0x3FA4] =	sst s2  }
0x8f: {  	_ = 	snop  }
0x90: {  	(tm) =	ssettm $0x1  }
0x91: {  	s17 =	sld [smem:$0x3FFB];
	_ =	sdelay $0x3  }
0x92: {  	_ =	strace s17  }
0x93: {  	s2 =	sld [smem:$0x3FFC];
	_ =	sdelay $0x3  }
0x94: {  	_ =	strace s2  }
0x95: {  	s2 =	sld [smem:$0x3FFD];
	_ =	sdelay $0x3  }
0x96: {  	_ =	strace s2  }
0x97: {  	_ =	strace $0x8FFFFFFF  }
0x98: {  	s18 =	sld [smem:$0x3FDB];
	_ =	sdelay $0x1  }
0x99: {  	s19 =	simm.s32 $_scs_section_size  }
0x9a: {  	s4 =	simm.s32 $_size__tile_overlayer_lowered;
	s5 =	simm.s32 $_tile_overlayer_lowered  }
0x9b: {  	s22 =	simm.s32 $0x1BFF;
	s21 =	sshll.u32 s5, $0x1;
	s2 =	sadd.s32 s19, s18  }
0x9c: {  	s6 =	simm.s32 $0x0;
	s20 =	sshll.u32 s4, $0x1;
	s4 =	sadd.s32 s21, s2  }
0x9d: {  	[timem:s6], [sflag:s22] =	dma.local [hbm:s4], s20  }
0x9e: {  	_ =	swait.ge [sflag:s22], s20  }
0x9f: {  	s3 =	ssub.s32 $0x0, s20;
	[sflag:s22] =	ssyncset.done $0x0  }
0xa0: {  	[sflag:s22] =	ssyncadd.s32 s3;
	_ =	sdelay $0x1  }
0xa1: {  	s23 =	simm.s32 $0x1B8B  }
0xa2: {  	_ =	swait.ge [sflag:s23], $0x1  }
0xa3: {  	[sflag:s23] =	ssyncset.done $0x0  }
0xa4: {  	s25 =	simm.s32 $0x1B8E;
	s24 =	sld [smem:$0x3FFE];
	[sflag:s23] =	ssyncadd.s32 $0xFFFFFFFF  }
0xa5: {  	s26 =	simm.s32 $execute0_lowered;
	[smem:$0x3FD2] =	sst s25  }
0xa6: {  	s4 =	sshll.u32 s26, $0x1;
	_ =	strace $0x8000004C;
	[dreg:$0x1] =	wrdreg $0xFFFFFFFF  }
0xa7: {  	s28 =	simm.s32 $_size_execute0_lowered;
	s2 =	sadd.s32 s2, s4;
	[dreg:$0x0] =	wrdreg $0x0  }
0xa8: {  	s4 =	sshll.u32 s28, $0x1;
	[dreg:$0x2] =	wrdreg s2  }
0xa9: {  	[dreg:$0x3] =	wrdreg s4  }
0xaa: {  	[dreg:$0x4] =	wrdreg $0xC0  }
0xab: {  	_ =	task [dreg:s6], $0x5FFFF  }
0xac: {  	[dreg:$0x1] =	wrdreg $0xFFFFFFFF  }
0xad: {  	[dreg:$0x0] =	wrdreg $0x60  }
0xae: {  	[dreg:$0x2] =	wrdreg s24  }
0xaf: {  	[dreg:$0x3] =	wrdreg $0x94200  }
0xb0: {  	[dreg:$0x4] =	wrdreg $0x9  }
0xb1: {  	_ =	task.clear_ibuf [dreg:s6], $0x5FFFF;
	_ =	strace $0x9000004C  }
0xb2: {  	s29 =	simm.s32 $0x9;
	_ =	strace $0x8000004E  }
0xb3: {  	_ =	swait.ge [sflag:s29], $0x1  }
0xb4: {  	[sflag:s29] =	ssyncadd.s32 $0xFFFFFFFF  }
0xb5: {  	_ =	strace $0x9000004E  }
0xb6: {  	_ =	sfence  }
0xb7: {  	s30 =	sld [smem:$0x0];
	_ =	sdelay $0x2  }
0xb8: {  	s31 =	sshll.u32 s1, $0xD;
	s1 =	sshrl.u32 s1, $0x2  }
0xb9: {  	s3 =	sand.u32 $0x4000, s31;
	s1 =	sadd.s32 s1, s30  }
0xba: {  	s0 =	sor.u32 s3, s0;
	s1 =	sshll.u32 s1, $0x11  }
0xbb: {  	s0 =	sor.u32 s1, s0  }
0xbc: {  	s0 =	sadd.s32 $0x8F2B, s0  }
0xbd: {  	[sflag:s0] =	ssyncadd.remote.s32 $0x1  }
0xbe: {  	_ =	sfence.sel $0xFFFF  }
0xbf: {  	[dreg:$0x0] =	wrdreg $0xFFFFFFFF;
	(pc) =	sbr.abs _section_cstart, $3  }
0xc0: {  	[dreg:$0x1] =	wrdreg $0xFFFFFFFF  }
0xc1: {  	_ =	task.clear_ibuf [dreg:s6], $0x2FFFF;
	_ =	strace $0x9FFFFFFF  }
0xc2: {  	(tm) =	ssettm $0x7FFFFFFF  }
0xc3: {  	_ =	shalt  }
tec
execute0_lowered:
.L_overlay_start_1:
0x0: {  	(tag) =	ssettag $0x1  }
0x1: {  	s0 =	rddreg [dreg:$0x0]  }
0x2: {  	s1 =	rddreg [dreg:$0x1];
	s25 =	simm.s32 $0x0  }
0x3: {  	s2 =	srdreg.scid;
	s13 =	stileid.u32;
	s15 =	simm.s32 $0x87A0  }
0x4: {  	s16 =	simm.s32 $0x2;
	s17 =	simm.s32 $0x7D0;
	s18 =	simm.s32 $0xFA0  }
0x5: {  	s19 =	simm.s32 $0x28;
	s20 =	simm.s32 $0x23A0;
	s21 =	simm.s32 $0x37A0  }
0x6: {  	s22 =	simm.s32 $0x4BA0;
	s23 =	simm.s32 $0x5FA0;
	s24 =	simm.s32 $0x73A0  }
0x7: {  	s26 =	simm.s32 $0x1;
	s28 =	simm.s32 $0x0;
	[smem:$0x7FF] =	sst s25  }
0x8: {  	s4 =	sadd.s32 $0x574000, s0;
	s2 =	sand.u32 $0x1, s2;
	s5 =	sadd.s32 $0x59B200, s0  }
0x9: {  	s6 =	sadd.s32 $0xAAE000, s0;
	s12 =	smul.u32 $0x13880, s13;
	s7 =	sadd.s32 $0x12C00, s0  }
0xa: {  	s8 =	sadd.s32 $0x8E00, s0;
	_ =	strace $0x8000004D;
	s9 =	sshll.u32 s2, $0x4  }
0xb: {  	s3 =	smul.u32 $0x138800, s2;
	s2 =	ssub.s32 $0x2, s2;
	s10 =	sor.u32 s13, s9  }
0xc: {  	s11 =	sshrl.u32 s2, $0x1;
	s13 =	smul.u32 $0x4E200, s13;
	s30 =	sadd.s32 s12, s1  }
0xd: {  	s3 =	sadd.s32 s12, s3;
	s9 =	smul.u32 $0x138800, s10;
	s2 =	ssub.s32 s2, s11  }
0xe: {  	s10 =	smul.u32 $0x2710, s10;
	s31 =	sshrl.u32 s30, $0x3;
	s3 =	sshrl.u32 s3, $0x3  }
0xf: {  	s2 =	smax.u32 s2, $0x1;
	[dreg:$0x6] =	wrdreg s31;
	s0 =	sadd.s32 s3, s0  }
0x10: {  	s29 =	sshrl.u32 s13, $0x2;
	[dreg:$0x5] =	wrdreg s2;
	s0 =	sadd.s32 $0x5C2400, s0  }
0x11: {  	v0 =	vimm.f32 $0.0e+00;
	s11 =	sadd.s32 $0x1400, s9;
	s14 =	sadd.s32 s29, s1;
	[dreg:$0x4] =	wrdreg s0  }
.LBB2_1:
0x12: {  	s0 =	simm.s32 $0x0;
	s2 =	simm.s32 $0x200  }
.LBB2_2:
0x13: {  	p0 =	sne.s32 s2, $0x3000;
	[tilespmem:s0+$0x8810] =	vst v0  }
0x14: {  	[tilespmem:s0+$0x87A0] =	vst v0  }
0x15: {  	[tilespmem:s0+$0x87B0] =	vst v0  }
.Ltmp0:
0x16: {  	[tilespmem:s0+$0x87C0] =	vst v0;
	(pc) =	sbr.rel @p0 .LBB2_2-.Ltmp0, $4  }
0x17: {  	[tilespmem:s0+$0x87D0] =	vst v0  }
0x18: {  	[tilespmem:s0+$0x87E0] =	vst v0  }
0x19: {  	[tilespmem:s0+$0x87F0] =	vst v0  }
0x1a: {  	[tilespmem:s0+$0x8800] =	vst v0;
	s0 =	sshra.s32 s2, $0x2;
	s2 =	sadd.s32 $0x200, s2  }
0x1b: {  	[tilespmem:s0+$0x8810] =	vst v0  }
0x1c: {  	[tilespmem:s0+$0x87A0] =	vst v0  }
0x1d: {  	[tilespmem:s0+$0x87B0] =	vst v0  }
0x1e: {  	[tilespmem:s0+$0x87C0] =	vst v0  }
0x1f: {  	[tilespmem:s0+$0x87D0] =	vst v0  }
0x20: {  	[tilespmem:s0+$0x87E0] =	vst v0  }
0x21: {  	[tilespmem:s0+$0x87F0] =	vst v0  }
0x22: {  	[dreg:$0x3] =	wrdreg s25;
	[tilespmem:s0+$0x8800] =	vst v0;
	s31 =	sadd.s32 $0x0, s14  }
0x23: {  	[spmem:s31] =	stream.linear.scatter [tilespmem:s15], [sflag:$0x2], $0xC80, $0x38;
	[tilespmem:$0x1CCA0] =	vst v63  }
0x24: {  	s0 =	simm.s32 $0x3200;
	_ =	swait.ge [sflag:s16], $0xC80  }
.LBB2_4:
0x25: {  	s2 =	sshra.s32 s0, $0x2;
	[sflag:s16] =	ssyncset.done $0x0;
	p0 =	sne.s32 s0, $0x4B000  }
.Ltmp1:
0x26: {  	s2 =	sadd.s32 s2, s14;
	[sflag:s16] =	ssyncadd.s32 $0xFFFFF380;
	(pc) =	sbr.rel @p0 .LBB2_4-.Ltmp1, $3  }
0x27: {  	[spmem:s2] =	stream.linear.scatter [tilespmem:s15], [sflag:$0x2], $0xC80, $0x38;
	[tilespmem:$0x1CCA0] =	vst v63  }
0x28: {  	s0 =	sadd.s32 $0x3200, s0;
	_ =	sdelay $0x1  }
0x29: {  	_ =	swait.ge [sflag:s16], $0xC80  }
0x2a: {  	[sflag:s16] =	ssyncset.done $0x0  }
0x2b: {  	[sflag:s16] =	ssyncadd.s32 $0xFFFFF380  }
0x2c: {  	s29 =	simm.s32 $0x0;
	[bflag:$0x0] =	sbarrier.arrive $0xFFFF  }
.LBB2_6:
0x2d: {  	s0 =	smul.u32 $0x7D0, s29;
	_ =	sdelay $0x1  }
0x2e: {  	s0 =	sadd.s32 s10, s0  }
0x2f: {  	s0 =	sshrl.u32 s0, $0x3  }
0x30: {  	s2 =	sadd.s32 s7, s0  }
0x31: {  	[tilespmem:s28], [sflag:$0x2] =	stream.linear.gather [hbm4b:s2+s28], $0x7D0, $0x38;
	[tilespmem:$0x1CCA0] =	vst v63  }
0x32: {  	_ =	swait.ge [sflag:s16], $0x7D0  }
0x33: {  	[sflag:s16] =	ssyncset.done $0x0  }
0x34: {  	s0 =	sadd.s32 s8, s0;
	[sflag:s16] =	ssyncadd.s32 $0xFFFFF830  }
0x35: {  	[tilespmem:s17], [sflag:$0x2] =	stream.linear.gather [hbm4b:s0+s28], $0x7D0, $0x38;
	[tilespmem:$0x1CCA0] =	vst v63  }
0x36: {  	_ =	swait.ge [sflag:s16], $0x7D0  }
0x37: {  	[sflag:s16] =	ssyncset.done $0x0  }
0x38: {  	s30 =	smul.u32 $0x32, s29;
	s31 =	simm.s32 $0x0;
	[sflag:s16] =	ssyncadd.s32 $0xFFFFF830  }
.LBB2_7:
0x39: {  	s0 =	sshll.u32 s31, $0x1  }
0x3a: {  	s0 =	sadd.s32 s30, s0  }
0x3b: {  	s0 =	smul.u32 $0x1400, s0;
	_ =	sdelay $0x1  }
0x3c: {  	s2 =	sadd.s32 s9, s0  }
0x3d: {  	s2 =	sshrl.u32 s2, $0x3  }
0x3e: {  	s12 =	simm.s32 $0x0;
	s3 =	smul.u32 $0x50, s31;
	s2 =	sadd.s32 s6, s2  }
0x3f: {  	[tilespmem:s18], [sflag:$0x1] =	stream.linear.gather [hbm4b:s2+s12], $0x1400, $0x38;
	[tilespmem:$0x1CCA0] =	vst v63  }
0x40: {  	s0 =	sadd.s32 s11, s0  }
0x41: {  	[tilespmem:s20], [sflag:$0x1] =	stream.indirect.gather [hbm4b:s4+s19], $0x80, s3, s19, $0xb8;
	[tilespmem:$0x1CCA0] =	vst v63  }
0x42: {  	s13 =	sadd.s32 $0x7D0, s3;
	s0 =	sshrl.u32 s0, $0x3  }
0x43: {  	[tilespmem:s21], [sflag:$0x1] =	stream.indirect.gather [hbm4b:s5+s19], $0x80, s13, s19, $0xb8;
	[tilespmem:$0x1CCA0] =	vst v63  }
0x44: {  	s0 =	sadd.s32 s6, s0  }
0x45: {  	[tilespmem:s22], [sflag:$0x1] =	stream.linear.gather [hbm4b:s0+s12], $0x1400, $0x38;
	[tilespmem:$0x1CCA0] =	vst v63  }
0x46: {  	s0 =	sadd.s32 $0x28, s3  }
0x47: {  	[tilespmem:s23], [sflag:$0x1] =	stream.indirect.gather [hbm4b:s4+s19], $0x80, s0, s19, $0xb8;
	[tilespmem:$0x1CCA0] =	vst v63  }
0x48: {  	s25 =	sadd.s32 $0x7F8, s3  }
0x49: {  	[tilespmem:s24], [sflag:$0x1] =	stream.indirect.gather [hbm4b:s5+s19], $0x80, s25, s19, $0xb8;
	[tilespmem:$0x1CCA0] =	vst v63  }
0x4a: {  	_ =	swait.ge [sflag:s26], $0x1400  }
0x4b: {  	[sflag:s26] =	ssyncset.done $0x0  }
0x4c: {  	[sflag:s26] =	ssyncadd.s32 $0xFFFFEC00  }
0x4d: {  	_ =	swait.ge [sflag:s26], $0x1400  }
0x4e: {  	[sflag:s26] =	ssyncset.done $0x0  }
0x4f: {  	[sflag:s26] =	ssyncadd.s32 $0xFFFFEC00  }
0x50: {  	_ =	swait.ge [sflag:s26], $0x1400  }
0x51: {  	[sflag:s26] =	ssyncset.done $0x0  }
0x52: {  	s12 =	simm.s32 $0x0;
	[sflag:s26] =	ssyncadd.s32 $0xFFFFEC00  }
0x53: {  	v1 =	vld [tilespmem:s12+$0x37F0]  }
0x54: {  	v2 =	vld [tilespmem:s12+$0x37D0]  }
0x55: {  	v6 =	vld [tilespmem:s12+$0x23F0]  }
0x56: {  	v3 =	vld [tilespmem:s12+$0x23E0]  }
0x57: {  	v4 =	vld [tilespmem:s12+$0x23D0]  }
0x58: {  	v5 =	vld [tilespmem:s12+$0xFD0]  }
0x59: {  	v9 =	vld [tilespmem:s12+$0x2410]  }
0x5a: {  	v7 =	vld [tilespmem:s12+$0x23B0]  }
0x5b: {  	v8 =	vld [tilespmem:s12+$0x23A0]  }
0x5c: {  	v10 =	vld [tilespmem:s12+$0x23C0]  }
0x5d: {  	v4 =	vadd.f32 v4, v5;
	v5 =	vld [tilespmem:s12+$0xFE0]  }
0x5e: {  	v11 =	vld [tilespmem:s12+$0xFC0]  }
0x5f: {  	v12 =	vld [tilespmem:s12+$0x37E0]  }
0x60: {  	v4 =	vadd.f32 v2, v4;
	v2 =	vld [tilespmem:s12+$0x37C0]  }
0x61: {  	v13 =	vld [tilespmem:s12+$0x37B0]  }
0x62: {  	v15 =	vld [tilespmem:s12+$0xFB0];
	v14 =	vsub.f32 $0.0e+00, v4;
	v3 =	vadd.f32 v3, v5  }
0x63: {  	v16 =	vld [tilespmem:s12+$0xFF0];
	v10 =	vadd.f32 v10, v11  }
0x64: {  	v56 =	vld [tilespmem:s12+$0xFA0];
	v14 =	vmul.f32 $1.442695020e+00, v14;
	v5 =	vadd.f32 v12, v3  }
0x65: {  	v57 =	vld [tilespmem:s12+$0x37A0];
	v3 =	vadd.f32 v2, v10  }
0x66: {  	v11 =	vld [tilespmem:s12+$0x2400];
	(erf) = vpow2.f32 v14;
	v10 =	vsub.f32 $0.0e+00, v5  }
0x67: {  	v7 =	vadd.f32 v7, v15;
	v2 =	vld [tilespmem:s12+$0x1000];
	v17 =	vsub.f32 $0.0e+00, v3  }
0x68: {  	v59 =	vld [tilespmem:s12+$0x1010];
	v6 =	vadd.f32 v6, v16;
	v10 =	vmul.f32 $1.442695020e+00, v10  }
0x69: {  	v58 =	vld [tilespmem:s12+$0x3800];
	v7 =	vadd.f32 v13, v7;
	v17 =	vmul.f32 $1.442695020e+00, v17  }
0x6a: {  	(erf) = vpow2.f32 v10;
	v10 =	vadd.f32 v8, v56;
	v8 =	vadd.f32 v1, v6;
	v1 =	vld [tilespmem:s12+$0x3810]  }
0x6b: {  	v60 =	vsub.f32 $0.0e+00, v7  }
0x6c: {  	v2 =	vadd.f32 v11, v2;
	(erf) = vpow2.f32 v17;
	v6 =	vadd.f32 v57, v10  }
0x6d: {  	v9 =	vadd.f32 v9, v59;
	v11 =	vmul.f32 $1.442695020e+00, v60;
	v10 =	vsub.f32 $0.0e+00, v8  }
0x6e: {  	v2 =	vadd.f32 v58, v2;
	v62 =	vsub.f32 $0.0e+00, v6  }
0x6f: {  	(erf) = vpow2.f32 v11;
	v61 =	vpop (erf);
	v10 =	vmul.f32 $1.442695020e+00, v10;
	v1 =	vadd.f32 v1, v9  }
0x70: {  	v63 =	vsub.f32 $0.0e+00, v2;
	v12 =	vadd.f32 $1.000000000e+00, v61;
	v9 =	vmul.f32 $1.442695020e+00, v62  }
0x71: {  	(erf) = vpow2.f32 v10;
	v11 =	vsub.f32 $0.0e+00, v1  }
0x72: {  	v10 =	vmul.f32 $1.442695020e+00, v63;
	(erf) = vrcp.f32 v12  }
0x73: {  	(erf) = vpow2.f32 v9  }
0x74: {  	(erf) = vpow2.f32 v10;
	v9 =	vpop (erf)  }
0x75: {  	s13 =	simm.s32 $0x400;
	s25 =	simm.s32 $0x200;
	v10 =	vmul.f32 $1.442695020e+00, v11;
	v9 =	vadd.f32 $1.000000000e+00, v9;
	v11 =	vpop (erf)  }
.LBB2_8:
0x76: {  	p0 =	sne.s32 s13, $0x4E00  }
0x77: {  	s2 =	sshra.s32 s25, $0x2;
	v11 =	vadd.f32 $1.000000000e+00, v11;
	(erf) = vpow2.f32 v10;
	s25 =	smov.u32 s13;
	s13 =	sadd.s32 $0x200, s13  }
0x78: {  	v10 =	vld [tilespmem:s2+$0x37F0];
	(erf) = vrcp.f32 v9  }
0x79: {  	v9 =	vld [tilespmem:s2+$0x37D0];
	v12 =	vpop (erf);
	(erf) = vrcp.f32 v11  }
0x7a: {  	v11 =	vld [tilespmem:s2+$0x23F0];
	v12 =	vadd.f32 $1.000000000e+00, v12;
	v13 =	vpop (erf)  }
0x7b: {  	v14 =	vld [tilespmem:s2+$0x23E0];
	v17 =	vadd.f32 $1.000000000e+00, v13;
	v15 =	vpop (erf)  }
0x7c: {  	v16 =	vld [tilespmem:s2+$0x2410];
	v4 =	vmul.f32 v15, v4;
	v15 =	vpop (erf);
	(erf) = vrcp.f32 v12  }
0x7d: {  	v12 =	vld [tilespmem:s2+$0x23D0];
	v15 =	vadd.f32 $1.000000000e+00, v15;
	(erf) = vrcp.f32 v17;
	v13 =	vpop (erf)  }
0x7e: {  	v17 =	vld [tilespmem:s2+$0x23B0];
	[tilespmem:s12+$0xFD0] =	vst v4;
	v19 =	vadd.f32 $1.000000000e+00, v13  }
0x7f: {  	v13 =	vld [tilespmem:s2+$0xFD0];
	(erf) = vrcp.f32 v15  }
0x80: {  	v15 =	vld [tilespmem:s2+$0x23A0];
	(erf) = vrcp.f32 v19;
	v4 =	vpop (erf)  }
0x81: {  	v4 =	vadd.f32 $1.000000000e+00, v4;
	v18 =	vpop (erf)  }
0x82: {  	v5 =	vmul.f32 v18, v5;
	v18 =	vpop (erf)  }
0x83: {  	v19 =	vld [tilespmem:s2+$0x37E0];
	v20 =	vmul.f32 v18, v3;
	(erf) = vrcp.f32 v4  }
0x84: {  	v18 =	vld [tilespmem:s2+$0x23C0];
	v4 =	vadd.f32 v12, v13;
	[tilespmem:s12+$0xFE0] =	vst v5  }
0x85: {  	v5 =	vld [tilespmem:s2+$0xFE0];
	[tilespmem:s12+$0xFC0] =	vst v20;
	v3 =	vpop (erf)  }
0x86: {  	v12 =	vld [tilespmem:s2+$0xFC0];
	v4 =	vadd.f32 v9, v4;
	v20 =	vmul.f32 v3, v7;
	v7 =	vpop (erf)  }
0x87: {  	v9 =	vld [tilespmem:s2+$0x37B0];
	v7 =	vmul.f32 v7, v8  }
0x88: {  	v8 =	vld [tilespmem:s2+$0x37C0];
	v13 =	vsub.f32 $0.0e+00, v4;
	[tilespmem:s12+$0xFB0] =	vst v20;
	v3 =	vpop (erf)  }
0x89: {  	v20 =	vld [tilespmem:s2+$0xFB0];
	v3 =	vmul.f32 v3, v6;
	[tilespmem:s12+$0xFF0] =	vst v7;
	v6 =	vpop (erf)  }
0x8a: {  	v7 =	vmul.f32 $1.442695020e+00, v13;
	v5 =	vadd.f32 v14, v5;
	v13 =	vld [tilespmem:s2+$0xFF0];
	v21 =	vmul.f32 v6, v2  }
0x8b: {  	v6 =	vadd.f32 v18, v12;
	v12 =	vld [tilespmem:s2+$0x2400];
	[tilespmem:s12+$0xFA0] =	vst v3  }
0x8c: {  	v14 =	vld [tilespmem:s2+$0xFA0];
	v5 =	vadd.f32 v19, v5;
	(erf) = vpow2.f32 v7;
	[tilespmem:s12+$0x1000] =	vst v21;
	v2 =	vpop (erf)  }
0x8d: {  	v3 =	vadd.f32 v8, v6;
	v6 =	vld [tilespmem:s2+$0x1000];
	v1 =	vmul.f32 v2, v1  }
0x8e: {  	v2 =	vld [tilespmem:s2+$0x37A0];
	v7 =	vadd.f32 v17, v20;
	v8 =	vsub.f32 $0.0e+00, v5  }
0x8f: {  	v17 =	vsub.f32 $0.0e+00, v3;
	v11 =	vadd.f32 v11, v13;
	v13 =	vld [tilespmem:s2+$0x3800];
	[tilespmem:s12+$0x1010] =	vst v1;
	s12 =	smov.u32 s2  }
0x90: {  	v7 =	vadd.f32 v9, v7;
	v1 =	vmul.f32 $1.442695020e+00, v8;
	v9 =	vld [tilespmem:s12+$0x1010]  }
0x91: {  	v14 =	vadd.f32 v15, v14;
	v15 =	vmul.f32 $1.442695020e+00, v17;
	v8 =	vadd.f32 v10, v11;
	v10 =	vld [tilespmem:s12+$0x3810]  }
0x92: {  	v11 =	vsub.f32 $0.0e+00, v7;
	v12 =	vadd.f32 v12, v6;
	(erf) = vpow2.f32 v1  }
0x93: {  	v6 =	vadd.f32 v2, v14;
	v1 =	vsub.f32 $0.0e+00, v8;
	(erf) = vpow2.f32 v15  }
0x94: {  	v11 =	vmul.f32 $1.442695020e+00, v11;
	v2 =	vadd.f32 v13, v12  }
0x95: {  	v12 =	vsub.f32 $0.0e+00, v6;
	v13 =	vmul.f32 $1.442695020e+00, v1;
	v1 =	vadd.f32 v16, v9;
	v9 =	vpop (erf)  }
0x96: {  	v9 =	vadd.f32 $1.000000000e+00, v9;
	v14 =	vsub.f32 $0.0e+00, v2;
	(erf) = vpow2.f32 v11  }
0x97: {  	v11 =	vmul.f32 $1.442695020e+00, v12;
	v1 =	vadd.f32 v10, v1;
	(erf) = vpow2.f32 v13  }
.Ltmp2:
0x98: {  	v10 =	vmul.f32 $1.442695020e+00, v14;
	(erf) = vrcp.f32 v9;
	(pc) =	sbr.rel @p0 .LBB2_8-.Ltmp2, $4  }
0x99: {  	v12 =	vsub.f32 $0.0e+00, v1;
	(erf) = vpow2.f32 v11  }
0x9a: {  	(erf) = vpow2.f32 v10  }
0x9b: {  	v10 =	vmul.f32 $1.442695020e+00, v12;
	v9 =	vpop (erf)  }
0x9c: {  	v9 =	vadd.f32 $1.000000000e+00, v9;
	v11 =	vpop (erf)  }
0x9d: {  	(erf) = vpow2.f32 v10;
	v10 =	vadd.f32 $1.000000000e+00, v11  }
0x9e: {  	(erf) = vrcp.f32 v9  }
0x9f: {  	s13 =	sshra.s32 s25, $0x2;
	(erf) = vrcp.f32 v10  }
0xa0: {  	v11 =	vld [tilespmem:s13+$0x37F0]  }
0xa1: {  	v9 =	vld [tilespmem:s13+$0x37D0];
	v12 =	vpop (erf)  }
0xa2: {  	v14 =	vld [tilespmem:s13+$0x23E0];
	v13 =	vpop (erf)  }
0xa3: {  	v16 =	vld [tilespmem:s13+$0x2410];
	v12 =	vadd.f32 $1.000000000e+00, v12;
	v15 =	vpop (erf)  }
0xa4: {  	v34 =	vld [tilespmem:s13+$0x23D0];
	v13 =	vadd.f32 $1.000000000e+00, v13;
	v4 =	vmul.f32 v15, v4;
	v17 =	vpop (erf)  }
0xa5: {  	v35 =	vld [tilespmem:s13+$0x23B0];
	(erf) = vrcp.f32 v12;
	v18 =	vpop (erf)  }
0xa6: {  	v10 =	vld [tilespmem:s13+$0x23F0];
	(erf) = vrcp.f32 v13;
	v17 =	vadd.f32 $1.000000000e+00, v17;
	[tilespmem:s12+$0xFD0] =	vst v4;
	v36 =	vpop (erf)  }
0xa7: {  	v4 =	vld [tilespmem:s13+$0xFD0];
	v20 =	vpop (erf)  }
0xa8: {  	v18 =	vadd.f32 $1.000000000e+00, v18;
	v19 =	vld [tilespmem:s13+$0x23A0];
	(erf) = vrcp.f32 v17;
	v5 =	vmul.f32 v20, v5;
	v38 =	vpop (erf)  }
0xa9: {  	v37 =	vld [tilespmem:s13+$0x37E0];
	v3 =	vmul.f32 v38, v3  }
0xaa: {  	v21 =	vld [tilespmem:s13+$0x23C0];
	(erf) = vrcp.f32 v18;
	[tilespmem:s12+$0xFE0] =	vst v5  }
0xab: {  	v5 =	vld [tilespmem:s13+$0xFE0];
	[tilespmem:s12+$0xFC0] =	vst v3;
	v3 =	vadd.f32 $1.000000000e+00, v36;
	_ =	sdelay $0x1  }
0xac: {  	(erf) = vrcp.f32 v3  }
0xad: {  	v39 =	vpop (erf)  }
0xae: {  	v40 =	vld [tilespmem:s13+$0xFC0];
	v7 =	vmul.f32 v39, v7;
	v3 =	vpop (erf)  }
0xaf: {  	v4 =	vadd.f32 v34, v4;
	v41 =	vld [tilespmem:s13+$0x37B0];
	v3 =	vmul.f32 v3, v8  }
0xb0: {  	v42 =	vld [tilespmem:s13+$0x37C0];
	[tilespmem:s12+$0xFB0] =	vst v7;
	v8 =	vpop (erf)  }
0xb1: {  	v4 =	vadd.f32 v9, v4;
	v7 =	vld [tilespmem:s13+$0xFB0];
	[tilespmem:s12+$0xFF0] =	vst v3;
	v3 =	vmul.f32 v8, v6  }
0xb2: {  	v8 =	vpop (erf);
	v6 =	vld [tilespmem:s13+$0xFF0]  }
0xb3: {  	v9 =	vld [tilespmem:s13+$0x2400];
	v2 =	vmul.f32 v8, v2;
	[tilespmem:s12+$0xFA0] =	vst v3;
	v3 =	vsub.f32 $0.0e+00, v4;
	_ =	sdelay $0x1  }
0xb4: {  	v8 =	vld [tilespmem:s13+$0xFA0];
	[tilespmem:s12+$0x1000] =	vst v2;
	v2 =	vmul.f32 $1.442695020e+00, v3;
	v3 =	vadd.f32 v14, v5;
	v5 =	vpop (erf)  }
0xb5: {  	v43 =	vld [tilespmem:s13+$0x1000];
	v1 =	vmul.f32 v5, v1  }
0xb6: {  	v44 =	vadd.f32 v21, v40;
	v7 =	vadd.f32 v35, v7;
	v5 =	vld [tilespmem:s13+$0x37A0];
	(erf) = vpow2.f32 v2  }
0xb7: {  	v3 =	vadd.f32 v37, v3;
	v2 =	vld [tilespmem:s13+$0x3800];
	[tilespmem:s12+$0x1010] =	vst v1  }
0xb8: {  	v7 =	vadd.f32 v41, v7;
	v1 =	vadd.f32 v42, v44;
	v46 =	vld [tilespmem:s13+$0x1010]  }
0xb9: {  	v6 =	vadd.f32 v10, v6;
	v45 =	vsub.f32 $0.0e+00, v3  }
0xba: {  	v8 =	vadd.f32 v19, v8;
	v47 =	vld [tilespmem:s13+$0x3810];
	v10 =	vsub.f32 $0.0e+00, v1  }
0xbb: {  	v6 =	vadd.f32 v11, v6;
	v11 =	vsub.f32 $0.0e+00, v7;
	v12 =	vmul.f32 $1.442695020e+00, v45  }
0xbc: {  	v9 =	vadd.f32 v9, v43;
	v5 =	vadd.f32 v5, v8;
	v10 =	vmul.f32 $1.442695020e+00, v10  }
0xbd: {  	v8 =	vsub.f32 $0.0e+00, v6;
	(erf) = vpow2.f32 v12;
	v48 =	vadd.f32 v16, v46  }
0xbe: {  	v2 =	vadd.f32 v2, v9;
	(erf) = vpow2.f32 v10;
	v10 =	vmul.f32 $1.442695020e+00, v11  }
0xbf: {  	v9 =	vsub.f32 $0.0e+00, v5;
	v8 =	vmul.f32 $1.442695020e+00, v8;
	v11 =	vpop (erf);
	v12 =	vadd.f32 v47, v48  }
0xc0: {  	v49 =	vsub.f32 $0.0e+00, v2;
	(erf) = vpow2.f32 v10;
	v11 =	vadd.f32 $1.000000000e+00, v11  }
0xc1: {  	v9 =	vmul.f32 $1.442695020e+00, v9;
	(erf) = vpow2.f32 v8;
	v8 =	vsub.f32 $0.0e+00, v12  }
0xc2: {  	v10 =	vmul.f32 $1.442695020e+00, v49;
	(erf) = vrcp.f32 v11  }
0xc3: {  	(erf) = vpow2.f32 v9;
	v8 =	vmul.f32 $1.442695020e+00, v8  }
0xc4: {  	(erf) = vpow2.f32 v10  }
0xc5: {  	(erf) = vpow2.f32 v8;
	_ =	sdelay $0x1  }
0xc6: {  	v8 =	vpop (erf)  }
0xc7: {  	v9 =	vpop (erf)  }
0xc8: {  	v8 =	vadd.f32 $1.000000000e+00, v8;
	v10 =	vpop (erf)  }
0xc9: {  	v9 =	vadd.f32 $1.000000000e+00, v9;
	v11 =	vpop (erf)  }
0xca: {  	(erf) = vrcp.f32 v8;
	v8 =	vadd.f32 $1.000000000e+00, v10;
	v10 =	vpop (erf)  }
0xcb: {  	(erf) = vrcp.f32 v9;
	v9 =	vadd.f32 $1.000000000e+00, v11;
	v11 =	vpop (erf)  }
0xcc: {  	(erf) = vrcp.f32 v8;
	v8 =	vadd.f32 $1.000000000e+00, v11;
	v11 =	vpop (erf)  }
0xcd: {  	(erf) = vrcp.f32 v9;
	v9 =	vadd.f32 $1.000000000e+00, v11;
	v11 =	vpop (erf)  }
0xce: {  	(erf) = vrcp.f32 v8;
	v8 =	vadd.f32 $1.000000000e+00, v11  }
0xcf: {  	(erf) = vrcp.f32 v9  }
0xd0: {  	(erf) = vrcp.f32 v8  }
0xd1: {  	v4 =	vmul.f32 v10, v4;
	_ =	sdelay $0x1  }
0xd2: {  	v8 =	vpop (erf)  }
0xd3: {  	v3 =	vmul.f32 v8, v3;
	v8 =	vpop (erf)  }
0xd4: {  	[tilespmem:s13+$0xFD0] =	vst v4;
	v1 =	vmul.f32 v8, v1;
	v4 =	vpop (erf)  }
0xd5: {  	[tilespmem:s13+$0xFE0] =	vst v3;
	v3 =	vmul.f32 v4, v7;
	v4 =	vpop (erf)  }
0xd6: {  	[tilespmem:s13+$0xFC0] =	vst v1;
	v1 =	vmul.f32 v4, v6;
	v4 =	vpop (erf)  }
0xd7: {  	[tilespmem:s13+$0xFB0] =	vst v3;
	v3 =	vmul.f32 v4, v5;
	v4 =	vpop (erf)  }
0xd8: {  	[tilespmem:s13+$0xFF0] =	vst v1;
	v1 =	vmul.f32 v4, v2;
	v2 =	vpop (erf)  }
0xd9: {  	[tilespmem:s13+$0xFA0] =	vst v3;
	v2 =	vmul.f32 v2, v12  }
0xda: {  	[tilespmem:s13+$0x1000] =	vst v1  }
0xdb: {  	[tilespmem:s13+$0x1010] =	vst v2  }
0xdc: {  	[spmem:s1] =	stream.indirect.scatter.add.f32 [tilespmem:s18], [sflag:$0x2], $0x80, s3, s19, $0xb8;
	[tilespmem:$0x1CCA0] =	vst v63  }
0xdd: {  	_ =	swait.ge [sflag:s16], $0x1400  }
0xde: {  	[sflag:s16] =	ssyncset.done $0x0  }
0xdf: {  	[sflag:s16] =	ssyncadd.s32 $0xFFFFEC00  }
0xe0: {  	_ =	swait.ge [sflag:s26], $0x1400  }
0xe1: {  	[sflag:s26] =	ssyncset.done $0x0  }
0xe2: {  	[sflag:s26] =	ssyncadd.s32 $0xFFFFEC00  }
0xe3: {  	_ =	swait.ge [sflag:s26], $0x1400  }
0xe4: {  	[sflag:s26] =	ssyncset.done $0x0  }
0xe5: {  	[sflag:s26] =	ssyncadd.s32 $0xFFFFEC00  }
0xe6: {  	_ =	swait.ge [sflag:s26], $0x1400  }
0xe7: {  	[sflag:s26] =	ssyncset.done $0x0  }
0xe8: {  	s3 =	simm.s32 $0x0;
	[sflag:s26] =	ssyncadd.s32 $0xFFFFEC00  }
0xe9: {  	v1 =	vld [tilespmem:s3+$0x73F0]  }
0xea: {  	v2 =	vld [tilespmem:s3+$0x73D0]  }
0xeb: {  	v6 =	vld [tilespmem:s3+$0x5FF0]  }
0xec: {  	v3 =	vld [tilespmem:s3+$0x5FE0]  }
0xed: {  	v4 =	vld [tilespmem:s3+$0x5FD0]  }
0xee: {  	v5 =	vld [tilespmem:s3+$0x4BD0]  }
0xef: {  	v9 =	vld [tilespmem:s3+$0x6010]  }
0xf0: {  	v7 =	vld [tilespmem:s3+$0x5FB0]  }
0xf1: {  	v8 =	vld [tilespmem:s3+$0x5FA0]  }
0xf2: {  	v10 =	vld [tilespmem:s3+$0x5FC0]  }
0xf3: {  	v11 =	vld [tilespmem:s3+$0x4BC0]  }
0xf4: {  	v4 =	vadd.f32 v4, v5;
	v5 =	vld [tilespmem:s3+$0x4BE0]  }
0xf5: {  	v50 =	vld [tilespmem:s3+$0x73E0]  }
0xf6: {  	v51 =	vld [tilespmem:s3+$0x73B0]  }
0xf7: {  	v4 =	vadd.f32 v2, v4;
	v2 =	vld [tilespmem:s3+$0x73C0]  }
0xf8: {  	v53 =	vld [tilespmem:s3+$0x4BB0]  }
0xf9: {  	v54 =	vld [tilespmem:s3+$0x4BF0];
	v52 =	vsub.f32 $0.0e+00, v4;
	v3 =	vadd.f32 v3, v5  }
0xfa: {  	v55 =	vld [tilespmem:s3+$0x4BA0];
	v10 =	vadd.f32 v10, v11  }
0xfb: {  	v59 =	vld [tilespmem:s3+$0x4C10];
	v14 =	vmul.f32 $1.442695020e+00, v52;
	v5 =	vadd.f32 v50, v3  }
0xfc: {  	v11 =	vld [tilespmem:s3+$0x6000];
	v3 =	vadd.f32 v2, v10  }
0xfd: {  	v2 =	vld [tilespmem:s3+$0x4C00];
	(erf) = vpow2.f32 v14;
	v10 =	vsub.f32 $0.0e+00, v5  }
0xfe: {  	v56 =	vld [tilespmem:s3+$0x73A0];
	v7 =	vadd.f32 v7, v53;
	v57 =	vsub.f32 $0.0e+00, v3  }
0xff: {  	v58 =	vld [tilespmem:s3+$0x7400];
	v6 =	vadd.f32 v6, v54;
	v10 =	vmul.f32 $1.442695020e+00, v10  }
0x100: {  	v7 =	vadd.f32 v51, v7;
	v17 =	vmul.f32 $1.442695020e+00, v57  }
0x101: {  	(erf) = vpow2.f32 v10;
	v10 =	vadd.f32 v8, v55;
	v8 =	vadd.f32 v1, v6;
	v1 =	vld [tilespmem:s3+$0x7410]  }
0x102: {  	v9 =	vadd.f32 v9, v59;
	v2 =	vadd.f32 v11, v2  }
0x103: {  	v60 =	vsub.f32 $0.0e+00, v7;
	(erf) = vpow2.f32 v17;
	v6 =	vadd.f32 v56, v10  }
0x104: {  	v2 =	vadd.f32 v58, v2;
	v10 =	vsub.f32 $0.0e+00, v8  }
0x105: {  	v11 =	vmul.f32 $1.442695020e+00, v60;
	v62 =	vsub.f32 $0.0e+00, v6  }
0x106: {  	v63 =	vsub.f32 $0.0e+00, v2;
	v61 =	vpop (erf);
	v10 =	vmul.f32 $1.442695020e+00, v10;
	v1 =	vadd.f32 v1, v9  }
0x107: {  	(erf) = vpow2.f32 v11;
	v12 =	vadd.f32 $1.000000000e+00, v61;
	v9 =	vmul.f32 $1.442695020e+00, v62  }
0x108: {  	(erf) = vpow2.f32 v10;
	v11 =	vsub.f32 $0.0e+00, v1  }
0x109: {  	v10 =	vmul.f32 $1.442695020e+00, v63;
	(erf) = vrcp.f32 v12  }
0x10a: {  	(erf) = vpow2.f32 v9  }
0x10b: {  	(erf) = vpow2.f32 v10;
	v9 =	vpop (erf)  }
0x10c: {  	s12 =	simm.s32 $0x400;
	s13 =	simm.s32 $0x200;
	v10 =	vmul.f32 $1.442695020e+00, v11;
	v9 =	vadd.f32 $1.000000000e+00, v9;
	v11 =	vpop (erf)  }
.LBB2_10:
0x10d: {  	p0 =	sne.s32 s12, $0x4E00  }
0x10e: {  	s2 =	sshra.s32 s13, $0x2;
	v11 =	vadd.f32 $1.000000000e+00, v11;
	(erf) = vpow2.f32 v10;
	s13 =	smov.u32 s12;
	s12 =	sadd.s32 $0x200, s12  }
0x10f: {  	v10 =	vld [tilespmem:s2+$0x73F0];
	(erf) = vrcp.f32 v9  }
0x110: {  	v9 =	vld [tilespmem:s2+$0x73D0];
	v12 =	vpop (erf);
	(erf) = vrcp.f32 v11  }
0x111: {  	v11 =	vld [tilespmem:s2+$0x5FF0];
	v12 =	vadd.f32 $1.000000000e+00, v12;
	v13 =	vpop (erf)  }
0x112: {  	v14 =	vld [tilespmem:s2+$0x5FE0];
	v17 =	vadd.f32 $1.000000000e+00, v13;
	v15 =	vpop (erf)  }
0x113: {  	v16 =	vld [tilespmem:s2+$0x6010];
	v4 =	vmul.f32 v15, v4;
	v15 =	vpop (erf);
	(erf) = vrcp.f32 v12  }
0x114: {  	v12 =	vld [tilespmem:s2+$0x5FD0];
	v15 =	vadd.f32 $1.000000000e+00, v15;
	(erf) = vrcp.f32 v17;
	v13 =	vpop (erf)  }
0x115: {  	v17 =	vld [tilespmem:s2+$0x5FB0];
	[tilespmem:s3+$0x4BD0] =	vst v4;
	v19 =	vadd.f32 $1.000000000e+00, v13  }
0x116: {  	v13 =	vld [tilespmem:s2+$0x4BD0];
	(erf) = vrcp.f32 v15  }
0x117: {  	v15 =	vld [tilespmem:s2+$0x5FA0];
	(erf) = vrcp.f32 v19;
	v4 =	vpop (erf)  }
0x118: {  	v4 =	vadd.f32 $1.000000000e+00, v4;
	v18 =	vpop (erf)  }
0x119: {  	v5 =	vmul.f32 v18, v5;
	v18 =	vpop (erf)  }
0x11a: {  	v19 =	vld [tilespmem:s2+$0x73E0];
	v20 =	vmul.f32 v18, v3;
	(erf) = vrcp.f32 v4  }
0x11b: {  	v18 =	vld [tilespmem:s2+$0x5FC0];
	v4 =	vadd.f32 v12, v13;
	[tilespmem:s3+$0x4BE0] =	vst v5  }
0x11c: {  	v5 =	vld [tilespmem:s2+$0x4BE0];
	[tilespmem:s3+$0x4BC0] =	vst v20;
	v3 =	vpop (erf)  }
0x11d: {  	v12 =	vld [tilespmem:s2+$0x4BC0];
	v4 =	vadd.f32 v9, v4;
	v20 =	vmul.f32 v3, v7;
	v7 =	vpop (erf)  }
0x11e: {  	v9 =	vld [tilespmem:s2+$0x73B0];
	v7 =	vmul.f32 v7, v8  }
0x11f: {  	v8 =	vld [tilespmem:s2+$0x73C0];
	v13 =	vsub.f32 $0.0e+00, v4;
	[tilespmem:s3+$0x4BB0] =	vst v20;
	v3 =	vpop (erf)  }
0x120: {  	v20 =	vld [tilespmem:s2+$0x4BB0];
	v3 =	vmul.f32 v3, v6;
	[tilespmem:s3+$0x4BF0] =	vst v7;
	v6 =	vpop (erf)  }
0x121: {  	v7 =	vmul.f32 $1.442695020e+00, v13;
	v5 =	vadd.f32 v14, v5;
	v13 =	vld [tilespmem:s2+$0x4BF0];
	v21 =	vmul.f32 v6, v2  }
0x122: {  	v6 =	vadd.f32 v18, v12;
	v12 =	vld [tilespmem:s2+$0x6000];
	[tilespmem:s3+$0x4BA0] =	vst v3  }
0x123: {  	v14 =	vld [tilespmem:s2+$0x4BA0];
	v5 =	vadd.f32 v19, v5;
	(erf) = vpow2.f32 v7;
	[tilespmem:s3+$0x4C00] =	vst v21;
	v2 =	vpop (erf)  }
0x124: {  	v3 =	vadd.f32 v8, v6;
	v6 =	vld [tilespmem:s2+$0x4C00];
	v1 =	vmul.f32 v2, v1  }
0x125: {  	v2 =	vld [tilespmem:s2+$0x73A0];
	v7 =	vadd.f32 v17, v20;
	v8 =	vsub.f32 $0.0e+00, v5  }
0x126: {  	v17 =	vsub.f32 $0.0e+00, v3;
	v11 =	vadd.f32 v11, v13;
	v13 =	vld [tilespmem:s2+$0x7400];
	[tilespmem:s3+$0x4C10] =	vst v1;
	s3 =	smov.u32 s2  }
0x127: {  	v7 =	vadd.f32 v9, v7;
	v1 =	vmul.f32 $1.442695020e+00, v8;
	v9 =	vld [tilespmem:s3+$0x4C10]  }
0x128: {  	v14 =	vadd.f32 v15, v14;
	v15 =	vmul.f32 $1.442695020e+00, v17;
	v8 =	vadd.f32 v10, v11;
	v10 =	vld [tilespmem:s3+$0x7410]  }
0x129: {  	v11 =	vsub.f32 $0.0e+00, v7;
	v12 =	vadd.f32 v12, v6;
	(erf) = vpow2.f32 v1  }
0x12a: {  	v6 =	vadd.f32 v2, v14;
	v1 =	vsub.f32 $0.0e+00, v8;
	(erf) = vpow2.f32 v15  }
0x12b: {  	v11 =	vmul.f32 $1.442695020e+00, v11;
	v2 =	vadd.f32 v13, v12  }
0x12c: {  	v12 =	vsub.f32 $0.0e+00, v6;
	v13 =	vmul.f32 $1.442695020e+00, v1;
	v1 =	vadd.f32 v16, v9;
	v9 =	vpop (erf)  }
0x12d: {  	v9 =	vadd.f32 $1.000000000e+00, v9;
	v14 =	vsub.f32 $0.0e+00, v2;
	(erf) = vpow2.f32 v11  }
0x12e: {  	v11 =	vmul.f32 $1.442695020e+00, v12;
	v1 =	vadd.f32 v10, v1;
	(erf) = vpow2.f32 v13  }
.Ltmp3:
0x12f: {  	v10 =	vmul.f32 $1.442695020e+00, v14;
	(erf) = vrcp.f32 v9;
	(pc) =	sbr.rel @p0 .LBB2_10-.Ltmp3, $4  }
0x130: {  	v12 =	vsub.f32 $0.0e+00, v1;
	(erf) = vpow2.f32 v11  }
0x131: {  	(erf) = vpow2.f32 v10  }
0x132: {  	v10 =	vmul.f32 $1.442695020e+00, v12;
	v9 =	vpop (erf)  }
0x133: {  	v9 =	vadd.f32 $1.000000000e+00, v9;
	v11 =	vpop (erf)  }
0x134: {  	(erf) = vpow2.f32 v10;
	v52 =	vadd.f32 $1.000000000e+00, v11  }
0x135: {  	(erf) = vrcp.f32 v9  }
0x136: {  	s12 =	sshra.s32 s13, $0x2;
	v12 =	vpop (erf);
	(erf) = vrcp.f32 v52  }
0x137: {  	v53 =	vld [tilespmem:s12+$0x73F0]  }
0x138: {  	v54 =	vld [tilespmem:s12+$0x73D0]  }
0x139: {  	v55 =	vld [tilespmem:s12+$0x5FF0];
	v13 =	vpop (erf)  }
0x13a: {  	v14 =	vld [tilespmem:s12+$0x5FE0];
	v12 =	vadd.f32 $1.000000000e+00, v12;
	v15 =	vpop (erf)  }
0x13b: {  	v16 =	vld [tilespmem:s12+$0x6010];
	v13 =	vadd.f32 $1.000000000e+00, v13;
	v4 =	vmul.f32 v15, v4;
	v17 =	vpop (erf)  }
0x13c: {  	v56 =	vld [tilespmem:s12+$0x5FD0];
	(erf) = vrcp.f32 v12;
	v18 =	vpop (erf)  }
0x13d: {  	v57 =	vld [tilespmem:s12+$0x5FB0];
	(erf) = vrcp.f32 v13;
	v17 =	vadd.f32 $1.000000000e+00, v17;
	[tilespmem:s3+$0x4BD0] =	vst v4;
	v58 =	vpop (erf)  }
0x13e: {  	v4 =	vld [tilespmem:s12+$0x4BD0];
	v20 =	vpop (erf)  }
0x13f: {  	v18 =	vadd.f32 $1.000000000e+00, v18;
	v19 =	vld [tilespmem:s12+$0x5FA0];
	(erf) = vrcp.f32 v17;
	v5 =	vmul.f32 v20, v5;
	v60 =	vpop (erf)  }
0x140: {  	v59 =	vld [tilespmem:s12+$0x73E0];
	v3 =	vmul.f32 v60, v3  }
0x141: {  	v21 =	vld [tilespmem:s12+$0x5FC0];
	(erf) = vrcp.f32 v18;
	[tilespmem:s3+$0x4BE0] =	vst v5  }
0x142: {  	v5 =	vld [tilespmem:s12+$0x4BE0];
	[tilespmem:s3+$0x4BC0] =	vst v3;
	v3 =	vadd.f32 $1.000000000e+00, v58;
	_ =	sdelay $0x1  }
0x143: {  	(erf) = vrcp.f32 v3  }
0x144: {  	v61 =	vpop (erf)  }
0x145: {  	v62 =	vld [tilespmem:s12+$0x4BC0];
	v7 =	vmul.f32 v61, v7;
	v3 =	vpop (erf)  }
0x146: {  	v4 =	vadd.f32 v56, v4;
	v63 =	vld [tilespmem:s12+$0x73B0];
	v3 =	vmul.f32 v3, v8  }
0x147: {  	v22 =	vld [tilespmem:s12+$0x73C0];
	[tilespmem:s3+$0x4BB0] =	vst v7;
	v23 =	vpop (erf)  }
0x148: {  	v4 =	vadd.f32 v54, v4;
	v7 =	vld [tilespmem:s12+$0x4BB0];
	[tilespmem:s3+$0x4BF0] =	vst v3;
	v3 =	vmul.f32 v23, v6  }
0x149: {  	v25 =	vpop (erf);
	v24 =	vld [tilespmem:s12+$0x4BF0]  }
0x14a: {  	v2 =	vmul.f32 v25, v2;
	v26 =	vld [tilespmem:s12+$0x6000];
	[tilespmem:s3+$0x4BA0] =	vst v3;
	v3 =	vsub.f32 $0.0e+00, v4;
	_ =	sdelay $0x1  }
0x14b: {  	v27 =	vld [tilespmem:s12+$0x4BA0];
	[tilespmem:s3+$0x4C00] =	vst v2;
	v2 =	vmul.f32 $1.442695020e+00, v3;
	v28 =	vpop (erf)  }
0x14c: {  	v7 =	vadd.f32 v57, v7;
	v29 =	vld [tilespmem:s12+$0x4C00];
	v1 =	vmul.f32 v28, v1  }
0x14d: {  	v3 =	vadd.f32 v14, v5;
	v30 =	vld [tilespmem:s12+$0x73A0];
	(erf) = vpow2.f32 v2  }
0x14e: {  	v31 =	vadd.f32 v21, v62;
	v7 =	vadd.f32 v63, v7;
	v2 =	vld [tilespmem:s12+$0x7400];
	[tilespmem:s3+$0x4C10] =	vst v1  }
0x14f: {  	v3 =	vadd.f32 v59, v3;
	v6 =	vadd.f32 v55, v24;
	v33 =	vld [tilespmem:s12+$0x4C10]  }
0x150: {  	v36 =	vsub.f32 $0.0e+00, v7;
	v1 =	vadd.f32 v22, v31  }
0x151: {  	v32 =	vsub.f32 $0.0e+00, v3;
	v8 =	vadd.f32 v19, v27;
	v35 =	vld [tilespmem:s12+$0x7410]  }
0x152: {  	v6 =	vadd.f32 v53, v6;
	v39 =	vmul.f32 $1.442695020e+00, v36;
	v34 =	vsub.f32 $0.0e+00, v1  }
0x153: {  	v9 =	vadd.f32 v26, v29;
	v12 =	vmul.f32 $1.442695020e+00, v32;
	v5 =	vadd.f32 v30, v8  }
0x154: {  	v37 =	vsub.f32 $0.0e+00, v6;
	v10 =	vmul.f32 $1.442695020e+00, v34;
	v38 =	vadd.f32 v16, v33  }
0x155: {  	v2 =	vadd.f32 v2, v9;
	(erf) = vpow2.f32 v12;
	v40 =	vsub.f32 $0.0e+00, v5  }
0x156: {  	v8 =	vmul.f32 $1.442695020e+00, v37;
	(erf) = vpow2.f32 v10;
	v41 =	vpop (erf);
	v12 =	vadd.f32 v35, v38  }
0x157: {  	v42 =	vsub.f32 $0.0e+00, v2;
	(erf) = vpow2.f32 v39;
	v11 =	vadd.f32 $1.000000000e+00, v41  }
0x158: {  	v9 =	vmul.f32 $1.442695020e+00, v40;
	(erf) = vpow2.f32 v8;
	v43 =	vsub.f32 $0.0e+00, v12  }
0x159: {  	v44 =	vmul.f32 $1.442695020e+00, v42;
	(erf) = vrcp.f32 v11  }
0x15a: {  	(erf) = vpow2.f32 v9;
	v8 =	vmul.f32 $1.442695020e+00, v43  }
0x15b: {  	(erf) = vpow2.f32 v44  }
0x15c: {  	(erf) = vpow2.f32 v8;
	_ =	sdelay $0x1  }
0x15d: {  	v45 =	vpop (erf)  }
0x15e: {  	v46 =	vpop (erf)  }
0x15f: {  	v8 =	vadd.f32 $1.000000000e+00, v45;
	v47 =	vpop (erf)  }
0x160: {  	v9 =	vadd.f32 $1.000000000e+00, v46;
	v48 =	vpop (erf)  }
0x161: {  	(erf) = vrcp.f32 v8;
	v49 =	vadd.f32 $1.000000000e+00, v47;
	v50 =	vpop (erf)  }
0x162: {  	(erf) = vrcp.f32 v9;
	v51 =	vadd.f32 $1.000000000e+00, v48;
	v52 =	vpop (erf)  }
0x163: {  	(erf) = vrcp.f32 v49;
	v53 =	vadd.f32 $1.000000000e+00, v52;
	v54 =	vpop (erf)  }
0x164: {  	(erf) = vrcp.f32 v51;
	v55 =	vadd.f32 $1.000000000e+00, v54;
	v56 =	vpop (erf)  }
0x165: {  	(erf) = vrcp.f32 v53;
	v57 =	vadd.f32 $1.000000000e+00, v56  }
0x166: {  	(erf) = vrcp.f32 v55  }
0x167: {  	(erf) = vrcp.f32 v57;
	_ =	sdelay $0x2  }
0x168: {  	v4 =	vmul.f32 v50, v4;
	v58 =	vpop (erf)  }
0x169: {  	v3 =	vmul.f32 v58, v3;
	v59 =	vpop (erf)  }
0x16a: {  	[tilespmem:s12+$0x4BD0] =	vst v4;
	v1 =	vmul.f32 v59, v1;
	v60 =	vpop (erf)  }
0x16b: {  	[tilespmem:s12+$0x4BE0] =	vst v3;
	v3 =	vmul.f32 v60, v7;
	v61 =	vpop (erf)  }
0x16c: {  	[tilespmem:s12+$0x4BC0] =	vst v1;
	v1 =	vmul.f32 v61, v6;
	v62 =	vpop (erf)  }
0x16d: {  	[tilespmem:s12+$0x4BB0] =	vst v3;
	v3 =	vmul.f32 v62, v5;
	v63 =	vpop (erf)  }
0x16e: {  	[tilespmem:s12+$0x4BF0] =	vst v1;
	v1 =	vmul.f32 v63, v2;
	v2 =	vpop (erf)  }
0x16f: {  	s31 =	sadd.s32 $0x1, s31;
	[tilespmem:s12+$0x4BA0] =	vst v3;
	v2 =	vmul.f32 v2, v12  }
0x170: {  	p0 =	sne.s32 s31, $0x19;
	[tilespmem:s12+$0x4C00] =	vst v1  }
.Ltmp4:
0x171: {  	[tilespmem:s12+$0x4C10] =	vst v2;
	(pc) =	sbr.rel @p0 .LBB2_7-.Ltmp4, $4  }
0x172: {  	[spmem:s1] =	stream.indirect.scatter.add.f32 [tilespmem:s22], [sflag:$0x2], $0x80, s0, s19, $0xb8;
	[tilespmem:$0x1CCA0] =	vst v63  }
0x173: {  	_ =	swait.ge [sflag:s16], $0x1400  }
0x174: {  	[sflag:s16] =	ssyncset.done $0x0  }
0x175: {  	[sflag:s16] =	ssyncadd.s32 $0xFFFFEC00  }
0x176: {  	s29 =	sadd.s32 $0x1, s29  }
0x177: {  	p0 =	sne.s32 s29, $0x5  }
.Ltmp5:
0x178: {  	_ = 	snop;
	(pc) =	sbr.rel @p0 .LBB2_6-.Ltmp5, $1  }
0x179: {  	_ =	sdelay $0x3  }
0x17a: {  	s0 =	stileid.u32;
	[bflag:$0x0] =	sbarrier.arrive $0xFFFF  }
0x17b: {  	s0 =	sshll.u32 s0, $0x6;
	s2 =	rddreg [dreg:$0x4]  }
0x17c: {  	s3 =	rddreg [dreg:$0x6];
	s0 =	sor.u32 $0x1C02, s0  }
0x17d: {  	[hbm:s2], [sflag:s0] =	dma.local [spmem:s3], $0x2710  }
0x17e: {  	_ =	swait.ge [sflag:s16], $0x2710  }
0x17f: {  	s25 =	rddreg [dreg:$0x3]  }
0x180: {  	s31 =	rddreg [dreg:$0x5];
	s25 =	sadd.s32 $0x1, s25  }
0x181: {  	p0 =	sne.s32 s25, s31  }
.Ltmp6:
0x182: {  	_ = 	snop;
	(pc) =	sbr.rel @p0 .LBB2_1-.Ltmp6, $3  }
0x183: {  	_ =	sdelay $0x1  }
0x184: {  	[sflag:s16] =	ssyncset.done $0x0  }
0x185: {  	[sflag:s16] =	ssyncadd.s32 $0xFFFFD8F0  }
0x186: {  	_ =	sfence.sel $0x180000  }
0x187: {  	[bflag:$0x0] =	sbarrier.arrive $0xFFFF  }
0x188: {  	_ =	strace $0x9000004D  }
0x189: {  	s0 =	stileid.u32;
	[bflag:$0x2] =	sbarrier.arrive $0xFFFF  }
0x18a: {  	p0 =	sne.s32 s0, $0x0;
	s0 =	rddreg [dreg:$0x2]  }
0x18b: {  	s0 =	sadd.s32 @!p0 $0x100000, s0  }
0x18c: {  	[sflag:s0] =	ssyncadd.tile.s32 @!p0 $0x1;
	_ =	shalt  }
.Lfunc_end2:
_tile_overlayer_lowered:
.L_overlay_start_2:
0x18d: {  	(tag) =	ssettag $0x2  }
0x18e: {  	s0 =	rddreg [dreg:$0x0];
	s2 =	stileid.u32  }
0x18f: {  	s1 =	rddreg [dreg:$0x1];
	p0 =	sne.s32 s2, $0x0  }
0x190: {  	s3 =	rddreg [dreg:$0x2];
	[bflag:$0x3] =	sbarrier.arrive $0xFFFF;
	s2 =	simm.s32 @!p0 $0x1C02  }
0x191: {  	[timem:s3], [sflag:s2] =	dma.local @!p0 [hbm:s0], s1  }
0x192: {  	s0 =	simm.s32 @!p0 $0x2  }
0x193: {  	_ =	swait.ge @!p0 [sflag:s0], s1  }
0x194: {  	s1 =	ssub.s32 @!p0 $0x0, s1;
	[sflag:s0] =	ssyncset.done @!p0 $0x0  }
0x195: {  	[sflag:s0] =	ssyncadd.s32 @!p0 s1  }
0x196: {  	[bflag:$0x3] =	sbarrier.arrive $0xFFFF  }
0x197: {  	_ =	shalt  }

// kernel: kernel.26.cloned.1.call-start
scs
__scs_entry_jumppad:
0x0: {  	(pc) =	sbr.rel $0x88, $3  }
0x1: {  	(tag) =	ssettag $0x0;
	lr =	simm.s32 $0x1  }
0x2: {  	[smem:$0x3F7D] =	sst lr;
	_ =	strace $0xD0000000  }
0x3: {  	_ = 	snop  }
0x4: {  	_ = 	snop  }
0x5: {  	_ = 	snop  }
0x6: {  	_ = 	snop  }
0x7: {  	_ = 	snop  }
__scs_overlays_trampoline_lowered:
0x8: {  	[smem:$0x3F8C] =	sst s0  }
0x9: {  	[smem:$0x3F8D] =	sst s1  }
0xa: {  	[smem:$0x3F8E] =	sst s2  }
0xb: {  	[smem:$0x3F8F] =	sst s3  }
0xc: {  	[smem:$0x3F90] =	sst s4  }
0xd: {  	[smem:$0x3F91] =	sst s5  }
0xe: {  	[smem:$0x3F92] =	sst s6  }
0xf: {  	[smem:$0x3F93] =	sst s7  }
0x10: {  	[smem:$0x3F94] =	sst s8  }
0x11: {  	[smem:$0x3F95] =	sst s9;
	s0 =	simm.s32 @!p0 $0x0  }
0x12: {  	s1 =	sld [smem:$0x3F7B];
	s0 =	simm.s32 @p0 $0x1  }
0x13: {  	[smem:$0x3F96] =	sst s0;
	s0 =	simm.s32 @!p1 $0x0  }
0x14: {  	s2 =	sld [smem:$0x3F7A];
	s0 =	simm.s32 @p1 $0x1  }
0x15: {  	[smem:$0x3F97] =	sst s0;
	s0 =	simm.s32 @!p2 $0x0  }
0x16: {  	s3 =	sld [smem:$0x3FDB];
	s0 =	simm.s32 @p2 $0x1  }
0x17: {  	s4 =	simm.s32 $0x1BF5;
	[smem:$0x3F99] =	sst s0  }
0x18: {  	s0 =	sld [smem:$0x3F7C];
	_ =	swait.ge [sflag:s4], $0x0  }
0x19: {  	s7 =	sld [smem:$0x3F7D]  }
0x1a: {  	s8 =	sadd.s32 $0xFFFFE003, lr  }
0x1b: {  	s9 =	sadd.s32 $0xFFFFFEF7, lr;
	s5 =	simm.s32 $0xFFFFFFFF;
	p2 =	slt.u32 s8, $0xFFFFF086  }
0x1c: {  	p1 =	slt.u32 s9, $0xF7A;
	s5 =	simm.s32 @!p2 $0x0  }
0x1d: {  	s5 =	simm.s32 @p1 $0x1;
	p0 =	seq.s32 s7, s2  }
0x1e: {  	s7 =	smul.u32 @!p0 $0xF7A, s2;
	p2 =	seq.s32 @!p0 s5, $0x0  }
0x1f: {  	s9 =	smul.u32 $0xF7A, s1;
	s8 =	simm.s32 @!p0 $0x1BF5;
	p2 =	por !p2, p0  }
0x20: {  	[sflag:s8] =	ssyncset.s32 @!p0 $0xFFFFF086;
	s6 =	sadd.s32 @!p0 s3, s7;
	s7 =	simm.s32 @!p0 $0x108  }
0x21: {  	s3 =	sadd.s32 s3, s9;
	s6 =	sadd.s32 @!p0 $0x88, s6;
	s7 =	simm.s32 @p2 $0x1082  }
0x22: {  	[simem:s7], [sflag:s8] =	dma.local @!p0 [hbm:s6], $0xF7A  }
0x23: {  	s9 =	sor.u32 $0xD0000000, s2;
	s6 =	simm.s32 $0x108;
	_ =	swait.ge @!p0 [sflag:s8], $0x0  }
0x24: {  	s3 =	sadd.s32 $0x88, s3;
	s6 =	simm.s32 @!p1 $0x1082;
	[sflag:s4] =	ssyncset.s32 $0xFFFFF086  }
0x25: {  	[simem:s6], [sflag:s4] =	dma.local [hbm:s3], $0xF7A  }
0x26: {  	[smem:$0x3F7D] =	sst s1;
	(tag) =	ssettag s2;
	_ =	strace s9  }
0x27: {  	s1 =	sld [smem:$0x3F8D]  }
0x28: {  	s2 =	sld [smem:$0x3F8E]  }
0x29: {  	s4 =	sld [smem:$0x3F90]  }
0x2a: {  	p0 =	seq.s32 s5, $0x0;
	s5 =	sld [smem:$0x3F91]  }
0x2b: {  	s6 =	sld [smem:$0x3F92]  }
0x2c: {  	s7 =	sld [smem:$0x3F93]  }
0x2d: {  	s3 =	simm.s32 $0x108;
	s8 =	sld [smem:$0x3F94]  }
0x2e: {  	s3 =	simm.s32 @!p0 $0x1082;
	s9 =	sld [smem:$0x3F95]  }
0x2f: {  	lr =	sadd.s32 s0, s3;
	s0 =	sld [smem:$0x3F8C]  }
0x30: {  	s3 =	sld [smem:$0x3F8F]  }
0x31: {  	[smem:$0x3F98] =	sst s10  }
0x32: {  	s10 =	sld [smem:$0x3F96];
	_ =	sdelay $0x3  }
0x33: {  	p0 =	seq.s32 s10, $0x1;
	s10 =	sld [smem:$0x3F98];
	_ =	sdelay $0x3  }
0x34: {  	[smem:$0x3F98] =	sst s10  }
0x35: {  	s10 =	sld [smem:$0x3F97];
	_ =	sdelay $0x3  }
0x36: {  	p1 =	seq.s32 s10, $0x1;
	s10 =	sld [smem:$0x3F98];
	_ =	sdelay $0x3  }
0x37: {  	[smem:$0x3F98] =	sst s10  }
0x38: {  	s10 =	sld [smem:$0x3F99]  }
0x39: {  	_ = 	snop;
	(pc) =	sbr.ind lr, $3  }
0x3a: {  	_ = 	snop  }
0x3b: {  	_ = 	snop  }
0x3c: {  	p2 =	seq.s32 s10, $0x1;
	s10 =	sld [smem:$0x3F98]  }
0x3d: {  	_ =	shalt  }
0x3e: {  	_ =	shalt  }
0x3f: {  	_ =	shalt  }
0x40: {  	_ =	shalt  }
0x41: {  	_ =	shalt  }
0x42: {  	_ =	shalt  }
0x43: {  	_ =	shalt  }
0x44: {  	_ =	shalt  }
0x45: {  	_ =	shalt  }
0x46: {  	_ =	shalt  }
0x47: {  	_ =	shalt  }
0x48: {  	_ =	shalt  }
0x49: {  	_ =	shalt  }
0x4a: {  	_ =	shalt  }
0x4b: {  	_ =	shalt  }
0x4c: {  	_ =	shalt  }
0x4d: {  	_ =	shalt  }
0x4e: {  	_ =	shalt  }
0x4f: {  	_ =	shalt  }
0x50: {  	_ =	shalt  }
0x51: {  	_ =	shalt  }
0x52: {  	_ =	shalt  }
0x53: {  	_ =	shalt  }
0x54: {  	_ =	shalt  }
0x55: {  	_ =	shalt  }
0x56: {  	_ =	shalt  }
0x57: {  	_ =	shalt  }
0x58: {  	_ =	shalt  }
0x59: {  	_ =	shalt  }
0x5a: {  	_ =	shalt  }
0x5b: {  	_ =	shalt  }
0x5c: {  	_ =	shalt  }
0x5d: {  	_ =	shalt  }
0x5e: {  	_ =	shalt  }
0x5f: {  	_ =	shalt  }
0x60: {  	_ =	shalt  }
0x61: {  	_ =	shalt  }
0x62: {  	_ =	shalt  }
0x63: {  	_ =	shalt  }
0x64: {  	_ =	shalt  }
0x65: {  	_ =	shalt  }
0x66: {  	_ =	shalt  }
0x67: {  	_ =	shalt  }
0x68: {  	_ =	shalt  }
0x69: {  	_ =	shalt  }
0x6a: {  	_ =	shalt  }
0x6b: {  	_ =	shalt  }
0x6c: {  	_ =	shalt  }
0x6d: {  	_ =	shalt  }
0x6e: {  	_ =	shalt  }
0x6f: {  	_ =	shalt  }
0x70: {  	_ =	shalt  }
0x71: {  	_ =	shalt  }
0x72: {  	_ =	shalt  }
0x73: {  	_ =	shalt  }
0x74: {  	_ =	shalt  }
0x75: {  	_ =	shalt  }
0x76: {  	_ =	shalt  }
0x77: {  	_ =	shalt  }
0x78: {  	_ =	shalt  }
0x79: {  	_ =	shalt  }
0x7a: {  	_ =	shalt  }
0x7b: {  	_ =	shalt  }
0x7c: {  	_ =	shalt  }
0x7d: {  	_ =	shalt  }
0x7e: {  	_ =	shalt  }
0x7f: {  	_ =	shalt  }
0x80: {  	_ =	shalt  }
0x81: {  	_ =	shalt  }
0x82: {  	_ =	shalt  }
0x83: {  	_ =	shalt  }
0x84: {  	_ =	shalt  }
0x85: {  	_ =	shalt  }
0x86: {  	_ =	shalt  }
0x87: {  	_ =	shalt  }
.Lfunc_end0:
.L_simem_size_0:
called_computation.3_lowered:
.L_overlay_start_0:
0x88: {  	s2 =	sld [smem:$0x3FD9]  }
0x89: {  	s3 =	sld [smem:$0x3FFE];
	_ =	sdelay $0x1  }
0x8a: {  	s1 =	srdreg.scid  }
0x8b: {  	s0 =	sand.u32 $0x1, s1  }
0x8c: {  	s16 =	sshll.u32 s0, $0xA;
	s2 =	sadd.s32 s3, s2  }
0x8d: {  	s2 =	sadd.s32 s2, s16  }
0x8e: {  	[smem:$0x3FA4] =	sst s2  }
0x8f: {  	_ = 	snop  }
0x90: {  	(tm) =	ssettm $0x1  }
0x91: {  	s17 =	sld [smem:$0x3FFB];
	_ =	sdelay $0x3  }
0x92: {  	_ =	strace s17  }
0x93: {  	s2 =	sld [smem:$0x3FFC];
	_ =	sdelay $0x3  }
0x94: {  	_ =	strace s2  }
0x95: {  	s2 =	sld [smem:$0x3FFD];
	_ =	sdelay $0x3  }
0x96: {  	_ =	strace s2  }
0x97: {  	_ =	strace $0x8FFFFFFF  }
0x98: {  	s18 =	sld [smem:$0x3FDB];
	_ =	sdelay $0x1  }
0x99: {  	s19 =	simm.s32 $_scs_section_size  }
0x9a: {  	s4 =	simm.s32 $_size__tile_overlayer_lowered;
	s5 =	simm.s32 $_tile_overlayer_lowered  }
0x9b: {  	s22 =	simm.s32 $0x1BFF;
	s21 =	sshll.u32 s5, $0x1;
	s2 =	sadd.s32 s19, s18  }
0x9c: {  	s6 =	simm.s32 $0x0;
	s20 =	sshll.u32 s4, $0x1;
	s4 =	sadd.s32 s21, s2  }
0x9d: {  	[timem:s6], [sflag:s22] =	dma.local [hbm:s4], s20  }
0x9e: {  	_ =	swait.ge [sflag:s22], s20  }
0x9f: {  	s3 =	ssub.s32 $0x0, s20;
	[sflag:s22] =	ssyncset.done $0x0  }
0xa0: {  	[sflag:s22] =	ssyncadd.s32 s3;
	_ =	sdelay $0x1  }
0xa1: {  	s23 =	simm.s32 $0x1B8B  }
0xa2: {  	_ =	swait.ge [sflag:s23], $0x1  }
0xa3: {  	[sflag:s23] =	ssyncset.done $0x0  }
0xa4: {  	s25 =	simm.s32 $0x1B8E;
	s24 =	sld [smem:$0x3FFE];
	[sflag:s23] =	ssyncadd.s32 $0xFFFFFFFF  }
0xa5: {  	s26 =	simm.s32 $execute0_lowered;
	[smem:$0x3FD2] =	sst s25  }
0xa6: {  	s4 =	sshll.u32 s26, $0x1;
	_ =	strace $0x8000004F;
	[dreg:$0x1] =	wrdreg $0xFFFFFFFF  }
0xa7: {  	s28 =	simm.s32 $_size_execute0_lowered;
	s2 =	sadd.s32 s2, s4;
	[dreg:$0x0] =	wrdreg $0x0  }
0xa8: {  	s4 =	sshll.u32 s28, $0x1;
	[dreg:$0x2] =	wrdreg s2  }
0xa9: {  	[dreg:$0x3] =	wrdreg s4  }
0xaa: {  	[dreg:$0x4] =	wrdreg $0xC0  }
0xab: {  	_ =	task [dreg:s6], $0x5FFFF  }
0xac: {  	[dreg:$0x1] =	wrdreg $0xFFFFFFFF  }
0xad: {  	[dreg:$0x0] =	wrdreg $0x60  }
0xae: {  	[dreg:$0x2] =	wrdreg s24  }
0xaf: {  	[dreg:$0x3] =	wrdreg $0x94200  }
0xb0: {  	[dreg:$0x4] =	wrdreg $0x9  }
0xb1: {  	_ =	task.clear_ibuf [dreg:s6], $0x5FFFF;
	_ =	strace $0x9000004F  }
0xb2: {  	s29 =	simm.s32 $0x9;
	_ =	strace $0x80000051  }
0xb3: {  	_ =	swait.ge [sflag:s29], $0x1  }
0xb4: {  	[sflag:s29] =	ssyncadd.s32 $0xFFFFFFFF  }
0xb5: {  	_ =	strace $0x90000051  }
0xb6: {  	_ =	sfence  }
0xb7: {  	s30 =	sld [smem:$0x0];
	_ =	sdelay $0x2  }
0xb8: {  	s31 =	sshll.u32 s1, $0xD;
	s1 =	sshrl.u32 s1, $0x2  }
0xb9: {  	s3 =	sand.u32 $0x4000, s31;
	s1 =	sadd.s32 s1, s30  }
0xba: {  	s0 =	sor.u32 s3, s0;
	s1 =	sshll.u32 s1, $0x11  }
0xbb: {  	s0 =	sor.u32 s1, s0  }
0xbc: {  	s0 =	sadd.s32 $0x8F2B, s0  }
0xbd: {  	[sflag:s0] =	ssyncadd.remote.s32 $0x1  }
0xbe: {  	_ =	sfence.sel $0xFFFF  }
0xbf: {  	[dreg:$0x0] =	wrdreg $0xFFFFFFFF;
	(pc) =	sbr.abs _section_cstart, $3  }
0xc0: {  	[dreg:$0x1] =	wrdreg $0xFFFFFFFF  }
0xc1: {  	_ =	task.clear_ibuf [dreg:s6], $0x2FFFF;
	_ =	strace $0x9FFFFFFF  }
0xc2: {  	(tm) =	ssettm $0x7FFFFFFF  }
0xc3: {  	_ =	shalt  }
tec
execute0_lowered:
.L_overlay_start_1:
0x0: {  	(tag) =	ssettag $0x1  }
0x1: {  	s0 =	rddreg [dreg:$0x0]  }
0x2: {  	s1 =	rddreg [dreg:$0x1];
	s25 =	simm.s32 $0x0  }
0x3: {  	s2 =	srdreg.scid;
	s13 =	stileid.u32;
	s15 =	simm.s32 $0x87A0  }
0x4: {  	s16 =	simm.s32 $0x2;
	s17 =	simm.s32 $0x7D0;
	s18 =	simm.s32 $0xFA0  }
0x5: {  	s19 =	simm.s32 $0x28;
	s20 =	simm.s32 $0x23A0;
	s21 =	simm.s32 $0x37A0  }
0x6: {  	s22 =	simm.s32 $0x4BA0;
	s23 =	simm.s32 $0x5FA0;
	s24 =	simm.s32 $0x73A0  }
0x7: {  	s26 =	simm.s32 $0x1;
	s28 =	simm.s32 $0x0;
	[smem:$0x7FF] =	sst s25  }
0x8: {  	s4 =	sadd.s32 $0x43C00, s0;
	s2 =	sand.u32 $0x1, s2;
	s5 =	sadd.s32 $0x6AE00, s0  }
0x9: {  	s6 =	sadd.s32 $0xF90000, s0;
	s12 =	smul.u32 $0x13880, s13;
	s7 =	sadd.s32 $0x12C00, s0  }
0xa: {  	s8 =	sadd.s32 $0x8E00, s0;
	_ =	strace $0x80000050;
	s9 =	sshll.u32 s2, $0x4  }
0xb: {  	s3 =	smul.u32 $0x138800, s2;
	s2 =	ssub.s32 $0x2, s2;
	s10 =	sor.u32 s13, s9  }
0xc: {  	s11 =	sshrl.u32 s2, $0x1;
	s13 =	smul.u32 $0x4E200, s13;
	s30 =	sadd.s32 s12, s1  }
0xd: {  	s3 =	sadd.s32 s12, s3;
	s9 =	smul.u32 $0x138800, s10;
	s2 =	ssub.s32 s2, s11  }
0xe: {  	s10 =	smul.u32 $0x2710, s10;
	s31 =	sshrl.u32 s30, $0x3;
	s3 =	sshrl.u32 s3, $0x3  }
0xf: {  	s2 =	smax.u32 s2, $0x1;
	[dreg:$0x6] =	wrdreg s31;
	s0 =	sadd.s32 s3, s0  }
0x10: {  	s29 =	sshrl.u32 s13, $0x2;
	[dreg:$0x5] =	wrdreg s2;
	s0 =	sadd.s32 $0x92000, s0  }
0x11: {  	v0 =	vimm.f32 $0.0e+00;
	s11 =	sadd.s32 $0x1400, s9;
	s14 =	sadd.s32 s29, s1;
	[dreg:$0x4] =	wrdreg s0  }
.LBB2_1:
0x12: {  	s0 =	simm.s32 $0x0;
	s2 =	simm.s32 $0x200  }
.LBB2_2:
0x13: {  	p0 =	sne.s32 s2, $0x3000;
	[tilespmem:s0+$0x8810] =	vst v0  }
0x14: {  	[tilespmem:s0+$0x87A0] =	vst v0  }
0x15: {  	[tilespmem:s0+$0x87B0] =	vst v0  }
.Ltmp0:
0x16: {  	[tilespmem:s0+$0x87C0] =	vst v0;
	(pc) =	sbr.rel @p0 .LBB2_2-.Ltmp0, $4  }
0x17: {  	[tilespmem:s0+$0x87D0] =	vst v0  }
0x18: {  	[tilespmem:s0+$0x87E0] =	vst v0  }
0x19: {  	[tilespmem:s0+$0x87F0] =	vst v0  }
0x1a: {  	[tilespmem:s0+$0x8800] =	vst v0;
	s0 =	sshra.s32 s2, $0x2;
	s2 =	sadd.s32 $0x200, s2  }
0x1b: {  	[tilespmem:s0+$0x8810] =	vst v0  }
0x1c: {  	[tilespmem:s0+$0x87A0] =	vst v0  }
0x1d: {  	[tilespmem:s0+$0x87B0] =	vst v0  }
0x1e: {  	[tilespmem:s0+$0x87C0] =	vst v0  }
0x1f: {  	[tilespmem:s0+$0x87D0] =	vst v0  }
0x20: {  	[tilespmem:s0+$0x87E0] =	vst v0  }
0x21: {  	[tilespmem:s0+$0x87F0] =	vst v0  }
0x22: {  	[dreg:$0x3] =	wrdreg s25;
	[tilespmem:s0+$0x8800] =	vst v0;
	s31 =	sadd.s32 $0x0, s14  }
0x23: {  	[spmem:s31] =	stream.linear.scatter [tilespmem:s15], [sflag:$0x2], $0xC80, $0x38;
	[tilespmem:$0x1CCA0] =	vst v63  }
0x24: {  	s0 =	simm.s32 $0x3200;
	_ =	swait.ge [sflag:s16], $0xC80  }
.LBB2_4:
0x25: {  	s2 =	sshra.s32 s0, $0x2;
	[sflag:s16] =	ssyncset.done $0x0;
	p0 =	sne.s32 s0, $0x4B000  }
.Ltmp1:
0x26: {  	s2 =	sadd.s32 s2, s14;
	[sflag:s16] =	ssyncadd.s32 $0xFFFFF380;
	(pc) =	sbr.rel @p0 .LBB2_4-.Ltmp1, $3  }
0x27: {  	[spmem:s2] =	stream.linear.scatter [tilespmem:s15], [sflag:$0x2], $0xC80, $0x38;
	[tilespmem:$0x1CCA0] =	vst v63  }
0x28: {  	s0 =	sadd.s32 $0x3200, s0;
	_ =	sdelay $0x1  }
0x29: {  	_ =	swait.ge [sflag:s16], $0xC80  }
0x2a: {  	[sflag:s16] =	ssyncset.done $0x0  }
0x2b: {  	[sflag:s16] =	ssyncadd.s32 $0xFFFFF380  }
0x2c: {  	s29 =	simm.s32 $0x0;
	[bflag:$0x0] =	sbarrier.arrive $0xFFFF  }
.LBB2_6:
0x2d: {  	s0 =	smul.u32 $0x7D0, s29;
	_ =	sdelay $0x1  }
0x2e: {  	s0 =	sadd.s32 s10, s0  }
0x2f: {  	s0 =	sshrl.u32 s0, $0x3  }
0x30: {  	s2 =	sadd.s32 s7, s0  }
0x31: {  	[tilespmem:s28], [sflag:$0x2] =	stream.linear.gather [hbm4b:s2+s28], $0x7D0, $0x38;
	[tilespmem:$0x1CCA0] =	vst v63  }
0x32: {  	_ =	swait.ge [sflag:s16], $0x7D0  }
0x33: {  	[sflag:s16] =	ssyncset.done $0x0  }
0x34: {  	s0 =	sadd.s32 s8, s0;
	[sflag:s16] =	ssyncadd.s32 $0xFFFFF830  }
0x35: {  	[tilespmem:s17], [sflag:$0x2] =	stream.linear.gather [hbm4b:s0+s28], $0x7D0, $0x38;
	[tilespmem:$0x1CCA0] =	vst v63  }
0x36: {  	_ =	swait.ge [sflag:s16], $0x7D0  }
0x37: {  	[sflag:s16] =	ssyncset.done $0x0  }
0x38: {  	s30 =	smul.u32 $0x32, s29;
	s31 =	simm.s32 $0x0;
	[sflag:s16] =	ssyncadd.s32 $0xFFFFF830  }
.LBB2_7:
0x39: {  	s0 =	sshll.u32 s31, $0x1  }
0x3a: {  	s0 =	sadd.s32 s30, s0  }
0x3b: {  	s0 =	smul.u32 $0x1400, s0;
	_ =	sdelay $0x1  }
0x3c: {  	s2 =	sadd.s32 s9, s0  }
0x3d: {  	s2 =	sshrl.u32 s2, $0x3  }
0x3e: {  	s12 =	simm.s32 $0x0;
	s3 =	smul.u32 $0x50, s31;
	s2 =	sadd.s32 s6, s2  }
0x3f: {  	[tilespmem:s18], [sflag:$0x1] =	stream.linear.gather [hbm4b:s2+s12], $0x1400, $0x38;
	[tilespmem:$0x1CCA0] =	vst v63  }
0x40: {  	s0 =	sadd.s32 s11, s0  }
0x41: {  	[tilespmem:s20], [sflag:$0x1] =	stream.indirect.gather [hbm4b:s4+s19], $0x80, s3, s19, $0xb8;
	[tilespmem:$0x1CCA0] =	vst v63  }
0x42: {  	s13 =	sadd.s32 $0x7D0, s3;
	s0 =	sshrl.u32 s0, $0x3  }
0x43: {  	[tilespmem:s21], [sflag:$0x1] =	stream.indirect.gather [hbm4b:s5+s19], $0x80, s13, s19, $0xb8;
	[tilespmem:$0x1CCA0] =	vst v63  }
0x44: {  	s0 =	sadd.s32 s6, s0  }
0x45: {  	[tilespmem:s22], [sflag:$0x1] =	stream.linear.gather [hbm4b:s0+s12], $0x1400, $0x38;
	[tilespmem:$0x1CCA0] =	vst v63  }
0x46: {  	s0 =	sadd.s32 $0x28, s3  }
0x47: {  	[tilespmem:s23], [sflag:$0x1] =	stream.indirect.gather [hbm4b:s4+s19], $0x80, s0, s19, $0xb8;
	[tilespmem:$0x1CCA0] =	vst v63  }
0x48: {  	s25 =	sadd.s32 $0x7F8, s3  }
0x49: {  	[tilespmem:s24], [sflag:$0x1] =	stream.indirect.gather [hbm4b:s5+s19], $0x80, s25, s19, $0xb8;
	[tilespmem:$0x1CCA0] =	vst v63  }
0x4a: {  	_ =	swait.ge [sflag:s26], $0x1400  }
0x4b: {  	[sflag:s26] =	ssyncset.done $0x0  }
0x4c: {  	[sflag:s26] =	ssyncadd.s32 $0xFFFFEC00  }
0x4d: {  	_ =	swait.ge [sflag:s26], $0x1400  }
0x4e: {  	[sflag:s26] =	ssyncset.done $0x0  }
0x4f: {  	[sflag:s26] =	ssyncadd.s32 $0xFFFFEC00  }
0x50: {  	_ =	swait.ge [sflag:s26], $0x1400  }
0x51: {  	[sflag:s26] =	ssyncset.done $0x0  }
0x52: {  	s12 =	simm.s32 $0x0;
	[sflag:s26] =	ssyncadd.s32 $0xFFFFEC00  }
0x53: {  	v1 =	vld [tilespmem:s12+$0x37F0]  }
0x54: {  	v2 =	vld [tilespmem:s12+$0x37D0]  }
0x55: {  	v6 =	vld [tilespmem:s12+$0x23F0]  }
0x56: {  	v3 =	vld [tilespmem:s12+$0x23E0]  }
0x57: {  	v4 =	vld [tilespmem:s12+$0x23D0]  }
0x58: {  	v5 =	vld [tilespmem:s12+$0xFD0]  }
0x59: {  	v9 =	vld [tilespmem:s12+$0x2410]  }
0x5a: {  	v7 =	vld [tilespmem:s12+$0x23B0]  }
0x5b: {  	v8 =	vld [tilespmem:s12+$0x23A0]  }
0x5c: {  	v10 =	vld [tilespmem:s12+$0x23C0]  }
0x5d: {  	v4 =	vadd.f32 v4, v5;
	v5 =	vld [tilespmem:s12+$0xFE0]  }
0x5e: {  	v11 =	vld [tilespmem:s12+$0xFC0]  }
0x5f: {  	v12 =	vld [tilespmem:s12+$0x37E0]  }
0x60: {  	v4 =	vadd.f32 v2, v4;
	v2 =	vld [tilespmem:s12+$0x37C0]  }
0x61: {  	v13 =	vld [tilespmem:s12+$0x37B0]  }
0x62: {  	v15 =	vld [tilespmem:s12+$0xFB0];
	v14 =	vsub.f32 $0.0e+00, v4;
	v3 =	vadd.f32 v3, v5  }
0x63: {  	v16 =	vld [tilespmem:s12+$0xFF0];
	v10 =	vadd.f32 v10, v11  }
0x64: {  	v56 =	vld [tilespmem:s12+$0xFA0];
	v14 =	vmul.f32 $1.442695020e+00, v14;
	v5 =	vadd.f32 v12, v3  }
0x65: {  	v57 =	vld [tilespmem:s12+$0x37A0];
	v3 =	vadd.f32 v2, v10  }
0x66: {  	v11 =	vld [tilespmem:s12+$0x2400];
	(erf) = vpow2.f32 v14;
	v10 =	vsub.f32 $0.0e+00, v5  }
0x67: {  	v7 =	vadd.f32 v7, v15;
	v2 =	vld [tilespmem:s12+$0x1000];
	v17 =	vsub.f32 $0.0e+00, v3  }
0x68: {  	v59 =	vld [tilespmem:s12+$0x1010];
	v6 =	vadd.f32 v6, v16;
	v10 =	vmul.f32 $1.442695020e+00, v10  }
0x69: {  	v58 =	vld [tilespmem:s12+$0x3800];
	v7 =	vadd.f32 v13, v7;
	v17 =	vmul.f32 $1.442695020e+00, v17  }
0x6a: {  	(erf) = vpow2.f32 v10;
	v10 =	vadd.f32 v8, v56;
	v8 =	vadd.f32 v1, v6;
	v1 =	vld [tilespmem:s12+$0x3810]  }
0x6b: {  	v60 =	vsub.f32 $0.0e+00, v7  }
0x6c: {  	v2 =	vadd.f32 v11, v2;
	(erf) = vpow2.f32 v17;
	v6 =	vadd.f32 v57, v10  }
0x6d: {  	v9 =	vadd.f32 v9, v59;
	v11 =	vmul.f32 $1.442695020e+00, v60;
	v10 =	vsub.f32 $0.0e+00, v8  }
0x6e: {  	v2 =	vadd.f32 v58, v2;
	v62 =	vsub.f32 $0.0e+00, v6  }
0x6f: {  	(erf) = vpow2.f32 v11;
	v61 =	vpop (erf);
	v10 =	vmul.f32 $1.442695020e+00, v10;
	v1 =	vadd.f32 v1, v9  }
0x70: {  	v63 =	vsub.f32 $0.0e+00, v2;
	v12 =	vadd.f32 $1.000000000e+00, v61;
	v9 =	vmul.f32 $1.442695020e+00, v62  }
0x71: {  	(erf) = vpow2.f32 v10;
	v11 =	vsub.f32 $0.0e+00, v1  }
0x72: {  	v10 =	vmul.f32 $1.442695020e+00, v63;
	(erf) = vrcp.f32 v12  }
0x73: {  	(erf) = vpow2.f32 v9  }
0x74: {  	(erf) = vpow2.f32 v10;
	v9 =	vpop (erf)  }
0x75: {  	s13 =	simm.s32 $0x400;
	s25 =	simm.s32 $0x200;
	v10 =	vmul.f32 $1.442695020e+00, v11;
	v9 =	vadd.f32 $1.000000000e+00, v9;
	v11 =	vpop (erf)  }
.LBB2_8:
0x76: {  	p0 =	sne.s32 s13, $0x4E00  }
0x77: {  	s2 =	sshra.s32 s25, $0x2;
	v11 =	vadd.f32 $1.000000000e+00, v11;
	(erf) = vpow2.f32 v10;
	s25 =	smov.u32 s13;
	s13 =	sadd.s32 $0x200, s13  }
0x78: {  	v10 =	vld [tilespmem:s2+$0x37F0];
	(erf) = vrcp.f32 v9  }
0x79: {  	v9 =	vld [tilespmem:s2+$0x37D0];
	v12 =	vpop (erf);
	(erf) = vrcp.f32 v11  }
0x7a: {  	v11 =	vld [tilespmem:s2+$0x23F0];
	v12 =	vadd.f32 $1.000000000e+00, v12;
	v13 =	vpop (erf)  }
0x7b: {  	v14 =	vld [tilespmem:s2+$0x23E0];
	v17 =	vadd.f32 $1.000000000e+00, v13;
	v15 =	vpop (erf)  }
0x7c: {  	v16 =	vld [tilespmem:s2+$0x2410];
	v4 =	vmul.f32 v15, v4;
	v15 =	vpop (erf);
	(erf) = vrcp.f32 v12  }
0x7d: {  	v12 =	vld [tilespmem:s2+$0x23D0];
	v15 =	vadd.f32 $1.000000000e+00, v15;
	(erf) = vrcp.f32 v17;
	v13 =	vpop (erf)  }
0x7e: {  	v17 =	vld [tilespmem:s2+$0x23B0];
	[tilespmem:s12+$0xFD0] =	vst v4;
	v19 =	vadd.f32 $1.000000000e+00, v13  }
0x7f: {  	v13 =	vld [tilespmem:s2+$0xFD0];
	(erf) = vrcp.f32 v15  }
0x80: {  	v15 =	vld [tilespmem:s2+$0x23A0];
	(erf) = vrcp.f32 v19;
	v4 =	vpop (erf)  }
0x81: {  	v4 =	vadd.f32 $1.000000000e+00, v4;
	v18 =	vpop (erf)  }
0x82: {  	v5 =	vmul.f32 v18, v5;
	v18 =	vpop (erf)  }
0x83: {  	v19 =	vld [tilespmem:s2+$0x37E0];
	v20 =	vmul.f32 v18, v3;
	(erf) = vrcp.f32 v4  }
0x84: {  	v18 =	vld [tilespmem:s2+$0x23C0];
	v4 =	vadd.f32 v12, v13;
	[tilespmem:s12+$0xFE0] =	vst v5  }
0x85: {  	v5 =	vld [tilespmem:s2+$0xFE0];
	[tilespmem:s12+$0xFC0] =	vst v20;
	v3 =	vpop (erf)  }
0x86: {  	v12 =	vld [tilespmem:s2+$0xFC0];
	v4 =	vadd.f32 v9, v4;
	v20 =	vmul.f32 v3, v7;
	v7 =	vpop (erf)  }
0x87: {  	v9 =	vld [tilespmem:s2+$0x37B0];
	v7 =	vmul.f32 v7, v8  }
0x88: {  	v8 =	vld [tilespmem:s2+$0x37C0];
	v13 =	vsub.f32 $0.0e+00, v4;
	[tilespmem:s12+$0xFB0] =	vst v20;
	v3 =	vpop (erf)  }
0x89: {  	v20 =	vld [tilespmem:s2+$0xFB0];
	v3 =	vmul.f32 v3, v6;
	[tilespmem:s12+$0xFF0] =	vst v7;
	v6 =	vpop (erf)  }
0x8a: {  	v7 =	vmul.f32 $1.442695020e+00, v13;
	v5 =	vadd.f32 v14, v5;
	v13 =	vld [tilespmem:s2+$0xFF0];
	v21 =	vmul.f32 v6, v2  }
0x8b: {  	v6 =	vadd.f32 v18, v12;
	v12 =	vld [tilespmem:s2+$0x2400];
	[tilespmem:s12+$0xFA0] =	vst v3  }
0x8c: {  	v14 =	vld [tilespmem:s2+$0xFA0];
	v5 =	vadd.f32 v19, v5;
	(erf) = vpow2.f32 v7;
	[tilespmem:s12+$0x1000] =	vst v21;
	v2 =	vpop (erf)  }
0x8d: {  	v3 =	vadd.f32 v8, v6;
	v6 =	vld [tilespmem:s2+$0x1000];
	v1 =	vmul.f32 v2, v1  }
0x8e: {  	v2 =	vld [tilespmem:s2+$0x37A0];
	v7 =	vadd.f32 v17, v20;
	v8 =	vsub.f32 $0.0e+00, v5  }
0x8f: {  	v17 =	vsub.f32 $0.0e+00, v3;
	v11 =	vadd.f32 v11, v13;
	v13 =	vld [tilespmem:s2+$0x3800];
	[tilespmem:s12+$0x1010] =	vst v1;
	s12 =	smov.u32 s2  }
0x90: {  	v7 =	vadd.f32 v9, v7;
	v1 =	vmul.f32 $1.442695020e+00, v8;
	v9 =	vld [tilespmem:s12+$0x1010]  }
0x91: {  	v14 =	vadd.f32 v15, v14;
	v15 =	vmul.f32 $1.442695020e+00, v17;
	v8 =	vadd.f32 v10, v11;
	v10 =	vld [tilespmem:s12+$0x3810]  }
0x92: {  	v11 =	vsub.f32 $0.0e+00, v7;
	v12 =	vadd.f32 v12, v6;
	(erf) = vpow2.f32 v1  }
0x93: {  	v6 =	vadd.f32 v2, v14;
	v1 =	vsub.f32 $0.0e+00, v8;
	(erf) = vpow2.f32 v15  }
0x94: {  	v11 =	vmul.f32 $1.442695020e+00, v11;
	v2 =	vadd.f32 v13, v12  }
0x95: {  	v12 =	vsub.f32 $0.0e+00, v6;
	v13 =	vmul.f32 $1.442695020e+00, v1;
	v1 =	vadd.f32 v16, v9;
	v9 =	vpop (erf)  }
0x96: {  	v9 =	vadd.f32 $1.000000000e+00, v9;
	v14 =	vsub.f32 $0.0e+00, v2;
	(erf) = vpow2.f32 v11  }
0x97: {  	v11 =	vmul.f32 $1.442695020e+00, v12;
	v1 =	vadd.f32 v10, v1;
	(erf) = vpow2.f32 v13  }
.Ltmp2:
0x98: {  	v10 =	vmul.f32 $1.442695020e+00, v14;
	(erf) = vrcp.f32 v9;
	(pc) =	sbr.rel @p0 .LBB2_8-.Ltmp2, $4  }
0x99: {  	v12 =	vsub.f32 $0.0e+00, v1;
	(erf) = vpow2.f32 v11  }
0x9a: {  	(erf) = vpow2.f32 v10  }
0x9b: {  	v10 =	vmul.f32 $1.442695020e+00, v12;
	v9 =	vpop (erf)  }
0x9c: {  	v9 =	vadd.f32 $1.000000000e+00, v9;
	v11 =	vpop (erf)  }
0x9d: {  	(erf) = vpow2.f32 v10;
	v10 =	vadd.f32 $1.000000000e+00, v11  }
0x9e: {  	(erf) = vrcp.f32 v9  }
0x9f: {  	s13 =	sshra.s32 s25, $0x2;
	(erf) = vrcp.f32 v10  }
0xa0: {  	v11 =	vld [tilespmem:s13+$0x37F0]  }
0xa1: {  	v9 =	vld [tilespmem:s13+$0x37D0];
	v12 =	vpop (erf)  }
0xa2: {  	v14 =	vld [tilespmem:s13+$0x23E0];
	v13 =	vpop (erf)  }
0xa3: {  	v16 =	vld [tilespmem:s13+$0x2410];
	v12 =	vadd.f32 $1.000000000e+00, v12;
	v15 =	vpop (erf)  }
0xa4: {  	v34 =	vld [tilespmem:s13+$0x23D0];
	v13 =	vadd.f32 $1.000000000e+00, v13;
	v4 =	vmul.f32 v15, v4;
	v17 =	vpop (erf)  }
0xa5: {  	v35 =	vld [tilespmem:s13+$0x23B0];
	(erf) = vrcp.f32 v12;
	v18 =	vpop (erf)  }
0xa6: {  	v10 =	vld [tilespmem:s13+$0x23F0];
	(erf) = vrcp.f32 v13;
	v17 =	vadd.f32 $1.000000000e+00, v17;
	[tilespmem:s12+$0xFD0] =	vst v4;
	v36 =	vpop (erf)  }
0xa7: {  	v4 =	vld [tilespmem:s13+$0xFD0];
	v20 =	vpop (erf)  }
0xa8: {  	v18 =	vadd.f32 $1.000000000e+00, v18;
	v19 =	vld [tilespmem:s13+$0x23A0];
	(erf) = vrcp.f32 v17;
	v5 =	vmul.f32 v20, v5;
	v38 =	vpop (erf)  }
0xa9: {  	v37 =	vld [tilespmem:s13+$0x37E0];
	v3 =	vmul.f32 v38, v3  }
0xaa: {  	v21 =	vld [tilespmem:s13+$0x23C0];
	(erf) = vrcp.f32 v18;
	[tilespmem:s12+$0xFE0] =	vst v5  }
0xab: {  	v5 =	vld [tilespmem:s13+$0xFE0];
	[tilespmem:s12+$0xFC0] =	vst v3;
	v3 =	vadd.f32 $1.000000000e+00, v36;
	_ =	sdelay $0x1  }
0xac: {  	(erf) = vrcp.f32 v3  }
0xad: {  	v39 =	vpop (erf)  }
0xae: {  	v40 =	vld [tilespmem:s13+$0xFC0];
	v7 =	vmul.f32 v39, v7;
	v3 =	vpop (erf)  }
0xaf: {  	v4 =	vadd.f32 v34, v4;
	v41 =	vld [tilespmem:s13+$0x37B0];
	v3 =	vmul.f32 v3, v8  }
0xb0: {  	v42 =	vld [tilespmem:s13+$0x37C0];
	[tilespmem:s12+$0xFB0] =	vst v7;
	v8 =	vpop (erf)  }
0xb1: {  	v4 =	vadd.f32 v9, v4;
	v7 =	vld [tilespmem:s13+$0xFB0];
	[tilespmem:s12+$0xFF0] =	vst v3;
	v3 =	vmul.f32 v8, v6  }
0xb2: {  	v8 =	vpop (erf);
	v6 =	vld [tilespmem:s13+$0xFF0]  }
0xb3: {  	v9 =	vld [tilespmem:s13+$0x2400];
	v2 =	vmul.f32 v8, v2;
	[tilespmem:s12+$0xFA0] =	vst v3;
	v3 =	vsub.f32 $0.0e+00, v4;
	_ =	sdelay $0x1  }
0xb4: {  	v8 =	vld [tilespmem:s13+$0xFA0];
	[tilespmem:s12+$0x1000] =	vst v2;
	v2 =	vmul.f32 $1.442695020e+00, v3;
	v3 =	vadd.f32 v14, v5;
	v5 =	vpop (erf)  }
0xb5: {  	v43 =	vld [tilespmem:s13+$0x1000];
	v1 =	vmul.f32 v5, v1  }
0xb6: {  	v44 =	vadd.f32 v21, v40;
	v7 =	vadd.f32 v35, v7;
	v5 =	vld [tilespmem:s13+$0x37A0];
	(erf) = vpow2.f32 v2  }
0xb7: {  	v3 =	vadd.f32 v37, v3;
	v2 =	vld [tilespmem:s13+$0x3800];
	[tilespmem:s12+$0x1010] =	vst v1  }
0xb8: {  	v7 =	vadd.f32 v41, v7;
	v1 =	vadd.f32 v42, v44;
	v46 =	vld [tilespmem:s13+$0x1010]  }
0xb9: {  	v6 =	vadd.f32 v10, v6;
	v45 =	vsub.f32 $0.0e+00, v3  }
0xba: {  	v8 =	vadd.f32 v19, v8;
	v47 =	vld [tilespmem:s13+$0x3810];
	v10 =	vsub.f32 $0.0e+00, v1  }
0xbb: {  	v6 =	vadd.f32 v11, v6;
	v11 =	vsub.f32 $0.0e+00, v7;
	v12 =	vmul.f32 $1.442695020e+00, v45  }
0xbc: {  	v9 =	vadd.f32 v9, v43;
	v5 =	vadd.f32 v5, v8;
	v10 =	vmul.f32 $1.442695020e+00, v10  }
0xbd: {  	v8 =	vsub.f32 $0.0e+00, v6;
	(erf) = vpow2.f32 v12;
	v48 =	vadd.f32 v16, v46  }
0xbe: {  	v2 =	vadd.f32 v2, v9;
	(erf) = vpow2.f32 v10;
	v10 =	vmul.f32 $1.442695020e+00, v11  }
0xbf: {  	v9 =	vsub.f32 $0.0e+00, v5;
	v8 =	vmul.f32 $1.442695020e+00, v8;
	v11 =	vpop (erf);
	v12 =	vadd.f32 v47, v48  }
0xc0: {  	v49 =	vsub.f32 $0.0e+00, v2;
	(erf) = vpow2.f32 v10;
	v11 =	vadd.f32 $1.000000000e+00, v11  }
0xc1: {  	v9 =	vmul.f32 $1.442695020e+00, v9;
	(erf) = vpow2.f32 v8;
	v8 =	vsub.f32 $0.0e+00, v12  }
0xc2: {  	v10 =	vmul.f32 $1.442695020e+00, v49;
	(erf) = vrcp.f32 v11  }
0xc3: {  	(erf) = vpow2.f32 v9;
	v8 =	vmul.f32 $1.442695020e+00, v8  }
0xc4: {  	(erf) = vpow2.f32 v10  }
0xc5: {  	(erf) = vpow2.f32 v8;
	_ =	sdelay $0x1  }
0xc6: {  	v8 =	vpop (erf)  }
0xc7: {  	v9 =	vpop (erf)  }
0xc8: {  	v8 =	vadd.f32 $1.000000000e+00, v8;
	v10 =	vpop (erf)  }
0xc9: {  	v9 =	vadd.f32 $1.000000000e+00, v9;
	v11 =	vpop (erf)  }
0xca: {  	(erf) = vrcp.f32 v8;
	v8 =	vadd.f32 $1.000000000e+00, v10;
	v10 =	vpop (erf)  }
0xcb: {  	(erf) = vrcp.f32 v9;
	v9 =	vadd.f32 $1.000000000e+00, v11;
	v11 =	vpop (erf)  }
0xcc: {  	(erf) = vrcp.f32 v8;
	v8 =	vadd.f32 $1.000000000e+00, v11;
	v11 =	vpop (erf)  }
0xcd: {  	(erf) = vrcp.f32 v9;
	v9 =	vadd.f32 $1.000000000e+00, v11;
	v11 =	vpop (erf)  }
0xce: {  	(erf) = vrcp.f32 v8;
	v8 =	vadd.f32 $1.000000000e+00, v11  }
0xcf: {  	(erf) = vrcp.f32 v9  }
0xd0: {  	(erf) = vrcp.f32 v8  }
0xd1: {  	v4 =	vmul.f32 v10, v4;
	_ =	sdelay $0x1  }
0xd2: {  	v8 =	vpop (erf)  }
0xd3: {  	v3 =	vmul.f32 v8, v3;
	v8 =	vpop (erf)  }
0xd4: {  	[tilespmem:s13+$0xFD0] =	vst v4;
	v1 =	vmul.f32 v8, v1;
	v4 =	vpop (erf)  }
0xd5: {  	[tilespmem:s13+$0xFE0] =	vst v3;
	v3 =	vmul.f32 v4, v7;
	v4 =	vpop (erf)  }
0xd6: {  	[tilespmem:s13+$0xFC0] =	vst v1;
	v1 =	vmul.f32 v4, v6;
	v4 =	vpop (erf)  }
0xd7: {  	[tilespmem:s13+$0xFB0] =	vst v3;
	v3 =	vmul.f32 v4, v5;
	v4 =	vpop (erf)  }
0xd8: {  	[tilespmem:s13+$0xFF0] =	vst v1;
	v1 =	vmul.f32 v4, v2;
	v2 =	vpop (erf)  }
0xd9: {  	[tilespmem:s13+$0xFA0] =	vst v3;
	v2 =	vmul.f32 v2, v12  }
0xda: {  	[tilespmem:s13+$0x1000] =	vst v1  }
0xdb: {  	[tilespmem:s13+$0x1010] =	vst v2  }
0xdc: {  	[spmem:s1] =	stream.indirect.scatter.add.f32 [tilespmem:s18], [sflag:$0x2], $0x80, s3, s19, $0xb8;
	[tilespmem:$0x1CCA0] =	vst v63  }
0xdd: {  	_ =	swait.ge [sflag:s16], $0x1400  }
0xde: {  	[sflag:s16] =	ssyncset.done $0x0  }
0xdf: {  	[sflag:s16] =	ssyncadd.s32 $0xFFFFEC00  }
0xe0: {  	_ =	swait.ge [sflag:s26], $0x1400  }
0xe1: {  	[sflag:s26] =	ssyncset.done $0x0  }
0xe2: {  	[sflag:s26] =	ssyncadd.s32 $0xFFFFEC00  }
0xe3: {  	_ =	swait.ge [sflag:s26], $0x1400  }
0xe4: {  	[sflag:s26] =	ssyncset.done $0x0  }
0xe5: {  	[sflag:s26] =	ssyncadd.s32 $0xFFFFEC00  }
0xe6: {  	_ =	swait.ge [sflag:s26], $0x1400  }
0xe7: {  	[sflag:s26] =	ssyncset.done $0x0  }
0xe8: {  	s3 =	simm.s32 $0x0;
	[sflag:s26] =	ssyncadd.s32 $0xFFFFEC00  }
0xe9: {  	v1 =	vld [tilespmem:s3+$0x73F0]  }
0xea: {  	v2 =	vld [tilespmem:s3+$0x73D0]  }
0xeb: {  	v6 =	vld [tilespmem:s3+$0x5FF0]  }
0xec: {  	v3 =	vld [tilespmem:s3+$0x5FE0]  }
0xed: {  	v4 =	vld [tilespmem:s3+$0x5FD0]  }
0xee: {  	v5 =	vld [tilespmem:s3+$0x4BD0]  }
0xef: {  	v9 =	vld [tilespmem:s3+$0x6010]  }
0xf0: {  	v7 =	vld [tilespmem:s3+$0x5FB0]  }
0xf1: {  	v8 =	vld [tilespmem:s3+$0x5FA0]  }
0xf2: {  	v10 =	vld [tilespmem:s3+$0x5FC0]  }
0xf3: {  	v11 =	vld [tilespmem:s3+$0x4BC0]  }
0xf4: {  	v4 =	vadd.f32 v4, v5;
	v5 =	vld [tilespmem:s3+$0x4BE0]  }
0xf5: {  	v50 =	vld [tilespmem:s3+$0x73E0]  }
0xf6: {  	v51 =	vld [tilespmem:s3+$0x73B0]  }
0xf7: {  	v4 =	vadd.f32 v2, v4;
	v2 =	vld [tilespmem:s3+$0x73C0]  }
0xf8: {  	v53 =	vld [tilespmem:s3+$0x4BB0]  }
0xf9: {  	v54 =	vld [tilespmem:s3+$0x4BF0];
	v52 =	vsub.f32 $0.0e+00, v4;
	v3 =	vadd.f32 v3, v5  }
0xfa: {  	v55 =	vld [tilespmem:s3+$0x4BA0];
	v10 =	vadd.f32 v10, v11  }
0xfb: {  	v59 =	vld [tilespmem:s3+$0x4C10];
	v14 =	vmul.f32 $1.442695020e+00, v52;
	v5 =	vadd.f32 v50, v3  }
0xfc: {  	v11 =	vld [tilespmem:s3+$0x6000];
	v3 =	vadd.f32 v2, v10  }
0xfd: {  	v2 =	vld [tilespmem:s3+$0x4C00];
	(erf) = vpow2.f32 v14;
	v10 =	vsub.f32 $0.0e+00, v5  }
0xfe: {  	v56 =	vld [tilespmem:s3+$0x73A0];
	v7 =	vadd.f32 v7, v53;
	v57 =	vsub.f32 $0.0e+00, v3  }
0xff: {  	v58 =	vld [tilespmem:s3+$0x7400];
	v6 =	vadd.f32 v6, v54;
	v10 =	vmul.f32 $1.442695020e+00, v10  }
0x100: {  	v7 =	vadd.f32 v51, v7;
	v17 =	vmul.f32 $1.442695020e+00, v57  }
0x101: {  	(erf) = vpow2.f32 v10;
	v10 =	vadd.f32 v8, v55;
	v8 =	vadd.f32 v1, v6;
	v1 =	vld [tilespmem:s3+$0x7410]  }
0x102: {  	v9 =	vadd.f32 v9, v59;
	v2 =	vadd.f32 v11, v2  }
0x103: {  	v60 =	vsub.f32 $0.0e+00, v7;
	(erf) = vpow2.f32 v17;
	v6 =	vadd.f32 v56, v10  }
0x104: {  	v2 =	vadd.f32 v58, v2;
	v10 =	vsub.f32 $0.0e+00, v8  }
0x105: {  	v11 =	vmul.f32 $1.442695020e+00, v60;
	v62 =	vsub.f32 $0.0e+00, v6  }
0x106: {  	v63 =	vsub.f32 $0.0e+00, v2;
	v61 =	vpop (erf);
	v10 =	vmul.f32 $1.442695020e+00, v10;
	v1 =	vadd.f32 v1, v9  }
0x107: {  	(erf) = vpow2.f32 v11;
	v12 =	vadd.f32 $1.000000000e+00, v61;
	v9 =	vmul.f32 $1.442695020e+00, v62  }
0x108: {  	(erf) = vpow2.f32 v10;
	v11 =	vsub.f32 $0.0e+00, v1  }
0x109: {  	v10 =	vmul.f32 $1.442695020e+00, v63;
	(erf) = vrcp.f32 v12  }
0x10a: {  	(erf) = vpow2.f32 v9  }
0x10b: {  	(erf) = vpow2.f32 v10;
	v9 =	vpop (erf)  }
0x10c: {  	s12 =	simm.s32 $0x400;
	s13 =	simm.s32 $0x200;
	v10 =	vmul.f32 $1.442695020e+00, v11;
	v9 =	vadd.f32 $1.000000000e+00, v9;
	v11 =	vpop (erf)  }
.LBB2_10:
0x10d: {  	p0 =	sne.s32 s12, $0x4E00  }
0x10e: {  	s2 =	sshra.s32 s13, $0x2;
	v11 =	vadd.f32 $1.000000000e+00, v11;
	(erf) = vpow2.f32 v10;
	s13 =	smov.u32 s12;
	s12 =	sadd.s32 $0x200, s12  }
0x10f: {  	v10 =	vld [tilespmem:s2+$0x73F0];
	(erf) = vrcp.f32 v9  }
0x110: {  	v9 =	vld [tilespmem:s2+$0x73D0];
	v12 =	vpop (erf);
	(erf) = vrcp.f32 v11  }
0x111: {  	v11 =	vld [tilespmem:s2+$0x5FF0];
	v12 =	vadd.f32 $1.000000000e+00, v12;
	v13 =	vpop (erf)  }
0x112: {  	v14 =	vld [tilespmem:s2+$0x5FE0];
	v17 =	vadd.f32 $1.000000000e+00, v13;
	v15 =	vpop (erf)  }
0x113: {  	v16 =	vld [tilespmem:s2+$0x6010];
	v4 =	vmul.f32 v15, v4;
	v15 =	vpop (erf);
	(erf) = vrcp.f32 v12  }
0x114: {  	v12 =	vld [tilespmem:s2+$0x5FD0];
	v15 =	vadd.f32 $1.000000000e+00, v15;
	(erf) = vrcp.f32 v17;
	v13 =	vpop (erf)  }
0x115: {  	v17 =	vld [tilespmem:s2+$0x5FB0];
	[tilespmem:s3+$0x4BD0] =	vst v4;
	v19 =	vadd.f32 $1.000000000e+00, v13  }
0x116: {  	v13 =	vld [tilespmem:s2+$0x4BD0];
	(erf) = vrcp.f32 v15  }
0x117: {  	v15 =	vld [tilespmem:s2+$0x5FA0];
	(erf) = vrcp.f32 v19;
	v4 =	vpop (erf)  }
0x118: {  	v4 =	vadd.f32 $1.000000000e+00, v4;
	v18 =	vpop (erf)  }
0x119: {  	v5 =	vmul.f32 v18, v5;
	v18 =	vpop (erf)  }
0x11a: {  	v19 =	vld [tilespmem:s2+$0x73E0];
	v20 =	vmul.f32 v18, v3;
	(erf) = vrcp.f32 v4  }
0x11b: {  	v18 =	vld [tilespmem:s2+$0x5FC0];
	v4 =	vadd.f32 v12, v13;
	[tilespmem:s3+$0x4BE0] =	vst v5  }
0x11c: {  	v5 =	vld [tilespmem:s2+$0x4BE0];
	[tilespmem:s3+$0x4BC0] =	vst v20;
	v3 =	vpop (erf)  }
0x11d: {  	v12 =	vld [tilespmem:s2+$0x4BC0];
	v4 =	vadd.f32 v9, v4;
	v20 =	vmul.f32 v3, v7;
	v7 =	vpop (erf)  }
0x11e: {  	v9 =	vld [tilespmem:s2+$0x73B0];
	v7 =	vmul.f32 v7, v8  }
0x11f: {  	v8 =	vld [tilespmem:s2+$0x73C0];
	v13 =	vsub.f32 $0.0e+00, v4;
	[tilespmem:s3+$0x4BB0] =	vst v20;
	v3 =	vpop (erf)  }
0x120: {  	v20 =	vld [tilespmem:s2+$0x4BB0];
	v3 =	vmul.f32 v3, v6;
	[tilespmem:s3+$0x4BF0] =	vst v7;
	v6 =	vpop (erf)  }
0x121: {  	v7 =	vmul.f32 $1.442695020e+00, v13;
	v5 =	vadd.f32 v14, v5;
	v13 =	vld [tilespmem:s2+$0x4BF0];
	v21 =	vmul.f32 v6, v2  }
0x122: {  	v6 =	vadd.f32 v18, v12;
	v12 =	vld [tilespmem:s2+$0x6000];
	[tilespmem:s3+$0x4BA0] =	vst v3  }
0x123: {  	v14 =	vld [tilespmem:s2+$0x4BA0];
	v5 =	vadd.f32 v19, v5;
	(erf) = vpow2.f32 v7;
	[tilespmem:s3+$0x4C00] =	vst v21;
	v2 =	vpop (erf)  }
0x124: {  	v3 =	vadd.f32 v8, v6;
	v6 =	vld [tilespmem:s2+$0x4C00];
	v1 =	vmul.f32 v2, v1  }
0x125: {  	v2 =	vld [tilespmem:s2+$0x73A0];
	v7 =	vadd.f32 v17, v20;
	v8 =	vsub.f32 $0.0e+00, v5  }
0x126: {  	v17 =	vsub.f32 $0.0e+00, v3;
	v11 =	vadd.f32 v11, v13;
	v13 =	vld [tilespmem:s2+$0x7400];
	[tilespmem:s3+$0x4C10] =	vst v1;
	s3 =	smov.u32 s2  }
0x127: {  	v7 =	vadd.f32 v9, v7;
	v1 =	vmul.f32 $1.442695020e+00, v8;
	v9 =	vld [tilespmem:s3+$0x4C10]  }
0x128: {  	v14 =	vadd.f32 v15, v14;
	v15 =	vmul.f32 $1.442695020e+00, v17;
	v8 =	vadd.f32 v10, v11;
	v10 =	vld [tilespmem:s3+$0x7410]  }
0x129: {  	v11 =	vsub.f32 $0.0e+00, v7;
	v12 =	vadd.f32 v12, v6;
	(erf) = vpow2.f32 v1  }
0x12a: {  	v6 =	vadd.f32 v2, v14;
	v1 =	vsub.f32 $0.0e+00, v8;
	(erf) = vpow2.f32 v15  }
0x12b: {  	v11 =	vmul.f32 $1.442695020e+00, v11;
	v2 =	vadd.f32 v13, v12  }
0x12c: {  	v12 =	vsub.f32 $0.0e+00, v6;
	v13 =	vmul.f32 $1.442695020e+00, v1;
	v1 =	vadd.f32 v16, v9;
	v9 =	vpop (erf)  }
0x12d: {  	v9 =	vadd.f32 $1.000000000e+00, v9;
	v14 =	vsub.f32 $0.0e+00, v2;
	(erf) = vpow2.f32 v11  }
0x12e: {  	v11 =	vmul.f32 $1.442695020e+00, v12;
	v1 =	vadd.f32 v10, v1;
	(erf) = vpow2.f32 v13  }
.Ltmp3:
0x12f: {  	v10 =	vmul.f32 $1.442695020e+00, v14;
	(erf) = vrcp.f32 v9;
	(pc) =	sbr.rel @p0 .LBB2_10-.Ltmp3, $4  }
0x130: {  	v12 =	vsub.f32 $0.0e+00, v1;
	(erf) = vpow2.f32 v11  }
0x131: {  	(erf) = vpow2.f32 v10  }
0x132: {  	v10 =	vmul.f32 $1.442695020e+00, v12;
	v9 =	vpop (erf)  }
0x133: {  	v9 =	vadd.f32 $1.000000000e+00, v9;
	v11 =	vpop (erf)  }
0x134: {  	(erf) = vpow2.f32 v10;
	v52 =	vadd.f32 $1.000000000e+00, v11  }
0x135: {  	(erf) = vrcp.f32 v9  }
0x136: {  	s12 =	sshra.s32 s13, $0x2;
	v12 =	vpop (erf);
	(erf) = vrcp.f32 v52  }
0x137: {  	v53 =	vld [tilespmem:s12+$0x73F0]  }
0x138: {  	v54 =	vld [tilespmem:s12+$0x73D0]  }
0x139: {  	v55 =	vld [tilespmem:s12+$0x5FF0];
	v13 =	vpop (erf)  }
0x13a: {  	v14 =	vld [tilespmem:s12+$0x5FE0];
	v12 =	vadd.f32 $1.000000000e+00, v12;
	v15 =	vpop (erf)  }
0x13b: {  	v16 =	vld [tilespmem:s12+$0x6010];
	v13 =	vadd.f32 $1.000000000e+00, v13;
	v4 =	vmul.f32 v15, v4;
	v17 =	vpop (erf)  }
0x13c: {  	v56 =	vld [tilespmem:s12+$0x5FD0];
	(erf) = vrcp.f32 v12;
	v18 =	vpop (erf)  }
0x13d: {  	v57 =	vld [tilespmem:s12+$0x5FB0];
	(erf) = vrcp.f32 v13;
	v17 =	vadd.f32 $1.000000000e+00, v17;
	[tilespmem:s3+$0x4BD0] =	vst v4;
	v58 =	vpop (erf)  }
0x13e: {  	v4 =	vld [tilespmem:s12+$0x4BD0];
	v20 =	vpop (erf)  }
0x13f: {  	v18 =	vadd.f32 $1.000000000e+00, v18;
	v19 =	vld [tilespmem:s12+$0x5FA0];
	(erf) = vrcp.f32 v17;
	v5 =	vmul.f32 v20, v5;
	v60 =	vpop (erf)  }
0x140: {  	v59 =	vld [tilespmem:s12+$0x73E0];
	v3 =	vmul.f32 v60, v3  }
0x141: {  	v21 =	vld [tilespmem:s12+$0x5FC0];
	(erf) = vrcp.f32 v18;
	[tilespmem:s3+$0x4BE0] =	vst v5  }
0x142: {  	v5 =	vld [tilespmem:s12+$0x4BE0];
	[tilespmem:s3+$0x4BC0] =	vst v3;
	v3 =	vadd.f32 $1.000000000e+00, v58;
	_ =	sdelay $0x1  }
0x143: {  	(erf) = vrcp.f32 v3  }
0x144: {  	v61 =	vpop (erf)  }
0x145: {  	v62 =	vld [tilespmem:s12+$0x4BC0];
	v7 =	vmul.f32 v61, v7;
	v3 =	vpop (erf)  }
0x146: {  	v4 =	vadd.f32 v56, v4;
	v63 =	vld [tilespmem:s12+$0x73B0];
	v3 =	vmul.f32 v3, v8  }
0x147: {  	v22 =	vld [tilespmem:s12+$0x73C0];
	[tilespmem:s3+$0x4BB0] =	vst v7;
	v23 =	vpop (erf)  }
0x148: {  	v4 =	vadd.f32 v54, v4;
	v7 =	vld [tilespmem:s12+$0x4BB0];
	[tilespmem:s3+$0x4BF0] =	vst v3;
	v3 =	vmul.f32 v23, v6  }
0x149: {  	v25 =	vpop (erf);
	v24 =	vld [tilespmem:s12+$0x4BF0]  }
0x14a: {  	v2 =	vmul.f32 v25, v2;
	v26 =	vld [tilespmem:s12+$0x6000];
	[tilespmem:s3+$0x4BA0] =	vst v3;
	v3 =	vsub.f32 $0.0e+00, v4;
	_ =	sdelay $0x1  }
0x14b: {  	v27 =	vld [tilespmem:s12+$0x4BA0];
	[tilespmem:s3+$0x4C00] =	vst v2;
	v2 =	vmul.f32 $1.442695020e+00, v3;
	v28 =	vpop (erf)  }
0x14c: {  	v7 =	vadd.f32 v57, v7;
	v29 =	vld [tilespmem:s12+$0x4C00];
	v1 =	vmul.f32 v28, v1  }
0x14d: {  	v3 =	vadd.f32 v14, v5;
	v30 =	vld [tilespmem:s12+$0x73A0];
	(erf) = vpow2.f32 v2  }
0x14e: {  	v31 =	vadd.f32 v21, v62;
	v7 =	vadd.f32 v63, v7;
	v2 =	vld [tilespmem:s12+$0x7400];
	[tilespmem:s3+$0x4C10] =	vst v1  }
0x14f: {  	v3 =	vadd.f32 v59, v3;
	v6 =	vadd.f32 v55, v24;
	v33 =	vld [tilespmem:s12+$0x4C10]  }
0x150: {  	v36 =	vsub.f32 $0.0e+00, v7;
	v1 =	vadd.f32 v22, v31  }
0x151: {  	v32 =	vsub.f32 $0.0e+00, v3;
	v8 =	vadd.f32 v19, v27;
	v35 =	vld [tilespmem:s12+$0x7410]  }
0x152: {  	v6 =	vadd.f32 v53, v6;
	v39 =	vmul.f32 $1.442695020e+00, v36;
	v34 =	vsub.f32 $0.0e+00, v1  }
0x153: {  	v9 =	vadd.f32 v26, v29;
	v12 =	vmul.f32 $1.442695020e+00, v32;
	v5 =	vadd.f32 v30, v8  }
0x154: {  	v37 =	vsub.f32 $0.0e+00, v6;
	v10 =	vmul.f32 $1.442695020e+00, v34;
	v38 =	vadd.f32 v16, v33  }
0x155: {  	v2 =	vadd.f32 v2, v9;
	(erf) = vpow2.f32 v12;
	v40 =	vsub.f32 $0.0e+00, v5  }
0x156: {  	v8 =	vmul.f32 $1.442695020e+00, v37;
	(erf) = vpow2.f32 v10;
	v41 =	vpop (erf);
	v12 =	vadd.f32 v35, v38  }
0x157: {  	v42 =	vsub.f32 $0.0e+00, v2;
	(erf) = vpow2.f32 v39;
	v11 =	vadd.f32 $1.000000000e+00, v41  }
0x158: {  	v9 =	vmul.f32 $1.442695020e+00, v40;
	(erf) = vpow2.f32 v8;
	v43 =	vsub.f32 $0.0e+00, v12  }
0x159: {  	v44 =	vmul.f32 $1.442695020e+00, v42;
	(erf) = vrcp.f32 v11  }
0x15a: {  	(erf) = vpow2.f32 v9;
	v8 =	vmul.f32 $1.442695020e+00, v43  }
0x15b: {  	(erf) = vpow2.f32 v44  }
0x15c: {  	(erf) = vpow2.f32 v8;
	_ =	sdelay $0x1  }
0x15d: {  	v45 =	vpop (erf)  }
0x15e: {  	v46 =	vpop (erf)  }
0x15f: {  	v8 =	vadd.f32 $1.000000000e+00, v45;
	v47 =	vpop (erf)  }
0x160: {  	v9 =	vadd.f32 $1.000000000e+00, v46;
	v48 =	vpop (erf)  }
0x161: {  	(erf) = vrcp.f32 v8;
	v49 =	vadd.f32 $1.000000000e+00, v47;
	v50 =	vpop (erf)  }
0x162: {  	(erf) = vrcp.f32 v9;
	v51 =	vadd.f32 $1.000000000e+00, v48;
	v52 =	vpop (erf)  }
0x163: {  	(erf) = vrcp.f32 v49;
	v53 =	vadd.f32 $1.000000000e+00, v52;
	v54 =	vpop (erf)  }
0x164: {  	(erf) = vrcp.f32 v51;
	v55 =	vadd.f32 $1.000000000e+00, v54;
	v56 =	vpop (erf)  }
0x165: {  	(erf) = vrcp.f32 v53;
	v57 =	vadd.f32 $1.000000000e+00, v56  }
0x166: {  	(erf) = vrcp.f32 v55  }
0x167: {  	(erf) = vrcp.f32 v57;
	_ =	sdelay $0x2  }
0x168: {  	v4 =	vmul.f32 v50, v4;
	v58 =	vpop (erf)  }
0x169: {  	v3 =	vmul.f32 v58, v3;
	v59 =	vpop (erf)  }
0x16a: {  	[tilespmem:s12+$0x4BD0] =	vst v4;
	v1 =	vmul.f32 v59, v1;
	v60 =	vpop (erf)  }
0x16b: {  	[tilespmem:s12+$0x4BE0] =	vst v3;
	v3 =	vmul.f32 v60, v7;
	v61 =	vpop (erf)  }
0x16c: {  	[tilespmem:s12+$0x4BC0] =	vst v1;
	v1 =	vmul.f32 v61, v6;
	v62 =	vpop (erf)  }
0x16d: {  	[tilespmem:s12+$0x4BB0] =	vst v3;
	v3 =	vmul.f32 v62, v5;
	v63 =	vpop (erf)  }
0x16e: {  	[tilespmem:s12+$0x4BF0] =	vst v1;
	v1 =	vmul.f32 v63, v2;
	v2 =	vpop (erf)  }
0x16f: {  	s31 =	sadd.s32 $0x1, s31;
	[tilespmem:s12+$0x4BA0] =	vst v3;
	v2 =	vmul.f32 v2, v12  }
0x170: {  	p0 =	sne.s32 s31, $0x19;
	[tilespmem:s12+$0x4C00] =	vst v1  }
.Ltmp4:
0x171: {  	[tilespmem:s12+$0x4C10] =	vst v2;
	(pc) =	sbr.rel @p0 .LBB2_7-.Ltmp4, $4  }
0x172: {  	[spmem:s1] =	stream.indirect.scatter.add.f32 [tilespmem:s22], [sflag:$0x2], $0x80, s0, s19, $0xb8;
	[tilespmem:$0x1CCA0] =	vst v63  }
0x173: {  	_ =	swait.ge [sflag:s16], $0x1400  }
0x174: {  	[sflag:s16] =	ssyncset.done $0x0  }
0x175: {  	[sflag:s16] =	ssyncadd.s32 $0xFFFFEC00  }
0x176: {  	s29 =	sadd.s32 $0x1, s29  }
0x177: {  	p0 =	sne.s32 s29, $0x5  }
.Ltmp5:
0x178: {  	_ = 	snop;
	(pc) =	sbr.rel @p0 .LBB2_6-.Ltmp5, $1  }
0x179: {  	_ =	sdelay $0x3  }
0x17a: {  	s0 =	stileid.u32;
	[bflag:$0x0] =	sbarrier.arrive $0xFFFF  }
0x17b: {  	s0 =	sshll.u32 s0, $0x6;
	s2 =	rddreg [dreg:$0x4]  }
0x17c: {  	s3 =	rddreg [dreg:$0x6];
	s0 =	sor.u32 $0x1C02, s0  }
0x17d: {  	[hbm:s2], [sflag:s0] =	dma.local [spmem:s3], $0x2710  }
0x17e: {  	_ =	swait.ge [sflag:s16], $0x2710  }
0x17f: {  	s25 =	rddreg [dreg:$0x3]  }
0x180: {  	s31 =	rddreg [dreg:$0x5];
	s25 =	sadd.s32 $0x1, s25  }
0x181: {  	p0 =	sne.s32 s25, s31  }
.Ltmp6:
0x182: {  	_ = 	snop;
	(pc) =	sbr.rel @p0 .LBB2_1-.Ltmp6, $3  }
0x183: {  	_ =	sdelay $0x1  }
0x184: {  	[sflag:s16] =	ssyncset.done $0x0  }
0x185: {  	[sflag:s16] =	ssyncadd.s32 $0xFFFFD8F0  }
0x186: {  	_ =	sfence.sel $0x180000  }
0x187: {  	[bflag:$0x0] =	sbarrier.arrive $0xFFFF  }
0x188: {  	_ =	strace $0x90000050  }
0x189: {  	s0 =	stileid.u32;
	[bflag:$0x2] =	sbarrier.arrive $0xFFFF  }
0x18a: {  	p0 =	sne.s32 s0, $0x0;
	s0 =	rddreg [dreg:$0x2]  }
0x18b: {  	s0 =	sadd.s32 @!p0 $0x100000, s0  }
0x18c: {  	[sflag:s0] =	ssyncadd.tile.s32 @!p0 $0x1;
	_ =	shalt  }
.Lfunc_end2:
_tile_overlayer_lowered:
.L_overlay_start_2:
0x18d: {  	(tag) =	ssettag $0x2  }
0x18e: {  	s0 =	rddreg [dreg:$0x0];
	s2 =	stileid.u32  }
0x18f: {  	s1 =	rddreg [dreg:$0x1];
	p0 =	sne.s32 s2, $0x0  }
0x190: {  	s3 =	rddreg [dreg:$0x2];
	[bflag:$0x3] =	sbarrier.arrive $0xFFFF;
	s2 =	simm.s32 @!p0 $0x1C02  }
0x191: {  	[timem:s3], [sflag:s2] =	dma.local @!p0 [hbm:s0], s1  }
0x192: {  	s0 =	simm.s32 @!p0 $0x2  }
0x193: {  	_ =	swait.ge @!p0 [sflag:s0], s1  }
0x194: {  	s1 =	ssub.s32 @!p0 $0x0, s1;
	[sflag:s0] =	ssyncset.done @!p0 $0x0  }
0x195: {  	[sflag:s0] =	ssyncadd.s32 @!p0 s1  }
0x196: {  	[bflag:$0x3] =	sbarrier.arrive $0xFFFF  }
0x197: {  	_ =	shalt  }

</sc_bundles>
